<compile_context>
chip_gen: v7x
topology: tpu7x:2x2x1
jax: 0.10.2.dev20260603
libtpu: 0.0.44.dev20260713+nightly
codegen_flags: <defaults>
</compile_context>

<pallas_src>
import functools

import jax
import jax.numpy as jnp
from jax import lax
from jax.experimental import pallas as pl
from jax.experimental.pallas import tpu as pltpu
from jax.experimental.pallas import tpu_sc as plsc

N_GRID = 10000
N_MESH = 10000
E = 320000
D = 128
H = 128

NC = 2
NS = 16
NW = NC * NS
EPW = E // NW
CHUNK = 80
NCHUNK = EPW // CHUNK


def _ln(y, g, b):
    m = jnp.mean(y, axis=-1, keepdims=True)
    v = jnp.mean((y - m) ** 2, axis=-1, keepdims=True)
    return (y - m) * lax.rsqrt(v + 1e-5) * g + b


def _silu(x):
    return x * jax.nn.sigmoid(x)


def _s1a_body(grid_ref, mesh_ref, w0b_ref, w0c_ref, eb0_ref, tbl_ref):
    tbl_ref[0] = grid_ref[...] @ w0b_ref[...] + eb0_ref[...]
    tbl_ref[1] = mesh_ref[...] @ w0c_ref[...]


def _stage1a(grid_nfeat, mesh_nfeat, w0b, w0c, eb0):
    R = 1000
    row = pl.BlockSpec((R, D), lambda i: (i, 0))
    mat = pl.BlockSpec((D, H), lambda i: (0, 0))
    vec = pl.BlockSpec((1, H), lambda i: (0, 0))
    return pl.pallas_call(
        _s1a_body,
        grid=(N_GRID // R,),
        in_specs=[row, row, mat, mat, vec],
        out_specs=pl.BlockSpec((NC, R, D), lambda i: (0, i, 0)),
        out_shape=jax.ShapeDtypeStruct((NC, N_GRID, H), jnp.float32),
    )(grid_nfeat, mesh_nfeat, w0b, w0c, eb0)


def _s1b_body(grid_ref, sw0_ref, sb0_ref, sw1_ref, sb1_ref, sg_ref, sbt_ref,
              gout_ref):
    g = grid_ref[...]
    h = _silu(g @ sw0_ref[...] + sb0_ref[...])
    y = h @ sw1_ref[...] + sb1_ref[...]
    gout_ref[...] = g + _ln(y, sg_ref[...], sbt_ref[...])


def _stage1b(grid_nfeat, sw0, sb0, sw1, sb1, sg, sbt):
    R = 1000
    row = pl.BlockSpec((R, D), lambda i: (i, 0))
    mat = pl.BlockSpec((D, H), lambda i: (0, 0))
    vec = pl.BlockSpec((1, H), lambda i: (0, 0))
    return pl.pallas_call(
        _s1b_body,
        grid=(N_GRID // R,),
        in_specs=[row, mat, vec, mat, vec, vec, vec],
        out_specs=row,
        out_shape=jax.ShapeDtypeStruct((N_GRID, D), jnp.float32),
    )(grid_nfeat, sw0, sb0, sw1, sb1, sg, sbt)


_RING = 4


def _gather_body(epw, nchunk, pg_hbm, pm_hbm, src_hbm, dst_hbm, out_hbm,
                 idxs_v, idxd_v, bas, bbs, gas, gbs, wss):
    c = lax.axis_index("c")
    s = lax.axis_index("s")
    w = s * NC + c
    base = w * epw
    pltpu.sync_copy(src_hbm.at[w], idxs_v)
    pltpu.sync_copy(dst_hbm.at[w], idxd_v)

    def issue_gather(j, b):
        pltpu.async_copy(pg_hbm.at[idxs_v.at[j]], bas[b], gas[b])
        pltpu.async_copy(pm_hbm.at[idxd_v.at[j]], bbs[b], gbs[b])

    def wait_gather(j, b):
        pltpu.make_async_copy(pg_hbm.at[idxs_v.at[j]], bas[b], gas[b]).wait()
        pltpu.make_async_copy(pm_hbm.at[idxd_v.at[j]], bbs[b], gbs[b]).wait()

    def add_bufs(b):
        ba, bb = bas[b], bbs[b]

        def add_row(r, carry2):
            for q in range(D // 16):
                sl = pl.ds(q * 16, 16)
                ba[r, sl] = ba[r, sl] + bb[r, sl]
            return carry2

        lax.fori_loop(0, CHUNK, add_row, 0, unroll=2)

    def issue_write(j, b):
        pltpu.async_copy(bas[b], out_hbm.at[pl.ds(base + j * CHUNK, CHUNK)],
                         wss[b])

    def wait_write(j, b):
        pltpu.make_async_copy(
            bas[b], out_hbm.at[pl.ds(base + j * CHUNK, CHUNK)], wss[b]).wait()

    def step(j, b):
        wait_gather(j, b)
        add_bufs(b)
        issue_write(j, b)

    for b in range(_RING):
        issue_gather(b, b)
    step(0, 0)
    step(1, 1)

    def body(i, carry):
        for b in range(_RING):
            j = 2 + 4 * i + b
            step(j, (2 + b) % 4)
            wait_write(j - 2, b)
            issue_gather(j + 2, b)
        return carry

    lax.fori_loop(0, (nchunk - 5) // 4, body, 0, unroll=False)
    jt = nchunk - 3
    step(jt, jt % 4)
    wait_write(jt - 2, (jt - 2) % 4)
    issue_gather(jt + 2, (jt + 2) % 4)
    step(jt + 1, (jt + 1) % 4)
    wait_write(jt - 1, (jt - 1) % 4)
    step(jt + 2, (jt + 2) % 4)
    wait_write(jt, jt % 4)
    wait_write(jt + 1, (jt + 1) % 4)
    wait_write(jt + 2, (jt + 2) % 4)


_GC = 80


def _gather_spmem_body(ept, nchunk, tbl_hbm, idx_hbm, out_hbm,
                       tbl_sh, idx_v, buf0, buf1, g0, g1, w0, w1):
    c = lax.axis_index("c")
    s = lax.axis_index("s")
    base = s * ept

    @pl.when(s < 15)
    def _():
        pltpu.sync_copy(tbl_hbm.at[c, pl.ds(s * 640, 640)],
                        tbl_sh.at[pl.ds(s * 640, 640)])

    @pl.when(s == 15)
    def _():
        pltpu.sync_copy(tbl_hbm.at[c, pl.ds(9600, 400)],
                        tbl_sh.at[pl.ds(9600, 400)])

    plsc.subcore_barrier()
    pltpu.sync_copy(idx_hbm.at[c, s], idx_v)
    bufs = ((buf0, g0, w0), (buf1, g1, w1))

    def issue_gather(j, p):
        b, g, _ = bufs[p]
        pltpu.async_copy(tbl_sh.at[idx_v.at[j]], b, g)

    def wait_gather(j, p):
        b, g, _ = bufs[p]
        pltpu.make_async_copy(tbl_sh.at[idx_v.at[j]], b, g).wait()

    def issue_write(jo, p):
        b, _, w = bufs[p]
        pltpu.async_copy(b, out_hbm.at[c, pl.ds(base + jo * _GC, _GC)], w)

    def wait_write(jo, p):
        b, _, w = bufs[p]
        pltpu.make_async_copy(
            b, out_hbm.at[c, pl.ds(base + jo * _GC, _GC)], w).wait()

    npair = nchunk // 2
    issue_gather(0, 0)
    issue_gather(1, 1)

    def pair(i, carry):
        j1 = 2 * i
        j2 = 2 * i + 1
        wait_gather(j1, 0)
        issue_write(j1, 0)
        wait_gather(j2, 1)
        issue_write(j2, 1)
        wait_write(j1, 0)

        @pl.when(i < npair - 1)
        def _():
            issue_gather(j1 + 2, 0)

        wait_write(j2, 1)

        @pl.when(i < npair - 1)
        def _():
            issue_gather(j2 + 2, 1)

        return carry

    lax.fori_loop(0, npair, pair, 0, unroll=False)


def _stage2_spmem(tbl2, idx2, ne):
    ept = ne // NS
    nchunk = ept // _GC
    assert nchunk % 2 == 0
    mesh = plsc.VectorSubcoreMesh(core_axis_name="c", subcore_axis_name="s")
    fn = pl.kernel(
        functools.partial(_gather_spmem_body, ept, nchunk),
        out_type=jax.ShapeDtypeStruct((NC, ne, D), jnp.float32),
        mesh=mesh,
        scratch_types=[
            pltpu.VMEM_SHARED((N_MESH, D), jnp.float32),
            pltpu.VMEM((nchunk, _GC), jnp.int32),
            pltpu.VMEM((_GC, D), jnp.float32),
            pltpu.VMEM((_GC, D), jnp.float32),
            pltpu.SemaphoreType.DMA,
            pltpu.SemaphoreType.DMA,
            pltpu.SemaphoreType.DMA,
            pltpu.SemaphoreType.DMA,
        ],
    )
    return fn(tbl2, idx2)


def _stage2(pg, pm, src_r, dst_r, ne):
    epw = ne // NW
    nchunk = epw // CHUNK
    assert nchunk % 4 == 1 and nchunk >= 5
    mesh = plsc.VectorSubcoreMesh(core_axis_name="c", subcore_axis_name="s")
    fn = pl.kernel(
        functools.partial(_gather_body, epw, nchunk),
        out_type=jax.ShapeDtypeStruct((ne, D), jnp.float32),
        mesh=mesh,
        scratch_types=[
            pltpu.VMEM((nchunk, CHUNK), jnp.int32),
            pltpu.VMEM((nchunk, CHUNK), jnp.int32),
            [pltpu.VMEM((CHUNK, D), jnp.float32)] * _RING,
            [pltpu.VMEM((CHUNK, D), jnp.float32)] * _RING,
            [pltpu.SemaphoreType.DMA] * _RING,
            [pltpu.SemaphoreType.DMA] * _RING,
            [pltpu.SemaphoreType.DMA] * _RING,
        ],
    )
    return fn(pg, pm, src_r, dst_r)


def _edge_body(ef_ref, g2_ref, w0a_ref, w1_ref, eb1_ref, eg_ref, ebt_ref,
               out_ref):
    h = _silu(ef_ref[...] @ w0a_ref[...] + g2_ref[0] + g2_ref[1])
    y = h @ w1_ref[...] + eb1_ref[...]
    out_ref[...] = _ln(y, eg_ref[...], ebt_ref[...])


def _stage3(efeat, g2, w0a, w1, eb1, eg, ebt, blk0, ne):
    R = 1000
    erow = pl.BlockSpec((R, D), lambda i: (i + blk0, 0))
    row = pl.BlockSpec((R, D), lambda i: (i, 0))
    g2spec = pl.BlockSpec((NC, R, D), lambda i: (0, i, 0))
    mat = pl.BlockSpec((D, H), lambda i: (0, 0))
    vec = pl.BlockSpec((1, H), lambda i: (0, 0))
    return pl.pallas_call(
        _edge_body,
        grid=(ne // R,),
        in_specs=[erow, g2spec, mat, mat, vec, vec, vec],
        out_specs=row,
        out_shape=jax.ShapeDtypeStruct((ne, D), jnp.float32),
    )(efeat, g2, w0a, w1, eb1, eg, ebt)


def _scatter_body(epw, nchunk, nslice, *refs):
    y_hbms = refs[:nslice]
    (dst_hbm, init_hbm, out_hbm,
     idx_v, u0, u1, acc_sh, rs0, rs1, ss0, ss1) = refs[nslice:]
    c = lax.axis_index("c")
    s = lax.axis_index("s")
    w = s * NC + c
    base = w * epw

    @pl.when(s == 0)
    def _():
        pltpu.sync_copy(init_hbm.at[c], acc_sh)

    plsc.subcore_barrier()
    pltpu.sync_copy(dst_hbm.at[w], idx_v)
    bufs = ((u0, rs0, ss0), (u1, rs1, ss1))

    def run_slice(y_hbm, joff):
        def issue_read(j, p):
            u, rs, _ = bufs[p]
            pltpu.async_copy(y_hbm.at[pl.ds(base + j * CHUNK, CHUNK)], u, rs)

        def wait_read(j, p):
            u, rs, _ = bufs[p]
            pltpu.make_async_copy(
                y_hbm.at[pl.ds(base + j * CHUNK, CHUNK)], u, rs).wait()

        def issue_scatter(j, p):
            u, _, ss = bufs[p]
            pltpu.async_copy(u, acc_sh.at[idx_v.at[joff + j]], ss, add=True)

        def wait_scatter(j, p):
            u, _, ss = bufs[p]
            pltpu.make_async_copy(u, acc_sh.at[idx_v.at[joff + j]], ss).wait()

        npair = (nchunk - 1) // 2
        issue_read(0, 1)
        wait_read(0, 1)
        issue_scatter(0, 1)
        issue_read(1, 0)
        wait_scatter(0, 1)
        issue_read(2, 1)

        def pair(i, carry):
            j1 = 2 * i + 1
            j2 = 2 * i + 2
            wait_read(j1, 0)
            issue_scatter(j1, 0)
            wait_read(j2, 1)
            issue_scatter(j2, 1)
            wait_scatter(j1, 0)

            @pl.when(i < npair - 1)
            def _():
                issue_read(j1 + 2, 0)

            wait_scatter(j2, 1)

            @pl.when(i < npair - 1)
            def _():
                issue_read(j2 + 2, 1)

            return carry

        lax.fori_loop(0, npair, pair, 0, unroll=False)

    for si in range(nslice):
        run_slice(y_hbms[si], si * nchunk)
    plsc.subcore_barrier()

    @pl.when(s < 15)
    def _():
        pltpu.sync_copy(acc_sh.at[pl.ds(s * 640, 640)],
                        out_hbm.at[c, pl.ds(s * 640, 640)])

    @pl.when(s == 15)
    def _():
        pltpu.sync_copy(acc_sh.at[pl.ds(9600, 400)],
                        out_hbm.at[c, pl.ds(9600, 400)])


def _stage4(mlp_list, dst_r, init, ne):
    epw = ne // NW
    nchunk = epw // CHUNK
    nslice = len(mlp_list)
    mesh = plsc.VectorSubcoreMesh(core_axis_name="c", subcore_axis_name="s")
    fn = pl.kernel(
        functools.partial(_scatter_body, epw, nchunk, nslice),
        out_type=jax.ShapeDtypeStruct((NC, N_MESH, D), jnp.float32),
        mesh=mesh,
        scratch_types=[
            pltpu.VMEM((nslice * nchunk, CHUNK), jnp.int32),
            pltpu.VMEM((CHUNK, D), jnp.float32),
            pltpu.VMEM((CHUNK, D), jnp.float32),
            pltpu.VMEM_SHARED((N_MESH, D), jnp.float32),
            pltpu.SemaphoreType.DMA,
            pltpu.SemaphoreType.DMA,
            pltpu.SemaphoreType.DMA,
            pltpu.SemaphoreType.DMA,
        ],
    )
    return fn(*mlp_list, dst_r, init)


def _s5_body(*refs):
    nparts = len(refs) - 9
    parts = refs[:nparts]
    (mesh_ref, dw0a_ref, dw0b_ref, db0_ref,
     dw1_ref, db1_ref, dg_ref, dbt_ref, out_ref) = refs[nparts:]
    agg = parts[0][0] + parts[0][1]
    for p in parts[1:]:
        agg = agg + p[0] + p[1]
    m = mesh_ref[...]
    h = _silu(agg @ dw0a_ref[...] + m @ dw0b_ref[...] + db0_ref[...])
    y = h @ dw1_ref[...] + db1_ref[...]
    out_ref[...] = m + _ln(y, dg_ref[...], dbt_ref[...])


def _stage5(parts, mesh_nfeat, dw0a, dw0b, db0, dw1, db1, dg, dbt):
    R = 1000
    row = pl.BlockSpec((R, D), lambda i: (i, 0))
    mat = pl.BlockSpec((D, H), lambda i: (0, 0))
    vec = pl.BlockSpec((1, H), lambda i: (0, 0))
    pspec = pl.BlockSpec((NC, R, D), lambda i: (0, i, 0))
    return pl.pallas_call(
        _s5_body,
        grid=(N_MESH // R,),
        in_specs=[pspec] * len(parts) + [row, mat, mat, vec, mat, vec, vec, vec],
        out_specs=row,
        out_shape=jax.ShapeDtypeStruct((N_MESH, D), jnp.float32),
    )(*parts, mesh_nfeat, dw0a, dw0b, db0, dw1, db1, dg, dbt)


def kernel(g2m_efeat, grid_nfeat, mesh_nfeat,
           eW0, eb0, eW1, eb1, eg, ebt,
           sW0, sb0, sW1, sb1, sg, sbt,
           dW0, db0, dW1, db1, dg, dbt,
           src, dst):
    w0a, w0b, w0c = eW0[:D], eW0[D:2 * D], eW0[2 * D:]
    dw0a, dw0b = dW0[:D], dW0[D:]
    r2 = lambda v: v.reshape(1, -1)

    tbl2 = _stage1a(grid_nfeat, mesh_nfeat, w0b, w0c, r2(eb0))
    grid_out = _stage1b(grid_nfeat, sW0, r2(sb0), sW1, r2(sb1), r2(sg),
                        r2(sbt))

    S = 5
    ES = E // S
    nchunk = ES // NW // CHUNK
    dst_r = dst.reshape(S, NW, nchunk, CHUNK)
    ngc = ES // NS // _GC
    idx_r = jnp.stack([src, dst]).reshape(2, S, NS, ngc, _GC).transpose(
        1, 0, 2, 3, 4)

    part = jnp.zeros((NC, N_MESH, D), jnp.float32)
    for i in range(S):
        g2 = _stage2_spmem(tbl2, idx_r[i], ES)
        mlp_e = _stage3(g2m_efeat, g2, w0a, eW1, r2(eb1), r2(eg), r2(ebt),
                        i * (ES // 1000), ES)
        part = _stage4([mlp_e], dst_r[i], part, ES)

    mesh_out = _stage5([part], mesh_nfeat, dw0a, dw0b, r2(db0),
                       dW1, r2(db1), r2(dg), r2(dbt))
    return (grid_out, mesh_out)

# --- scband reference (transcript-rebuilt; emitter-appended) ---
"""Pipeline reference for scband-encoder-sum-84104049590408 (READ-ONLY COPY).

The authoritative reference and input builder live on the scoring server;
editing this copy changes nothing except your own understanding.
"""

import jax, jax.numpy as jnp
import numpy as np

N_GRID = 10000
N_MESH = 10000
E = 320000
D = 128
H = 128


def _layer_norm(x, g, b, eps=1e-5):
    m = jnp.mean(x, axis=-1, keepdims=True)
    v = jnp.var(x, axis=-1, keepdims=True)
    return (x - m) / jnp.sqrt(v + eps) * g + b


def _mlp(x, W0, b0, W1, b1, g, bt):
    # MLP: Linear -> SiLU -> Linear -> LayerNorm (hidden_layers=1)
    h = jax.nn.silu(x @ W0 + b0)
    y = h @ W1 + b1
    return _layer_norm(y, g, bt)


def _init_linear(k, fan_in, fan_out):
    return jax.random.normal(k, (fan_in, fan_out), dtype=jnp.float32) / np.sqrt(fan_in)


def setup_inputs(seed: int = 0) -> dict:
    key = jax.random.key(seed)
    ks = jax.random.split(key, 16)
    inp = {}
    inp["g2m_efeat"] = jax.random.normal(ks[0], (E, D), dtype=jnp.float32)
    inp["grid_nfeat"] = jax.random.normal(ks[1], (N_GRID, D), dtype=jnp.float32)
    inp["mesh_nfeat"] = jax.random.normal(ks[2], (N_MESH, D), dtype=jnp.float32)
    # edge_trunc_mlp: input = concat(efeat, src_feat, dst_feat) -> 3*D
    inp["eW0"] = _init_linear(ks[3], 3 * D, H)
    inp["eb0"] = jnp.zeros((H,), jnp.float32)
    inp["eW1"] = _init_linear(ks[4], H, D)
    inp["eb1"] = jnp.zeros((D,), jnp.float32)
    inp["eg"] = jnp.ones((D,), jnp.float32)
    inp["ebt"] = jnp.zeros((D,), jnp.float32)
    # src_node_mlp: D -> H -> D
    inp["sW0"] = _init_linear(ks[5], D, H)
    inp["sb0"] = jnp.zeros((H,), jnp.float32)
    inp["sW1"] = _init_linear(ks[6], H, D)
    inp["sb1"] = jnp.zeros((D,), jnp.float32)
    inp["sg"] = jnp.ones((D,), jnp.float32)
    inp["sbt"] = jnp.zeros((D,), jnp.float32)
    # dst_node_mlp: input = concat(agg_efeat, mesh_nfeat) -> 2*D
    inp["dW0"] = _init_linear(ks[7], 2 * D, H)
    inp["db0"] = jnp.zeros((H,), jnp.float32)
    inp["dW1"] = _init_linear(ks[8], H, D)
    inp["db1"] = jnp.zeros((D,), jnp.float32)
    inp["dg"] = jnp.ones((D,), jnp.float32)
    inp["dbt"] = jnp.zeros((D,), jnp.float32)
    # bipartite graph structure (grid -> mesh edges)
    inp["src"] = jax.random.randint(ks[9], (E,), 0, N_GRID, dtype=jnp.int32)
    inp["dst"] = jax.random.randint(ks[10], (E,), 0, N_MESH, dtype=jnp.int32)
    return inp


def reference(g2m_efeat, grid_nfeat, mesh_nfeat,
              eW0, eb0, eW1, eb1, eg, ebt,
              sW0, sb0, sW1, sb1, sg, sbt,
              dW0, db0, dW1, db1, dg, dbt,
              src, dst):
    # TruncatedMLP on edges: MLP(cat(efeat, src_feat[src], dst_feat[dst]))
    cat_e = jnp.concatenate([g2m_efeat, grid_nfeat[src], mesh_nfeat[dst]], axis=-1)
    mlp_efeat = _mlp(cat_e, eW0, eb0, eW1, eb1, eg, ebt)
    # agg_concat: sum edge features onto dst (mesh) nodes, concat with mesh feats
    agg = jax.ops.segment_sum(mlp_efeat, dst, num_segments=N_MESH)
    cat_feat = jnp.concatenate([agg, mesh_nfeat], axis=-1)
    mesh_out = mesh_nfeat + _mlp(cat_feat, dW0, db0, dW1, db1, dg, dbt)
    grid_out = grid_nfeat + _mlp(grid_nfeat, sW0, sb0, sW1, sb1, sg, sbt)
    return (grid_out, mesh_out)


if False:  # reference __main__ guard neutralized (emitter)
    out = reference(**setup_inputs())
    print(out[0].shape, out[1].shape)

if __name__ == "__main__":
    import jax
    _d = setup_inputs()
    print(jax.jit(kernel)(*tuple(_d.values())))

</pallas_src>

<mosaic_0001>
#map = affine_map<(d0, d1) -> (0, 0)>
#map1 = affine_map<(d0, d1) -> (0, 0, 0)>
module attributes {stable_mosaic.version = 14 : i64} {
  func.func @_scatter_body(%arg0: i32, %arg1: i32, %arg2: memref<64000x128xf32, #tpu.memory_space<hbm>>, %arg3: memref<32x25x80xi32, #tpu.memory_space<hbm>>, %arg4: memref<2x10000x128xf32, #tpu.memory_space<hbm>>, %arg5: memref<2x10000x128xf32, #tpu.memory_space<hbm>>, %arg6: memref<25x80xi32, #tpu.memory_space<vmem>>, %arg7: memref<80x128xf32, #tpu.memory_space<vmem>>, %arg8: memref<80x128xf32, #tpu.memory_space<vmem>>, %arg9: memref<10000x128xf32, #tpu.memory_space<vmem_shared>>, %arg10: memref<!tpu.dma_semaphore, #tpu.memory_space<semaphore_mem>>, %arg11: memref<!tpu.dma_semaphore, #tpu.memory_space<semaphore_mem>>, %arg12: memref<!tpu.dma_semaphore, #tpu.memory_space<semaphore_mem>>, %arg13: memref<!tpu.dma_semaphore, #tpu.memory_space<semaphore_mem>>) attributes {dimension_semantics = [#tpu.dimension_semantics<core_parallel>, #tpu.dimension_semantics<subcore_parallel>], iteration_bounds = array<i64: 2, 16>, scalar_prefetch = 0 : i64, scratch_operands = 8 : i64, tpu.core_type = #tpu.core_type<sc_vector_subcore>, window_params = [{transform_indices = #map}, {transform_indices = #map1}, {transform_indices = #map1}, {transform_indices = #map1}]} {
    %mul3A = arith.constant 2 : i32
    %mul3A_0 = arith.muli %arg1, %mul3A : i32
    %add3A = arith.addi %mul3A_0, %arg0 : i32
    %mul3A_1 = arith.constant 2000 : i32
    %mul3A_2 = arith.muli %add3A, %mul3A_1 : i32
    %eq3A = arith.constant 0 : i32
    %eq3A_3 = arith.cmpi eq, %arg1, %eq3A : i32
    %convert_element_type3A = arith.extui %eq3A_3 : i1 to i32
    %cond3A = arith.constant 0 : i32
    %cond3A_4 = arith.cmpi ne, %convert_element_type3A, %cond3A : i32
    scf.if %cond3A_4 {
      "tpu.region"() ({
        %run_scoped3A = tpu.sem_alloc : memref<!tpu.dma_semaphore, #tpu.memory_space<semaphore_mem>>
        %dma_start3A_56 = arith.constant 0 : i32
        %dma_start3A_57 = arith.constant 0 : i32
        %dma_start3A_58 = tpu.memref_slice %arg4[%arg0, %dma_start3A_56, %dma_start3A_57] : memref<2x10000x128xf32, #tpu.memory_space<hbm>> -> memref<1x10000x128xf32, #tpu.memory_space<hbm>>
        %dma_start3A_59 = tpu.memref_squeeze %dma_start3A_58 : memref<1x10000x128xf32, #tpu.memory_space<hbm>> -> memref<10000x128xf32, #tpu.memory_space<hbm>>
        tpu.enqueue_dma source(%dma_start3A_59 : memref<10000x128xf32, #tpu.memory_space<hbm>>) target(%arg9 : memref<10000x128xf32, #tpu.memory_space<vmem_shared>>) target_semaphore(%run_scoped3A : memref<!tpu.dma_semaphore, #tpu.memory_space<semaphore_mem>>)
        %dma_wait3A_60 = arith.constant 0 : i32
        %dma_wait3A_61 = arith.constant 0 : i32
        %dma_wait3A_62 = tpu.memref_slice %arg4[%arg0, %dma_wait3A_60, %dma_wait3A_61] : memref<2x10000x128xf32, #tpu.memory_space<hbm>> -> memref<1x10000x128xf32, #tpu.memory_space<hbm>>
        %dma_wait3A_63 = tpu.memref_squeeze %dma_wait3A_62 : memref<1x10000x128xf32, #tpu.memory_space<hbm>> -> memref<10000x128xf32, #tpu.memory_space<hbm>>
        tpu.wait_dma2 semaphore(%run_scoped3A : memref<!tpu.dma_semaphore, #tpu.memory_space<semaphore_mem>>) src(%dma_wait3A_63 : memref<10000x128xf32, #tpu.memory_space<hbm>>) dst(%arg9 : memref<10000x128xf32, #tpu.memory_space<vmem_shared>>)
        tpu.yield
      }) : () -> ()
    } else {
    }
    %barrier3A = arith.constant 0 : index
    tpu.barrier barrier_id(%barrier3A)
    "tpu.region"() ({
      %run_scoped3A = tpu.sem_alloc : memref<!tpu.dma_semaphore, #tpu.memory_space<semaphore_mem>>
      %dma_start3A_56 = arith.constant 0 : i32
      %dma_start3A_57 = arith.constant 0 : i32
      %dma_start3A_58 = tpu.memref_slice %arg3[%add3A, %dma_start3A_56, %dma_start3A_57] : memref<32x25x80xi32, #tpu.memory_space<hbm>> -> memref<1x25x80xi32, #tpu.memory_space<hbm>>
      %dma_start3A_59 = tpu.memref_squeeze %dma_start3A_58 : memref<1x25x80xi32, #tpu.memory_space<hbm>> -> memref<25x80xi32, #tpu.memory_space<hbm>>
      %dma_start3A_60 = arith.constant 0 : i32
      %dma_start3A_61 = arith.constant 0 : i32
      %dma_start3A_62 = tpu.memref_slice %arg3[%add3A, %dma_start3A_60, %dma_start3A_61] : memref<32x25x80xi32, #tpu.memory_space<hbm>> -> memref<1x25x80xi32, #tpu.memory_space<hbm>>
      %dma_start3A_63 = tpu.memref_squeeze %dma_start3A_62 : memref<1x25x80xi32, #tpu.memory_space<hbm>> -> memref<25x80xi32, #tpu.memory_space<hbm>>
      tpu.enqueue_dma source(%dma_start3A_63 : memref<25x80xi32, #tpu.memory_space<hbm>>) target(%arg6 : memref<25x80xi32, #tpu.memory_space<vmem>>) target_semaphore(%run_scoped3A : memref<!tpu.dma_semaphore, #tpu.memory_space<semaphore_mem>>)
      %dma_wait3A_64 = arith.constant 0 : i32
      %dma_wait3A_65 = arith.constant 0 : i32
      %dma_wait3A_66 = tpu.memref_slice %arg3[%add3A, %dma_wait3A_64, %dma_wait3A_65] : memref<32x25x80xi32, #tpu.memory_space<hbm>> -> memref<1x25x80xi32, #tpu.memory_space<hbm>>
      %dma_wait3A_67 = tpu.memref_squeeze %dma_wait3A_66 : memref<1x25x80xi32, #tpu.memory_space<hbm>> -> memref<25x80xi32, #tpu.memory_space<hbm>>
      %dma_wait3A_68 = arith.constant 0 : i32
      %dma_wait3A_69 = arith.constant 0 : i32
      %dma_wait3A_70 = tpu.memref_slice %arg3[%add3A, %dma_wait3A_68, %dma_wait3A_69] : memref<32x25x80xi32, #tpu.memory_space<hbm>> -> memref<1x25x80xi32, #tpu.memory_space<hbm>>
      %dma_wait3A_71 = tpu.memref_squeeze %dma_wait3A_70 : memref<1x25x80xi32, #tpu.memory_space<hbm>> -> memref<25x80xi32, #tpu.memory_space<hbm>>
      tpu.wait_dma2 semaphore(%run_scoped3A : memref<!tpu.dma_semaphore, #tpu.memory_space<semaphore_mem>>) src(%dma_wait3A_71 : memref<25x80xi32, #tpu.memory_space<hbm>>) dst(%arg6 : memref<25x80xi32, #tpu.memory_space<vmem>>)
      tpu.yield
    }) : () -> ()
    %add3A_5 = arith.constant 0 : i32
    %add3A_6 = arith.addi %mul3A_2, %add3A_5 : i32
    %dma_start3A = arith.constant 0 : i32
    %dma_start3A_7 = tpu.memref_slice %arg2[%add3A_6, %dma_start3A] : memref<64000x128xf32, #tpu.memory_space<hbm>> -> memref<80x128xf32, #tpu.memory_space<hbm>>
    %dma_start3A_8 = arith.constant 0 : i32
    %dma_start3A_9 = tpu.memref_slice %arg2[%add3A_6, %dma_start3A_8] : memref<64000x128xf32, #tpu.memory_space<hbm>> -> memref<80x128xf32, #tpu.memory_space<hbm>>
    tpu.enqueue_dma source(%dma_start3A_9 : memref<80x128xf32, #tpu.memory_space<hbm>>) target(%arg8 : memref<80x128xf32, #tpu.memory_space<vmem>>) target_semaphore(%arg11 : memref<!tpu.dma_semaphore, #tpu.memory_space<semaphore_mem>>)
    %add3A_10 = arith.constant 0 : i32
    %add3A_11 = arith.addi %mul3A_2, %add3A_10 : i32
    %dma_wait3A = arith.constant 0 : i32
    %dma_wait3A_12 = tpu.memref_slice %arg2[%add3A_11, %dma_wait3A] : memref<64000x128xf32, #tpu.memory_space<hbm>> -> memref<80x128xf32, #tpu.memory_space<hbm>>
    %dma_wait3A_13 = arith.constant 0 : i32
    %dma_wait3A_14 = tpu.memref_slice %arg2[%add3A_11, %dma_wait3A_13] : memref<64000x128xf32, #tpu.memory_space<hbm>> -> memref<80x128xf32, #tpu.memory_space<hbm>>
    tpu.wait_dma2 semaphore(%arg11 : memref<!tpu.dma_semaphore, #tpu.memory_space<semaphore_mem>>) src(%dma_wait3A_14 : memref<80x128xf32, #tpu.memory_space<hbm>>) dst(%arg8 : memref<80x128xf32, #tpu.memory_space<vmem>>)
    %dma_start3A_15 = arith.constant 0 : i32
    %dma_start3A_16 = arith.constant 0 : i32
    %dma_start3A_17 = tpu.memref_slice %arg6[%dma_start3A_15, %dma_start3A_16] : memref<25x80xi32, #tpu.memory_space<vmem>> -> memref<1x80xi32, #tpu.memory_space<vmem>>
    %dma_start3A_18 = tpu.memref_squeeze %dma_start3A_17 : memref<1x80xi32, #tpu.memory_space<vmem>> -> memref<80xi32, #tpu.memory_space<vmem>>
    %dma_start3A_19 = arith.constant 0 : i32
    %dma_start3A_20 = arith.constant 0 : i32
    %dma_start3A_21 = tpu.memref_slice %arg9[%dma_start3A_19, %dma_start3A_20] : memref<10000x128xf32, #tpu.memory_space<vmem_shared>> -> memref<10000x128xf32, #tpu.memory_space<vmem_shared>>
    tpu.enqueue_indirect_dma source(%arg8 : memref<80x128xf32, #tpu.memory_space<vmem>>) target(%dma_start3A_21 : memref<10000x128xf32, #tpu.memory_space<vmem_shared>>) offsets(%dma_start3A_18 : memref<80xi32, #tpu.memory_space<vmem>>) semaphore(%arg13 : memref<!tpu.dma_semaphore, #tpu.memory_space<semaphore_mem>>) {add = true}
    %add3A_22 = arith.constant 80 : i32
    %add3A_23 = arith.addi %mul3A_2, %add3A_22 : i32
    %dma_start3A_24 = arith.constant 0 : i32
    %dma_start3A_25 = tpu.memref_slice %arg2[%add3A_23, %dma_start3A_24] : memref<64000x128xf32, #tpu.memory_space<hbm>> -> memref<80x128xf32, #tpu.memory_space<hbm>>
    %dma_start3A_26 = arith.constant 0 : i32
    %dma_start3A_27 = tpu.memref_slice %arg2[%add3A_23, %dma_start3A_26] : memref<64000x128xf32, #tpu.memory_space<hbm>> -> memref<80x128xf32, #tpu.memory_space<hbm>>
    tpu.enqueue_dma source(%dma_start3A_27 : memref<80x128xf32, #tpu.memory_space<hbm>>) target(%arg7 : memref<80x128xf32, #tpu.memory_space<vmem>>) target_semaphore(%arg10 : memref<!tpu.dma_semaphore, #tpu.memory_space<semaphore_mem>>)
    %dma_wait3A_28 = arith.constant 0 : i32
    %dma_wait3A_29 = arith.constant 0 : i32
    %dma_wait3A_30 = tpu.memref_slice %arg6[%dma_wait3A_28, %dma_wait3A_29] : memref<25x80xi32, #tpu.memory_space<vmem>> -> memref<1x80xi32, #tpu.memory_space<vmem>>
    %dma_wait3A_31 = tpu.memref_squeeze %dma_wait3A_30 : memref<1x80xi32, #tpu.memory_space<vmem>> -> memref<80xi32, #tpu.memory_space<vmem>>
    %dma_wait3A_32 = arith.constant 0 : i32
    %dma_wait3A_33 = arith.constant 0 : i32
    %dma_wait3A_34 = tpu.memref_slice %arg9[%dma_wait3A_32, %dma_wait3A_33] : memref<10000x128xf32, #tpu.memory_space<vmem_shared>> -> memref<10000x128xf32, #tpu.memory_space<vmem_shared>>
    tpu.wait_indirect_dma semaphore(%arg13 : memref<!tpu.dma_semaphore, #tpu.memory_space<semaphore_mem>>) src(%arg8 : memref<80x128xf32, #tpu.memory_space<vmem>>) dst(%dma_wait3A_34 : memref<10000x128xf32, #tpu.memory_space<vmem_shared>>)
    %add3A_35 = arith.constant 160 : i32
    %add3A_36 = arith.addi %mul3A_2, %add3A_35 : i32
    %dma_start3A_37 = arith.constant 0 : i32
    %dma_start3A_38 = tpu.memref_slice %arg2[%add3A_36, %dma_start3A_37] : memref<64000x128xf32, #tpu.memory_space<hbm>> -> memref<80x128xf32, #tpu.memory_space<hbm>>
    %dma_start3A_39 = arith.constant 0 : i32
    %dma_start3A_40 = tpu.memref_slice %arg2[%add3A_36, %dma_start3A_39] : memref<64000x128xf32, #tpu.memory_space<hbm>> -> memref<80x128xf32, #tpu.memory_space<hbm>>
    tpu.enqueue_dma source(%dma_start3A_40 : memref<80x128xf32, #tpu.memory_space<hbm>>) target(%arg8 : memref<80x128xf32, #tpu.memory_space<vmem>>) target_semaphore(%arg11 : memref<!tpu.dma_semaphore, #tpu.memory_space<semaphore_mem>>)
    %scan3A = arith.constant 0 : i32
    %scan3A_41 = arith.constant 0 : i32
    %scan3A_42 = arith.constant 12 : i32
    %scan3A_43 = arith.addi %scan3A_41, %scan3A_42 : i32
    %scan3A_44 = arith.constant 1 : i32
    scf.for %scan3A_56 = %scan3A_41 to %scan3A_43 step %scan3A_44  : i32 {
      %mul3A_57 = arith.constant 2 : i32
      %mul3A_58 = arith.muli %mul3A_57, %scan3A_56 : i32
      %add3A_59 = arith.constant 1 : i32
      %add3A_60 = arith.addi %mul3A_58, %add3A_59 : i32
      %mul3A_61 = arith.constant 2 : i32
      %mul3A_62 = arith.muli %mul3A_61, %scan3A_56 : i32
      %add3A_63 = arith.constant 2 : i32
      %add3A_64 = arith.addi %mul3A_62, %add3A_63 : i32
      %mul3A_65 = arith.constant 80 : i32
      %mul3A_66 = arith.muli %add3A_60, %mul3A_65 : i32
      %add3A_67 = arith.addi %mul3A_2, %mul3A_66 : i32
      %dma_wait3A_68 = arith.constant 0 : i32
      %dma_wait3A_69 = tpu.memref_slice %arg2[%add3A_67, %dma_wait3A_68] : memref<64000x128xf32, #tpu.memory_space<hbm>> -> memref<80x128xf32, #tpu.memory_space<hbm>>
      %dma_wait3A_70 = arith.constant 0 : i32
      %dma_wait3A_71 = tpu.memref_slice %arg2[%add3A_67, %dma_wait3A_70] : memref<64000x128xf32, #tpu.memory_space<hbm>> -> memref<80x128xf32, #tpu.memory_space<hbm>>
      tpu.wait_dma2 semaphore(%arg10 : memref<!tpu.dma_semaphore, #tpu.memory_space<semaphore_mem>>) src(%dma_wait3A_71 : memref<80x128xf32, #tpu.memory_space<hbm>>) dst(%arg7 : memref<80x128xf32, #tpu.memory_space<vmem>>)
      %add3A_72 = arith.constant 0 : i32
      %add3A_73 = arith.addi %add3A_72, %add3A_60 : i32
      %dma_start3A_74 = arith.constant 0 : i32
      %dma_start3A_75 = tpu.memref_slice %arg6[%add3A_73, %dma_start3A_74] : memref<25x80xi32, #tpu.memory_space<vmem>> -> memref<1x80xi32, #tpu.memory_space<vmem>>
      %dma_start3A_76 = tpu.memref_squeeze %dma_start3A_75 : memref<1x80xi32, #tpu.memory_space<vmem>> -> memref<80xi32, #tpu.memory_space<vmem>>
      %dma_start3A_77 = arith.constant 0 : i32
      %dma_start3A_78 = arith.constant 0 : i32
      %dma_start3A_79 = tpu.memref_slice %arg9[%dma_start3A_77, %dma_start3A_78] : memref<10000x128xf32, #tpu.memory_space<vmem_shared>> -> memref<10000x128xf32, #tpu.memory_space<vmem_shared>>
      tpu.enqueue_indirect_dma source(%arg7 : memref<80x128xf32, #tpu.memory_space<vmem>>) target(%dma_start3A_79 : memref<10000x128xf32, #tpu.memory_space<vmem_shared>>) offsets(%dma_start3A_76 : memref<80xi32, #tpu.memory_space<vmem>>) semaphore(%arg12 : memref<!tpu.dma_semaphore, #tpu.memory_space<semaphore_mem>>) {add = true}
      %mul3A_80 = arith.constant 80 : i32
      %mul3A_81 = arith.muli %add3A_64, %mul3A_80 : i32
      %add3A_82 = arith.addi %mul3A_2, %mul3A_81 : i32
      %dma_wait3A_83 = arith.constant 0 : i32
      %dma_wait3A_84 = tpu.memref_slice %arg2[%add3A_82, %dma_wait3A_83] : memref<64000x128xf32, #tpu.memory_space<hbm>> -> memref<80x128xf32, #tpu.memory_space<hbm>>
      %dma_wait3A_85 = arith.constant 0 : i32
      %dma_wait3A_86 = tpu.memref_slice %arg2[%add3A_82, %dma_wait3A_85] : memref<64000x128xf32, #tpu.memory_space<hbm>> -> memref<80x128xf32, #tpu.memory_space<hbm>>
      tpu.wait_dma2 semaphore(%arg11 : memref<!tpu.dma_semaphore, #tpu.memory_space<semaphore_mem>>) src(%dma_wait3A_86 : memref<80x128xf32, #tpu.memory_space<hbm>>) dst(%arg8 : memref<80x128xf32, #tpu.memory_space<vmem>>)
      %add3A_87 = arith.constant 0 : i32
      %add3A_88 = arith.addi %add3A_87, %add3A_64 : i32
      %dma_start3A_89 = arith.constant 0 : i32
      %dma_start3A_90 = tpu.memref_slice %arg6[%add3A_88, %dma_start3A_89] : memref<25x80xi32, #tpu.memory_space<vmem>> -> memref<1x80xi32, #tpu.memory_space<vmem>>
      %dma_start3A_91 = tpu.memref_squeeze %dma_start3A_90 : memref<1x80xi32, #tpu.memory_space<vmem>> -> memref<80xi32, #tpu.memory_space<vmem>>
      %dma_start3A_92 = arith.constant 0 : i32
      %dma_start3A_93 = arith.constant 0 : i32
      %dma_start3A_94 = tpu.memref_slice %arg9[%dma_start3A_92, %dma_start3A_93] : memref<10000x128xf32, #tpu.memory_space<vmem_shared>> -> memref<10000x128xf32, #tpu.memory_space<vmem_shared>>
      tpu.enqueue_indirect_dma source(%arg8 : memref<80x128xf32, #tpu.memory_space<vmem>>) target(%dma_start3A_94 : memref<10000x128xf32, #tpu.memory_space<vmem_shared>>) offsets(%dma_start3A_91 : memref<80xi32, #tpu.memory_space<vmem>>) semaphore(%arg13 : memref<!tpu.dma_semaphore, #tpu.memory_space<semaphore_mem>>) {add = true}
      %add3A_95 = arith.constant 0 : i32
      %add3A_96 = arith.addi %add3A_95, %add3A_60 : i32
      %dma_wait3A_97 = arith.constant 0 : i32
      %dma_wait3A_98 = tpu.memref_slice %arg6[%add3A_96, %dma_wait3A_97] : memref<25x80xi32, #tpu.memory_space<vmem>> -> memref<1x80xi32, #tpu.memory_space<vmem>>
      %dma_wait3A_99 = tpu.memref_squeeze %dma_wait3A_98 : memref<1x80xi32, #tpu.memory_space<vmem>> -> memref<80xi32, #tpu.memory_space<vmem>>
      %dma_wait3A_100 = arith.constant 0 : i32
      %dma_wait3A_101 = arith.constant 0 : i32
      %dma_wait3A_102 = tpu.memref_slice %arg9[%dma_wait3A_100, %dma_wait3A_101] : memref<10000x128xf32, #tpu.memory_space<vmem_shared>> -> memref<10000x128xf32, #tpu.memory_space<vmem_shared>>
      tpu.wait_indirect_dma semaphore(%arg12 : memref<!tpu.dma_semaphore, #tpu.memory_space<semaphore_mem>>) src(%arg7 : memref<80x128xf32, #tpu.memory_space<vmem>>) dst(%dma_wait3A_102 : memref<10000x128xf32, #tpu.memory_space<vmem_shared>>)
      %lt3A_103 = arith.constant 11 : i32
      %lt3A_104 = arith.cmpi slt, %scan3A_56, %lt3A_103 : i32
      %convert_element_type3A_105 = arith.extui %lt3A_104 : i1 to i32
      %cond3A_106 = arith.constant 0 : i32
      %cond3A_107 = arith.cmpi ne, %convert_element_type3A_105, %cond3A_106 : i32
      scf.if %cond3A_107 {
        %add3A_121 = arith.constant 2 : i32
        %add3A_122 = arith.addi %add3A_60, %add3A_121 : i32
        %mul3A_123 = arith.constant 80 : i32
        %mul3A_124 = arith.muli %add3A_122, %mul3A_123 : i32
        %add3A_125 = arith.addi %mul3A_2, %mul3A_124 : i32
        %dma_start3A_126 = arith.constant 0 : i32
        %dma_start3A_127 = tpu.memref_slice %arg2[%add3A_125, %dma_start3A_126] : memref<64000x128xf32, #tpu.memory_space<hbm>> -> memref<80x128xf32, #tpu.memory_space<hbm>>
        %dma_start3A_128 = arith.constant 0 : i32
        %dma_start3A_129 = tpu.memref_slice %arg2[%add3A_125, %dma_start3A_128] : memref<64000x128xf32, #tpu.memory_space<hbm>> -> memref<80x128xf32, #tpu.memory_space<hbm>>
        tpu.enqueue_dma source(%dma_start3A_129 : memref<80x128xf32, #tpu.memory_space<hbm>>) target(%arg7 : memref<80x128xf32, #tpu.memory_space<vmem>>) target_semaphore(%arg10 : memref<!tpu.dma_semaphore, #tpu.memory_space<semaphore_mem>>)
      } else {
      }
      %add3A_108 = arith.constant 0 : i32
      %add3A_109 = arith.addi %add3A_108, %add3A_64 : i32
      %dma_wait3A_110 = arith.constant 0 : i32
      %dma_wait3A_111 = tpu.memref_slice %arg6[%add3A_109, %dma_wait3A_110] : memref<25x80xi32, #tpu.memory_space<vmem>> -> memref<1x80xi32, #tpu.memory_space<vmem>>
      %dma_wait3A_112 = tpu.memref_squeeze %dma_wait3A_111 : memref<1x80xi32, #tpu.memory_space<vmem>> -> memref<80xi32, #tpu.memory_space<vmem>>
      %dma_wait3A_113 = arith.constant 0 : i32
      %dma_wait3A_114 = arith.constant 0 : i32
      %dma_wait3A_115 = tpu.memref_slice %arg9[%dma_wait3A_113, %dma_wait3A_114] : memref<10000x128xf32, #tpu.memory_space<vmem_shared>> -> memref<10000x128xf32, #tpu.memory_space<vmem_shared>>
      tpu.wait_indirect_dma semaphore(%arg13 : memref<!tpu.dma_semaphore, #tpu.memory_space<semaphore_mem>>) src(%arg8 : memref<80x128xf32, #tpu.memory_space<vmem>>) dst(%dma_wait3A_115 : memref<10000x128xf32, #tpu.memory_space<vmem_shared>>)
      %lt3A_116 = arith.constant 11 : i32
      %lt3A_117 = arith.cmpi slt, %scan3A_56, %lt3A_116 : i32
      %convert_element_type3A_118 = arith.extui %lt3A_117 : i1 to i32
      %cond3A_119 = arith.constant 0 : i32
      %cond3A_120 = arith.cmpi ne, %convert_element_type3A_118, %cond3A_119 : i32
      scf.if %cond3A_120 {
        %add3A_121 = arith.constant 2 : i32
        %add3A_122 = arith.addi %add3A_64, %add3A_121 : i32
        %mul3A_123 = arith.constant 80 : i32
        %mul3A_124 = arith.muli %add3A_122, %mul3A_123 : i32
        %add3A_125 = arith.addi %mul3A_2, %mul3A_124 : i32
        %dma_start3A_126 = arith.constant 0 : i32
        %dma_start3A_127 = tpu.memref_slice %arg2[%add3A_125, %dma_start3A_126] : memref<64000x128xf32, #tpu.memory_space<hbm>> -> memref<80x128xf32, #tpu.memory_space<hbm>>
        %dma_start3A_128 = arith.constant 0 : i32
        %dma_start3A_129 = tpu.memref_slice %arg2[%add3A_125, %dma_start3A_128] : memref<64000x128xf32, #tpu.memory_space<hbm>> -> memref<80x128xf32, #tpu.memory_space<hbm>>
        tpu.enqueue_dma source(%dma_start3A_129 : memref<80x128xf32, #tpu.memory_space<hbm>>) target(%arg8 : memref<80x128xf32, #tpu.memory_space<vmem>>) target_semaphore(%arg11 : memref<!tpu.dma_semaphore, #tpu.memory_space<semaphore_mem>>)
      } else {
      }
    }
    %scan3A_45 = arith.constant 12 : i32
    %barrier3A_46 = arith.constant 0 : index
    tpu.barrier barrier_id(%barrier3A_46)
    %lt3A = arith.constant 15 : i32
    %lt3A_47 = arith.cmpi slt, %arg1, %lt3A : i32
    %convert_element_type3A_48 = arith.extui %lt3A_47 : i1 to i32
    %cond3A_49 = arith.constant 0 : i32
    %cond3A_50 = arith.cmpi ne, %convert_element_type3A_48, %cond3A_49 : i32
    scf.if %cond3A_50 {
      %mul3A_56 = arith.constant 640 : i32
      %mul3A_57 = arith.muli %arg1, %mul3A_56 : i32
      %mul3A_58 = arith.constant 640 : i32
      %mul3A_59 = arith.muli %arg1, %mul3A_58 : i32
      "tpu.region"() ({
        %run_scoped3A = tpu.sem_alloc : memref<!tpu.dma_semaphore, #tpu.memory_space<semaphore_mem>>
        %dma_start3A_60 = arith.constant 0 : i32
        %dma_start3A_61 = tpu.memref_slice %arg5[%arg0, %mul3A_59, %dma_start3A_60] : memref<2x10000x128xf32, #tpu.memory_space<hbm>> -> memref<1x640x128xf32, #tpu.memory_space<hbm>>
        %dma_start3A_62 = tpu.memref_squeeze %dma_start3A_61 : memref<1x640x128xf32, #tpu.memory_space<hbm>> -> memref<640x128xf32, #tpu.memory_space<hbm>>
        %dma_start3A_63 = arith.constant 0 : i32
        %dma_start3A_64 = tpu.memref_slice %arg9[%mul3A_57, %dma_start3A_63] : memref<10000x128xf32, #tpu.memory_space<vmem_shared>> -> memref<640x128xf32, #tpu.memory_space<vmem_shared>>
        tpu.enqueue_dma source(%dma_start3A_64 : memref<640x128xf32, #tpu.memory_space<vmem_shared>>) target(%dma_start3A_62 : memref<640x128xf32, #tpu.memory_space<hbm>>) target_semaphore(%run_scoped3A : memref<!tpu.dma_semaphore, #tpu.memory_space<semaphore_mem>>)
        %dma_wait3A_65 = arith.constant 0 : i32
        %dma_wait3A_66 = tpu.memref_slice %arg5[%arg0, %mul3A_59, %dma_wait3A_65] : memref<2x10000x128xf32, #tpu.memory_space<hbm>> -> memref<1x640x128xf32, #tpu.memory_space<hbm>>
        %dma_wait3A_67 = tpu.memref_squeeze %dma_wait3A_66 : memref<1x640x128xf32, #tpu.memory_space<hbm>> -> memref<640x128xf32, #tpu.memory_space<hbm>>
        %dma_wait3A_68 = arith.constant 0 : i32
        %dma_wait3A_69 = tpu.memref_slice %arg9[%mul3A_57, %dma_wait3A_68] : memref<10000x128xf32, #tpu.memory_space<vmem_shared>> -> memref<640x128xf32, #tpu.memory_space<vmem_shared>>
        tpu.wait_dma2 semaphore(%run_scoped3A : memref<!tpu.dma_semaphore, #tpu.memory_space<semaphore_mem>>) src(%dma_wait3A_69 : memref<640x128xf32, #tpu.memory_space<vmem_shared>>) dst(%dma_wait3A_67 : memref<640x128xf32, #tpu.memory_space<hbm>>)
        tpu.yield
      }) : () -> ()
    } else {
    }
    %eq3A_51 = arith.constant 15 : i32
    %eq3A_52 = arith.cmpi eq, %arg1, %eq3A_51 : i32
    %convert_element_type3A_53 = arith.extui %eq3A_52 : i1 to i32
    %cond3A_54 = arith.constant 0 : i32
    %cond3A_55 = arith.cmpi ne, %convert_element_type3A_53, %cond3A_54 : i32
    scf.if %cond3A_55 {
      "tpu.region"() ({
        %run_scoped3A = tpu.sem_alloc : memref<!tpu.dma_semaphore, #tpu.memory_space<semaphore_mem>>
        %dma_start3A_56 = arith.constant 9600 : i32
        %dma_start3A_57 = arith.constant 0 : i32
        %dma_start3A_58 = tpu.memref_slice %arg5[%arg0, %dma_start3A_56, %dma_start3A_57] : memref<2x10000x128xf32, #tpu.memory_space<hbm>> -> memref<1x400x128xf32, #tpu.memory_space<hbm>>
        %dma_start3A_59 = tpu.memref_squeeze %dma_start3A_58 : memref<1x400x128xf32, #tpu.memory_space<hbm>> -> memref<400x128xf32, #tpu.memory_space<hbm>>
        %dma_start3A_60 = arith.constant 9600 : i32
        %dma_start3A_61 = arith.constant 0 : i32
        %dma_start3A_62 = tpu.memref_slice %arg9[%dma_start3A_60, %dma_start3A_61] : memref<10000x128xf32, #tpu.memory_space<vmem_shared>> -> memref<400x128xf32, #tpu.memory_space<vmem_shared>>
        tpu.enqueue_dma source(%dma_start3A_62 : memref<400x128xf32, #tpu.memory_space<vmem_shared>>) target(%dma_start3A_59 : memref<400x128xf32, #tpu.memory_space<hbm>>) target_semaphore(%run_scoped3A : memref<!tpu.dma_semaphore, #tpu.memory_space<semaphore_mem>>)
        %dma_wait3A_63 = arith.constant 9600 : i32
        %dma_wait3A_64 = arith.constant 0 : i32
        %dma_wait3A_65 = tpu.memref_slice %arg5[%arg0, %dma_wait3A_63, %dma_wait3A_64] : memref<2x10000x128xf32, #tpu.memory_space<hbm>> -> memref<1x400x128xf32, #tpu.memory_space<hbm>>
        %dma_wait3A_66 = tpu.memref_squeeze %dma_wait3A_65 : memref<1x400x128xf32, #tpu.memory_space<hbm>> -> memref<400x128xf32, #tpu.memory_space<hbm>>
        %dma_wait3A_67 = arith.constant 9600 : i32
        %dma_wait3A_68 = arith.constant 0 : i32
        %dma_wait3A_69 = tpu.memref_slice %arg9[%dma_wait3A_67, %dma_wait3A_68] : memref<10000x128xf32, #tpu.memory_space<vmem_shared>> -> memref<400x128xf32, #tpu.memory_space<vmem_shared>>
        tpu.wait_dma2 semaphore(%run_scoped3A : memref<!tpu.dma_semaphore, #tpu.memory_space<semaphore_mem>>) src(%dma_wait3A_69 : memref<400x128xf32, #tpu.memory_space<vmem_shared>>) dst(%dma_wait3A_66 : memref<400x128xf32, #tpu.memory_space<hbm>>)
        tpu.yield
      }) : () -> ()
    } else {
    }
    return
  }
}

#map = affine_map<(d0, d1) -> (0, 0, 0)>
#map1 = affine_map<(d0, d1) -> (0, 0, 0, 0)>
module attributes {stable_mosaic.version = 14 : i64} {
  func.func @_gather_spmem_body(%arg0: i32, %arg1: i32, %arg2: memref<2x10000x128xf32, #tpu.memory_space<hbm>>, %arg3: memref<2x16x50x80xi32, #tpu.memory_space<hbm>>, %arg4: memref<2x64000x128xf32, #tpu.memory_space<hbm>>, %arg5: memref<10000x128xf32, #tpu.memory_space<vmem_shared>>, %arg6: memref<50x80xi32, #tpu.memory_space<vmem>>, %arg7: memref<80x128xf32, #tpu.memory_space<vmem>>, %arg8: memref<80x128xf32, #tpu.memory_space<vmem>>, %arg9: memref<!tpu.dma_semaphore, #tpu.memory_space<semaphore_mem>>, %arg10: memref<!tpu.dma_semaphore, #tpu.memory_space<semaphore_mem>>, %arg11: memref<!tpu.dma_semaphore, #tpu.memory_space<semaphore_mem>>, %arg12: memref<!tpu.dma_semaphore, #tpu.memory_space<semaphore_mem>>) attributes {dimension_semantics = [#tpu.dimension_semantics<core_parallel>, #tpu.dimension_semantics<subcore_parallel>], iteration_bounds = array<i64: 2, 16>, scalar_prefetch = 0 : i64, scratch_operands = 8 : i64, tpu.core_type = #tpu.core_type<sc_vector_subcore>, window_params = [{transform_indices = #map}, {transform_indices = #map1}, {transform_indices = #map}]} {
    %mul3A = arith.constant 4000 : i32
    %mul3A_0 = arith.muli %arg1, %mul3A : i32
    %lt3A = arith.constant 15 : i32
    %lt3A_1 = arith.cmpi slt, %arg1, %lt3A : i32
    %convert_element_type3A = arith.extui %lt3A_1 : i1 to i32
    %cond3A = arith.constant 0 : i32
    %cond3A_2 = arith.cmpi ne, %convert_element_type3A, %cond3A : i32
    scf.if %cond3A_2 {
      %mul3A_25 = arith.constant 640 : i32
      %mul3A_26 = arith.muli %arg1, %mul3A_25 : i32
      %mul3A_27 = arith.constant 640 : i32
      %mul3A_28 = arith.muli %arg1, %mul3A_27 : i32
      "tpu.region"() ({
        %run_scoped3A = tpu.sem_alloc : memref<!tpu.dma_semaphore, #tpu.memory_space<semaphore_mem>>
        %dma_start3A_29 = arith.constant 0 : i32
        %dma_start3A_30 = tpu.memref_slice %arg5[%mul3A_28, %dma_start3A_29] : memref<10000x128xf32, #tpu.memory_space<vmem_shared>> -> memref<640x128xf32, #tpu.memory_space<vmem_shared>>
        %dma_start3A_31 = arith.constant 0 : i32
        %dma_start3A_32 = tpu.memref_slice %arg2[%arg0, %mul3A_26, %dma_start3A_31] : memref<2x10000x128xf32, #tpu.memory_space<hbm>> -> memref<1x640x128xf32, #tpu.memory_space<hbm>>
        %dma_start3A_33 = tpu.memref_squeeze %dma_start3A_32 : memref<1x640x128xf32, #tpu.memory_space<hbm>> -> memref<640x128xf32, #tpu.memory_space<hbm>>
        tpu.enqueue_dma source(%dma_start3A_33 : memref<640x128xf32, #tpu.memory_space<hbm>>) target(%dma_start3A_30 : memref<640x128xf32, #tpu.memory_space<vmem_shared>>) target_semaphore(%run_scoped3A : memref<!tpu.dma_semaphore, #tpu.memory_space<semaphore_mem>>)
        %dma_wait3A = arith.constant 0 : i32
        %dma_wait3A_34 = tpu.memref_slice %arg5[%mul3A_28, %dma_wait3A] : memref<10000x128xf32, #tpu.memory_space<vmem_shared>> -> memref<640x128xf32, #tpu.memory_space<vmem_shared>>
        %dma_wait3A_35 = arith.constant 0 : i32
        %dma_wait3A_36 = tpu.memref_slice %arg2[%arg0, %mul3A_26, %dma_wait3A_35] : memref<2x10000x128xf32, #tpu.memory_space<hbm>> -> memref<1x640x128xf32, #tpu.memory_space<hbm>>
        %dma_wait3A_37 = tpu.memref_squeeze %dma_wait3A_36 : memref<1x640x128xf32, #tpu.memory_space<hbm>> -> memref<640x128xf32, #tpu.memory_space<hbm>>
        tpu.wait_dma2 semaphore(%run_scoped3A : memref<!tpu.dma_semaphore, #tpu.memory_space<semaphore_mem>>) src(%dma_wait3A_37 : memref<640x128xf32, #tpu.memory_space<hbm>>) dst(%dma_wait3A_34 : memref<640x128xf32, #tpu.memory_space<vmem_shared>>)
        tpu.yield
      }) : () -> ()
    } else {
    }
    %eq3A = arith.constant 15 : i32
    %eq3A_3 = arith.cmpi eq, %arg1, %eq3A : i32
    %convert_element_type3A_4 = arith.extui %eq3A_3 : i1 to i32
    %cond3A_5 = arith.constant 0 : i32
    %cond3A_6 = arith.cmpi ne, %convert_element_type3A_4, %cond3A_5 : i32
    scf.if %cond3A_6 {
      "tpu.region"() ({
        %run_scoped3A = tpu.sem_alloc : memref<!tpu.dma_semaphore, #tpu.memory_space<semaphore_mem>>
        %dma_start3A_25 = arith.constant 9600 : i32
        %dma_start3A_26 = arith.constant 0 : i32
        %dma_start3A_27 = tpu.memref_slice %arg5[%dma_start3A_25, %dma_start3A_26] : memref<10000x128xf32, #tpu.memory_space<vmem_shared>> -> memref<400x128xf32, #tpu.memory_space<vmem_shared>>
        %dma_start3A_28 = arith.constant 9600 : i32
        %dma_start3A_29 = arith.constant 0 : i32
        %dma_start3A_30 = tpu.memref_slice %arg2[%arg0, %dma_start3A_28, %dma_start3A_29] : memref<2x10000x128xf32, #tpu.memory_space<hbm>> -> memref<1x400x128xf32, #tpu.memory_space<hbm>>
        %dma_start3A_31 = tpu.memref_squeeze %dma_start3A_30 : memref<1x400x128xf32, #tpu.memory_space<hbm>> -> memref<400x128xf32, #tpu.memory_space<hbm>>
        tpu.enqueue_dma source(%dma_start3A_31 : memref<400x128xf32, #tpu.memory_space<hbm>>) target(%dma_start3A_27 : memref<400x128xf32, #tpu.memory_space<vmem_shared>>) target_semaphore(%run_scoped3A : memref<!tpu.dma_semaphore, #tpu.memory_space<semaphore_mem>>)
        %dma_wait3A = arith.constant 9600 : i32
        %dma_wait3A_32 = arith.constant 0 : i32
        %dma_wait3A_33 = tpu.memref_slice %arg5[%dma_wait3A, %dma_wait3A_32] : memref<10000x128xf32, #tpu.memory_space<vmem_shared>> -> memref<400x128xf32, #tpu.memory_space<vmem_shared>>
        %dma_wait3A_34 = arith.constant 9600 : i32
        %dma_wait3A_35 = arith.constant 0 : i32
        %dma_wait3A_36 = tpu.memref_slice %arg2[%arg0, %dma_wait3A_34, %dma_wait3A_35] : memref<2x10000x128xf32, #tpu.memory_space<hbm>> -> memref<1x400x128xf32, #tpu.memory_space<hbm>>
        %dma_wait3A_37 = tpu.memref_squeeze %dma_wait3A_36 : memref<1x400x128xf32, #tpu.memory_space<hbm>> -> memref<400x128xf32, #tpu.memory_space<hbm>>
        tpu.wait_dma2 semaphore(%run_scoped3A : memref<!tpu.dma_semaphore, #tpu.memory_space<semaphore_mem>>) src(%dma_wait3A_37 : memref<400x128xf32, #tpu.memory_space<hbm>>) dst(%dma_wait3A_33 : memref<400x128xf32, #tpu.memory_space<vmem_shared>>)
        tpu.yield
      }) : () -> ()
    } else {
    }
    %barrier3A = arith.constant 0 : index
    tpu.barrier barrier_id(%barrier3A)
    "tpu.region"() ({
      %run_scoped3A = tpu.sem_alloc : memref<!tpu.dma_semaphore, #tpu.memory_space<semaphore_mem>>
      %dma_start3A_25 = arith.constant 0 : i32
      %dma_start3A_26 = arith.constant 0 : i32
      %dma_start3A_27 = tpu.memref_slice %arg3[%arg0, %arg1, %dma_start3A_25, %dma_start3A_26] : memref<2x16x50x80xi32, #tpu.memory_space<hbm>> -> memref<1x1x50x80xi32, #tpu.memory_space<hbm>>
      %dma_start3A_28 = tpu.memref_squeeze %dma_start3A_27 : memref<1x1x50x80xi32, #tpu.memory_space<hbm>> -> memref<50x80xi32, #tpu.memory_space<hbm>>
      %dma_start3A_29 = arith.constant 0 : i32
      %dma_start3A_30 = arith.constant 0 : i32
      %dma_start3A_31 = tpu.memref_slice %arg3[%arg0, %arg1, %dma_start3A_29, %dma_start3A_30] : memref<2x16x50x80xi32, #tpu.memory_space<hbm>> -> memref<1x1x50x80xi32, #tpu.memory_space<hbm>>
      %dma_start3A_32 = tpu.memref_squeeze %dma_start3A_31 : memref<1x1x50x80xi32, #tpu.memory_space<hbm>> -> memref<50x80xi32, #tpu.memory_space<hbm>>
      tpu.enqueue_dma source(%dma_start3A_32 : memref<50x80xi32, #tpu.memory_space<hbm>>) target(%arg6 : memref<50x80xi32, #tpu.memory_space<vmem>>) target_semaphore(%run_scoped3A : memref<!tpu.dma_semaphore, #tpu.memory_space<semaphore_mem>>)
      %dma_wait3A = arith.constant 0 : i32
      %dma_wait3A_33 = arith.constant 0 : i32
      %dma_wait3A_34 = tpu.memref_slice %arg3[%arg0, %arg1, %dma_wait3A, %dma_wait3A_33] : memref<2x16x50x80xi32, #tpu.memory_space<hbm>> -> memref<1x1x50x80xi32, #tpu.memory_space<hbm>>
      %dma_wait3A_35 = tpu.memref_squeeze %dma_wait3A_34 : memref<1x1x50x80xi32, #tpu.memory_space<hbm>> -> memref<50x80xi32, #tpu.memory_space<hbm>>
      %dma_wait3A_36 = arith.constant 0 : i32
      %dma_wait3A_37 = arith.constant 0 : i32
      %dma_wait3A_38 = tpu.memref_slice %arg3[%arg0, %arg1, %dma_wait3A_36, %dma_wait3A_37] : memref<2x16x50x80xi32, #tpu.memory_space<hbm>> -> memref<1x1x50x80xi32, #tpu.memory_space<hbm>>
      %dma_wait3A_39 = tpu.memref_squeeze %dma_wait3A_38 : memref<1x1x50x80xi32, #tpu.memory_space<hbm>> -> memref<50x80xi32, #tpu.memory_space<hbm>>
      tpu.wait_dma2 semaphore(%run_scoped3A : memref<!tpu.dma_semaphore, #tpu.memory_space<semaphore_mem>>) src(%dma_wait3A_39 : memref<50x80xi32, #tpu.memory_space<hbm>>) dst(%arg6 : memref<50x80xi32, #tpu.memory_space<vmem>>)
      tpu.yield
    }) : () -> ()
    %dma_start3A = arith.constant 0 : i32
    %dma_start3A_7 = arith.constant 0 : i32
    %dma_start3A_8 = tpu.memref_slice %arg6[%dma_start3A, %dma_start3A_7] : memref<50x80xi32, #tpu.memory_space<vmem>> -> memref<1x80xi32, #tpu.memory_space<vmem>>
    %dma_start3A_9 = tpu.memref_squeeze %dma_start3A_8 : memref<1x80xi32, #tpu.memory_space<vmem>> -> memref<80xi32, #tpu.memory_space<vmem>>
    %dma_start3A_10 = arith.constant 0 : i32
    %dma_start3A_11 = arith.constant 0 : i32
    %dma_start3A_12 = tpu.memref_slice %arg5[%dma_start3A_10, %dma_start3A_11] : memref<10000x128xf32, #tpu.memory_space<vmem_shared>> -> memref<10000x128xf32, #tpu.memory_space<vmem_shared>>
    tpu.enqueue_indirect_dma source(%dma_start3A_12 : memref<10000x128xf32, #tpu.memory_space<vmem_shared>>) target(%arg7 : memref<80x128xf32, #tpu.memory_space<vmem>>) offsets(%dma_start3A_9 : memref<80xi32, #tpu.memory_space<vmem>>) semaphore(%arg9 : memref<!tpu.dma_semaphore, #tpu.memory_space<semaphore_mem>>)
    %dma_start3A_13 = arith.constant 1 : i32
    %dma_start3A_14 = arith.constant 0 : i32
    %dma_start3A_15 = tpu.memref_slice %arg6[%dma_start3A_13, %dma_start3A_14] : memref<50x80xi32, #tpu.memory_space<vmem>> -> memref<1x80xi32, #tpu.memory_space<vmem>>
    %dma_start3A_16 = tpu.memref_squeeze %dma_start3A_15 : memref<1x80xi32, #tpu.memory_space<vmem>> -> memref<80xi32, #tpu.memory_space<vmem>>
    %dma_start3A_17 = arith.constant 0 : i32
    %dma_start3A_18 = arith.constant 0 : i32
    %dma_start3A_19 = tpu.memref_slice %arg5[%dma_start3A_17, %dma_start3A_18] : memref<10000x128xf32, #tpu.memory_space<vmem_shared>> -> memref<10000x128xf32, #tpu.memory_space<vmem_shared>>
    tpu.enqueue_indirect_dma source(%dma_start3A_19 : memref<10000x128xf32, #tpu.memory_space<vmem_shared>>) target(%arg8 : memref<80x128xf32, #tpu.memory_space<vmem>>) offsets(%dma_start3A_16 : memref<80xi32, #tpu.memory_space<vmem>>) semaphore(%arg10 : memref<!tpu.dma_semaphore, #tpu.memory_space<semaphore_mem>>)
    %scan3A = arith.constant 0 : i32
    %scan3A_20 = arith.constant 0 : i32
    %scan3A_21 = arith.constant 25 : i32
    %scan3A_22 = arith.addi %scan3A_20, %scan3A_21 : i32
    %scan3A_23 = arith.constant 1 : i32
    scf.for %scan3A_25 = %scan3A_20 to %scan3A_22 step %scan3A_23  : i32 {
      %mul3A_26 = arith.constant 2 : i32
      %mul3A_27 = arith.muli %mul3A_26, %scan3A_25 : i32
      %mul3A_28 = arith.constant 2 : i32
      %mul3A_29 = arith.muli %mul3A_28, %scan3A_25 : i32
      %add3A = arith.constant 1 : i32
      %add3A_30 = arith.addi %mul3A_29, %add3A : i32
      %dma_wait3A = arith.constant 0 : i32
      %dma_wait3A_31 = tpu.memref_slice %arg6[%mul3A_27, %dma_wait3A] : memref<50x80xi32, #tpu.memory_space<vmem>> -> memref<1x80xi32, #tpu.memory_space<vmem>>
      %dma_wait3A_32 = tpu.memref_squeeze %dma_wait3A_31 : memref<1x80xi32, #tpu.memory_space<vmem>> -> memref<80xi32, #tpu.memory_space<vmem>>
      %dma_wait3A_33 = arith.constant 0 : i32
      %dma_wait3A_34 = arith.constant 0 : i32
      %dma_wait3A_35 = tpu.memref_slice %arg5[%dma_wait3A_33, %dma_wait3A_34] : memref<10000x128xf32, #tpu.memory_space<vmem_shared>> -> memref<10000x128xf32, #tpu.memory_space<vmem_shared>>
      tpu.wait_indirect_dma semaphore(%arg9 : memref<!tpu.dma_semaphore, #tpu.memory_space<semaphore_mem>>) src(%dma_wait3A_35 : memref<10000x128xf32, #tpu.memory_space<vmem_shared>>) dst(%arg7 : memref<80x128xf32, #tpu.memory_space<vmem>>)
      %mul3A_36 = arith.constant 80 : i32
      %mul3A_37 = arith.muli %mul3A_27, %mul3A_36 : i32
      %add3A_38 = arith.addi %mul3A_0, %mul3A_37 : i32
      %dma_start3A_39 = arith.constant 0 : i32
      %dma_start3A_40 = tpu.memref_slice %arg4[%arg0, %add3A_38, %dma_start3A_39] : memref<2x64000x128xf32, #tpu.memory_space<hbm>> -> memref<1x80x128xf32, #tpu.memory_space<hbm>>
      %dma_start3A_41 = tpu.memref_squeeze %dma_start3A_40 : memref<1x80x128xf32, #tpu.memory_space<hbm>> -> memref<80x128xf32, #tpu.memory_space<hbm>>
      %dma_start3A_42 = arith.constant 0 : i32
      %dma_start3A_43 = tpu.memref_slice %arg4[%arg0, %add3A_38, %dma_start3A_42] : memref<2x64000x128xf32, #tpu.memory_space<hbm>> -> memref<1x80x128xf32, #tpu.memory_space<hbm>>
      %dma_start3A_44 = tpu.memref_squeeze %dma_start3A_43 : memref<1x80x128xf32, #tpu.memory_space<hbm>> -> memref<80x128xf32, #tpu.memory_space<hbm>>
      tpu.enqueue_dma source(%arg7 : memref<80x128xf32, #tpu.memory_space<vmem>>) target(%dma_start3A_44 : memref<80x128xf32, #tpu.memory_space<hbm>>) target_semaphore(%arg11 : memref<!tpu.dma_semaphore, #tpu.memory_space<semaphore_mem>>)
      %dma_wait3A_45 = arith.constant 0 : i32
      %dma_wait3A_46 = tpu.memref_slice %arg6[%add3A_30, %dma_wait3A_45] : memref<50x80xi32, #tpu.memory_space<vmem>> -> memref<1x80xi32, #tpu.memory_space<vmem>>
      %dma_wait3A_47 = tpu.memref_squeeze %dma_wait3A_46 : memref<1x80xi32, #tpu.memory_space<vmem>> -> memref<80xi32, #tpu.memory_space<vmem>>
      %dma_wait3A_48 = arith.constant 0 : i32
      %dma_wait3A_49 = arith.constant 0 : i32
      %dma_wait3A_50 = tpu.memref_slice %arg5[%dma_wait3A_48, %dma_wait3A_49] : memref<10000x128xf32, #tpu.memory_space<vmem_shared>> -> memref<10000x128xf32, #tpu.memory_space<vmem_shared>>
      tpu.wait_indirect_dma semaphore(%arg10 : memref<!tpu.dma_semaphore, #tpu.memory_space<semaphore_mem>>) src(%dma_wait3A_50 : memref<10000x128xf32, #tpu.memory_space<vmem_shared>>) dst(%arg8 : memref<80x128xf32, #tpu.memory_space<vmem>>)
      %mul3A_51 = arith.constant 80 : i32
      %mul3A_52 = arith.muli %add3A_30, %mul3A_51 : i32
      %add3A_53 = arith.addi %mul3A_0, %mul3A_52 : i32
      %dma_start3A_54 = arith.constant 0 : i32
      %dma_start3A_55 = tpu.memref_slice %arg4[%arg0, %add3A_53, %dma_start3A_54] : memref<2x64000x128xf32, #tpu.memory_space<hbm>> -> memref<1x80x128xf32, #tpu.memory_space<hbm>>
      %dma_start3A_56 = tpu.memref_squeeze %dma_start3A_55 : memref<1x80x128xf32, #tpu.memory_space<hbm>> -> memref<80x128xf32, #tpu.memory_space<hbm>>
      %dma_start3A_57 = arith.constant 0 : i32
      %dma_start3A_58 = tpu.memref_slice %arg4[%arg0, %add3A_53, %dma_start3A_57] : memref<2x64000x128xf32, #tpu.memory_space<hbm>> -> memref<1x80x128xf32, #tpu.memory_space<hbm>>
      %dma_start3A_59 = tpu.memref_squeeze %dma_start3A_58 : memref<1x80x128xf32, #tpu.memory_space<hbm>> -> memref<80x128xf32, #tpu.memory_space<hbm>>
      tpu.enqueue_dma source(%arg8 : memref<80x128xf32, #tpu.memory_space<vmem>>) target(%dma_start3A_59 : memref<80x128xf32, #tpu.memory_space<hbm>>) target_semaphore(%arg12 : memref<!tpu.dma_semaphore, #tpu.memory_space<semaphore_mem>>)
      %mul3A_60 = arith.constant 80 : i32
      %mul3A_61 = arith.muli %mul3A_27, %mul3A_60 : i32
      %add3A_62 = arith.addi %mul3A_0, %mul3A_61 : i32
      %dma_wait3A_63 = arith.constant 0 : i32
      %dma_wait3A_64 = tpu.memref_slice %arg4[%arg0, %add3A_62, %dma_wait3A_63] : memref<2x64000x128xf32, #tpu.memory_space<hbm>> -> memref<1x80x128xf32, #tpu.memory_space<hbm>>
      %dma_wait3A_65 = tpu.memref_squeeze %dma_wait3A_64 : memref<1x80x128xf32, #tpu.memory_space<hbm>> -> memref<80x128xf32, #tpu.memory_space<hbm>>
      %dma_wait3A_66 = arith.constant 0 : i32
      %dma_wait3A_67 = tpu.memref_slice %arg4[%arg0, %add3A_62, %dma_wait3A_66] : memref<2x64000x128xf32, #tpu.memory_space<hbm>> -> memref<1x80x128xf32, #tpu.memory_space<hbm>>
      %dma_wait3A_68 = tpu.memref_squeeze %dma_wait3A_67 : memref<1x80x128xf32, #tpu.memory_space<hbm>> -> memref<80x128xf32, #tpu.memory_space<hbm>>
      tpu.wait_dma2 semaphore(%arg11 : memref<!tpu.dma_semaphore, #tpu.memory_space<semaphore_mem>>) src(%arg7 : memref<80x128xf32, #tpu.memory_space<vmem>>) dst(%dma_wait3A_68 : memref<80x128xf32, #tpu.memory_space<hbm>>)
      %lt3A_69 = arith.constant 24 : i32
      %lt3A_70 = arith.cmpi slt, %scan3A_25, %lt3A_69 : i32
      %convert_element_type3A_71 = arith.extui %lt3A_70 : i1 to i32
      %cond3A_72 = arith.constant 0 : i32
      %cond3A_73 = arith.cmpi ne, %convert_element_type3A_71, %cond3A_72 : i32
      scf.if %cond3A_73 {
        %add3A_88 = arith.constant 2 : i32
        %add3A_89 = arith.addi %mul3A_27, %add3A_88 : i32
        %dma_start3A_90 = arith.constant 0 : i32
        %dma_start3A_91 = tpu.memref_slice %arg6[%add3A_89, %dma_start3A_90] : memref<50x80xi32, #tpu.memory_space<vmem>> -> memref<1x80xi32, #tpu.memory_space<vmem>>
        %dma_start3A_92 = tpu.memref_squeeze %dma_start3A_91 : memref<1x80xi32, #tpu.memory_space<vmem>> -> memref<80xi32, #tpu.memory_space<vmem>>
        %dma_start3A_93 = arith.constant 0 : i32
        %dma_start3A_94 = arith.constant 0 : i32
        %dma_start3A_95 = tpu.memref_slice %arg5[%dma_start3A_93, %dma_start3A_94] : memref<10000x128xf32, #tpu.memory_space<vmem_shared>> -> memref<10000x128xf32, #tpu.memory_space<vmem_shared>>
        tpu.enqueue_indirect_dma source(%dma_start3A_95 : memref<10000x128xf32, #tpu.memory_space<vmem_shared>>) target(%arg7 : memref<80x128xf32, #tpu.memory_space<vmem>>) offsets(%dma_start3A_92 : memref<80xi32, #tpu.memory_space<vmem>>) semaphore(%arg9 : memref<!tpu.dma_semaphore, #tpu.memory_space<semaphore_mem>>)
      } else {
      }
      %mul3A_74 = arith.constant 80 : i32
      %mul3A_75 = arith.muli %add3A_30, %mul3A_74 : i32
      %add3A_76 = arith.addi %mul3A_0, %mul3A_75 : i32
      %dma_wait3A_77 = arith.constant 0 : i32
      %dma_wait3A_78 = tpu.memref_slice %arg4[%arg0, %add3A_76, %dma_wait3A_77] : memref<2x64000x128xf32, #tpu.memory_space<hbm>> -> memref<1x80x128xf32, #tpu.memory_space<hbm>>
      %dma_wait3A_79 = tpu.memref_squeeze %dma_wait3A_78 : memref<1x80x128xf32, #tpu.memory_space<hbm>> -> memref<80x128xf32, #tpu.memory_space<hbm>>
      %dma_wait3A_80 = arith.constant 0 : i32
      %dma_wait3A_81 = tpu.memref_slice %arg4[%arg0, %add3A_76, %dma_wait3A_80] : memref<2x64000x128xf32, #tpu.memory_space<hbm>> -> memref<1x80x128xf32, #tpu.memory_space<hbm>>
      %dma_wait3A_82 = tpu.memref_squeeze %dma_wait3A_81 : memref<1x80x128xf32, #tpu.memory_space<hbm>> -> memref<80x128xf32, #tpu.memory_space<hbm>>
      tpu.wait_dma2 semaphore(%arg12 : memref<!tpu.dma_semaphore, #tpu.memory_space<semaphore_mem>>) src(%arg8 : memref<80x128xf32, #tpu.memory_space<vmem>>) dst(%dma_wait3A_82 : memref<80x128xf32, #tpu.memory_space<hbm>>)
      %lt3A_83 = arith.constant 24 : i32
      %lt3A_84 = arith.cmpi slt, %scan3A_25, %lt3A_83 : i32
      %convert_element_type3A_85 = arith.extui %lt3A_84 : i1 to i32
      %cond3A_86 = arith.constant 0 : i32
      %cond3A_87 = arith.cmpi ne, %convert_element_type3A_85, %cond3A_86 : i32
      scf.if %cond3A_87 {
        %add3A_88 = arith.constant 2 : i32
        %add3A_89 = arith.addi %add3A_30, %add3A_88 : i32
        %dma_start3A_90 = arith.constant 0 : i32
        %dma_start3A_91 = tpu.memref_slice %arg6[%add3A_89, %dma_start3A_90] : memref<50x80xi32, #tpu.memory_space<vmem>> -> memref<1x80xi32, #tpu.memory_space<vmem>>
        %dma_start3A_92 = tpu.memref_squeeze %dma_start3A_91 : memref<1x80xi32, #tpu.memory_space<vmem>> -> memref<80xi32, #tpu.memory_space<vmem>>
        %dma_start3A_93 = arith.constant 0 : i32
        %dma_start3A_94 = arith.constant 0 : i32
        %dma_start3A_95 = tpu.memref_slice %arg5[%dma_start3A_93, %dma_start3A_94] : memref<10000x128xf32, #tpu.memory_space<vmem_shared>> -> memref<10000x128xf32, #tpu.memory_space<vmem_shared>>
        tpu.enqueue_indirect_dma source(%dma_start3A_95 : memref<10000x128xf32, #tpu.memory_space<vmem_shared>>) target(%arg8 : memref<80x128xf32, #tpu.memory_space<vmem>>) offsets(%dma_start3A_92 : memref<80xi32, #tpu.memory_space<vmem>>) semaphore(%arg10 : memref<!tpu.dma_semaphore, #tpu.memory_space<semaphore_mem>>)
      } else {
      }
    }
    %scan3A_24 = arith.constant 25 : i32
    return
  }
}

#map = affine_map<(d0, d1) -> (0, 0, 0)>
#map1 = affine_map<(d0, d1) -> (0, 0, 0, 0)>
module attributes {stable_mosaic.version = 14 : i64} {
  func.func @_gather_spmem_body(%arg0: i32, %arg1: i32, %arg2: memref<2x10000x128xf32, #tpu.memory_space<hbm>>, %arg3: memref<2x16x50x80xi32, #tpu.memory_space<hbm>>, %arg4: memref<2x64000x128xf32, #tpu.memory_space<hbm>>, %arg5: memref<10000x128xf32, #tpu.memory_space<vmem_shared>>, %arg6: memref<50x80xi32, #tpu.memory_space<vmem>>, %arg7: memref<80x128xf32, #tpu.memory_space<vmem>>, %arg8: memref<80x128xf32, #tpu.memory_space<vmem>>, %arg9: memref<!tpu.dma_semaphore, #tpu.memory_space<semaphore_mem>>, %arg10: memref<!tpu.dma_semaphore, #tpu.memory_space<semaphore_mem>>, %arg11: memref<!tpu.dma_semaphore, #tpu.memory_space<semaphore_mem>>, %arg12: memref<!tpu.dma_semaphore, #tpu.memory_space<semaphore_mem>>) attributes {dimension_semantics = [#tpu.dimension_semantics<core_parallel>, #tpu.dimension_semantics<subcore_parallel>], iteration_bounds = array<i64: 2, 16>, scalar_prefetch = 0 : i64, scratch_operands = 8 : i64, tpu.core_type = #tpu.core_type<sc_vector_subcore>, window_params = [{transform_indices = #map}, {transform_indices = #map1}, {transform_indices = #map}]} {
    %mul3A = arith.constant 4000 : i32
    %mul3A_0 = arith.muli %arg1, %mul3A : i32
    %lt3A = arith.constant 15 : i32
    %lt3A_1 = arith.cmpi slt, %arg1, %lt3A : i32
    %convert_element_type3A = arith.extui %lt3A_1 : i1 to i32
    %cond3A = arith.constant 0 : i32
    %cond3A_2 = arith.cmpi ne, %convert_element_type3A, %cond3A : i32
    scf.if %cond3A_2 {
      %mul3A_25 = arith.constant 640 : i32
      %mul3A_26 = arith.muli %arg1, %mul3A_25 : i32
      %mul3A_27 = arith.constant 640 : i32
      %mul3A_28 = arith.muli %arg1, %mul3A_27 : i32
      "tpu.region"() ({
        %run_scoped3A = tpu.sem_alloc : memref<!tpu.dma_semaphore, #tpu.memory_space<semaphore_mem>>
        %dma_start3A_29 = arith.constant 0 : i32
        %dma_start3A_30 = tpu.memref_slice %arg5[%mul3A_28, %dma_start3A_29] : memref<10000x128xf32, #tpu.memory_space<vmem_shared>> -> memref<640x128xf32, #tpu.memory_space<vmem_shared>>
        %dma_start3A_31 = arith.constant 0 : i32
        %dma_start3A_32 = tpu.memref_slice %arg2[%arg0, %mul3A_26, %dma_start3A_31] : memref<2x10000x128xf32, #tpu.memory_space<hbm>> -> memref<1x640x128xf32, #tpu.memory_space<hbm>>
        %dma_start3A_33 = tpu.memref_squeeze %dma_start3A_32 : memref<1x640x128xf32, #tpu.memory_space<hbm>> -> memref<640x128xf32, #tpu.memory_space<hbm>>
        tpu.enqueue_dma source(%dma_start3A_33 : memref<640x128xf32, #tpu.memory_space<hbm>>) target(%dma_start3A_30 : memref<640x128xf32, #tpu.memory_space<vmem_shared>>) target_semaphore(%run_scoped3A : memref<!tpu.dma_semaphore, #tpu.memory_space<semaphore_mem>>)
        %dma_wait3A = arith.constant 0 : i32
        %dma_wait3A_34 = tpu.memref_slice %arg5[%mul3A_28, %dma_wait3A] : memref<10000x128xf32, #tpu.memory_space<vmem_shared>> -> memref<640x128xf32, #tpu.memory_space<vmem_shared>>
        %dma_wait3A_35 = arith.constant 0 : i32
        %dma_wait3A_36 = tpu.memref_slice %arg2[%arg0, %mul3A_26, %dma_wait3A_35] : memref<2x10000x128xf32, #tpu.memory_space<hbm>> -> memref<1x640x128xf32, #tpu.memory_space<hbm>>
        %dma_wait3A_37 = tpu.memref_squeeze %dma_wait3A_36 : memref<1x640x128xf32, #tpu.memory_space<hbm>> -> memref<640x128xf32, #tpu.memory_space<hbm>>
        tpu.wait_dma2 semaphore(%run_scoped3A : memref<!tpu.dma_semaphore, #tpu.memory_space<semaphore_mem>>) src(%dma_wait3A_37 : memref<640x128xf32, #tpu.memory_space<hbm>>) dst(%dma_wait3A_34 : memref<640x128xf32, #tpu.memory_space<vmem_shared>>)
        tpu.yield
      }) : () -> ()
    } else {
    }
    %eq3A = arith.constant 15 : i32
    %eq3A_3 = arith.cmpi eq, %arg1, %eq3A : i32
    %convert_element_type3A_4 = arith.extui %eq3A_3 : i1 to i32
    %cond3A_5 = arith.constant 0 : i32
    %cond3A_6 = arith.cmpi ne, %convert_element_type3A_4, %cond3A_5 : i32
    scf.if %cond3A_6 {
      "tpu.region"() ({
        %run_scoped3A = tpu.sem_alloc : memref<!tpu.dma_semaphore, #tpu.memory_space<semaphore_mem>>
        %dma_start3A_25 = arith.constant 9600 : i32
        %dma_start3A_26 = arith.constant 0 : i32
        %dma_start3A_27 = tpu.memref_slice %arg5[%dma_start3A_25, %dma_start3A_26] : memref<10000x128xf32, #tpu.memory_space<vmem_shared>> -> memref<400x128xf32, #tpu.memory_space<vmem_shared>>
        %dma_start3A_28 = arith.constant 9600 : i32
        %dma_start3A_29 = arith.constant 0 : i32
        %dma_start3A_30 = tpu.memref_slice %arg2[%arg0, %dma_start3A_28, %dma_start3A_29] : memref<2x10000x128xf32, #tpu.memory_space<hbm>> -> memref<1x400x128xf32, #tpu.memory_space<hbm>>
        %dma_start3A_31 = tpu.memref_squeeze %dma_start3A_30 : memref<1x400x128xf32, #tpu.memory_space<hbm>> -> memref<400x128xf32, #tpu.memory_space<hbm>>
        tpu.enqueue_dma source(%dma_start3A_31 : memref<400x128xf32, #tpu.memory_space<hbm>>) target(%dma_start3A_27 : memref<400x128xf32, #tpu.memory_space<vmem_shared>>) target_semaphore(%run_scoped3A : memref<!tpu.dma_semaphore, #tpu.memory_space<semaphore_mem>>)
        %dma_wait3A = arith.constant 9600 : i32
        %dma_wait3A_32 = arith.constant 0 : i32
        %dma_wait3A_33 = tpu.memref_slice %arg5[%dma_wait3A, %dma_wait3A_32] : memref<10000x128xf32, #tpu.memory_space<vmem_shared>> -> memref<400x128xf32, #tpu.memory_space<vmem_shared>>
        %dma_wait3A_34 = arith.constant 9600 : i32
        %dma_wait3A_35 = arith.constant 0 : i32
        %dma_wait3A_36 = tpu.memref_slice %arg2[%arg0, %dma_wait3A_34, %dma_wait3A_35] : memref<2x10000x128xf32, #tpu.memory_space<hbm>> -> memref<1x400x128xf32, #tpu.memory_space<hbm>>
        %dma_wait3A_37 = tpu.memref_squeeze %dma_wait3A_36 : memref<1x400x128xf32, #tpu.memory_space<hbm>> -> memref<400x128xf32, #tpu.memory_space<hbm>>
        tpu.wait_dma2 semaphore(%run_scoped3A : memref<!tpu.dma_semaphore, #tpu.memory_space<semaphore_mem>>) src(%dma_wait3A_37 : memref<400x128xf32, #tpu.memory_space<hbm>>) dst(%dma_wait3A_33 : memref<400x128xf32, #tpu.memory_space<vmem_shared>>)
        tpu.yield
      }) : () -> ()
    } else {
    }
    %barrier3A = arith.constant 0 : index
    tpu.barrier barrier_id(%barrier3A)
    "tpu.region"() ({
      %run_scoped3A = tpu.sem_alloc : memref<!tpu.dma_semaphore, #tpu.memory_space<semaphore_mem>>
      %dma_start3A_25 = arith.constant 0 : i32
      %dma_start3A_26 = arith.constant 0 : i32
      %dma_start3A_27 = tpu.memref_slice %arg3[%arg0, %arg1, %dma_start3A_25, %dma_start3A_26] : memref<2x16x50x80xi32, #tpu.memory_space<hbm>> -> memref<1x1x50x80xi32, #tpu.memory_space<hbm>>
      %dma_start3A_28 = tpu.memref_squeeze %dma_start3A_27 : memref<1x1x50x80xi32, #tpu.memory_space<hbm>> -> memref<50x80xi32, #tpu.memory_space<hbm>>
      %dma_start3A_29 = arith.constant 0 : i32
      %dma_start3A_30 = arith.constant 0 : i32
      %dma_start3A_31 = tpu.memref_slice %arg3[%arg0, %arg1, %dma_start3A_29, %dma_start3A_30] : memref<2x16x50x80xi32, #tpu.memory_space<hbm>> -> memref<1x1x50x80xi32, #tpu.memory_space<hbm>>
      %dma_start3A_32 = tpu.memref_squeeze %dma_start3A_31 : memref<1x1x50x80xi32, #tpu.memory_space<hbm>> -> memref<50x80xi32, #tpu.memory_space<hbm>>
      tpu.enqueue_dma source(%dma_start3A_32 : memref<50x80xi32, #tpu.memory_space<hbm>>) target(%arg6 : memref<50x80xi32, #tpu.memory_space<vmem>>) target_semaphore(%run_scoped3A : memref<!tpu.dma_semaphore, #tpu.memory_space<semaphore_mem>>)
      %dma_wait3A = arith.constant 0 : i32
      %dma_wait3A_33 = arith.constant 0 : i32
      %dma_wait3A_34 = tpu.memref_slice %arg3[%arg0, %arg1, %dma_wait3A, %dma_wait3A_33] : memref<2x16x50x80xi32, #tpu.memory_space<hbm>> -> memref<1x1x50x80xi32, #tpu.memory_space<hbm>>
      %dma_wait3A_35 = tpu.memref_squeeze %dma_wait3A_34 : memref<1x1x50x80xi32, #tpu.memory_space<hbm>> -> memref<50x80xi32, #tpu.memory_space<hbm>>
      %dma_wait3A_36 = arith.constant 0 : i32
      %dma_wait3A_37 = arith.constant 0 : i32
      %dma_wait3A_38 = tpu.memref_slice %arg3[%arg0, %arg1, %dma_wait3A_36, %dma_wait3A_37] : memref<2x16x50x80xi32, #tpu.memory_space<hbm>> -> memref<1x1x50x80xi32, #tpu.memory_space<hbm>>
      %dma_wait3A_39 = tpu.memref_squeeze %dma_wait3A_38 : memref<1x1x50x80xi32, #tpu.memory_space<hbm>> -> memref<50x80xi32, #tpu.memory_space<hbm>>
      tpu.wait_dma2 semaphore(%run_scoped3A : memref<!tpu.dma_semaphore, #tpu.memory_space<semaphore_mem>>) src(%dma_wait3A_39 : memref<50x80xi32, #tpu.memory_space<hbm>>) dst(%arg6 : memref<50x80xi32, #tpu.memory_space<vmem>>)
      tpu.yield
    }) : () -> ()
    %dma_start3A = arith.constant 0 : i32
    %dma_start3A_7 = arith.constant 0 : i32
    %dma_start3A_8 = tpu.memref_slice %arg6[%dma_start3A, %dma_start3A_7] : memref<50x80xi32, #tpu.memory_space<vmem>> -> memref<1x80xi32, #tpu.memory_space<vmem>>
    %dma_start3A_9 = tpu.memref_squeeze %dma_start3A_8 : memref<1x80xi32, #tpu.memory_space<vmem>> -> memref<80xi32, #tpu.memory_space<vmem>>
    %dma_start3A_10 = arith.constant 0 : i32
    %dma_start3A_11 = arith.constant 0 : i32
    %dma_start3A_12 = tpu.memref_slice %arg5[%dma_start3A_10, %dma_start3A_11] : memref<10000x128xf32, #tpu.memory_space<vmem_shared>> -> memref<10000x128xf32, #tpu.memory_space<vmem_shared>>
    tpu.enqueue_indirect_dma source(%dma_start3A_12 : memref<10000x128xf32, #tpu.memory_space<vmem_shared>>) target(%arg7 : memref<80x128xf32, #tpu.memory_space<vmem>>) offsets(%dma_start3A_9 : memref<80xi32, #tpu.memory_space<vmem>>) semaphore(%arg9 : memref<!tpu.dma_semaphore, #tpu.memory_space<semaphore_mem>>)
    %dma_start3A_13 = arith.constant 1 : i32
    %dma_start3A_14 = arith.constant 0 : i32
    %dma_start3A_15 = tpu.memref_slice %arg6[%dma_start3A_13, %dma_start3A_14] : memref<50x80xi32, #tpu.memory_space<vmem>> -> memref<1x80xi32, #tpu.memory_space<vmem>>
    %dma_start3A_16 = tpu.memref_squeeze %dma_start3A_15 : memref<1x80xi32, #tpu.memory_space<vmem>> -> memref<80xi32, #tpu.memory_space<vmem>>
    %dma_start3A_17 = arith.constant 0 : i32
    %dma_start3A_18 = arith.constant 0 : i32
    %dma_start3A_19 = tpu.memref_slice %arg5[%dma_start3A_17, %dma_start3A_18] : memref<10000x128xf32, #tpu.memory_space<vmem_shared>> -> memref<10000x128xf32, #tpu.memory_space<vmem_shared>>
    tpu.enqueue_indirect_dma source(%dma_start3A_19 : memref<10000x128xf32, #tpu.memory_space<vmem_shared>>) target(%arg8 : memref<80x128xf32, #tpu.memory_space<vmem>>) offsets(%dma_start3A_16 : memref<80xi32, #tpu.memory_space<vmem>>) semaphore(%arg10 : memref<!tpu.dma_semaphore, #tpu.memory_space<semaphore_mem>>)
    %scan3A = arith.constant 0 : i32
    %scan3A_20 = arith.constant 0 : i32
    %scan3A_21 = arith.constant 25 : i32
    %scan3A_22 = arith.addi %scan3A_20, %scan3A_21 : i32
    %scan3A_23 = arith.constant 1 : i32
    scf.for %scan3A_25 = %scan3A_20 to %scan3A_22 step %scan3A_23  : i32 {
      %mul3A_26 = arith.constant 2 : i32
      %mul3A_27 = arith.muli %mul3A_26, %scan3A_25 : i32
      %mul3A_28 = arith.constant 2 : i32
      %mul3A_29 = arith.muli %mul3A_28, %scan3A_25 : i32
      %add3A = arith.constant 1 : i32
      %add3A_30 = arith.addi %mul3A_29, %add3A : i32
      %dma_wait3A = arith.constant 0 : i32
      %dma_wait3A_31 = tpu.memref_slice %arg6[%mul3A_27, %dma_wait3A] : memref<50x80xi32, #tpu.memory_space<vmem>> -> memref<1x80xi32, #tpu.memory_space<vmem>>
      %dma_wait3A_32 = tpu.memref_squeeze %dma_wait3A_31 : memref<1x80xi32, #tpu.memory_space<vmem>> -> memref<80xi32, #tpu.memory_space<vmem>>
      %dma_wait3A_33 = arith.constant 0 : i32
      %dma_wait3A_34 = arith.constant 0 : i32
      %dma_wait3A_35 = tpu.memref_slice %arg5[%dma_wait3A_33, %dma_wait3A_34] : memref<10000x128xf32, #tpu.memory_space<vmem_shared>> -> memref<10000x128xf32, #tpu.memory_space<vmem_shared>>
      tpu.wait_indirect_dma semaphore(%arg9 : memref<!tpu.dma_semaphore, #tpu.memory_space<semaphore_mem>>) src(%dma_wait3A_35 : memref<10000x128xf32, #tpu.memory_space<vmem_shared>>) dst(%arg7 : memref<80x128xf32, #tpu.memory_space<vmem>>)
      %mul3A_36 = arith.constant 80 : i32
      %mul3A_37 = arith.muli %mul3A_27, %mul3A_36 : i32
      %add3A_38 = arith.addi %mul3A_0, %mul3A_37 : i32
      %dma_start3A_39 = arith.constant 0 : i32
      %dma_start3A_40 = tpu.memref_slice %arg4[%arg0, %add3A_38, %dma_start3A_39] : memref<2x64000x128xf32, #tpu.memory_space<hbm>> -> memref<1x80x128xf32, #tpu.memory_space<hbm>>
      %dma_start3A_41 = tpu.memref_squeeze %dma_start3A_40 : memref<1x80x128xf32, #tpu.memory_space<hbm>> -> memref<80x128xf32, #tpu.memory_space<hbm>>
      %dma_start3A_42 = arith.constant 0 : i32
      %dma_start3A_43 = tpu.memref_slice %arg4[%arg0, %add3A_38, %dma_start3A_42] : memref<2x64000x128xf32, #tpu.memory_space<hbm>> -> memref<1x80x128xf32, #tpu.memory_space<hbm>>
      %dma_start3A_44 = tpu.memref_squeeze %dma_start3A_43 : memref<1x80x128xf32, #tpu.memory_space<hbm>> -> memref<80x128xf32, #tpu.memory_space<hbm>>
      tpu.enqueue_dma source(%arg7 : memref<80x128xf32, #tpu.memory_space<vmem>>) target(%dma_start3A_44 : memref<80x128xf32, #tpu.memory_space<hbm>>) target_semaphore(%arg11 : memref<!tpu.dma_semaphore, #tpu.memory_space<semaphore_mem>>)
      %dma_wait3A_45 = arith.constant 0 : i32
      %dma_wait3A_46 = tpu.memref_slice %arg6[%add3A_30, %dma_wait3A_45] : memref<50x80xi32, #tpu.memory_space<vmem>> -> memref<1x80xi32, #tpu.memory_space<vmem>>
      %dma_wait3A_47 = tpu.memref_squeeze %dma_wait3A_46 : memref<1x80xi32, #tpu.memory_space<vmem>> -> memref<80xi32, #tpu.memory_space<vmem>>
      %dma_wait3A_48 = arith.constant 0 : i32
      %dma_wait3A_49 = arith.constant 0 : i32
      %dma_wait3A_50 = tpu.memref_slice %arg5[%dma_wait3A_48, %dma_wait3A_49] : memref<10000x128xf32, #tpu.memory_space<vmem_shared>> -> memref<10000x128xf32, #tpu.memory_space<vmem_shared>>
      tpu.wait_indirect_dma semaphore(%arg10 : memref<!tpu.dma_semaphore, #tpu.memory_space<semaphore_mem>>) src(%dma_wait3A_50 : memref<10000x128xf32, #tpu.memory_space<vmem_shared>>) dst(%arg8 : memref<80x128xf32, #tpu.memory_space<vmem>>)
      %mul3A_51 = arith.constant 80 : i32
      %mul3A_52 = arith.muli %add3A_30, %mul3A_51 : i32
      %add3A_53 = arith.addi %mul3A_0, %mul3A_52 : i32
      %dma_start3A_54 = arith.constant 0 : i32
      %dma_start3A_55 = tpu.memref_slice %arg4[%arg0, %add3A_53, %dma_start3A_54] : memref<2x64000x128xf32, #tpu.memory_space<hbm>> -> memref<1x80x128xf32, #tpu.memory_space<hbm>>
      %dma_start3A_56 = tpu.memref_squeeze %dma_start3A_55 : memref<1x80x128xf32, #tpu.memory_space<hbm>> -> memref<80x128xf32, #tpu.memory_space<hbm>>
      %dma_start3A_57 = arith.constant 0 : i32
      %dma_start3A_58 = tpu.memref_slice %arg4[%arg0, %add3A_53, %dma_start3A_57] : memref<2x64000x128xf32, #tpu.memory_space<hbm>> -> memref<1x80x128xf32, #tpu.memory_space<hbm>>
      %dma_start3A_59 = tpu.memref_squeeze %dma_start3A_58 : memref<1x80x128xf32, #tpu.memory_space<hbm>> -> memref<80x128xf32, #tpu.memory_space<hbm>>
      tpu.enqueue_dma source(%arg8 : memref<80x128xf32, #tpu.memory_space<vmem>>) target(%dma_start3A_59 : memref<80x128xf32, #tpu.memory_space<hbm>>) target_semaphore(%arg12 : memref<!tpu.dma_semaphore, #tpu.memory_space<semaphore_mem>>)
      %mul3A_60 = arith.constant 80 : i32
      %mul3A_61 = arith.muli %mul3A_27, %mul3A_60 : i32
      %add3A_62 = arith.addi %mul3A_0, %mul3A_61 : i32
      %dma_wait3A_63 = arith.constant 0 : i32
      %dma_wait3A_64 = tpu.memref_slice %arg4[%arg0, %add3A_62, %dma_wait3A_63] : memref<2x64000x128xf32, #tpu.memory_space<hbm>> -> memref<1x80x128xf32, #tpu.memory_space<hbm>>
      %dma_wait3A_65 = tpu.memref_squeeze %dma_wait3A_64 : memref<1x80x128xf32, #tpu.memory_space<hbm>> -> memref<80x128xf32, #tpu.memory_space<hbm>>
      %dma_wait3A_66 = arith.constant 0 : i32
      %dma_wait3A_67 = tpu.memref_slice %arg4[%arg0, %add3A_62, %dma_wait3A_66] : memref<2x64000x128xf32, #tpu.memory_space<hbm>> -> memref<1x80x128xf32, #tpu.memory_space<hbm>>
      %dma_wait3A_68 = tpu.memref_squeeze %dma_wait3A_67 : memref<1x80x128xf32, #tpu.memory_space<hbm>> -> memref<80x128xf32, #tpu.memory_space<hbm>>
      tpu.wait_dma2 semaphore(%arg11 : memref<!tpu.dma_semaphore, #tpu.memory_space<semaphore_mem>>) src(%arg7 : memref<80x128xf32, #tpu.memory_space<vmem>>) dst(%dma_wait3A_68 : memref<80x128xf32, #tpu.memory_space<hbm>>)
      %lt3A_69 = arith.constant 24 : i32
      %lt3A_70 = arith.cmpi slt, %scan3A_25, %lt3A_69 : i32
      %convert_element_type3A_71 = arith.extui %lt3A_70 : i1 to i32
      %cond3A_72 = arith.constant 0 : i32
      %cond3A_73 = arith.cmpi ne, %convert_element_type3A_71, %cond3A_72 : i32
      scf.if %cond3A_73 {
        %add3A_88 = arith.constant 2 : i32
        %add3A_89 = arith.addi %mul3A_27, %add3A_88 : i32
        %dma_start3A_90 = arith.constant 0 : i32
        %dma_start3A_91 = tpu.memref_slice %arg6[%add3A_89, %dma_start3A_90] : memref<50x80xi32, #tpu.memory_space<vmem>> -> memref<1x80xi32, #tpu.memory_space<vmem>>
        %dma_start3A_92 = tpu.memref_squeeze %dma_start3A_91 : memref<1x80xi32, #tpu.memory_space<vmem>> -> memref<80xi32, #tpu.memory_space<vmem>>
        %dma_start3A_93 = arith.constant 0 : i32
        %dma_start3A_94 = arith.constant 0 : i32
        %dma_start3A_95 = tpu.memref_slice %arg5[%dma_start3A_93, %dma_start3A_94] : memref<10000x128xf32, #tpu.memory_space<vmem_shared>> -> memref<10000x128xf32, #tpu.memory_space<vmem_shared>>
        tpu.enqueue_indirect_dma source(%dma_start3A_95 : memref<10000x128xf32, #tpu.memory_space<vmem_shared>>) target(%arg7 : memref<80x128xf32, #tpu.memory_space<vmem>>) offsets(%dma_start3A_92 : memref<80xi32, #tpu.memory_space<vmem>>) semaphore(%arg9 : memref<!tpu.dma_semaphore, #tpu.memory_space<semaphore_mem>>)
      } else {
      }
      %mul3A_74 = arith.constant 80 : i32
      %mul3A_75 = arith.muli %add3A_30, %mul3A_74 : i32
      %add3A_76 = arith.addi %mul3A_0, %mul3A_75 : i32
      %dma_wait3A_77 = arith.constant 0 : i32
      %dma_wait3A_78 = tpu.memref_slice %arg4[%arg0, %add3A_76, %dma_wait3A_77] : memref<2x64000x128xf32, #tpu.memory_space<hbm>> -> memref<1x80x128xf32, #tpu.memory_space<hbm>>
      %dma_wait3A_79 = tpu.memref_squeeze %dma_wait3A_78 : memref<1x80x128xf32, #tpu.memory_space<hbm>> -> memref<80x128xf32, #tpu.memory_space<hbm>>
      %dma_wait3A_80 = arith.constant 0 : i32
      %dma_wait3A_81 = tpu.memref_slice %arg4[%arg0, %add3A_76, %dma_wait3A_80] : memref<2x64000x128xf32, #tpu.memory_space<hbm>> -> memref<1x80x128xf32, #tpu.memory_space<hbm>>
      %dma_wait3A_82 = tpu.memref_squeeze %dma_wait3A_81 : memref<1x80x128xf32, #tpu.memory_space<hbm>> -> memref<80x128xf32, #tpu.memory_space<hbm>>
      tpu.wait_dma2 semaphore(%arg12 : memref<!tpu.dma_semaphore, #tpu.memory_space<semaphore_mem>>) src(%arg8 : memref<80x128xf32, #tpu.memory_space<vmem>>) dst(%dma_wait3A_82 : memref<80x128xf32, #tpu.memory_space<hbm>>)
      %lt3A_83 = arith.constant 24 : i32
      %lt3A_84 = arith.cmpi slt, %scan3A_25, %lt3A_83 : i32
      %convert_element_type3A_85 = arith.extui %lt3A_84 : i1 to i32
      %cond3A_86 = arith.constant 0 : i32
      %cond3A_87 = arith.cmpi ne, %convert_element_type3A_85, %cond3A_86 : i32
      scf.if %cond3A_87 {
        %add3A_88 = arith.constant 2 : i32
        %add3A_89 = arith.addi %add3A_30, %add3A_88 : i32
        %dma_start3A_90 = arith.constant 0 : i32
        %dma_start3A_91 = tpu.memref_slice %arg6[%add3A_89, %dma_start3A_90] : memref<50x80xi32, #tpu.memory_space<vmem>> -> memref<1x80xi32, #tpu.memory_space<vmem>>
        %dma_start3A_92 = tpu.memref_squeeze %dma_start3A_91 : memref<1x80xi32, #tpu.memory_space<vmem>> -> memref<80xi32, #tpu.memory_space<vmem>>
        %dma_start3A_93 = arith.constant 0 : i32
        %dma_start3A_94 = arith.constant 0 : i32
        %dma_start3A_95 = tpu.memref_slice %arg5[%dma_start3A_93, %dma_start3A_94] : memref<10000x128xf32, #tpu.memory_space<vmem_shared>> -> memref<10000x128xf32, #tpu.memory_space<vmem_shared>>
        tpu.enqueue_indirect_dma source(%dma_start3A_95 : memref<10000x128xf32, #tpu.memory_space<vmem_shared>>) target(%arg8 : memref<80x128xf32, #tpu.memory_space<vmem>>) offsets(%dma_start3A_92 : memref<80xi32, #tpu.memory_space<vmem>>) semaphore(%arg10 : memref<!tpu.dma_semaphore, #tpu.memory_space<semaphore_mem>>)
      } else {
      }
    }
    %scan3A_24 = arith.constant 25 : i32
    return
  }
}

#map = affine_map<(d0, d1) -> (0, 0, 0)>
#map1 = affine_map<(d0, d1) -> (0, 0, 0, 0)>
module attributes {stable_mosaic.version = 14 : i64} {
  func.func @_gather_spmem_body(%arg0: i32, %arg1: i32, %arg2: memref<2x10000x128xf32, #tpu.memory_space<hbm>>, %arg3: memref<2x16x50x80xi32, #tpu.memory_space<hbm>>, %arg4: memref<2x64000x128xf32, #tpu.memory_space<hbm>>, %arg5: memref<10000x128xf32, #tpu.memory_space<vmem_shared>>, %arg6: memref<50x80xi32, #tpu.memory_space<vmem>>, %arg7: memref<80x128xf32, #tpu.memory_space<vmem>>, %arg8: memref<80x128xf32, #tpu.memory_space<vmem>>, %arg9: memref<!tpu.dma_semaphore, #tpu.memory_space<semaphore_mem>>, %arg10: memref<!tpu.dma_semaphore, #tpu.memory_space<semaphore_mem>>, %arg11: memref<!tpu.dma_semaphore, #tpu.memory_space<semaphore_mem>>, %arg12: memref<!tpu.dma_semaphore, #tpu.memory_space<semaphore_mem>>) attributes {dimension_semantics = [#tpu.dimension_semantics<core_parallel>, #tpu.dimension_semantics<subcore_parallel>], iteration_bounds = array<i64: 2, 16>, scalar_prefetch = 0 : i64, scratch_operands = 8 : i64, tpu.core_type = #tpu.core_type<sc_vector_subcore>, window_params = [{transform_indices = #map}, {transform_indices = #map1}, {transform_indices = #map}]} {
    %mul3A = arith.constant 4000 : i32
    %mul3A_0 = arith.muli %arg1, %mul3A : i32
    %lt3A = arith.constant 15 : i32
    %lt3A_1 = arith.cmpi slt, %arg1, %lt3A : i32
    %convert_element_type3A = arith.extui %lt3A_1 : i1 to i32
    %cond3A = arith.constant 0 : i32
    %cond3A_2 = arith.cmpi ne, %convert_element_type3A, %cond3A : i32
    scf.if %cond3A_2 {
      %mul3A_25 = arith.constant 640 : i32
      %mul3A_26 = arith.muli %arg1, %mul3A_25 : i32
      %mul3A_27 = arith.constant 640 : i32
      %mul3A_28 = arith.muli %arg1, %mul3A_27 : i32
      "tpu.region"() ({
        %run_scoped3A = tpu.sem_alloc : memref<!tpu.dma_semaphore, #tpu.memory_space<semaphore_mem>>
        %dma_start3A_29 = arith.constant 0 : i32
        %dma_start3A_30 = tpu.memref_slice %arg5[%mul3A_28, %dma_start3A_29] : memref<10000x128xf32, #tpu.memory_space<vmem_shared>> -> memref<640x128xf32, #tpu.memory_space<vmem_shared>>
        %dma_start3A_31 = arith.constant 0 : i32
        %dma_start3A_32 = tpu.memref_slice %arg2[%arg0, %mul3A_26, %dma_start3A_31] : memref<2x10000x128xf32, #tpu.memory_space<hbm>> -> memref<1x640x128xf32, #tpu.memory_space<hbm>>
        %dma_start3A_33 = tpu.memref_squeeze %dma_start3A_32 : memref<1x640x128xf32, #tpu.memory_space<hbm>> -> memref<640x128xf32, #tpu.memory_space<hbm>>
        tpu.enqueue_dma source(%dma_start3A_33 : memref<640x128xf32, #tpu.memory_space<hbm>>) target(%dma_start3A_30 : memref<640x128xf32, #tpu.memory_space<vmem_shared>>) target_semaphore(%run_scoped3A : memref<!tpu.dma_semaphore, #tpu.memory_space<semaphore_mem>>)
        %dma_wait3A = arith.constant 0 : i32
        %dma_wait3A_34 = tpu.memref_slice %arg5[%mul3A_28, %dma_wait3A] : memref<10000x128xf32, #tpu.memory_space<vmem_shared>> -> memref<640x128xf32, #tpu.memory_space<vmem_shared>>
        %dma_wait3A_35 = arith.constant 0 : i32
        %dma_wait3A_36 = tpu.memref_slice %arg2[%arg0, %mul3A_26, %dma_wait3A_35] : memref<2x10000x128xf32, #tpu.memory_space<hbm>> -> memref<1x640x128xf32, #tpu.memory_space<hbm>>
        %dma_wait3A_37 = tpu.memref_squeeze %dma_wait3A_36 : memref<1x640x128xf32, #tpu.memory_space<hbm>> -> memref<640x128xf32, #tpu.memory_space<hbm>>
        tpu.wait_dma2 semaphore(%run_scoped3A : memref<!tpu.dma_semaphore, #tpu.memory_space<semaphore_mem>>) src(%dma_wait3A_37 : memref<640x128xf32, #tpu.memory_space<hbm>>) dst(%dma_wait3A_34 : memref<640x128xf32, #tpu.memory_space<vmem_shared>>)
        tpu.yield
      }) : () -> ()
    } else {
    }
    %eq3A = arith.constant 15 : i32
    %eq3A_3 = arith.cmpi eq, %arg1, %eq3A : i32
    %convert_element_type3A_4 = arith.extui %eq3A_3 : i1 to i32
    %cond3A_5 = arith.constant 0 : i32
    %cond3A_6 = arith.cmpi ne, %convert_element_type3A_4, %cond3A_5 : i32
    scf.if %cond3A_6 {
      "tpu.region"() ({
        %run_scoped3A = tpu.sem_alloc : memref<!tpu.dma_semaphore, #tpu.memory_space<semaphore_mem>>
        %dma_start3A_25 = arith.constant 9600 : i32
        %dma_start3A_26 = arith.constant 0 : i32
        %dma_start3A_27 = tpu.memref_slice %arg5[%dma_start3A_25, %dma_start3A_26] : memref<10000x128xf32, #tpu.memory_space<vmem_shared>> -> memref<400x128xf32, #tpu.memory_space<vmem_shared>>
        %dma_start3A_28 = arith.constant 9600 : i32
        %dma_start3A_29 = arith.constant 0 : i32
        %dma_start3A_30 = tpu.memref_slice %arg2[%arg0, %dma_start3A_28, %dma_start3A_29] : memref<2x10000x128xf32, #tpu.memory_space<hbm>> -> memref<1x400x128xf32, #tpu.memory_space<hbm>>
        %dma_start3A_31 = tpu.memref_squeeze %dma_start3A_30 : memref<1x400x128xf32, #tpu.memory_space<hbm>> -> memref<400x128xf32, #tpu.memory_space<hbm>>
        tpu.enqueue_dma source(%dma_start3A_31 : memref<400x128xf32, #tpu.memory_space<hbm>>) target(%dma_start3A_27 : memref<400x128xf32, #tpu.memory_space<vmem_shared>>) target_semaphore(%run_scoped3A : memref<!tpu.dma_semaphore, #tpu.memory_space<semaphore_mem>>)
        %dma_wait3A = arith.constant 9600 : i32
        %dma_wait3A_32 = arith.constant 0 : i32
        %dma_wait3A_33 = tpu.memref_slice %arg5[%dma_wait3A, %dma_wait3A_32] : memref<10000x128xf32, #tpu.memory_space<vmem_shared>> -> memref<400x128xf32, #tpu.memory_space<vmem_shared>>
        %dma_wait3A_34 = arith.constant 9600 : i32
        %dma_wait3A_35 = arith.constant 0 : i32
        %dma_wait3A_36 = tpu.memref_slice %arg2[%arg0, %dma_wait3A_34, %dma_wait3A_35] : memref<2x10000x128xf32, #tpu.memory_space<hbm>> -> memref<1x400x128xf32, #tpu.memory_space<hbm>>
        %dma_wait3A_37 = tpu.memref_squeeze %dma_wait3A_36 : memref<1x400x128xf32, #tpu.memory_space<hbm>> -> memref<400x128xf32, #tpu.memory_space<hbm>>
        tpu.wait_dma2 semaphore(%run_scoped3A : memref<!tpu.dma_semaphore, #tpu.memory_space<semaphore_mem>>) src(%dma_wait3A_37 : memref<400x128xf32, #tpu.memory_space<hbm>>) dst(%dma_wait3A_33 : memref<400x128xf32, #tpu.memory_space<vmem_shared>>)
        tpu.yield
      }) : () -> ()
    } else {
    }
    %barrier3A = arith.constant 0 : index
    tpu.barrier barrier_id(%barrier3A)
    "tpu.region"() ({
      %run_scoped3A = tpu.sem_alloc : memref<!tpu.dma_semaphore, #tpu.memory_space<semaphore_mem>>
      %dma_start3A_25 = arith.constant 0 : i32
      %dma_start3A_26 = arith.constant 0 : i32
      %dma_start3A_27 = tpu.memref_slice %arg3[%arg0, %arg1, %dma_start3A_25, %dma_start3A_26] : memref<2x16x50x80xi32, #tpu.memory_space<hbm>> -> memref<1x1x50x80xi32, #tpu.memory_space<hbm>>
      %dma_start3A_28 = tpu.memref_squeeze %dma_start3A_27 : memref<1x1x50x80xi32, #tpu.memory_space<hbm>> -> memref<50x80xi32, #tpu.memory_space<hbm>>
      %dma_start3A_29 = arith.constant 0 : i32
      %dma_start3A_30 = arith.constant 0 : i32
      %dma_start3A_31 = tpu.memref_slice %arg3[%arg0, %arg1, %dma_start3A_29, %dma_start3A_30] : memref<2x16x50x80xi32, #tpu.memory_space<hbm>> -> memref<1x1x50x80xi32, #tpu.memory_space<hbm>>
      %dma_start3A_32 = tpu.memref_squeeze %dma_start3A_31 : memref<1x1x50x80xi32, #tpu.memory_space<hbm>> -> memref<50x80xi32, #tpu.memory_space<hbm>>
      tpu.enqueue_dma source(%dma_start3A_32 : memref<50x80xi32, #tpu.memory_space<hbm>>) target(%arg6 : memref<50x80xi32, #tpu.memory_space<vmem>>) target_semaphore(%run_scoped3A : memref<!tpu.dma_semaphore, #tpu.memory_space<semaphore_mem>>)
      %dma_wait3A = arith.constant 0 : i32
      %dma_wait3A_33 = arith.constant 0 : i32
      %dma_wait3A_34 = tpu.memref_slice %arg3[%arg0, %arg1, %dma_wait3A, %dma_wait3A_33] : memref<2x16x50x80xi32, #tpu.memory_space<hbm>> -> memref<1x1x50x80xi32, #tpu.memory_space<hbm>>
      %dma_wait3A_35 = tpu.memref_squeeze %dma_wait3A_34 : memref<1x1x50x80xi32, #tpu.memory_space<hbm>> -> memref<50x80xi32, #tpu.memory_space<hbm>>
      %dma_wait3A_36 = arith.constant 0 : i32
      %dma_wait3A_37 = arith.constant 0 : i32
      %dma_wait3A_38 = tpu.memref_slice %arg3[%arg0, %arg1, %dma_wait3A_36, %dma_wait3A_37] : memref<2x16x50x80xi32, #tpu.memory_space<hbm>> -> memref<1x1x50x80xi32, #tpu.memory_space<hbm>>
      %dma_wait3A_39 = tpu.memref_squeeze %dma_wait3A_38 : memref<1x1x50x80xi32, #tpu.memory_space<hbm>> -> memref<50x80xi32, #tpu.memory_space<hbm>>
      tpu.wait_dma2 semaphore(%run_scoped3A : memref<!tpu.dma_semaphore, #tpu.memory_space<semaphore_mem>>) src(%dma_wait3A_39 : memref<50x80xi32, #tpu.memory_space<hbm>>) dst(%arg6 : memref<50x80xi32, #tpu.memory_space<vmem>>)
      tpu.yield
    }) : () -> ()
    %dma_start3A = arith.constant 0 : i32
    %dma_start3A_7 = arith.constant 0 : i32
    %dma_start3A_8 = tpu.memref_slice %arg6[%dma_start3A, %dma_start3A_7] : memref<50x80xi32, #tpu.memory_space<vmem>> -> memref<1x80xi32, #tpu.memory_space<vmem>>
    %dma_start3A_9 = tpu.memref_squeeze %dma_start3A_8 : memref<1x80xi32, #tpu.memory_space<vmem>> -> memref<80xi32, #tpu.memory_space<vmem>>
    %dma_start3A_10 = arith.constant 0 : i32
    %dma_start3A_11 = arith.constant 0 : i32
    %dma_start3A_12 = tpu.memref_slice %arg5[%dma_start3A_10, %dma_start3A_11] : memref<10000x128xf32, #tpu.memory_space<vmem_shared>> -> memref<10000x128xf32, #tpu.memory_space<vmem_shared>>
    tpu.enqueue_indirect_dma source(%dma_start3A_12 : memref<10000x128xf32, #tpu.memory_space<vmem_shared>>) target(%arg7 : memref<80x128xf32, #tpu.memory_space<vmem>>) offsets(%dma_start3A_9 : memref<80xi32, #tpu.memory_space<vmem>>) semaphore(%arg9 : memref<!tpu.dma_semaphore, #tpu.memory_space<semaphore_mem>>)
    %dma_start3A_13 = arith.constant 1 : i32
    %dma_start3A_14 = arith.constant 0 : i32
    %dma_start3A_15 = tpu.memref_slice %arg6[%dma_start3A_13, %dma_start3A_14] : memref<50x80xi32, #tpu.memory_space<vmem>> -> memref<1x80xi32, #tpu.memory_space<vmem>>
    %dma_start3A_16 = tpu.memref_squeeze %dma_start3A_15 : memref<1x80xi32, #tpu.memory_space<vmem>> -> memref<80xi32, #tpu.memory_space<vmem>>
    %dma_start3A_17 = arith.constant 0 : i32
    %dma_start3A_18 = arith.constant 0 : i32
    %dma_start3A_19 = tpu.memref_slice %arg5[%dma_start3A_17, %dma_start3A_18] : memref<10000x128xf32, #tpu.memory_space<vmem_shared>> -> memref<10000x128xf32, #tpu.memory_space<vmem_shared>>
    tpu.enqueue_indirect_dma source(%dma_start3A_19 : memref<10000x128xf32, #tpu.memory_space<vmem_shared>>) target(%arg8 : memref<80x128xf32, #tpu.memory_space<vmem>>) offsets(%dma_start3A_16 : memref<80xi32, #tpu.memory_space<vmem>>) semaphore(%arg10 : memref<!tpu.dma_semaphore, #tpu.memory_space<semaphore_mem>>)
    %scan3A = arith.constant 0 : i32
    %scan3A_20 = arith.constant 0 : i32
    %scan3A_21 = arith.constant 25 : i32
    %scan3A_22 = arith.addi %scan3A_20, %scan3A_21 : i32
    %scan3A_23 = arith.constant 1 : i32
    scf.for %scan3A_25 = %scan3A_20 to %scan3A_22 step %scan3A_23  : i32 {
      %mul3A_26 = arith.constant 2 : i32
      %mul3A_27 = arith.muli %mul3A_26, %scan3A_25 : i32
      %mul3A_28 = arith.constant 2 : i32
      %mul3A_29 = arith.muli %mul3A_28, %scan3A_25 : i32
      %add3A = arith.constant 1 : i32
      %add3A_30 = arith.addi %mul3A_29, %add3A : i32
      %dma_wait3A = arith.constant 0 : i32
      %dma_wait3A_31 = tpu.memref_slice %arg6[%mul3A_27, %dma_wait3A] : memref<50x80xi32, #tpu.memory_space<vmem>> -> memref<1x80xi32, #tpu.memory_space<vmem>>
      %dma_wait3A_32 = tpu.memref_squeeze %dma_wait3A_31 : memref<1x80xi32, #tpu.memory_space<vmem>> -> memref<80xi32, #tpu.memory_space<vmem>>
      %dma_wait3A_33 = arith.constant 0 : i32
      %dma_wait3A_34 = arith.constant 0 : i32
      %dma_wait3A_35 = tpu.memref_slice %arg5[%dma_wait3A_33, %dma_wait3A_34] : memref<10000x128xf32, #tpu.memory_space<vmem_shared>> -> memref<10000x128xf32, #tpu.memory_space<vmem_shared>>
      tpu.wait_indirect_dma semaphore(%arg9 : memref<!tpu.dma_semaphore, #tpu.memory_space<semaphore_mem>>) src(%dma_wait3A_35 : memref<10000x128xf32, #tpu.memory_space<vmem_shared>>) dst(%arg7 : memref<80x128xf32, #tpu.memory_space<vmem>>)
      %mul3A_36 = arith.constant 80 : i32
      %mul3A_37 = arith.muli %mul3A_27, %mul3A_36 : i32
      %add3A_38 = arith.addi %mul3A_0, %mul3A_37 : i32
      %dma_start3A_39 = arith.constant 0 : i32
      %dma_start3A_40 = tpu.memref_slice %arg4[%arg0, %add3A_38, %dma_start3A_39] : memref<2x64000x128xf32, #tpu.memory_space<hbm>> -> memref<1x80x128xf32, #tpu.memory_space<hbm>>
      %dma_start3A_41 = tpu.memref_squeeze %dma_start3A_40 : memref<1x80x128xf32, #tpu.memory_space<hbm>> -> memref<80x128xf32, #tpu.memory_space<hbm>>
      %dma_start3A_42 = arith.constant 0 : i32
      %dma_start3A_43 = tpu.memref_slice %arg4[%arg0, %add3A_38, %dma_start3A_42] : memref<2x64000x128xf32, #tpu.memory_space<hbm>> -> memref<1x80x128xf32, #tpu.memory_space<hbm>>
      %dma_start3A_44 = tpu.memref_squeeze %dma_start3A_43 : memref<1x80x128xf32, #tpu.memory_space<hbm>> -> memref<80x128xf32, #tpu.memory_space<hbm>>
      tpu.enqueue_dma source(%arg7 : memref<80x128xf32, #tpu.memory_space<vmem>>) target(%dma_start3A_44 : memref<80x128xf32, #tpu.memory_space<hbm>>) target_semaphore(%arg11 : memref<!tpu.dma_semaphore, #tpu.memory_space<semaphore_mem>>)
      %dma_wait3A_45 = arith.constant 0 : i32
      %dma_wait3A_46 = tpu.memref_slice %arg6[%add3A_30, %dma_wait3A_45] : memref<50x80xi32, #tpu.memory_space<vmem>> -> memref<1x80xi32, #tpu.memory_space<vmem>>
      %dma_wait3A_47 = tpu.memref_squeeze %dma_wait3A_46 : memref<1x80xi32, #tpu.memory_space<vmem>> -> memref<80xi32, #tpu.memory_space<vmem>>
      %dma_wait3A_48 = arith.constant 0 : i32
      %dma_wait3A_49 = arith.constant 0 : i32
      %dma_wait3A_50 = tpu.memref_slice %arg5[%dma_wait3A_48, %dma_wait3A_49] : memref<10000x128xf32, #tpu.memory_space<vmem_shared>> -> memref<10000x128xf32, #tpu.memory_space<vmem_shared>>
      tpu.wait_indirect_dma semaphore(%arg10 : memref<!tpu.dma_semaphore, #tpu.memory_space<semaphore_mem>>) src(%dma_wait3A_50 : memref<10000x128xf32, #tpu.memory_space<vmem_shared>>) dst(%arg8 : memref<80x128xf32, #tpu.memory_space<vmem>>)
      %mul3A_51 = arith.constant 80 : i32
      %mul3A_52 = arith.muli %add3A_30, %mul3A_51 : i32
      %add3A_53 = arith.addi %mul3A_0, %mul3A_52 : i32
      %dma_start3A_54 = arith.constant 0 : i32
      %dma_start3A_55 = tpu.memref_slice %arg4[%arg0, %add3A_53, %dma_start3A_54] : memref<2x64000x128xf32, #tpu.memory_space<hbm>> -> memref<1x80x128xf32, #tpu.memory_space<hbm>>
      %dma_start3A_56 = tpu.memref_squeeze %dma_start3A_55 : memref<1x80x128xf32, #tpu.memory_space<hbm>> -> memref<80x128xf32, #tpu.memory_space<hbm>>
      %dma_start3A_57 = arith.constant 0 : i32
      %dma_start3A_58 = tpu.memref_slice %arg4[%arg0, %add3A_53, %dma_start3A_57] : memref<2x64000x128xf32, #tpu.memory_space<hbm>> -> memref<1x80x128xf32, #tpu.memory_space<hbm>>
      %dma_start3A_59 = tpu.memref_squeeze %dma_start3A_58 : memref<1x80x128xf32, #tpu.memory_space<hbm>> -> memref<80x128xf32, #tpu.memory_space<hbm>>
      tpu.enqueue_dma source(%arg8 : memref<80x128xf32, #tpu.memory_space<vmem>>) target(%dma_start3A_59 : memref<80x128xf32, #tpu.memory_space<hbm>>) target_semaphore(%arg12 : memref<!tpu.dma_semaphore, #tpu.memory_space<semaphore_mem>>)
      %mul3A_60 = arith.constant 80 : i32
      %mul3A_61 = arith.muli %mul3A_27, %mul3A_60 : i32
      %add3A_62 = arith.addi %mul3A_0, %mul3A_61 : i32
      %dma_wait3A_63 = arith.constant 0 : i32
      %dma_wait3A_64 = tpu.memref_slice %arg4[%arg0, %add3A_62, %dma_wait3A_63] : memref<2x64000x128xf32, #tpu.memory_space<hbm>> -> memref<1x80x128xf32, #tpu.memory_space<hbm>>
      %dma_wait3A_65 = tpu.memref_squeeze %dma_wait3A_64 : memref<1x80x128xf32, #tpu.memory_space<hbm>> -> memref<80x128xf32, #tpu.memory_space<hbm>>
      %dma_wait3A_66 = arith.constant 0 : i32
      %dma_wait3A_67 = tpu.memref_slice %arg4[%arg0, %add3A_62, %dma_wait3A_66] : memref<2x64000x128xf32, #tpu.memory_space<hbm>> -> memref<1x80x128xf32, #tpu.memory_space<hbm>>
      %dma_wait3A_68 = tpu.memref_squeeze %dma_wait3A_67 : memref<1x80x128xf32, #tpu.memory_space<hbm>> -> memref<80x128xf32, #tpu.memory_space<hbm>>
      tpu.wait_dma2 semaphore(%arg11 : memref<!tpu.dma_semaphore, #tpu.memory_space<semaphore_mem>>) src(%arg7 : memref<80x128xf32, #tpu.memory_space<vmem>>) dst(%dma_wait3A_68 : memref<80x128xf32, #tpu.memory_space<hbm>>)
      %lt3A_69 = arith.constant 24 : i32
      %lt3A_70 = arith.cmpi slt, %scan3A_25, %lt3A_69 : i32
      %convert_element_type3A_71 = arith.extui %lt3A_70 : i1 to i32
      %cond3A_72 = arith.constant 0 : i32
      %cond3A_73 = arith.cmpi ne, %convert_element_type3A_71, %cond3A_72 : i32
      scf.if %cond3A_73 {
        %add3A_88 = arith.constant 2 : i32
        %add3A_89 = arith.addi %mul3A_27, %add3A_88 : i32
        %dma_start3A_90 = arith.constant 0 : i32
        %dma_start3A_91 = tpu.memref_slice %arg6[%add3A_89, %dma_start3A_90] : memref<50x80xi32, #tpu.memory_space<vmem>> -> memref<1x80xi32, #tpu.memory_space<vmem>>
        %dma_start3A_92 = tpu.memref_squeeze %dma_start3A_91 : memref<1x80xi32, #tpu.memory_space<vmem>> -> memref<80xi32, #tpu.memory_space<vmem>>
        %dma_start3A_93 = arith.constant 0 : i32
        %dma_start3A_94 = arith.constant 0 : i32
        %dma_start3A_95 = tpu.memref_slice %arg5[%dma_start3A_93, %dma_start3A_94] : memref<10000x128xf32, #tpu.memory_space<vmem_shared>> -> memref<10000x128xf32, #tpu.memory_space<vmem_shared>>
        tpu.enqueue_indirect_dma source(%dma_start3A_95 : memref<10000x128xf32, #tpu.memory_space<vmem_shared>>) target(%arg7 : memref<80x128xf32, #tpu.memory_space<vmem>>) offsets(%dma_start3A_92 : memref<80xi32, #tpu.memory_space<vmem>>) semaphore(%arg9 : memref<!tpu.dma_semaphore, #tpu.memory_space<semaphore_mem>>)
      } else {
      }
      %mul3A_74 = arith.constant 80 : i32
      %mul3A_75 = arith.muli %add3A_30, %mul3A_74 : i32
      %add3A_76 = arith.addi %mul3A_0, %mul3A_75 : i32
      %dma_wait3A_77 = arith.constant 0 : i32
      %dma_wait3A_78 = tpu.memref_slice %arg4[%arg0, %add3A_76, %dma_wait3A_77] : memref<2x64000x128xf32, #tpu.memory_space<hbm>> -> memref<1x80x128xf32, #tpu.memory_space<hbm>>
      %dma_wait3A_79 = tpu.memref_squeeze %dma_wait3A_78 : memref<1x80x128xf32, #tpu.memory_space<hbm>> -> memref<80x128xf32, #tpu.memory_space<hbm>>
      %dma_wait3A_80 = arith.constant 0 : i32
      %dma_wait3A_81 = tpu.memref_slice %arg4[%arg0, %add3A_76, %dma_wait3A_80] : memref<2x64000x128xf32, #tpu.memory_space<hbm>> -> memref<1x80x128xf32, #tpu.memory_space<hbm>>
      %dma_wait3A_82 = tpu.memref_squeeze %dma_wait3A_81 : memref<1x80x128xf32, #tpu.memory_space<hbm>> -> memref<80x128xf32, #tpu.memory_space<hbm>>
      tpu.wait_dma2 semaphore(%arg12 : memref<!tpu.dma_semaphore, #tpu.memory_space<semaphore_mem>>) src(%arg8 : memref<80x128xf32, #tpu.memory_space<vmem>>) dst(%dma_wait3A_82 : memref<80x128xf32, #tpu.memory_space<hbm>>)
      %lt3A_83 = arith.constant 24 : i32
      %lt3A_84 = arith.cmpi slt, %scan3A_25, %lt3A_83 : i32
      %convert_element_type3A_85 = arith.extui %lt3A_84 : i1 to i32
      %cond3A_86 = arith.constant 0 : i32
      %cond3A_87 = arith.cmpi ne, %convert_element_type3A_85, %cond3A_86 : i32
      scf.if %cond3A_87 {
        %add3A_88 = arith.constant 2 : i32
        %add3A_89 = arith.addi %add3A_30, %add3A_88 : i32
        %dma_start3A_90 = arith.constant 0 : i32
        %dma_start3A_91 = tpu.memref_slice %arg6[%add3A_89, %dma_start3A_90] : memref<50x80xi32, #tpu.memory_space<vmem>> -> memref<1x80xi32, #tpu.memory_space<vmem>>
        %dma_start3A_92 = tpu.memref_squeeze %dma_start3A_91 : memref<1x80xi32, #tpu.memory_space<vmem>> -> memref<80xi32, #tpu.memory_space<vmem>>
        %dma_start3A_93 = arith.constant 0 : i32
        %dma_start3A_94 = arith.constant 0 : i32
        %dma_start3A_95 = tpu.memref_slice %arg5[%dma_start3A_93, %dma_start3A_94] : memref<10000x128xf32, #tpu.memory_space<vmem_shared>> -> memref<10000x128xf32, #tpu.memory_space<vmem_shared>>
        tpu.enqueue_indirect_dma source(%dma_start3A_95 : memref<10000x128xf32, #tpu.memory_space<vmem_shared>>) target(%arg8 : memref<80x128xf32, #tpu.memory_space<vmem>>) offsets(%dma_start3A_92 : memref<80xi32, #tpu.memory_space<vmem>>) semaphore(%arg10 : memref<!tpu.dma_semaphore, #tpu.memory_space<semaphore_mem>>)
      } else {
      }
    }
    %scan3A_24 = arith.constant 25 : i32
    return
  }
}

#map = affine_map<(d0, d1) -> (0, 0)>
#map1 = affine_map<(d0, d1) -> (0, 0, 0)>
module attributes {stable_mosaic.version = 14 : i64} {
  func.func @_scatter_body(%arg0: i32, %arg1: i32, %arg2: memref<64000x128xf32, #tpu.memory_space<hbm>>, %arg3: memref<32x25x80xi32, #tpu.memory_space<hbm>>, %arg4: memref<2x10000x128xf32, #tpu.memory_space<hbm>>, %arg5: memref<2x10000x128xf32, #tpu.memory_space<hbm>>, %arg6: memref<25x80xi32, #tpu.memory_space<vmem>>, %arg7: memref<80x128xf32, #tpu.memory_space<vmem>>, %arg8: memref<80x128xf32, #tpu.memory_space<vmem>>, %arg9: memref<10000x128xf32, #tpu.memory_space<vmem_shared>>, %arg10: memref<!tpu.dma_semaphore, #tpu.memory_space<semaphore_mem>>, %arg11: memref<!tpu.dma_semaphore, #tpu.memory_space<semaphore_mem>>, %arg12: memref<!tpu.dma_semaphore, #tpu.memory_space<semaphore_mem>>, %arg13: memref<!tpu.dma_semaphore, #tpu.memory_space<semaphore_mem>>) attributes {dimension_semantics = [#tpu.dimension_semantics<core_parallel>, #tpu.dimension_semantics<subcore_parallel>], iteration_bounds = array<i64: 2, 16>, scalar_prefetch = 0 : i64, scratch_operands = 8 : i64, tpu.core_type = #tpu.core_type<sc_vector_subcore>, window_params = [{transform_indices = #map}, {transform_indices = #map1}, {transform_indices = #map1}, {transform_indices = #map1}]} {
    %mul3A = arith.constant 2 : i32
    %mul3A_0 = arith.muli %arg1, %mul3A : i32
    %add3A = arith.addi %mul3A_0, %arg0 : i32
    %mul3A_1 = arith.constant 2000 : i32
    %mul3A_2 = arith.muli %add3A, %mul3A_1 : i32
    %eq3A = arith.constant 0 : i32
    %eq3A_3 = arith.cmpi eq, %arg1, %eq3A : i32
    %convert_element_type3A = arith.extui %eq3A_3 : i1 to i32
    %cond3A = arith.constant 0 : i32
    %cond3A_4 = arith.cmpi ne, %convert_element_type3A, %cond3A : i32
    scf.if %cond3A_4 {
      "tpu.region"() ({
        %run_scoped3A = tpu.sem_alloc : memref<!tpu.dma_semaphore, #tpu.memory_space<semaphore_mem>>
        %dma_start3A_56 = arith.constant 0 : i32
        %dma_start3A_57 = arith.constant 0 : i32
        %dma_start3A_58 = tpu.memref_slice %arg4[%arg0, %dma_start3A_56, %dma_start3A_57] : memref<2x10000x128xf32, #tpu.memory_space<hbm>> -> memref<1x10000x128xf32, #tpu.memory_space<hbm>>
        %dma_start3A_59 = tpu.memref_squeeze %dma_start3A_58 : memref<1x10000x128xf32, #tpu.memory_space<hbm>> -> memref<10000x128xf32, #tpu.memory_space<hbm>>
        tpu.enqueue_dma source(%dma_start3A_59 : memref<10000x128xf32, #tpu.memory_space<hbm>>) target(%arg9 : memref<10000x128xf32, #tpu.memory_space<vmem_shared>>) target_semaphore(%run_scoped3A : memref<!tpu.dma_semaphore, #tpu.memory_space<semaphore_mem>>)
        %dma_wait3A_60 = arith.constant 0 : i32
        %dma_wait3A_61 = arith.constant 0 : i32
        %dma_wait3A_62 = tpu.memref_slice %arg4[%arg0, %dma_wait3A_60, %dma_wait3A_61] : memref<2x10000x128xf32, #tpu.memory_space<hbm>> -> memref<1x10000x128xf32, #tpu.memory_space<hbm>>
        %dma_wait3A_63 = tpu.memref_squeeze %dma_wait3A_62 : memref<1x10000x128xf32, #tpu.memory_space<hbm>> -> memref<10000x128xf32, #tpu.memory_space<hbm>>
        tpu.wait_dma2 semaphore(%run_scoped3A : memref<!tpu.dma_semaphore, #tpu.memory_space<semaphore_mem>>) src(%dma_wait3A_63 : memref<10000x128xf32, #tpu.memory_space<hbm>>) dst(%arg9 : memref<10000x128xf32, #tpu.memory_space<vmem_shared>>)
        tpu.yield
      }) : () -> ()
    } else {
    }
    %barrier3A = arith.constant 0 : index
    tpu.barrier barrier_id(%barrier3A)
    "tpu.region"() ({
      %run_scoped3A = tpu.sem_alloc : memref<!tpu.dma_semaphore, #tpu.memory_space<semaphore_mem>>
      %dma_start3A_56 = arith.constant 0 : i32
      %dma_start3A_57 = arith.constant 0 : i32
      %dma_start3A_58 = tpu.memref_slice %arg3[%add3A, %dma_start3A_56, %dma_start3A_57] : memref<32x25x80xi32, #tpu.memory_space<hbm>> -> memref<1x25x80xi32, #tpu.memory_space<hbm>>
      %dma_start3A_59 = tpu.memref_squeeze %dma_start3A_58 : memref<1x25x80xi32, #tpu.memory_space<hbm>> -> memref<25x80xi32, #tpu.memory_space<hbm>>
      %dma_start3A_60 = arith.constant 0 : i32
      %dma_start3A_61 = arith.constant 0 : i32
      %dma_start3A_62 = tpu.memref_slice %arg3[%add3A, %dma_start3A_60, %dma_start3A_61] : memref<32x25x80xi32, #tpu.memory_space<hbm>> -> memref<1x25x80xi32, #tpu.memory_space<hbm>>
      %dma_start3A_63 = tpu.memref_squeeze %dma_start3A_62 : memref<1x25x80xi32, #tpu.memory_space<hbm>> -> memref<25x80xi32, #tpu.memory_space<hbm>>
      tpu.enqueue_dma source(%dma_start3A_63 : memref<25x80xi32, #tpu.memory_space<hbm>>) target(%arg6 : memref<25x80xi32, #tpu.memory_space<vmem>>) target_semaphore(%run_scoped3A : memref<!tpu.dma_semaphore, #tpu.memory_space<semaphore_mem>>)
      %dma_wait3A_64 = arith.constant 0 : i32
      %dma_wait3A_65 = arith.constant 0 : i32
      %dma_wait3A_66 = tpu.memref_slice %arg3[%add3A, %dma_wait3A_64, %dma_wait3A_65] : memref<32x25x80xi32, #tpu.memory_space<hbm>> -> memref<1x25x80xi32, #tpu.memory_space<hbm>>
      %dma_wait3A_67 = tpu.memref_squeeze %dma_wait3A_66 : memref<1x25x80xi32, #tpu.memory_space<hbm>> -> memref<25x80xi32, #tpu.memory_space<hbm>>
      %dma_wait3A_68 = arith.constant 0 : i32
      %dma_wait3A_69 = arith.constant 0 : i32
      %dma_wait3A_70 = tpu.memref_slice %arg3[%add3A, %dma_wait3A_68, %dma_wait3A_69] : memref<32x25x80xi32, #tpu.memory_space<hbm>> -> memref<1x25x80xi32, #tpu.memory_space<hbm>>
      %dma_wait3A_71 = tpu.memref_squeeze %dma_wait3A_70 : memref<1x25x80xi32, #tpu.memory_space<hbm>> -> memref<25x80xi32, #tpu.memory_space<hbm>>
      tpu.wait_dma2 semaphore(%run_scoped3A : memref<!tpu.dma_semaphore, #tpu.memory_space<semaphore_mem>>) src(%dma_wait3A_71 : memref<25x80xi32, #tpu.memory_space<hbm>>) dst(%arg6 : memref<25x80xi32, #tpu.memory_space<vmem>>)
      tpu.yield
    }) : () -> ()
    %add3A_5 = arith.constant 0 : i32
    %add3A_6 = arith.addi %mul3A_2, %add3A_5 : i32
    %dma_start3A = arith.constant 0 : i32
    %dma_start3A_7 = tpu.memref_slice %arg2[%add3A_6, %dma_start3A] : memref<64000x128xf32, #tpu.memory_space<hbm>> -> memref<80x128xf32, #tpu.memory_space<hbm>>
    %dma_start3A_8 = arith.constant 0 : i32
    %dma_start3A_9 = tpu.memref_slice %arg2[%add3A_6, %dma_start3A_8] : memref<64000x128xf32, #tpu.memory_space<hbm>> -> memref<80x128xf32, #tpu.memory_space<hbm>>
    tpu.enqueue_dma source(%dma_start3A_9 : memref<80x128xf32, #tpu.memory_space<hbm>>) target(%arg8 : memref<80x128xf32, #tpu.memory_space<vmem>>) target_semaphore(%arg11 : memref<!tpu.dma_semaphore, #tpu.memory_space<semaphore_mem>>)
    %add3A_10 = arith.constant 0 : i32
    %add3A_11 = arith.addi %mul3A_2, %add3A_10 : i32
    %dma_wait3A = arith.constant 0 : i32
    %dma_wait3A_12 = tpu.memref_slice %arg2[%add3A_11, %dma_wait3A] : memref<64000x128xf32, #tpu.memory_space<hbm>> -> memref<80x128xf32, #tpu.memory_space<hbm>>
    %dma_wait3A_13 = arith.constant 0 : i32
    %dma_wait3A_14 = tpu.memref_slice %arg2[%add3A_11, %dma_wait3A_13] : memref<64000x128xf32, #tpu.memory_space<hbm>> -> memref<80x128xf32, #tpu.memory_space<hbm>>
    tpu.wait_dma2 semaphore(%arg11 : memref<!tpu.dma_semaphore, #tpu.memory_space<semaphore_mem>>) src(%dma_wait3A_14 : memref<80x128xf32, #tpu.memory_space<hbm>>) dst(%arg8 : memref<80x128xf32, #tpu.memory_space<vmem>>)
    %dma_start3A_15 = arith.constant 0 : i32
    %dma_start3A_16 = arith.constant 0 : i32
    %dma_start3A_17 = tpu.memref_slice %arg6[%dma_start3A_15, %dma_start3A_16] : memref<25x80xi32, #tpu.memory_space<vmem>> -> memref<1x80xi32, #tpu.memory_space<vmem>>
    %dma_start3A_18 = tpu.memref_squeeze %dma_start3A_17 : memref<1x80xi32, #tpu.memory_space<vmem>> -> memref<80xi32, #tpu.memory_space<vmem>>
    %dma_start3A_19 = arith.constant 0 : i32
    %dma_start3A_20 = arith.constant 0 : i32
    %dma_start3A_21 = tpu.memref_slice %arg9[%dma_start3A_19, %dma_start3A_20] : memref<10000x128xf32, #tpu.memory_space<vmem_shared>> -> memref<10000x128xf32, #tpu.memory_space<vmem_shared>>
    tpu.enqueue_indirect_dma source(%arg8 : memref<80x128xf32, #tpu.memory_space<vmem>>) target(%dma_start3A_21 : memref<10000x128xf32, #tpu.memory_space<vmem_shared>>) offsets(%dma_start3A_18 : memref<80xi32, #tpu.memory_space<vmem>>) semaphore(%arg13 : memref<!tpu.dma_semaphore, #tpu.memory_space<semaphore_mem>>) {add = true}
    %add3A_22 = arith.constant 80 : i32
    %add3A_23 = arith.addi %mul3A_2, %add3A_22 : i32
    %dma_start3A_24 = arith.constant 0 : i32
    %dma_start3A_25 = tpu.memref_slice %arg2[%add3A_23, %dma_start3A_24] : memref<64000x128xf32, #tpu.memory_space<hbm>> -> memref<80x128xf32, #tpu.memory_space<hbm>>
    %dma_start3A_26 = arith.constant 0 : i32
    %dma_start3A_27 = tpu.memref_slice %arg2[%add3A_23, %dma_start3A_26] : memref<64000x128xf32, #tpu.memory_space<hbm>> -> memref<80x128xf32, #tpu.memory_space<hbm>>
    tpu.enqueue_dma source(%dma_start3A_27 : memref<80x128xf32, #tpu.memory_space<hbm>>) target(%arg7 : memref<80x128xf32, #tpu.memory_space<vmem>>) target_semaphore(%arg10 : memref<!tpu.dma_semaphore, #tpu.memory_space<semaphore_mem>>)
    %dma_wait3A_28 = arith.constant 0 : i32
    %dma_wait3A_29 = arith.constant 0 : i32
    %dma_wait3A_30 = tpu.memref_slice %arg6[%dma_wait3A_28, %dma_wait3A_29] : memref<25x80xi32, #tpu.memory_space<vmem>> -> memref<1x80xi32, #tpu.memory_space<vmem>>
    %dma_wait3A_31 = tpu.memref_squeeze %dma_wait3A_30 : memref<1x80xi32, #tpu.memory_space<vmem>> -> memref<80xi32, #tpu.memory_space<vmem>>
    %dma_wait3A_32 = arith.constant 0 : i32
    %dma_wait3A_33 = arith.constant 0 : i32
    %dma_wait3A_34 = tpu.memref_slice %arg9[%dma_wait3A_32, %dma_wait3A_33] : memref<10000x128xf32, #tpu.memory_space<vmem_shared>> -> memref<10000x128xf32, #tpu.memory_space<vmem_shared>>
    tpu.wait_indirect_dma semaphore(%arg13 : memref<!tpu.dma_semaphore, #tpu.memory_space<semaphore_mem>>) src(%arg8 : memref<80x128xf32, #tpu.memory_space<vmem>>) dst(%dma_wait3A_34 : memref<10000x128xf32, #tpu.memory_space<vmem_shared>>)
    %add3A_35 = arith.constant 160 : i32
    %add3A_36 = arith.addi %mul3A_2, %add3A_35 : i32
    %dma_start3A_37 = arith.constant 0 : i32
    %dma_start3A_38 = tpu.memref_slice %arg2[%add3A_36, %dma_start3A_37] : memref<64000x128xf32, #tpu.memory_space<hbm>> -> memref<80x128xf32, #tpu.memory_space<hbm>>
    %dma_start3A_39 = arith.constant 0 : i32
    %dma_start3A_40 = tpu.memref_slice %arg2[%add3A_36, %dma_start3A_39] : memref<64000x128xf32, #tpu.memory_space<hbm>> -> memref<80x128xf32, #tpu.memory_space<hbm>>
    tpu.enqueue_dma source(%dma_start3A_40 : memref<80x128xf32, #tpu.memory_space<hbm>>) target(%arg8 : memref<80x128xf32, #tpu.memory_space<vmem>>) target_semaphore(%arg11 : memref<!tpu.dma_semaphore, #tpu.memory_space<semaphore_mem>>)
    %scan3A = arith.constant 0 : i32
    %scan3A_41 = arith.constant 0 : i32
    %scan3A_42 = arith.constant 12 : i32
    %scan3A_43 = arith.addi %scan3A_41, %scan3A_42 : i32
    %scan3A_44 = arith.constant 1 : i32
    scf.for %scan3A_56 = %scan3A_41 to %scan3A_43 step %scan3A_44  : i32 {
      %mul3A_57 = arith.constant 2 : i32
      %mul3A_58 = arith.muli %mul3A_57, %scan3A_56 : i32
      %add3A_59 = arith.constant 1 : i32
      %add3A_60 = arith.addi %mul3A_58, %add3A_59 : i32
      %mul3A_61 = arith.constant 2 : i32
      %mul3A_62 = arith.muli %mul3A_61, %scan3A_56 : i32
      %add3A_63 = arith.constant 2 : i32
      %add3A_64 = arith.addi %mul3A_62, %add3A_63 : i32
      %mul3A_65 = arith.constant 80 : i32
      %mul3A_66 = arith.muli %add3A_60, %mul3A_65 : i32
      %add3A_67 = arith.addi %mul3A_2, %mul3A_66 : i32
      %dma_wait3A_68 = arith.constant 0 : i32
      %dma_wait3A_69 = tpu.memref_slice %arg2[%add3A_67, %dma_wait3A_68] : memref<64000x128xf32, #tpu.memory_space<hbm>> -> memref<80x128xf32, #tpu.memory_space<hbm>>
      %dma_wait3A_70 = arith.constant 0 : i32
      %dma_wait3A_71 = tpu.memref_slice %arg2[%add3A_67, %dma_wait3A_70] : memref<64000x128xf32, #tpu.memory_space<hbm>> -> memref<80x128xf32, #tpu.memory_space<hbm>>
      tpu.wait_dma2 semaphore(%arg10 : memref<!tpu.dma_semaphore, #tpu.memory_space<semaphore_mem>>) src(%dma_wait3A_71 : memref<80x128xf32, #tpu.memory_space<hbm>>) dst(%arg7 : memref<80x128xf32, #tpu.memory_space<vmem>>)
      %add3A_72 = arith.constant 0 : i32
      %add3A_73 = arith.addi %add3A_72, %add3A_60 : i32
      %dma_start3A_74 = arith.constant 0 : i32
      %dma_start3A_75 = tpu.memref_slice %arg6[%add3A_73, %dma_start3A_74] : memref<25x80xi32, #tpu.memory_space<vmem>> -> memref<1x80xi32, #tpu.memory_space<vmem>>
      %dma_start3A_76 = tpu.memref_squeeze %dma_start3A_75 : memref<1x80xi32, #tpu.memory_space<vmem>> -> memref<80xi32, #tpu.memory_space<vmem>>
      %dma_start3A_77 = arith.constant 0 : i32
      %dma_start3A_78 = arith.constant 0 : i32
      %dma_start3A_79 = tpu.memref_slice %arg9[%dma_start3A_77, %dma_start3A_78] : memref<10000x128xf32, #tpu.memory_space<vmem_shared>> -> memref<10000x128xf32, #tpu.memory_space<vmem_shared>>
      tpu.enqueue_indirect_dma source(%arg7 : memref<80x128xf32, #tpu.memory_space<vmem>>) target(%dma_start3A_79 : memref<10000x128xf32, #tpu.memory_space<vmem_shared>>) offsets(%dma_start3A_76 : memref<80xi32, #tpu.memory_space<vmem>>) semaphore(%arg12 : memref<!tpu.dma_semaphore, #tpu.memory_space<semaphore_mem>>) {add = true}
      %mul3A_80 = arith.constant 80 : i32
      %mul3A_81 = arith.muli %add3A_64, %mul3A_80 : i32
      %add3A_82 = arith.addi %mul3A_2, %mul3A_81 : i32
      %dma_wait3A_83 = arith.constant 0 : i32
      %dma_wait3A_84 = tpu.memref_slice %arg2[%add3A_82, %dma_wait3A_83] : memref<64000x128xf32, #tpu.memory_space<hbm>> -> memref<80x128xf32, #tpu.memory_space<hbm>>
      %dma_wait3A_85 = arith.constant 0 : i32
      %dma_wait3A_86 = tpu.memref_slice %arg2[%add3A_82, %dma_wait3A_85] : memref<64000x128xf32, #tpu.memory_space<hbm>> -> memref<80x128xf32, #tpu.memory_space<hbm>>
      tpu.wait_dma2 semaphore(%arg11 : memref<!tpu.dma_semaphore, #tpu.memory_space<semaphore_mem>>) src(%dma_wait3A_86 : memref<80x128xf32, #tpu.memory_space<hbm>>) dst(%arg8 : memref<80x128xf32, #tpu.memory_space<vmem>>)
      %add3A_87 = arith.constant 0 : i32
      %add3A_88 = arith.addi %add3A_87, %add3A_64 : i32
      %dma_start3A_89 = arith.constant 0 : i32
      %dma_start3A_90 = tpu.memref_slice %arg6[%add3A_88, %dma_start3A_89] : memref<25x80xi32, #tpu.memory_space<vmem>> -> memref<1x80xi32, #tpu.memory_space<vmem>>
      %dma_start3A_91 = tpu.memref_squeeze %dma_start3A_90 : memref<1x80xi32, #tpu.memory_space<vmem>> -> memref<80xi32, #tpu.memory_space<vmem>>
      %dma_start3A_92 = arith.constant 0 : i32
      %dma_start3A_93 = arith.constant 0 : i32
      %dma_start3A_94 = tpu.memref_slice %arg9[%dma_start3A_92, %dma_start3A_93] : memref<10000x128xf32, #tpu.memory_space<vmem_shared>> -> memref<10000x128xf32, #tpu.memory_space<vmem_shared>>
      tpu.enqueue_indirect_dma source(%arg8 : memref<80x128xf32, #tpu.memory_space<vmem>>) target(%dma_start3A_94 : memref<10000x128xf32, #tpu.memory_space<vmem_shared>>) offsets(%dma_start3A_91 : memref<80xi32, #tpu.memory_space<vmem>>) semaphore(%arg13 : memref<!tpu.dma_semaphore, #tpu.memory_space<semaphore_mem>>) {add = true}
      %add3A_95 = arith.constant 0 : i32
      %add3A_96 = arith.addi %add3A_95, %add3A_60 : i32
      %dma_wait3A_97 = arith.constant 0 : i32
      %dma_wait3A_98 = tpu.memref_slice %arg6[%add3A_96, %dma_wait3A_97] : memref<25x80xi32, #tpu.memory_space<vmem>> -> memref<1x80xi32, #tpu.memory_space<vmem>>
      %dma_wait3A_99 = tpu.memref_squeeze %dma_wait3A_98 : memref<1x80xi32, #tpu.memory_space<vmem>> -> memref<80xi32, #tpu.memory_space<vmem>>
      %dma_wait3A_100 = arith.constant 0 : i32
      %dma_wait3A_101 = arith.constant 0 : i32
      %dma_wait3A_102 = tpu.memref_slice %arg9[%dma_wait3A_100, %dma_wait3A_101] : memref<10000x128xf32, #tpu.memory_space<vmem_shared>> -> memref<10000x128xf32, #tpu.memory_space<vmem_shared>>
      tpu.wait_indirect_dma semaphore(%arg12 : memref<!tpu.dma_semaphore, #tpu.memory_space<semaphore_mem>>) src(%arg7 : memref<80x128xf32, #tpu.memory_space<vmem>>) dst(%dma_wait3A_102 : memref<10000x128xf32, #tpu.memory_space<vmem_shared>>)
      %lt3A_103 = arith.constant 11 : i32
      %lt3A_104 = arith.cmpi slt, %scan3A_56, %lt3A_103 : i32
      %convert_element_type3A_105 = arith.extui %lt3A_104 : i1 to i32
      %cond3A_106 = arith.constant 0 : i32
      %cond3A_107 = arith.cmpi ne, %convert_element_type3A_105, %cond3A_106 : i32
      scf.if %cond3A_107 {
        %add3A_121 = arith.constant 2 : i32
        %add3A_122 = arith.addi %add3A_60, %add3A_121 : i32
        %mul3A_123 = arith.constant 80 : i32
        %mul3A_124 = arith.muli %add3A_122, %mul3A_123 : i32
        %add3A_125 = arith.addi %mul3A_2, %mul3A_124 : i32
        %dma_start3A_126 = arith.constant 0 : i32
        %dma_start3A_127 = tpu.memref_slice %arg2[%add3A_125, %dma_start3A_126] : memref<64000x128xf32, #tpu.memory_space<hbm>> -> memref<80x128xf32, #tpu.memory_space<hbm>>
        %dma_start3A_128 = arith.constant 0 : i32
        %dma_start3A_129 = tpu.memref_slice %arg2[%add3A_125, %dma_start3A_128] : memref<64000x128xf32, #tpu.memory_space<hbm>> -> memref<80x128xf32, #tpu.memory_space<hbm>>
        tpu.enqueue_dma source(%dma_start3A_129 : memref<80x128xf32, #tpu.memory_space<hbm>>) target(%arg7 : memref<80x128xf32, #tpu.memory_space<vmem>>) target_semaphore(%arg10 : memref<!tpu.dma_semaphore, #tpu.memory_space<semaphore_mem>>)
      } else {
      }
      %add3A_108 = arith.constant 0 : i32
      %add3A_109 = arith.addi %add3A_108, %add3A_64 : i32
      %dma_wait3A_110 = arith.constant 0 : i32
      %dma_wait3A_111 = tpu.memref_slice %arg6[%add3A_109, %dma_wait3A_110] : memref<25x80xi32, #tpu.memory_space<vmem>> -> memref<1x80xi32, #tpu.memory_space<vmem>>
      %dma_wait3A_112 = tpu.memref_squeeze %dma_wait3A_111 : memref<1x80xi32, #tpu.memory_space<vmem>> -> memref<80xi32, #tpu.memory_space<vmem>>
      %dma_wait3A_113 = arith.constant 0 : i32
      %dma_wait3A_114 = arith.constant 0 : i32
      %dma_wait3A_115 = tpu.memref_slice %arg9[%dma_wait3A_113, %dma_wait3A_114] : memref<10000x128xf32, #tpu.memory_space<vmem_shared>> -> memref<10000x128xf32, #tpu.memory_space<vmem_shared>>
      tpu.wait_indirect_dma semaphore(%arg13 : memref<!tpu.dma_semaphore, #tpu.memory_space<semaphore_mem>>) src(%arg8 : memref<80x128xf32, #tpu.memory_space<vmem>>) dst(%dma_wait3A_115 : memref<10000x128xf32, #tpu.memory_space<vmem_shared>>)
      %lt3A_116 = arith.constant 11 : i32
      %lt3A_117 = arith.cmpi slt, %scan3A_56, %lt3A_116 : i32
      %convert_element_type3A_118 = arith.extui %lt3A_117 : i1 to i32
      %cond3A_119 = arith.constant 0 : i32
      %cond3A_120 = arith.cmpi ne, %convert_element_type3A_118, %cond3A_119 : i32
      scf.if %cond3A_120 {
        %add3A_121 = arith.constant 2 : i32
        %add3A_122 = arith.addi %add3A_64, %add3A_121 : i32
        %mul3A_123 = arith.constant 80 : i32
        %mul3A_124 = arith.muli %add3A_122, %mul3A_123 : i32
        %add3A_125 = arith.addi %mul3A_2, %mul3A_124 : i32
        %dma_start3A_126 = arith.constant 0 : i32
        %dma_start3A_127 = tpu.memref_slice %arg2[%add3A_125, %dma_start3A_126] : memref<64000x128xf32, #tpu.memory_space<hbm>> -> memref<80x128xf32, #tpu.memory_space<hbm>>
        %dma_start3A_128 = arith.constant 0 : i32
        %dma_start3A_129 = tpu.memref_slice %arg2[%add3A_125, %dma_start3A_128] : memref<64000x128xf32, #tpu.memory_space<hbm>> -> memref<80x128xf32, #tpu.memory_space<hbm>>
        tpu.enqueue_dma source(%dma_start3A_129 : memref<80x128xf32, #tpu.memory_space<hbm>>) target(%arg8 : memref<80x128xf32, #tpu.memory_space<vmem>>) target_semaphore(%arg11 : memref<!tpu.dma_semaphore, #tpu.memory_space<semaphore_mem>>)
      } else {
      }
    }
    %scan3A_45 = arith.constant 12 : i32
    %barrier3A_46 = arith.constant 0 : index
    tpu.barrier barrier_id(%barrier3A_46)
    %lt3A = arith.constant 15 : i32
    %lt3A_47 = arith.cmpi slt, %arg1, %lt3A : i32
    %convert_element_type3A_48 = arith.extui %lt3A_47 : i1 to i32
    %cond3A_49 = arith.constant 0 : i32
    %cond3A_50 = arith.cmpi ne, %convert_element_type3A_48, %cond3A_49 : i32
    scf.if %cond3A_50 {
      %mul3A_56 = arith.constant 640 : i32
      %mul3A_57 = arith.muli %arg1, %mul3A_56 : i32
      %mul3A_58 = arith.constant 640 : i32
      %mul3A_59 = arith.muli %arg1, %mul3A_58 : i32
      "tpu.region"() ({
        %run_scoped3A = tpu.sem_alloc : memref<!tpu.dma_semaphore, #tpu.memory_space<semaphore_mem>>
        %dma_start3A_60 = arith.constant 0 : i32
        %dma_start3A_61 = tpu.memref_slice %arg5[%arg0, %mul3A_59, %dma_start3A_60] : memref<2x10000x128xf32, #tpu.memory_space<hbm>> -> memref<1x640x128xf32, #tpu.memory_space<hbm>>
        %dma_start3A_62 = tpu.memref_squeeze %dma_start3A_61 : memref<1x640x128xf32, #tpu.memory_space<hbm>> -> memref<640x128xf32, #tpu.memory_space<hbm>>
        %dma_start3A_63 = arith.constant 0 : i32
        %dma_start3A_64 = tpu.memref_slice %arg9[%mul3A_57, %dma_start3A_63] : memref<10000x128xf32, #tpu.memory_space<vmem_shared>> -> memref<640x128xf32, #tpu.memory_space<vmem_shared>>
        tpu.enqueue_dma source(%dma_start3A_64 : memref<640x128xf32, #tpu.memory_space<vmem_shared>>) target(%dma_start3A_62 : memref<640x128xf32, #tpu.memory_space<hbm>>) target_semaphore(%run_scoped3A : memref<!tpu.dma_semaphore, #tpu.memory_space<semaphore_mem>>)
        %dma_wait3A_65 = arith.constant 0 : i32
        %dma_wait3A_66 = tpu.memref_slice %arg5[%arg0, %mul3A_59, %dma_wait3A_65] : memref<2x10000x128xf32, #tpu.memory_space<hbm>> -> memref<1x640x128xf32, #tpu.memory_space<hbm>>
        %dma_wait3A_67 = tpu.memref_squeeze %dma_wait3A_66 : memref<1x640x128xf32, #tpu.memory_space<hbm>> -> memref<640x128xf32, #tpu.memory_space<hbm>>
        %dma_wait3A_68 = arith.constant 0 : i32
        %dma_wait3A_69 = tpu.memref_slice %arg9[%mul3A_57, %dma_wait3A_68] : memref<10000x128xf32, #tpu.memory_space<vmem_shared>> -> memref<640x128xf32, #tpu.memory_space<vmem_shared>>
        tpu.wait_dma2 semaphore(%run_scoped3A : memref<!tpu.dma_semaphore, #tpu.memory_space<semaphore_mem>>) src(%dma_wait3A_69 : memref<640x128xf32, #tpu.memory_space<vmem_shared>>) dst(%dma_wait3A_67 : memref<640x128xf32, #tpu.memory_space<hbm>>)
        tpu.yield
      }) : () -> ()
    } else {
    }
    %eq3A_51 = arith.constant 15 : i32
    %eq3A_52 = arith.cmpi eq, %arg1, %eq3A_51 : i32
    %convert_element_type3A_53 = arith.extui %eq3A_52 : i1 to i32
    %cond3A_54 = arith.constant 0 : i32
    %cond3A_55 = arith.cmpi ne, %convert_element_type3A_53, %cond3A_54 : i32
    scf.if %cond3A_55 {
      "tpu.region"() ({
        %run_scoped3A = tpu.sem_alloc : memref<!tpu.dma_semaphore, #tpu.memory_space<semaphore_mem>>
        %dma_start3A_56 = arith.constant 9600 : i32
        %dma_start3A_57 = arith.constant 0 : i32
        %dma_start3A_58 = tpu.memref_slice %arg5[%arg0, %dma_start3A_56, %dma_start3A_57] : memref<2x10000x128xf32, #tpu.memory_space<hbm>> -> memref<1x400x128xf32, #tpu.memory_space<hbm>>
        %dma_start3A_59 = tpu.memref_squeeze %dma_start3A_58 : memref<1x400x128xf32, #tpu.memory_space<hbm>> -> memref<400x128xf32, #tpu.memory_space<hbm>>
        %dma_start3A_60 = arith.constant 9600 : i32
        %dma_start3A_61 = arith.constant 0 : i32
        %dma_start3A_62 = tpu.memref_slice %arg9[%dma_start3A_60, %dma_start3A_61] : memref<10000x128xf32, #tpu.memory_space<vmem_shared>> -> memref<400x128xf32, #tpu.memory_space<vmem_shared>>
        tpu.enqueue_dma source(%dma_start3A_62 : memref<400x128xf32, #tpu.memory_space<vmem_shared>>) target(%dma_start3A_59 : memref<400x128xf32, #tpu.memory_space<hbm>>) target_semaphore(%run_scoped3A : memref<!tpu.dma_semaphore, #tpu.memory_space<semaphore_mem>>)
        %dma_wait3A_63 = arith.constant 9600 : i32
        %dma_wait3A_64 = arith.constant 0 : i32
        %dma_wait3A_65 = tpu.memref_slice %arg5[%arg0, %dma_wait3A_63, %dma_wait3A_64] : memref<2x10000x128xf32, #tpu.memory_space<hbm>> -> memref<1x400x128xf32, #tpu.memory_space<hbm>>
        %dma_wait3A_66 = tpu.memref_squeeze %dma_wait3A_65 : memref<1x400x128xf32, #tpu.memory_space<hbm>> -> memref<400x128xf32, #tpu.memory_space<hbm>>
        %dma_wait3A_67 = arith.constant 9600 : i32
        %dma_wait3A_68 = arith.constant 0 : i32
        %dma_wait3A_69 = tpu.memref_slice %arg9[%dma_wait3A_67, %dma_wait3A_68] : memref<10000x128xf32, #tpu.memory_space<vmem_shared>> -> memref<400x128xf32, #tpu.memory_space<vmem_shared>>
        tpu.wait_dma2 semaphore(%run_scoped3A : memref<!tpu.dma_semaphore, #tpu.memory_space<semaphore_mem>>) src(%dma_wait3A_69 : memref<400x128xf32, #tpu.memory_space<vmem_shared>>) dst(%dma_wait3A_66 : memref<400x128xf32, #tpu.memory_space<hbm>>)
        tpu.yield
      }) : () -> ()
    } else {
    }
    return
  }
}

#map = affine_map<(d0, d1) -> (0, 0, 0)>
#map1 = affine_map<(d0, d1) -> (0, 0, 0, 0)>
module attributes {stable_mosaic.version = 14 : i64} {
  func.func @_gather_spmem_body(%arg0: i32, %arg1: i32, %arg2: memref<2x10000x128xf32, #tpu.memory_space<hbm>>, %arg3: memref<2x16x50x80xi32, #tpu.memory_space<hbm>>, %arg4: memref<2x64000x128xf32, #tpu.memory_space<hbm>>, %arg5: memref<10000x128xf32, #tpu.memory_space<vmem_shared>>, %arg6: memref<50x80xi32, #tpu.memory_space<vmem>>, %arg7: memref<80x128xf32, #tpu.memory_space<vmem>>, %arg8: memref<80x128xf32, #tpu.memory_space<vmem>>, %arg9: memref<!tpu.dma_semaphore, #tpu.memory_space<semaphore_mem>>, %arg10: memref<!tpu.dma_semaphore, #tpu.memory_space<semaphore_mem>>, %arg11: memref<!tpu.dma_semaphore, #tpu.memory_space<semaphore_mem>>, %arg12: memref<!tpu.dma_semaphore, #tpu.memory_space<semaphore_mem>>) attributes {dimension_semantics = [#tpu.dimension_semantics<core_parallel>, #tpu.dimension_semantics<subcore_parallel>], iteration_bounds = array<i64: 2, 16>, scalar_prefetch = 0 : i64, scratch_operands = 8 : i64, tpu.core_type = #tpu.core_type<sc_vector_subcore>, window_params = [{transform_indices = #map}, {transform_indices = #map1}, {transform_indices = #map}]} {
    %mul3A = arith.constant 4000 : i32
    %mul3A_0 = arith.muli %arg1, %mul3A : i32
    %lt3A = arith.constant 15 : i32
    %lt3A_1 = arith.cmpi slt, %arg1, %lt3A : i32
    %convert_element_type3A = arith.extui %lt3A_1 : i1 to i32
    %cond3A = arith.constant 0 : i32
    %cond3A_2 = arith.cmpi ne, %convert_element_type3A, %cond3A : i32
    scf.if %cond3A_2 {
      %mul3A_25 = arith.constant 640 : i32
      %mul3A_26 = arith.muli %arg1, %mul3A_25 : i32
      %mul3A_27 = arith.constant 640 : i32
      %mul3A_28 = arith.muli %arg1, %mul3A_27 : i32
      "tpu.region"() ({
        %run_scoped3A = tpu.sem_alloc : memref<!tpu.dma_semaphore, #tpu.memory_space<semaphore_mem>>
        %dma_start3A_29 = arith.constant 0 : i32
        %dma_start3A_30 = tpu.memref_slice %arg5[%mul3A_28, %dma_start3A_29] : memref<10000x128xf32, #tpu.memory_space<vmem_shared>> -> memref<640x128xf32, #tpu.memory_space<vmem_shared>>
        %dma_start3A_31 = arith.constant 0 : i32
        %dma_start3A_32 = tpu.memref_slice %arg2[%arg0, %mul3A_26, %dma_start3A_31] : memref<2x10000x128xf32, #tpu.memory_space<hbm>> -> memref<1x640x128xf32, #tpu.memory_space<hbm>>
        %dma_start3A_33 = tpu.memref_squeeze %dma_start3A_32 : memref<1x640x128xf32, #tpu.memory_space<hbm>> -> memref<640x128xf32, #tpu.memory_space<hbm>>
        tpu.enqueue_dma source(%dma_start3A_33 : memref<640x128xf32, #tpu.memory_space<hbm>>) target(%dma_start3A_30 : memref<640x128xf32, #tpu.memory_space<vmem_shared>>) target_semaphore(%run_scoped3A : memref<!tpu.dma_semaphore, #tpu.memory_space<semaphore_mem>>)
        %dma_wait3A = arith.constant 0 : i32
        %dma_wait3A_34 = tpu.memref_slice %arg5[%mul3A_28, %dma_wait3A] : memref<10000x128xf32, #tpu.memory_space<vmem_shared>> -> memref<640x128xf32, #tpu.memory_space<vmem_shared>>
        %dma_wait3A_35 = arith.constant 0 : i32
        %dma_wait3A_36 = tpu.memref_slice %arg2[%arg0, %mul3A_26, %dma_wait3A_35] : memref<2x10000x128xf32, #tpu.memory_space<hbm>> -> memref<1x640x128xf32, #tpu.memory_space<hbm>>
        %dma_wait3A_37 = tpu.memref_squeeze %dma_wait3A_36 : memref<1x640x128xf32, #tpu.memory_space<hbm>> -> memref<640x128xf32, #tpu.memory_space<hbm>>
        tpu.wait_dma2 semaphore(%run_scoped3A : memref<!tpu.dma_semaphore, #tpu.memory_space<semaphore_mem>>) src(%dma_wait3A_37 : memref<640x128xf32, #tpu.memory_space<hbm>>) dst(%dma_wait3A_34 : memref<640x128xf32, #tpu.memory_space<vmem_shared>>)
        tpu.yield
      }) : () -> ()
    } else {
    }
    %eq3A = arith.constant 15 : i32
    %eq3A_3 = arith.cmpi eq, %arg1, %eq3A : i32
    %convert_element_type3A_4 = arith.extui %eq3A_3 : i1 to i32
    %cond3A_5 = arith.constant 0 : i32
    %cond3A_6 = arith.cmpi ne, %convert_element_type3A_4, %cond3A_5 : i32
    scf.if %cond3A_6 {
      "tpu.region"() ({
        %run_scoped3A = tpu.sem_alloc : memref<!tpu.dma_semaphore, #tpu.memory_space<semaphore_mem>>
        %dma_start3A_25 = arith.constant 9600 : i32
        %dma_start3A_26 = arith.constant 0 : i32
        %dma_start3A_27 = tpu.memref_slice %arg5[%dma_start3A_25, %dma_start3A_26] : memref<10000x128xf32, #tpu.memory_space<vmem_shared>> -> memref<400x128xf32, #tpu.memory_space<vmem_shared>>
        %dma_start3A_28 = arith.constant 9600 : i32
        %dma_start3A_29 = arith.constant 0 : i32
        %dma_start3A_30 = tpu.memref_slice %arg2[%arg0, %dma_start3A_28, %dma_start3A_29] : memref<2x10000x128xf32, #tpu.memory_space<hbm>> -> memref<1x400x128xf32, #tpu.memory_space<hbm>>
        %dma_start3A_31 = tpu.memref_squeeze %dma_start3A_30 : memref<1x400x128xf32, #tpu.memory_space<hbm>> -> memref<400x128xf32, #tpu.memory_space<hbm>>
        tpu.enqueue_dma source(%dma_start3A_31 : memref<400x128xf32, #tpu.memory_space<hbm>>) target(%dma_start3A_27 : memref<400x128xf32, #tpu.memory_space<vmem_shared>>) target_semaphore(%run_scoped3A : memref<!tpu.dma_semaphore, #tpu.memory_space<semaphore_mem>>)
        %dma_wait3A = arith.constant 9600 : i32
        %dma_wait3A_32 = arith.constant 0 : i32
        %dma_wait3A_33 = tpu.memref_slice %arg5[%dma_wait3A, %dma_wait3A_32] : memref<10000x128xf32, #tpu.memory_space<vmem_shared>> -> memref<400x128xf32, #tpu.memory_space<vmem_shared>>
        %dma_wait3A_34 = arith.constant 9600 : i32
        %dma_wait3A_35 = arith.constant 0 : i32
        %dma_wait3A_36 = tpu.memref_slice %arg2[%arg0, %dma_wait3A_34, %dma_wait3A_35] : memref<2x10000x128xf32, #tpu.memory_space<hbm>> -> memref<1x400x128xf32, #tpu.memory_space<hbm>>
        %dma_wait3A_37 = tpu.memref_squeeze %dma_wait3A_36 : memref<1x400x128xf32, #tpu.memory_space<hbm>> -> memref<400x128xf32, #tpu.memory_space<hbm>>
        tpu.wait_dma2 semaphore(%run_scoped3A : memref<!tpu.dma_semaphore, #tpu.memory_space<semaphore_mem>>) src(%dma_wait3A_37 : memref<400x128xf32, #tpu.memory_space<hbm>>) dst(%dma_wait3A_33 : memref<400x128xf32, #tpu.memory_space<vmem_shared>>)
        tpu.yield
      }) : () -> ()
    } else {
    }
    %barrier3A = arith.constant 0 : index
    tpu.barrier barrier_id(%barrier3A)
    "tpu.region"() ({
      %run_scoped3A = tpu.sem_alloc : memref<!tpu.dma_semaphore, #tpu.memory_space<semaphore_mem>>
      %dma_start3A_25 = arith.constant 0 : i32
      %dma_start3A_26 = arith.constant 0 : i32
      %dma_start3A_27 = tpu.memref_slice %arg3[%arg0, %arg1, %dma_start3A_25, %dma_start3A_26] : memref<2x16x50x80xi32, #tpu.memory_space<hbm>> -> memref<1x1x50x80xi32, #tpu.memory_space<hbm>>
      %dma_start3A_28 = tpu.memref_squeeze %dma_start3A_27 : memref<1x1x50x80xi32, #tpu.memory_space<hbm>> -> memref<50x80xi32, #tpu.memory_space<hbm>>
      %dma_start3A_29 = arith.constant 0 : i32
      %dma_start3A_30 = arith.constant 0 : i32
      %dma_start3A_31 = tpu.memref_slice %arg3[%arg0, %arg1, %dma_start3A_29, %dma_start3A_30] : memref<2x16x50x80xi32, #tpu.memory_space<hbm>> -> memref<1x1x50x80xi32, #tpu.memory_space<hbm>>
      %dma_start3A_32 = tpu.memref_squeeze %dma_start3A_31 : memref<1x1x50x80xi32, #tpu.memory_space<hbm>> -> memref<50x80xi32, #tpu.memory_space<hbm>>
      tpu.enqueue_dma source(%dma_start3A_32 : memref<50x80xi32, #tpu.memory_space<hbm>>) target(%arg6 : memref<50x80xi32, #tpu.memory_space<vmem>>) target_semaphore(%run_scoped3A : memref<!tpu.dma_semaphore, #tpu.memory_space<semaphore_mem>>)
      %dma_wait3A = arith.constant 0 : i32
      %dma_wait3A_33 = arith.constant 0 : i32
      %dma_wait3A_34 = tpu.memref_slice %arg3[%arg0, %arg1, %dma_wait3A, %dma_wait3A_33] : memref<2x16x50x80xi32, #tpu.memory_space<hbm>> -> memref<1x1x50x80xi32, #tpu.memory_space<hbm>>
      %dma_wait3A_35 = tpu.memref_squeeze %dma_wait3A_34 : memref<1x1x50x80xi32, #tpu.memory_space<hbm>> -> memref<50x80xi32, #tpu.memory_space<hbm>>
      %dma_wait3A_36 = arith.constant 0 : i32
      %dma_wait3A_37 = arith.constant 0 : i32
      %dma_wait3A_38 = tpu.memref_slice %arg3[%arg0, %arg1, %dma_wait3A_36, %dma_wait3A_37] : memref<2x16x50x80xi32, #tpu.memory_space<hbm>> -> memref<1x1x50x80xi32, #tpu.memory_space<hbm>>
      %dma_wait3A_39 = tpu.memref_squeeze %dma_wait3A_38 : memref<1x1x50x80xi32, #tpu.memory_space<hbm>> -> memref<50x80xi32, #tpu.memory_space<hbm>>
      tpu.wait_dma2 semaphore(%run_scoped3A : memref<!tpu.dma_semaphore, #tpu.memory_space<semaphore_mem>>) src(%dma_wait3A_39 : memref<50x80xi32, #tpu.memory_space<hbm>>) dst(%arg6 : memref<50x80xi32, #tpu.memory_space<vmem>>)
      tpu.yield
    }) : () -> ()
    %dma_start3A = arith.constant 0 : i32
    %dma_start3A_7 = arith.constant 0 : i32
    %dma_start3A_8 = tpu.memref_slice %arg6[%dma_start3A, %dma_start3A_7] : memref<50x80xi32, #tpu.memory_space<vmem>> -> memref<1x80xi32, #tpu.memory_space<vmem>>
    %dma_start3A_9 = tpu.memref_squeeze %dma_start3A_8 : memref<1x80xi32, #tpu.memory_space<vmem>> -> memref<80xi32, #tpu.memory_space<vmem>>
    %dma_start3A_10 = arith.constant 0 : i32
    %dma_start3A_11 = arith.constant 0 : i32
    %dma_start3A_12 = tpu.memref_slice %arg5[%dma_start3A_10, %dma_start3A_11] : memref<10000x128xf32, #tpu.memory_space<vmem_shared>> -> memref<10000x128xf32, #tpu.memory_space<vmem_shared>>
    tpu.enqueue_indirect_dma source(%dma_start3A_12 : memref<10000x128xf32, #tpu.memory_space<vmem_shared>>) target(%arg7 : memref<80x128xf32, #tpu.memory_space<vmem>>) offsets(%dma_start3A_9 : memref<80xi32, #tpu.memory_space<vmem>>) semaphore(%arg9 : memref<!tpu.dma_semaphore, #tpu.memory_space<semaphore_mem>>)
    %dma_start3A_13 = arith.constant 1 : i32
    %dma_start3A_14 = arith.constant 0 : i32
    %dma_start3A_15 = tpu.memref_slice %arg6[%dma_start3A_13, %dma_start3A_14] : memref<50x80xi32, #tpu.memory_space<vmem>> -> memref<1x80xi32, #tpu.memory_space<vmem>>
    %dma_start3A_16 = tpu.memref_squeeze %dma_start3A_15 : memref<1x80xi32, #tpu.memory_space<vmem>> -> memref<80xi32, #tpu.memory_space<vmem>>
    %dma_start3A_17 = arith.constant 0 : i32
    %dma_start3A_18 = arith.constant 0 : i32
    %dma_start3A_19 = tpu.memref_slice %arg5[%dma_start3A_17, %dma_start3A_18] : memref<10000x128xf32, #tpu.memory_space<vmem_shared>> -> memref<10000x128xf32, #tpu.memory_space<vmem_shared>>
    tpu.enqueue_indirect_dma source(%dma_start3A_19 : memref<10000x128xf32, #tpu.memory_space<vmem_shared>>) target(%arg8 : memref<80x128xf32, #tpu.memory_space<vmem>>) offsets(%dma_start3A_16 : memref<80xi32, #tpu.memory_space<vmem>>) semaphore(%arg10 : memref<!tpu.dma_semaphore, #tpu.memory_space<semaphore_mem>>)
    %scan3A = arith.constant 0 : i32
    %scan3A_20 = arith.constant 0 : i32
    %scan3A_21 = arith.constant 25 : i32
    %scan3A_22 = arith.addi %scan3A_20, %scan3A_21 : i32
    %scan3A_23 = arith.constant 1 : i32
    scf.for %scan3A_25 = %scan3A_20 to %scan3A_22 step %scan3A_23  : i32 {
      %mul3A_26 = arith.constant 2 : i32
      %mul3A_27 = arith.muli %mul3A_26, %scan3A_25 : i32
      %mul3A_28 = arith.constant 2 : i32
      %mul3A_29 = arith.muli %mul3A_28, %scan3A_25 : i32
      %add3A = arith.constant 1 : i32
      %add3A_30 = arith.addi %mul3A_29, %add3A : i32
      %dma_wait3A = arith.constant 0 : i32
      %dma_wait3A_31 = tpu.memref_slice %arg6[%mul3A_27, %dma_wait3A] : memref<50x80xi32, #tpu.memory_space<vmem>> -> memref<1x80xi32, #tpu.memory_space<vmem>>
      %dma_wait3A_32 = tpu.memref_squeeze %dma_wait3A_31 : memref<1x80xi32, #tpu.memory_space<vmem>> -> memref<80xi32, #tpu.memory_space<vmem>>
      %dma_wait3A_33 = arith.constant 0 : i32
      %dma_wait3A_34 = arith.constant 0 : i32
      %dma_wait3A_35 = tpu.memref_slice %arg5[%dma_wait3A_33, %dma_wait3A_34] : memref<10000x128xf32, #tpu.memory_space<vmem_shared>> -> memref<10000x128xf32, #tpu.memory_space<vmem_shared>>
      tpu.wait_indirect_dma semaphore(%arg9 : memref<!tpu.dma_semaphore, #tpu.memory_space<semaphore_mem>>) src(%dma_wait3A_35 : memref<10000x128xf32, #tpu.memory_space<vmem_shared>>) dst(%arg7 : memref<80x128xf32, #tpu.memory_space<vmem>>)
      %mul3A_36 = arith.constant 80 : i32
      %mul3A_37 = arith.muli %mul3A_27, %mul3A_36 : i32
      %add3A_38 = arith.addi %mul3A_0, %mul3A_37 : i32
      %dma_start3A_39 = arith.constant 0 : i32
      %dma_start3A_40 = tpu.memref_slice %arg4[%arg0, %add3A_38, %dma_start3A_39] : memref<2x64000x128xf32, #tpu.memory_space<hbm>> -> memref<1x80x128xf32, #tpu.memory_space<hbm>>
      %dma_start3A_41 = tpu.memref_squeeze %dma_start3A_40 : memref<1x80x128xf32, #tpu.memory_space<hbm>> -> memref<80x128xf32, #tpu.memory_space<hbm>>
      %dma_start3A_42 = arith.constant 0 : i32
      %dma_start3A_43 = tpu.memref_slice %arg4[%arg0, %add3A_38, %dma_start3A_42] : memref<2x64000x128xf32, #tpu.memory_space<hbm>> -> memref<1x80x128xf32, #tpu.memory_space<hbm>>
      %dma_start3A_44 = tpu.memref_squeeze %dma_start3A_43 : memref<1x80x128xf32, #tpu.memory_space<hbm>> -> memref<80x128xf32, #tpu.memory_space<hbm>>
      tpu.enqueue_dma source(%arg7 : memref<80x128xf32, #tpu.memory_space<vmem>>) target(%dma_start3A_44 : memref<80x128xf32, #tpu.memory_space<hbm>>) target_semaphore(%arg11 : memref<!tpu.dma_semaphore, #tpu.memory_space<semaphore_mem>>)
      %dma_wait3A_45 = arith.constant 0 : i32
      %dma_wait3A_46 = tpu.memref_slice %arg6[%add3A_30, %dma_wait3A_45] : memref<50x80xi32, #tpu.memory_space<vmem>> -> memref<1x80xi32, #tpu.memory_space<vmem>>
      %dma_wait3A_47 = tpu.memref_squeeze %dma_wait3A_46 : memref<1x80xi32, #tpu.memory_space<vmem>> -> memref<80xi32, #tpu.memory_space<vmem>>
      %dma_wait3A_48 = arith.constant 0 : i32
      %dma_wait3A_49 = arith.constant 0 : i32
      %dma_wait3A_50 = tpu.memref_slice %arg5[%dma_wait3A_48, %dma_wait3A_49] : memref<10000x128xf32, #tpu.memory_space<vmem_shared>> -> memref<10000x128xf32, #tpu.memory_space<vmem_shared>>
      tpu.wait_indirect_dma semaphore(%arg10 : memref<!tpu.dma_semaphore, #tpu.memory_space<semaphore_mem>>) src(%dma_wait3A_50 : memref<10000x128xf32, #tpu.memory_space<vmem_shared>>) dst(%arg8 : memref<80x128xf32, #tpu.memory_space<vmem>>)
      %mul3A_51 = arith.constant 80 : i32
      %mul3A_52 = arith.muli %add3A_30, %mul3A_51 : i32
      %add3A_53 = arith.addi %mul3A_0, %mul3A_52 : i32
      %dma_start3A_54 = arith.constant 0 : i32
      %dma_start3A_55 = tpu.memref_slice %arg4[%arg0, %add3A_53, %dma_start3A_54] : memref<2x64000x128xf32, #tpu.memory_space<hbm>> -> memref<1x80x128xf32, #tpu.memory_space<hbm>>
      %dma_start3A_56 = tpu.memref_squeeze %dma_start3A_55 : memref<1x80x128xf32, #tpu.memory_space<hbm>> -> memref<80x128xf32, #tpu.memory_space<hbm>>
      %dma_start3A_57 = arith.constant 0 : i32
      %dma_start3A_58 = tpu.memref_slice %arg4[%arg0, %add3A_53, %dma_start3A_57] : memref<2x64000x128xf32, #tpu.memory_space<hbm>> -> memref<1x80x128xf32, #tpu.memory_space<hbm>>
      %dma_start3A_59 = tpu.memref_squeeze %dma_start3A_58 : memref<1x80x128xf32, #tpu.memory_space<hbm>> -> memref<80x128xf32, #tpu.memory_space<hbm>>
      tpu.enqueue_dma source(%arg8 : memref<80x128xf32, #tpu.memory_space<vmem>>) target(%dma_start3A_59 : memref<80x128xf32, #tpu.memory_space<hbm>>) target_semaphore(%arg12 : memref<!tpu.dma_semaphore, #tpu.memory_space<semaphore_mem>>)
      %mul3A_60 = arith.constant 80 : i32
      %mul3A_61 = arith.muli %mul3A_27, %mul3A_60 : i32
      %add3A_62 = arith.addi %mul3A_0, %mul3A_61 : i32
      %dma_wait3A_63 = arith.constant 0 : i32
      %dma_wait3A_64 = tpu.memref_slice %arg4[%arg0, %add3A_62, %dma_wait3A_63] : memref<2x64000x128xf32, #tpu.memory_space<hbm>> -> memref<1x80x128xf32, #tpu.memory_space<hbm>>
      %dma_wait3A_65 = tpu.memref_squeeze %dma_wait3A_64 : memref<1x80x128xf32, #tpu.memory_space<hbm>> -> memref<80x128xf32, #tpu.memory_space<hbm>>
      %dma_wait3A_66 = arith.constant 0 : i32
      %dma_wait3A_67 = tpu.memref_slice %arg4[%arg0, %add3A_62, %dma_wait3A_66] : memref<2x64000x128xf32, #tpu.memory_space<hbm>> -> memref<1x80x128xf32, #tpu.memory_space<hbm>>
      %dma_wait3A_68 = tpu.memref_squeeze %dma_wait3A_67 : memref<1x80x128xf32, #tpu.memory_space<hbm>> -> memref<80x128xf32, #tpu.memory_space<hbm>>
      tpu.wait_dma2 semaphore(%arg11 : memref<!tpu.dma_semaphore, #tpu.memory_space<semaphore_mem>>) src(%arg7 : memref<80x128xf32, #tpu.memory_space<vmem>>) dst(%dma_wait3A_68 : memref<80x128xf32, #tpu.memory_space<hbm>>)
      %lt3A_69 = arith.constant 24 : i32
      %lt3A_70 = arith.cmpi slt, %scan3A_25, %lt3A_69 : i32
      %convert_element_type3A_71 = arith.extui %lt3A_70 : i1 to i32
      %cond3A_72 = arith.constant 0 : i32
      %cond3A_73 = arith.cmpi ne, %convert_element_type3A_71, %cond3A_72 : i32
      scf.if %cond3A_73 {
        %add3A_88 = arith.constant 2 : i32
        %add3A_89 = arith.addi %mul3A_27, %add3A_88 : i32
        %dma_start3A_90 = arith.constant 0 : i32
        %dma_start3A_91 = tpu.memref_slice %arg6[%add3A_89, %dma_start3A_90] : memref<50x80xi32, #tpu.memory_space<vmem>> -> memref<1x80xi32, #tpu.memory_space<vmem>>
        %dma_start3A_92 = tpu.memref_squeeze %dma_start3A_91 : memref<1x80xi32, #tpu.memory_space<vmem>> -> memref<80xi32, #tpu.memory_space<vmem>>
        %dma_start3A_93 = arith.constant 0 : i32
        %dma_start3A_94 = arith.constant 0 : i32
        %dma_start3A_95 = tpu.memref_slice %arg5[%dma_start3A_93, %dma_start3A_94] : memref<10000x128xf32, #tpu.memory_space<vmem_shared>> -> memref<10000x128xf32, #tpu.memory_space<vmem_shared>>
        tpu.enqueue_indirect_dma source(%dma_start3A_95 : memref<10000x128xf32, #tpu.memory_space<vmem_shared>>) target(%arg7 : memref<80x128xf32, #tpu.memory_space<vmem>>) offsets(%dma_start3A_92 : memref<80xi32, #tpu.memory_space<vmem>>) semaphore(%arg9 : memref<!tpu.dma_semaphore, #tpu.memory_space<semaphore_mem>>)
      } else {
      }
      %mul3A_74 = arith.constant 80 : i32
      %mul3A_75 = arith.muli %add3A_30, %mul3A_74 : i32
      %add3A_76 = arith.addi %mul3A_0, %mul3A_75 : i32
      %dma_wait3A_77 = arith.constant 0 : i32
      %dma_wait3A_78 = tpu.memref_slice %arg4[%arg0, %add3A_76, %dma_wait3A_77] : memref<2x64000x128xf32, #tpu.memory_space<hbm>> -> memref<1x80x128xf32, #tpu.memory_space<hbm>>
      %dma_wait3A_79 = tpu.memref_squeeze %dma_wait3A_78 : memref<1x80x128xf32, #tpu.memory_space<hbm>> -> memref<80x128xf32, #tpu.memory_space<hbm>>
      %dma_wait3A_80 = arith.constant 0 : i32
      %dma_wait3A_81 = tpu.memref_slice %arg4[%arg0, %add3A_76, %dma_wait3A_80] : memref<2x64000x128xf32, #tpu.memory_space<hbm>> -> memref<1x80x128xf32, #tpu.memory_space<hbm>>
      %dma_wait3A_82 = tpu.memref_squeeze %dma_wait3A_81 : memref<1x80x128xf32, #tpu.memory_space<hbm>> -> memref<80x128xf32, #tpu.memory_space<hbm>>
      tpu.wait_dma2 semaphore(%arg12 : memref<!tpu.dma_semaphore, #tpu.memory_space<semaphore_mem>>) src(%arg8 : memref<80x128xf32, #tpu.memory_space<vmem>>) dst(%dma_wait3A_82 : memref<80x128xf32, #tpu.memory_space<hbm>>)
      %lt3A_83 = arith.constant 24 : i32
      %lt3A_84 = arith.cmpi slt, %scan3A_25, %lt3A_83 : i32
      %convert_element_type3A_85 = arith.extui %lt3A_84 : i1 to i32
      %cond3A_86 = arith.constant 0 : i32
      %cond3A_87 = arith.cmpi ne, %convert_element_type3A_85, %cond3A_86 : i32
      scf.if %cond3A_87 {
        %add3A_88 = arith.constant 2 : i32
        %add3A_89 = arith.addi %add3A_30, %add3A_88 : i32
        %dma_start3A_90 = arith.constant 0 : i32
        %dma_start3A_91 = tpu.memref_slice %arg6[%add3A_89, %dma_start3A_90] : memref<50x80xi32, #tpu.memory_space<vmem>> -> memref<1x80xi32, #tpu.memory_space<vmem>>
        %dma_start3A_92 = tpu.memref_squeeze %dma_start3A_91 : memref<1x80xi32, #tpu.memory_space<vmem>> -> memref<80xi32, #tpu.memory_space<vmem>>
        %dma_start3A_93 = arith.constant 0 : i32
        %dma_start3A_94 = arith.constant 0 : i32
        %dma_start3A_95 = tpu.memref_slice %arg5[%dma_start3A_93, %dma_start3A_94] : memref<10000x128xf32, #tpu.memory_space<vmem_shared>> -> memref<10000x128xf32, #tpu.memory_space<vmem_shared>>
        tpu.enqueue_indirect_dma source(%dma_start3A_95 : memref<10000x128xf32, #tpu.memory_space<vmem_shared>>) target(%arg8 : memref<80x128xf32, #tpu.memory_space<vmem>>) offsets(%dma_start3A_92 : memref<80xi32, #tpu.memory_space<vmem>>) semaphore(%arg10 : memref<!tpu.dma_semaphore, #tpu.memory_space<semaphore_mem>>)
      } else {
      }
    }
    %scan3A_24 = arith.constant 25 : i32
    return
  }
}

#map = affine_map<(d0, d1) -> (0, 0)>
#map1 = affine_map<(d0, d1) -> (0, 0, 0)>
module attributes {stable_mosaic.version = 14 : i64} {
  func.func @_scatter_body(%arg0: i32, %arg1: i32, %arg2: memref<64000x128xf32, #tpu.memory_space<hbm>>, %arg3: memref<32x25x80xi32, #tpu.memory_space<hbm>>, %arg4: memref<2x10000x128xf32, #tpu.memory_space<hbm>>, %arg5: memref<2x10000x128xf32, #tpu.memory_space<hbm>>, %arg6: memref<25x80xi32, #tpu.memory_space<vmem>>, %arg7: memref<80x128xf32, #tpu.memory_space<vmem>>, %arg8: memref<80x128xf32, #tpu.memory_space<vmem>>, %arg9: memref<10000x128xf32, #tpu.memory_space<vmem_shared>>, %arg10: memref<!tpu.dma_semaphore, #tpu.memory_space<semaphore_mem>>, %arg11: memref<!tpu.dma_semaphore, #tpu.memory_space<semaphore_mem>>, %arg12: memref<!tpu.dma_semaphore, #tpu.memory_space<semaphore_mem>>, %arg13: memref<!tpu.dma_semaphore, #tpu.memory_space<semaphore_mem>>) attributes {dimension_semantics = [#tpu.dimension_semantics<core_parallel>, #tpu.dimension_semantics<subcore_parallel>], iteration_bounds = array<i64: 2, 16>, scalar_prefetch = 0 : i64, scratch_operands = 8 : i64, tpu.core_type = #tpu.core_type<sc_vector_subcore>, window_params = [{transform_indices = #map}, {transform_indices = #map1}, {transform_indices = #map1}, {transform_indices = #map1}]} {
    %mul3A = arith.constant 2 : i32
    %mul3A_0 = arith.muli %arg1, %mul3A : i32
    %add3A = arith.addi %mul3A_0, %arg0 : i32
    %mul3A_1 = arith.constant 2000 : i32
    %mul3A_2 = arith.muli %add3A, %mul3A_1 : i32
    %eq3A = arith.constant 0 : i32
    %eq3A_3 = arith.cmpi eq, %arg1, %eq3A : i32
    %convert_element_type3A = arith.extui %eq3A_3 : i1 to i32
    %cond3A = arith.constant 0 : i32
    %cond3A_4 = arith.cmpi ne, %convert_element_type3A, %cond3A : i32
    scf.if %cond3A_4 {
      "tpu.region"() ({
        %run_scoped3A = tpu.sem_alloc : memref<!tpu.dma_semaphore, #tpu.memory_space<semaphore_mem>>
        %dma_start3A_56 = arith.constant 0 : i32
        %dma_start3A_57 = arith.constant 0 : i32
        %dma_start3A_58 = tpu.memref_slice %arg4[%arg0, %dma_start3A_56, %dma_start3A_57] : memref<2x10000x128xf32, #tpu.memory_space<hbm>> -> memref<1x10000x128xf32, #tpu.memory_space<hbm>>
        %dma_start3A_59 = tpu.memref_squeeze %dma_start3A_58 : memref<1x10000x128xf32, #tpu.memory_space<hbm>> -> memref<10000x128xf32, #tpu.memory_space<hbm>>
        tpu.enqueue_dma source(%dma_start3A_59 : memref<10000x128xf32, #tpu.memory_space<hbm>>) target(%arg9 : memref<10000x128xf32, #tpu.memory_space<vmem_shared>>) target_semaphore(%run_scoped3A : memref<!tpu.dma_semaphore, #tpu.memory_space<semaphore_mem>>)
        %dma_wait3A_60 = arith.constant 0 : i32
        %dma_wait3A_61 = arith.constant 0 : i32
        %dma_wait3A_62 = tpu.memref_slice %arg4[%arg0, %dma_wait3A_60, %dma_wait3A_61] : memref<2x10000x128xf32, #tpu.memory_space<hbm>> -> memref<1x10000x128xf32, #tpu.memory_space<hbm>>
        %dma_wait3A_63 = tpu.memref_squeeze %dma_wait3A_62 : memref<1x10000x128xf32, #tpu.memory_space<hbm>> -> memref<10000x128xf32, #tpu.memory_space<hbm>>
        tpu.wait_dma2 semaphore(%run_scoped3A : memref<!tpu.dma_semaphore, #tpu.memory_space<semaphore_mem>>) src(%dma_wait3A_63 : memref<10000x128xf32, #tpu.memory_space<hbm>>) dst(%arg9 : memref<10000x128xf32, #tpu.memory_space<vmem_shared>>)
        tpu.yield
      }) : () -> ()
    } else {
    }
    %barrier3A = arith.constant 0 : index
    tpu.barrier barrier_id(%barrier3A)
    "tpu.region"() ({
      %run_scoped3A = tpu.sem_alloc : memref<!tpu.dma_semaphore, #tpu.memory_space<semaphore_mem>>
      %dma_start3A_56 = arith.constant 0 : i32
      %dma_start3A_57 = arith.constant 0 : i32
      %dma_start3A_58 = tpu.memref_slice %arg3[%add3A, %dma_start3A_56, %dma_start3A_57] : memref<32x25x80xi32, #tpu.memory_space<hbm>> -> memref<1x25x80xi32, #tpu.memory_space<hbm>>
      %dma_start3A_59 = tpu.memref_squeeze %dma_start3A_58 : memref<1x25x80xi32, #tpu.memory_space<hbm>> -> memref<25x80xi32, #tpu.memory_space<hbm>>
      %dma_start3A_60 = arith.constant 0 : i32
      %dma_start3A_61 = arith.constant 0 : i32
      %dma_start3A_62 = tpu.memref_slice %arg3[%add3A, %dma_start3A_60, %dma_start3A_61] : memref<32x25x80xi32, #tpu.memory_space<hbm>> -> memref<1x25x80xi32, #tpu.memory_space<hbm>>
      %dma_start3A_63 = tpu.memref_squeeze %dma_start3A_62 : memref<1x25x80xi32, #tpu.memory_space<hbm>> -> memref<25x80xi32, #tpu.memory_space<hbm>>
      tpu.enqueue_dma source(%dma_start3A_63 : memref<25x80xi32, #tpu.memory_space<hbm>>) target(%arg6 : memref<25x80xi32, #tpu.memory_space<vmem>>) target_semaphore(%run_scoped3A : memref<!tpu.dma_semaphore, #tpu.memory_space<semaphore_mem>>)
      %dma_wait3A_64 = arith.constant 0 : i32
      %dma_wait3A_65 = arith.constant 0 : i32
      %dma_wait3A_66 = tpu.memref_slice %arg3[%add3A, %dma_wait3A_64, %dma_wait3A_65] : memref<32x25x80xi32, #tpu.memory_space<hbm>> -> memref<1x25x80xi32, #tpu.memory_space<hbm>>
      %dma_wait3A_67 = tpu.memref_squeeze %dma_wait3A_66 : memref<1x25x80xi32, #tpu.memory_space<hbm>> -> memref<25x80xi32, #tpu.memory_space<hbm>>
      %dma_wait3A_68 = arith.constant 0 : i32
      %dma_wait3A_69 = arith.constant 0 : i32
      %dma_wait3A_70 = tpu.memref_slice %arg3[%add3A, %dma_wait3A_68, %dma_wait3A_69] : memref<32x25x80xi32, #tpu.memory_space<hbm>> -> memref<1x25x80xi32, #tpu.memory_space<hbm>>
      %dma_wait3A_71 = tpu.memref_squeeze %dma_wait3A_70 : memref<1x25x80xi32, #tpu.memory_space<hbm>> -> memref<25x80xi32, #tpu.memory_space<hbm>>
      tpu.wait_dma2 semaphore(%run_scoped3A : memref<!tpu.dma_semaphore, #tpu.memory_space<semaphore_mem>>) src(%dma_wait3A_71 : memref<25x80xi32, #tpu.memory_space<hbm>>) dst(%arg6 : memref<25x80xi32, #tpu.memory_space<vmem>>)
      tpu.yield
    }) : () -> ()
    %add3A_5 = arith.constant 0 : i32
    %add3A_6 = arith.addi %mul3A_2, %add3A_5 : i32
    %dma_start3A = arith.constant 0 : i32
    %dma_start3A_7 = tpu.memref_slice %arg2[%add3A_6, %dma_start3A] : memref<64000x128xf32, #tpu.memory_space<hbm>> -> memref<80x128xf32, #tpu.memory_space<hbm>>
    %dma_start3A_8 = arith.constant 0 : i32
    %dma_start3A_9 = tpu.memref_slice %arg2[%add3A_6, %dma_start3A_8] : memref<64000x128xf32, #tpu.memory_space<hbm>> -> memref<80x128xf32, #tpu.memory_space<hbm>>
    tpu.enqueue_dma source(%dma_start3A_9 : memref<80x128xf32, #tpu.memory_space<hbm>>) target(%arg8 : memref<80x128xf32, #tpu.memory_space<vmem>>) target_semaphore(%arg11 : memref<!tpu.dma_semaphore, #tpu.memory_space<semaphore_mem>>)
    %add3A_10 = arith.constant 0 : i32
    %add3A_11 = arith.addi %mul3A_2, %add3A_10 : i32
    %dma_wait3A = arith.constant 0 : i32
    %dma_wait3A_12 = tpu.memref_slice %arg2[%add3A_11, %dma_wait3A] : memref<64000x128xf32, #tpu.memory_space<hbm>> -> memref<80x128xf32, #tpu.memory_space<hbm>>
    %dma_wait3A_13 = arith.constant 0 : i32
    %dma_wait3A_14 = tpu.memref_slice %arg2[%add3A_11, %dma_wait3A_13] : memref<64000x128xf32, #tpu.memory_space<hbm>> -> memref<80x128xf32, #tpu.memory_space<hbm>>
    tpu.wait_dma2 semaphore(%arg11 : memref<!tpu.dma_semaphore, #tpu.memory_space<semaphore_mem>>) src(%dma_wait3A_14 : memref<80x128xf32, #tpu.memory_space<hbm>>) dst(%arg8 : memref<80x128xf32, #tpu.memory_space<vmem>>)
    %dma_start3A_15 = arith.constant 0 : i32
    %dma_start3A_16 = arith.constant 0 : i32
    %dma_start3A_17 = tpu.memref_slice %arg6[%dma_start3A_15, %dma_start3A_16] : memref<25x80xi32, #tpu.memory_space<vmem>> -> memref<1x80xi32, #tpu.memory_space<vmem>>
    %dma_start3A_18 = tpu.memref_squeeze %dma_start3A_17 : memref<1x80xi32, #tpu.memory_space<vmem>> -> memref<80xi32, #tpu.memory_space<vmem>>
    %dma_start3A_19 = arith.constant 0 : i32
    %dma_start3A_20 = arith.constant 0 : i32
    %dma_start3A_21 = tpu.memref_slice %arg9[%dma_start3A_19, %dma_start3A_20] : memref<10000x128xf32, #tpu.memory_space<vmem_shared>> -> memref<10000x128xf32, #tpu.memory_space<vmem_shared>>
    tpu.enqueue_indirect_dma source(%arg8 : memref<80x128xf32, #tpu.memory_space<vmem>>) target(%dma_start3A_21 : memref<10000x128xf32, #tpu.memory_space<vmem_shared>>) offsets(%dma_start3A_18 : memref<80xi32, #tpu.memory_space<vmem>>) semaphore(%arg13 : memref<!tpu.dma_semaphore, #tpu.memory_space<semaphore_mem>>) {add = true}
    %add3A_22 = arith.constant 80 : i32
    %add3A_23 = arith.addi %mul3A_2, %add3A_22 : i32
    %dma_start3A_24 = arith.constant 0 : i32
    %dma_start3A_25 = tpu.memref_slice %arg2[%add3A_23, %dma_start3A_24] : memref<64000x128xf32, #tpu.memory_space<hbm>> -> memref<80x128xf32, #tpu.memory_space<hbm>>
    %dma_start3A_26 = arith.constant 0 : i32
    %dma_start3A_27 = tpu.memref_slice %arg2[%add3A_23, %dma_start3A_26] : memref<64000x128xf32, #tpu.memory_space<hbm>> -> memref<80x128xf32, #tpu.memory_space<hbm>>
    tpu.enqueue_dma source(%dma_start3A_27 : memref<80x128xf32, #tpu.memory_space<hbm>>) target(%arg7 : memref<80x128xf32, #tpu.memory_space<vmem>>) target_semaphore(%arg10 : memref<!tpu.dma_semaphore, #tpu.memory_space<semaphore_mem>>)
    %dma_wait3A_28 = arith.constant 0 : i32
    %dma_wait3A_29 = arith.constant 0 : i32
    %dma_wait3A_30 = tpu.memref_slice %arg6[%dma_wait3A_28, %dma_wait3A_29] : memref<25x80xi32, #tpu.memory_space<vmem>> -> memref<1x80xi32, #tpu.memory_space<vmem>>
    %dma_wait3A_31 = tpu.memref_squeeze %dma_wait3A_30 : memref<1x80xi32, #tpu.memory_space<vmem>> -> memref<80xi32, #tpu.memory_space<vmem>>
    %dma_wait3A_32 = arith.constant 0 : i32
    %dma_wait3A_33 = arith.constant 0 : i32
    %dma_wait3A_34 = tpu.memref_slice %arg9[%dma_wait3A_32, %dma_wait3A_33] : memref<10000x128xf32, #tpu.memory_space<vmem_shared>> -> memref<10000x128xf32, #tpu.memory_space<vmem_shared>>
    tpu.wait_indirect_dma semaphore(%arg13 : memref<!tpu.dma_semaphore, #tpu.memory_space<semaphore_mem>>) src(%arg8 : memref<80x128xf32, #tpu.memory_space<vmem>>) dst(%dma_wait3A_34 : memref<10000x128xf32, #tpu.memory_space<vmem_shared>>)
    %add3A_35 = arith.constant 160 : i32
    %add3A_36 = arith.addi %mul3A_2, %add3A_35 : i32
    %dma_start3A_37 = arith.constant 0 : i32
    %dma_start3A_38 = tpu.memref_slice %arg2[%add3A_36, %dma_start3A_37] : memref<64000x128xf32, #tpu.memory_space<hbm>> -> memref<80x128xf32, #tpu.memory_space<hbm>>
    %dma_start3A_39 = arith.constant 0 : i32
    %dma_start3A_40 = tpu.memref_slice %arg2[%add3A_36, %dma_start3A_39] : memref<64000x128xf32, #tpu.memory_space<hbm>> -> memref<80x128xf32, #tpu.memory_space<hbm>>
    tpu.enqueue_dma source(%dma_start3A_40 : memref<80x128xf32, #tpu.memory_space<hbm>>) target(%arg8 : memref<80x128xf32, #tpu.memory_space<vmem>>) target_semaphore(%arg11 : memref<!tpu.dma_semaphore, #tpu.memory_space<semaphore_mem>>)
    %scan3A = arith.constant 0 : i32
    %scan3A_41 = arith.constant 0 : i32
    %scan3A_42 = arith.constant 12 : i32
    %scan3A_43 = arith.addi %scan3A_41, %scan3A_42 : i32
    %scan3A_44 = arith.constant 1 : i32
    scf.for %scan3A_56 = %scan3A_41 to %scan3A_43 step %scan3A_44  : i32 {
      %mul3A_57 = arith.constant 2 : i32
      %mul3A_58 = arith.muli %mul3A_57, %scan3A_56 : i32
      %add3A_59 = arith.constant 1 : i32
      %add3A_60 = arith.addi %mul3A_58, %add3A_59 : i32
      %mul3A_61 = arith.constant 2 : i32
      %mul3A_62 = arith.muli %mul3A_61, %scan3A_56 : i32
      %add3A_63 = arith.constant 2 : i32
      %add3A_64 = arith.addi %mul3A_62, %add3A_63 : i32
      %mul3A_65 = arith.constant 80 : i32
      %mul3A_66 = arith.muli %add3A_60, %mul3A_65 : i32
      %add3A_67 = arith.addi %mul3A_2, %mul3A_66 : i32
      %dma_wait3A_68 = arith.constant 0 : i32
      %dma_wait3A_69 = tpu.memref_slice %arg2[%add3A_67, %dma_wait3A_68] : memref<64000x128xf32, #tpu.memory_space<hbm>> -> memref<80x128xf32, #tpu.memory_space<hbm>>
      %dma_wait3A_70 = arith.constant 0 : i32
      %dma_wait3A_71 = tpu.memref_slice %arg2[%add3A_67, %dma_wait3A_70] : memref<64000x128xf32, #tpu.memory_space<hbm>> -> memref<80x128xf32, #tpu.memory_space<hbm>>
      tpu.wait_dma2 semaphore(%arg10 : memref<!tpu.dma_semaphore, #tpu.memory_space<semaphore_mem>>) src(%dma_wait3A_71 : memref<80x128xf32, #tpu.memory_space<hbm>>) dst(%arg7 : memref<80x128xf32, #tpu.memory_space<vmem>>)
      %add3A_72 = arith.constant 0 : i32
      %add3A_73 = arith.addi %add3A_72, %add3A_60 : i32
      %dma_start3A_74 = arith.constant 0 : i32
      %dma_start3A_75 = tpu.memref_slice %arg6[%add3A_73, %dma_start3A_74] : memref<25x80xi32, #tpu.memory_space<vmem>> -> memref<1x80xi32, #tpu.memory_space<vmem>>
      %dma_start3A_76 = tpu.memref_squeeze %dma_start3A_75 : memref<1x80xi32, #tpu.memory_space<vmem>> -> memref<80xi32, #tpu.memory_space<vmem>>
      %dma_start3A_77 = arith.constant 0 : i32
      %dma_start3A_78 = arith.constant 0 : i32
      %dma_start3A_79 = tpu.memref_slice %arg9[%dma_start3A_77, %dma_start3A_78] : memref<10000x128xf32, #tpu.memory_space<vmem_shared>> -> memref<10000x128xf32, #tpu.memory_space<vmem_shared>>
      tpu.enqueue_indirect_dma source(%arg7 : memref<80x128xf32, #tpu.memory_space<vmem>>) target(%dma_start3A_79 : memref<10000x128xf32, #tpu.memory_space<vmem_shared>>) offsets(%dma_start3A_76 : memref<80xi32, #tpu.memory_space<vmem>>) semaphore(%arg12 : memref<!tpu.dma_semaphore, #tpu.memory_space<semaphore_mem>>) {add = true}
      %mul3A_80 = arith.constant 80 : i32
      %mul3A_81 = arith.muli %add3A_64, %mul3A_80 : i32
      %add3A_82 = arith.addi %mul3A_2, %mul3A_81 : i32
      %dma_wait3A_83 = arith.constant 0 : i32
      %dma_wait3A_84 = tpu.memref_slice %arg2[%add3A_82, %dma_wait3A_83] : memref<64000x128xf32, #tpu.memory_space<hbm>> -> memref<80x128xf32, #tpu.memory_space<hbm>>
      %dma_wait3A_85 = arith.constant 0 : i32
      %dma_wait3A_86 = tpu.memref_slice %arg2[%add3A_82, %dma_wait3A_85] : memref<64000x128xf32, #tpu.memory_space<hbm>> -> memref<80x128xf32, #tpu.memory_space<hbm>>
      tpu.wait_dma2 semaphore(%arg11 : memref<!tpu.dma_semaphore, #tpu.memory_space<semaphore_mem>>) src(%dma_wait3A_86 : memref<80x128xf32, #tpu.memory_space<hbm>>) dst(%arg8 : memref<80x128xf32, #tpu.memory_space<vmem>>)
      %add3A_87 = arith.constant 0 : i32
      %add3A_88 = arith.addi %add3A_87, %add3A_64 : i32
      %dma_start3A_89 = arith.constant 0 : i32
      %dma_start3A_90 = tpu.memref_slice %arg6[%add3A_88, %dma_start3A_89] : memref<25x80xi32, #tpu.memory_space<vmem>> -> memref<1x80xi32, #tpu.memory_space<vmem>>
      %dma_start3A_91 = tpu.memref_squeeze %dma_start3A_90 : memref<1x80xi32, #tpu.memory_space<vmem>> -> memref<80xi32, #tpu.memory_space<vmem>>
      %dma_start3A_92 = arith.constant 0 : i32
      %dma_start3A_93 = arith.constant 0 : i32
      %dma_start3A_94 = tpu.memref_slice %arg9[%dma_start3A_92, %dma_start3A_93] : memref<10000x128xf32, #tpu.memory_space<vmem_shared>> -> memref<10000x128xf32, #tpu.memory_space<vmem_shared>>
      tpu.enqueue_indirect_dma source(%arg8 : memref<80x128xf32, #tpu.memory_space<vmem>>) target(%dma_start3A_94 : memref<10000x128xf32, #tpu.memory_space<vmem_shared>>) offsets(%dma_start3A_91 : memref<80xi32, #tpu.memory_space<vmem>>) semaphore(%arg13 : memref<!tpu.dma_semaphore, #tpu.memory_space<semaphore_mem>>) {add = true}
      %add3A_95 = arith.constant 0 : i32
      %add3A_96 = arith.addi %add3A_95, %add3A_60 : i32
      %dma_wait3A_97 = arith.constant 0 : i32
      %dma_wait3A_98 = tpu.memref_slice %arg6[%add3A_96, %dma_wait3A_97] : memref<25x80xi32, #tpu.memory_space<vmem>> -> memref<1x80xi32, #tpu.memory_space<vmem>>
      %dma_wait3A_99 = tpu.memref_squeeze %dma_wait3A_98 : memref<1x80xi32, #tpu.memory_space<vmem>> -> memref<80xi32, #tpu.memory_space<vmem>>
      %dma_wait3A_100 = arith.constant 0 : i32
      %dma_wait3A_101 = arith.constant 0 : i32
      %dma_wait3A_102 = tpu.memref_slice %arg9[%dma_wait3A_100, %dma_wait3A_101] : memref<10000x128xf32, #tpu.memory_space<vmem_shared>> -> memref<10000x128xf32, #tpu.memory_space<vmem_shared>>
      tpu.wait_indirect_dma semaphore(%arg12 : memref<!tpu.dma_semaphore, #tpu.memory_space<semaphore_mem>>) src(%arg7 : memref<80x128xf32, #tpu.memory_space<vmem>>) dst(%dma_wait3A_102 : memref<10000x128xf32, #tpu.memory_space<vmem_shared>>)
      %lt3A_103 = arith.constant 11 : i32
      %lt3A_104 = arith.cmpi slt, %scan3A_56, %lt3A_103 : i32
      %convert_element_type3A_105 = arith.extui %lt3A_104 : i1 to i32
      %cond3A_106 = arith.constant 0 : i32
      %cond3A_107 = arith.cmpi ne, %convert_element_type3A_105, %cond3A_106 : i32
      scf.if %cond3A_107 {
        %add3A_121 = arith.constant 2 : i32
        %add3A_122 = arith.addi %add3A_60, %add3A_121 : i32
        %mul3A_123 = arith.constant 80 : i32
        %mul3A_124 = arith.muli %add3A_122, %mul3A_123 : i32
        %add3A_125 = arith.addi %mul3A_2, %mul3A_124 : i32
        %dma_start3A_126 = arith.constant 0 : i32
        %dma_start3A_127 = tpu.memref_slice %arg2[%add3A_125, %dma_start3A_126] : memref<64000x128xf32, #tpu.memory_space<hbm>> -> memref<80x128xf32, #tpu.memory_space<hbm>>
        %dma_start3A_128 = arith.constant 0 : i32
        %dma_start3A_129 = tpu.memref_slice %arg2[%add3A_125, %dma_start3A_128] : memref<64000x128xf32, #tpu.memory_space<hbm>> -> memref<80x128xf32, #tpu.memory_space<hbm>>
        tpu.enqueue_dma source(%dma_start3A_129 : memref<80x128xf32, #tpu.memory_space<hbm>>) target(%arg7 : memref<80x128xf32, #tpu.memory_space<vmem>>) target_semaphore(%arg10 : memref<!tpu.dma_semaphore, #tpu.memory_space<semaphore_mem>>)
      } else {
      }
      %add3A_108 = arith.constant 0 : i32
      %add3A_109 = arith.addi %add3A_108, %add3A_64 : i32
      %dma_wait3A_110 = arith.constant 0 : i32
      %dma_wait3A_111 = tpu.memref_slice %arg6[%add3A_109, %dma_wait3A_110] : memref<25x80xi32, #tpu.memory_space<vmem>> -> memref<1x80xi32, #tpu.memory_space<vmem>>
      %dma_wait3A_112 = tpu.memref_squeeze %dma_wait3A_111 : memref<1x80xi32, #tpu.memory_space<vmem>> -> memref<80xi32, #tpu.memory_space<vmem>>
      %dma_wait3A_113 = arith.constant 0 : i32
      %dma_wait3A_114 = arith.constant 0 : i32
      %dma_wait3A_115 = tpu.memref_slice %arg9[%dma_wait3A_113, %dma_wait3A_114] : memref<10000x128xf32, #tpu.memory_space<vmem_shared>> -> memref<10000x128xf32, #tpu.memory_space<vmem_shared>>
      tpu.wait_indirect_dma semaphore(%arg13 : memref<!tpu.dma_semaphore, #tpu.memory_space<semaphore_mem>>) src(%arg8 : memref<80x128xf32, #tpu.memory_space<vmem>>) dst(%dma_wait3A_115 : memref<10000x128xf32, #tpu.memory_space<vmem_shared>>)
      %lt3A_116 = arith.constant 11 : i32
      %lt3A_117 = arith.cmpi slt, %scan3A_56, %lt3A_116 : i32
      %convert_element_type3A_118 = arith.extui %lt3A_117 : i1 to i32
      %cond3A_119 = arith.constant 0 : i32
      %cond3A_120 = arith.cmpi ne, %convert_element_type3A_118, %cond3A_119 : i32
      scf.if %cond3A_120 {
        %add3A_121 = arith.constant 2 : i32
        %add3A_122 = arith.addi %add3A_64, %add3A_121 : i32
        %mul3A_123 = arith.constant 80 : i32
        %mul3A_124 = arith.muli %add3A_122, %mul3A_123 : i32
        %add3A_125 = arith.addi %mul3A_2, %mul3A_124 : i32
        %dma_start3A_126 = arith.constant 0 : i32
        %dma_start3A_127 = tpu.memref_slice %arg2[%add3A_125, %dma_start3A_126] : memref<64000x128xf32, #tpu.memory_space<hbm>> -> memref<80x128xf32, #tpu.memory_space<hbm>>
        %dma_start3A_128 = arith.constant 0 : i32
        %dma_start3A_129 = tpu.memref_slice %arg2[%add3A_125, %dma_start3A_128] : memref<64000x128xf32, #tpu.memory_space<hbm>> -> memref<80x128xf32, #tpu.memory_space<hbm>>
        tpu.enqueue_dma source(%dma_start3A_129 : memref<80x128xf32, #tpu.memory_space<hbm>>) target(%arg8 : memref<80x128xf32, #tpu.memory_space<vmem>>) target_semaphore(%arg11 : memref<!tpu.dma_semaphore, #tpu.memory_space<semaphore_mem>>)
      } else {
      }
    }
    %scan3A_45 = arith.constant 12 : i32
    %barrier3A_46 = arith.constant 0 : index
    tpu.barrier barrier_id(%barrier3A_46)
    %lt3A = arith.constant 15 : i32
    %lt3A_47 = arith.cmpi slt, %arg1, %lt3A : i32
    %convert_element_type3A_48 = arith.extui %lt3A_47 : i1 to i32
    %cond3A_49 = arith.constant 0 : i32
    %cond3A_50 = arith.cmpi ne, %convert_element_type3A_48, %cond3A_49 : i32
    scf.if %cond3A_50 {
      %mul3A_56 = arith.constant 640 : i32
      %mul3A_57 = arith.muli %arg1, %mul3A_56 : i32
      %mul3A_58 = arith.constant 640 : i32
      %mul3A_59 = arith.muli %arg1, %mul3A_58 : i32
      "tpu.region"() ({
        %run_scoped3A = tpu.sem_alloc : memref<!tpu.dma_semaphore, #tpu.memory_space<semaphore_mem>>
        %dma_start3A_60 = arith.constant 0 : i32
        %dma_start3A_61 = tpu.memref_slice %arg5[%arg0, %mul3A_59, %dma_start3A_60] : memref<2x10000x128xf32, #tpu.memory_space<hbm>> -> memref<1x640x128xf32, #tpu.memory_space<hbm>>
        %dma_start3A_62 = tpu.memref_squeeze %dma_start3A_61 : memref<1x640x128xf32, #tpu.memory_space<hbm>> -> memref<640x128xf32, #tpu.memory_space<hbm>>
        %dma_start3A_63 = arith.constant 0 : i32
        %dma_start3A_64 = tpu.memref_slice %arg9[%mul3A_57, %dma_start3A_63] : memref<10000x128xf32, #tpu.memory_space<vmem_shared>> -> memref<640x128xf32, #tpu.memory_space<vmem_shared>>
        tpu.enqueue_dma source(%dma_start3A_64 : memref<640x128xf32, #tpu.memory_space<vmem_shared>>) target(%dma_start3A_62 : memref<640x128xf32, #tpu.memory_space<hbm>>) target_semaphore(%run_scoped3A : memref<!tpu.dma_semaphore, #tpu.memory_space<semaphore_mem>>)
        %dma_wait3A_65 = arith.constant 0 : i32
        %dma_wait3A_66 = tpu.memref_slice %arg5[%arg0, %mul3A_59, %dma_wait3A_65] : memref<2x10000x128xf32, #tpu.memory_space<hbm>> -> memref<1x640x128xf32, #tpu.memory_space<hbm>>
        %dma_wait3A_67 = tpu.memref_squeeze %dma_wait3A_66 : memref<1x640x128xf32, #tpu.memory_space<hbm>> -> memref<640x128xf32, #tpu.memory_space<hbm>>
        %dma_wait3A_68 = arith.constant 0 : i32
        %dma_wait3A_69 = tpu.memref_slice %arg9[%mul3A_57, %dma_wait3A_68] : memref<10000x128xf32, #tpu.memory_space<vmem_shared>> -> memref<640x128xf32, #tpu.memory_space<vmem_shared>>
        tpu.wait_dma2 semaphore(%run_scoped3A : memref<!tpu.dma_semaphore, #tpu.memory_space<semaphore_mem>>) src(%dma_wait3A_69 : memref<640x128xf32, #tpu.memory_space<vmem_shared>>) dst(%dma_wait3A_67 : memref<640x128xf32, #tpu.memory_space<hbm>>)
        tpu.yield
      }) : () -> ()
    } else {
    }
    %eq3A_51 = arith.constant 15 : i32
    %eq3A_52 = arith.cmpi eq, %arg1, %eq3A_51 : i32
    %convert_element_type3A_53 = arith.extui %eq3A_52 : i1 to i32
    %cond3A_54 = arith.constant 0 : i32
    %cond3A_55 = arith.cmpi ne, %convert_element_type3A_53, %cond3A_54 : i32
    scf.if %cond3A_55 {
      "tpu.region"() ({
        %run_scoped3A = tpu.sem_alloc : memref<!tpu.dma_semaphore, #tpu.memory_space<semaphore_mem>>
        %dma_start3A_56 = arith.constant 9600 : i32
        %dma_start3A_57 = arith.constant 0 : i32
        %dma_start3A_58 = tpu.memref_slice %arg5[%arg0, %dma_start3A_56, %dma_start3A_57] : memref<2x10000x128xf32, #tpu.memory_space<hbm>> -> memref<1x400x128xf32, #tpu.memory_space<hbm>>
        %dma_start3A_59 = tpu.memref_squeeze %dma_start3A_58 : memref<1x400x128xf32, #tpu.memory_space<hbm>> -> memref<400x128xf32, #tpu.memory_space<hbm>>
        %dma_start3A_60 = arith.constant 9600 : i32
        %dma_start3A_61 = arith.constant 0 : i32
        %dma_start3A_62 = tpu.memref_slice %arg9[%dma_start3A_60, %dma_start3A_61] : memref<10000x128xf32, #tpu.memory_space<vmem_shared>> -> memref<400x128xf32, #tpu.memory_space<vmem_shared>>
        tpu.enqueue_dma source(%dma_start3A_62 : memref<400x128xf32, #tpu.memory_space<vmem_shared>>) target(%dma_start3A_59 : memref<400x128xf32, #tpu.memory_space<hbm>>) target_semaphore(%run_scoped3A : memref<!tpu.dma_semaphore, #tpu.memory_space<semaphore_mem>>)
        %dma_wait3A_63 = arith.constant 9600 : i32
        %dma_wait3A_64 = arith.constant 0 : i32
        %dma_wait3A_65 = tpu.memref_slice %arg5[%arg0, %dma_wait3A_63, %dma_wait3A_64] : memref<2x10000x128xf32, #tpu.memory_space<hbm>> -> memref<1x400x128xf32, #tpu.memory_space<hbm>>
        %dma_wait3A_66 = tpu.memref_squeeze %dma_wait3A_65 : memref<1x400x128xf32, #tpu.memory_space<hbm>> -> memref<400x128xf32, #tpu.memory_space<hbm>>
        %dma_wait3A_67 = arith.constant 9600 : i32
        %dma_wait3A_68 = arith.constant 0 : i32
        %dma_wait3A_69 = tpu.memref_slice %arg9[%dma_wait3A_67, %dma_wait3A_68] : memref<10000x128xf32, #tpu.memory_space<vmem_shared>> -> memref<400x128xf32, #tpu.memory_space<vmem_shared>>
        tpu.wait_dma2 semaphore(%run_scoped3A : memref<!tpu.dma_semaphore, #tpu.memory_space<semaphore_mem>>) src(%dma_wait3A_69 : memref<400x128xf32, #tpu.memory_space<vmem_shared>>) dst(%dma_wait3A_66 : memref<400x128xf32, #tpu.memory_space<hbm>>)
        tpu.yield
      }) : () -> ()
    } else {
    }
    return
  }
}

#map = affine_map<(d0, d1) -> (0, 0, 0)>
#map1 = affine_map<(d0, d1) -> (0, 0, 0, 0)>
module attributes {stable_mosaic.version = 14 : i64} {
  func.func @_gather_spmem_body(%arg0: i32, %arg1: i32, %arg2: memref<2x10000x128xf32, #tpu.memory_space<hbm>>, %arg3: memref<2x16x50x80xi32, #tpu.memory_space<hbm>>, %arg4: memref<2x64000x128xf32, #tpu.memory_space<hbm>>, %arg5: memref<10000x128xf32, #tpu.memory_space<vmem_shared>>, %arg6: memref<50x80xi32, #tpu.memory_space<vmem>>, %arg7: memref<80x128xf32, #tpu.memory_space<vmem>>, %arg8: memref<80x128xf32, #tpu.memory_space<vmem>>, %arg9: memref<!tpu.dma_semaphore, #tpu.memory_space<semaphore_mem>>, %arg10: memref<!tpu.dma_semaphore, #tpu.memory_space<semaphore_mem>>, %arg11: memref<!tpu.dma_semaphore, #tpu.memory_space<semaphore_mem>>, %arg12: memref<!tpu.dma_semaphore, #tpu.memory_space<semaphore_mem>>) attributes {dimension_semantics = [#tpu.dimension_semantics<core_parallel>, #tpu.dimension_semantics<subcore_parallel>], iteration_bounds = array<i64: 2, 16>, scalar_prefetch = 0 : i64, scratch_operands = 8 : i64, tpu.core_type = #tpu.core_type<sc_vector_subcore>, window_params = [{transform_indices = #map}, {transform_indices = #map1}, {transform_indices = #map}]} {
    %mul3A = arith.constant 4000 : i32
    %mul3A_0 = arith.muli %arg1, %mul3A : i32
    %lt3A = arith.constant 15 : i32
    %lt3A_1 = arith.cmpi slt, %arg1, %lt3A : i32
    %convert_element_type3A = arith.extui %lt3A_1 : i1 to i32
    %cond3A = arith.constant 0 : i32
    %cond3A_2 = arith.cmpi ne, %convert_element_type3A, %cond3A : i32
    scf.if %cond3A_2 {
      %mul3A_25 = arith.constant 640 : i32
      %mul3A_26 = arith.muli %arg1, %mul3A_25 : i32
      %mul3A_27 = arith.constant 640 : i32
      %mul3A_28 = arith.muli %arg1, %mul3A_27 : i32
      "tpu.region"() ({
        %run_scoped3A = tpu.sem_alloc : memref<!tpu.dma_semaphore, #tpu.memory_space<semaphore_mem>>
        %dma_start3A_29 = arith.constant 0 : i32
        %dma_start3A_30 = tpu.memref_slice %arg5[%mul3A_28, %dma_start3A_29] : memref<10000x128xf32, #tpu.memory_space<vmem_shared>> -> memref<640x128xf32, #tpu.memory_space<vmem_shared>>
        %dma_start3A_31 = arith.constant 0 : i32
        %dma_start3A_32 = tpu.memref_slice %arg2[%arg0, %mul3A_26, %dma_start3A_31] : memref<2x10000x128xf32, #tpu.memory_space<hbm>> -> memref<1x640x128xf32, #tpu.memory_space<hbm>>
        %dma_start3A_33 = tpu.memref_squeeze %dma_start3A_32 : memref<1x640x128xf32, #tpu.memory_space<hbm>> -> memref<640x128xf32, #tpu.memory_space<hbm>>
        tpu.enqueue_dma source(%dma_start3A_33 : memref<640x128xf32, #tpu.memory_space<hbm>>) target(%dma_start3A_30 : memref<640x128xf32, #tpu.memory_space<vmem_shared>>) target_semaphore(%run_scoped3A : memref<!tpu.dma_semaphore, #tpu.memory_space<semaphore_mem>>)
        %dma_wait3A = arith.constant 0 : i32
        %dma_wait3A_34 = tpu.memref_slice %arg5[%mul3A_28, %dma_wait3A] : memref<10000x128xf32, #tpu.memory_space<vmem_shared>> -> memref<640x128xf32, #tpu.memory_space<vmem_shared>>
        %dma_wait3A_35 = arith.constant 0 : i32
        %dma_wait3A_36 = tpu.memref_slice %arg2[%arg0, %mul3A_26, %dma_wait3A_35] : memref<2x10000x128xf32, #tpu.memory_space<hbm>> -> memref<1x640x128xf32, #tpu.memory_space<hbm>>
        %dma_wait3A_37 = tpu.memref_squeeze %dma_wait3A_36 : memref<1x640x128xf32, #tpu.memory_space<hbm>> -> memref<640x128xf32, #tpu.memory_space<hbm>>
        tpu.wait_dma2 semaphore(%run_scoped3A : memref<!tpu.dma_semaphore, #tpu.memory_space<semaphore_mem>>) src(%dma_wait3A_37 : memref<640x128xf32, #tpu.memory_space<hbm>>) dst(%dma_wait3A_34 : memref<640x128xf32, #tpu.memory_space<vmem_shared>>)
        tpu.yield
      }) : () -> ()
    } else {
    }
    %eq3A = arith.constant 15 : i32
    %eq3A_3 = arith.cmpi eq, %arg1, %eq3A : i32
    %convert_element_type3A_4 = arith.extui %eq3A_3 : i1 to i32
    %cond3A_5 = arith.constant 0 : i32
    %cond3A_6 = arith.cmpi ne, %convert_element_type3A_4, %cond3A_5 : i32
    scf.if %cond3A_6 {
      "tpu.region"() ({
        %run_scoped3A = tpu.sem_alloc : memref<!tpu.dma_semaphore, #tpu.memory_space<semaphore_mem>>
        %dma_start3A_25 = arith.constant 9600 : i32
        %dma_start3A_26 = arith.constant 0 : i32
        %dma_start3A_27 = tpu.memref_slice %arg5[%dma_start3A_25, %dma_start3A_26] : memref<10000x128xf32, #tpu.memory_space<vmem_shared>> -> memref<400x128xf32, #tpu.memory_space<vmem_shared>>
        %dma_start3A_28 = arith.constant 9600 : i32
        %dma_start3A_29 = arith.constant 0 : i32
        %dma_start3A_30 = tpu.memref_slice %arg2[%arg0, %dma_start3A_28, %dma_start3A_29] : memref<2x10000x128xf32, #tpu.memory_space<hbm>> -> memref<1x400x128xf32, #tpu.memory_space<hbm>>
        %dma_start3A_31 = tpu.memref_squeeze %dma_start3A_30 : memref<1x400x128xf32, #tpu.memory_space<hbm>> -> memref<400x128xf32, #tpu.memory_space<hbm>>
        tpu.enqueue_dma source(%dma_start3A_31 : memref<400x128xf32, #tpu.memory_space<hbm>>) target(%dma_start3A_27 : memref<400x128xf32, #tpu.memory_space<vmem_shared>>) target_semaphore(%run_scoped3A : memref<!tpu.dma_semaphore, #tpu.memory_space<semaphore_mem>>)
        %dma_wait3A = arith.constant 9600 : i32
        %dma_wait3A_32 = arith.constant 0 : i32
        %dma_wait3A_33 = tpu.memref_slice %arg5[%dma_wait3A, %dma_wait3A_32] : memref<10000x128xf32, #tpu.memory_space<vmem_shared>> -> memref<400x128xf32, #tpu.memory_space<vmem_shared>>
        %dma_wait3A_34 = arith.constant 9600 : i32
        %dma_wait3A_35 = arith.constant 0 : i32
        %dma_wait3A_36 = tpu.memref_slice %arg2[%arg0, %dma_wait3A_34, %dma_wait3A_35] : memref<2x10000x128xf32, #tpu.memory_space<hbm>> -> memref<1x400x128xf32, #tpu.memory_space<hbm>>
        %dma_wait3A_37 = tpu.memref_squeeze %dma_wait3A_36 : memref<1x400x128xf32, #tpu.memory_space<hbm>> -> memref<400x128xf32, #tpu.memory_space<hbm>>
        tpu.wait_dma2 semaphore(%run_scoped3A : memref<!tpu.dma_semaphore, #tpu.memory_space<semaphore_mem>>) src(%dma_wait3A_37 : memref<400x128xf32, #tpu.memory_space<hbm>>) dst(%dma_wait3A_33 : memref<400x128xf32, #tpu.memory_space<vmem_shared>>)
        tpu.yield
      }) : () -> ()
    } else {
    }
    %barrier3A = arith.constant 0 : index
    tpu.barrier barrier_id(%barrier3A)
    "tpu.region"() ({
      %run_scoped3A = tpu.sem_alloc : memref<!tpu.dma_semaphore, #tpu.memory_space<semaphore_mem>>
      %dma_start3A_25 = arith.constant 0 : i32
      %dma_start3A_26 = arith.constant 0 : i32
      %dma_start3A_27 = tpu.memref_slice %arg3[%arg0, %arg1, %dma_start3A_25, %dma_start3A_26] : memref<2x16x50x80xi32, #tpu.memory_space<hbm>> -> memref<1x1x50x80xi32, #tpu.memory_space<hbm>>
      %dma_start3A_28 = tpu.memref_squeeze %dma_start3A_27 : memref<1x1x50x80xi32, #tpu.memory_space<hbm>> -> memref<50x80xi32, #tpu.memory_space<hbm>>
      %dma_start3A_29 = arith.constant 0 : i32
      %dma_start3A_30 = arith.constant 0 : i32
      %dma_start3A_31 = tpu.memref_slice %arg3[%arg0, %arg1, %dma_start3A_29, %dma_start3A_30] : memref<2x16x50x80xi32, #tpu.memory_space<hbm>> -> memref<1x1x50x80xi32, #tpu.memory_space<hbm>>
      %dma_start3A_32 = tpu.memref_squeeze %dma_start3A_31 : memref<1x1x50x80xi32, #tpu.memory_space<hbm>> -> memref<50x80xi32, #tpu.memory_space<hbm>>
      tpu.enqueue_dma source(%dma_start3A_32 : memref<50x80xi32, #tpu.memory_space<hbm>>) target(%arg6 : memref<50x80xi32, #tpu.memory_space<vmem>>) target_semaphore(%run_scoped3A : memref<!tpu.dma_semaphore, #tpu.memory_space<semaphore_mem>>)
      %dma_wait3A = arith.constant 0 : i32
      %dma_wait3A_33 = arith.constant 0 : i32
      %dma_wait3A_34 = tpu.memref_slice %arg3[%arg0, %arg1, %dma_wait3A, %dma_wait3A_33] : memref<2x16x50x80xi32, #tpu.memory_space<hbm>> -> memref<1x1x50x80xi32, #tpu.memory_space<hbm>>
      %dma_wait3A_35 = tpu.memref_squeeze %dma_wait3A_34 : memref<1x1x50x80xi32, #tpu.memory_space<hbm>> -> memref<50x80xi32, #tpu.memory_space<hbm>>
      %dma_wait3A_36 = arith.constant 0 : i32
      %dma_wait3A_37 = arith.constant 0 : i32
      %dma_wait3A_38 = tpu.memref_slice %arg3[%arg0, %arg1, %dma_wait3A_36, %dma_wait3A_37] : memref<2x16x50x80xi32, #tpu.memory_space<hbm>> -> memref<1x1x50x80xi32, #tpu.memory_space<hbm>>
      %dma_wait3A_39 = tpu.memref_squeeze %dma_wait3A_38 : memref<1x1x50x80xi32, #tpu.memory_space<hbm>> -> memref<50x80xi32, #tpu.memory_space<hbm>>
      tpu.wait_dma2 semaphore(%run_scoped3A : memref<!tpu.dma_semaphore, #tpu.memory_space<semaphore_mem>>) src(%dma_wait3A_39 : memref<50x80xi32, #tpu.memory_space<hbm>>) dst(%arg6 : memref<50x80xi32, #tpu.memory_space<vmem>>)
      tpu.yield
    }) : () -> ()
    %dma_start3A = arith.constant 0 : i32
    %dma_start3A_7 = arith.constant 0 : i32
    %dma_start3A_8 = tpu.memref_slice %arg6[%dma_start3A, %dma_start3A_7] : memref<50x80xi32, #tpu.memory_space<vmem>> -> memref<1x80xi32, #tpu.memory_space<vmem>>
    %dma_start3A_9 = tpu.memref_squeeze %dma_start3A_8 : memref<1x80xi32, #tpu.memory_space<vmem>> -> memref<80xi32, #tpu.memory_space<vmem>>
    %dma_start3A_10 = arith.constant 0 : i32
    %dma_start3A_11 = arith.constant 0 : i32
    %dma_start3A_12 = tpu.memref_slice %arg5[%dma_start3A_10, %dma_start3A_11] : memref<10000x128xf32, #tpu.memory_space<vmem_shared>> -> memref<10000x128xf32, #tpu.memory_space<vmem_shared>>
    tpu.enqueue_indirect_dma source(%dma_start3A_12 : memref<10000x128xf32, #tpu.memory_space<vmem_shared>>) target(%arg7 : memref<80x128xf32, #tpu.memory_space<vmem>>) offsets(%dma_start3A_9 : memref<80xi32, #tpu.memory_space<vmem>>) semaphore(%arg9 : memref<!tpu.dma_semaphore, #tpu.memory_space<semaphore_mem>>)
    %dma_start3A_13 = arith.constant 1 : i32
    %dma_start3A_14 = arith.constant 0 : i32
    %dma_start3A_15 = tpu.memref_slice %arg6[%dma_start3A_13, %dma_start3A_14] : memref<50x80xi32, #tpu.memory_space<vmem>> -> memref<1x80xi32, #tpu.memory_space<vmem>>
    %dma_start3A_16 = tpu.memref_squeeze %dma_start3A_15 : memref<1x80xi32, #tpu.memory_space<vmem>> -> memref<80xi32, #tpu.memory_space<vmem>>
    %dma_start3A_17 = arith.constant 0 : i32
    %dma_start3A_18 = arith.constant 0 : i32
    %dma_start3A_19 = tpu.memref_slice %arg5[%dma_start3A_17, %dma_start3A_18] : memref<10000x128xf32, #tpu.memory_space<vmem_shared>> -> memref<10000x128xf32, #tpu.memory_space<vmem_shared>>
    tpu.enqueue_indirect_dma source(%dma_start3A_19 : memref<10000x128xf32, #tpu.memory_space<vmem_shared>>) target(%arg8 : memref<80x128xf32, #tpu.memory_space<vmem>>) offsets(%dma_start3A_16 : memref<80xi32, #tpu.memory_space<vmem>>) semaphore(%arg10 : memref<!tpu.dma_semaphore, #tpu.memory_space<semaphore_mem>>)
    %scan3A = arith.constant 0 : i32
    %scan3A_20 = arith.constant 0 : i32
    %scan3A_21 = arith.constant 25 : i32
    %scan3A_22 = arith.addi %scan3A_20, %scan3A_21 : i32
    %scan3A_23 = arith.constant 1 : i32
    scf.for %scan3A_25 = %scan3A_20 to %scan3A_22 step %scan3A_23  : i32 {
      %mul3A_26 = arith.constant 2 : i32
      %mul3A_27 = arith.muli %mul3A_26, %scan3A_25 : i32
      %mul3A_28 = arith.constant 2 : i32
      %mul3A_29 = arith.muli %mul3A_28, %scan3A_25 : i32
      %add3A = arith.constant 1 : i32
      %add3A_30 = arith.addi %mul3A_29, %add3A : i32
      %dma_wait3A = arith.constant 0 : i32
      %dma_wait3A_31 = tpu.memref_slice %arg6[%mul3A_27, %dma_wait3A] : memref<50x80xi32, #tpu.memory_space<vmem>> -> memref<1x80xi32, #tpu.memory_space<vmem>>
      %dma_wait3A_32 = tpu.memref_squeeze %dma_wait3A_31 : memref<1x80xi32, #tpu.memory_space<vmem>> -> memref<80xi32, #tpu.memory_space<vmem>>
      %dma_wait3A_33 = arith.constant 0 : i32
      %dma_wait3A_34 = arith.constant 0 : i32
      %dma_wait3A_35 = tpu.memref_slice %arg5[%dma_wait3A_33, %dma_wait3A_34] : memref<10000x128xf32, #tpu.memory_space<vmem_shared>> -> memref<10000x128xf32, #tpu.memory_space<vmem_shared>>
      tpu.wait_indirect_dma semaphore(%arg9 : memref<!tpu.dma_semaphore, #tpu.memory_space<semaphore_mem>>) src(%dma_wait3A_35 : memref<10000x128xf32, #tpu.memory_space<vmem_shared>>) dst(%arg7 : memref<80x128xf32, #tpu.memory_space<vmem>>)
      %mul3A_36 = arith.constant 80 : i32
      %mul3A_37 = arith.muli %mul3A_27, %mul3A_36 : i32
      %add3A_38 = arith.addi %mul3A_0, %mul3A_37 : i32
      %dma_start3A_39 = arith.constant 0 : i32
      %dma_start3A_40 = tpu.memref_slice %arg4[%arg0, %add3A_38, %dma_start3A_39] : memref<2x64000x128xf32, #tpu.memory_space<hbm>> -> memref<1x80x128xf32, #tpu.memory_space<hbm>>
      %dma_start3A_41 = tpu.memref_squeeze %dma_start3A_40 : memref<1x80x128xf32, #tpu.memory_space<hbm>> -> memref<80x128xf32, #tpu.memory_space<hbm>>
      %dma_start3A_42 = arith.constant 0 : i32
      %dma_start3A_43 = tpu.memref_slice %arg4[%arg0, %add3A_38, %dma_start3A_42] : memref<2x64000x128xf32, #tpu.memory_space<hbm>> -> memref<1x80x128xf32, #tpu.memory_space<hbm>>
      %dma_start3A_44 = tpu.memref_squeeze %dma_start3A_43 : memref<1x80x128xf32, #tpu.memory_space<hbm>> -> memref<80x128xf32, #tpu.memory_space<hbm>>
      tpu.enqueue_dma source(%arg7 : memref<80x128xf32, #tpu.memory_space<vmem>>) target(%dma_start3A_44 : memref<80x128xf32, #tpu.memory_space<hbm>>) target_semaphore(%arg11 : memref<!tpu.dma_semaphore, #tpu.memory_space<semaphore_mem>>)
      %dma_wait3A_45 = arith.constant 0 : i32
      %dma_wait3A_46 = tpu.memref_slice %arg6[%add3A_30, %dma_wait3A_45] : memref<50x80xi32, #tpu.memory_space<vmem>> -> memref<1x80xi32, #tpu.memory_space<vmem>>
      %dma_wait3A_47 = tpu.memref_squeeze %dma_wait3A_46 : memref<1x80xi32, #tpu.memory_space<vmem>> -> memref<80xi32, #tpu.memory_space<vmem>>
      %dma_wait3A_48 = arith.constant 0 : i32
      %dma_wait3A_49 = arith.constant 0 : i32
      %dma_wait3A_50 = tpu.memref_slice %arg5[%dma_wait3A_48, %dma_wait3A_49] : memref<10000x128xf32, #tpu.memory_space<vmem_shared>> -> memref<10000x128xf32, #tpu.memory_space<vmem_shared>>
      tpu.wait_indirect_dma semaphore(%arg10 : memref<!tpu.dma_semaphore, #tpu.memory_space<semaphore_mem>>) src(%dma_wait3A_50 : memref<10000x128xf32, #tpu.memory_space<vmem_shared>>) dst(%arg8 : memref<80x128xf32, #tpu.memory_space<vmem>>)
      %mul3A_51 = arith.constant 80 : i32
      %mul3A_52 = arith.muli %add3A_30, %mul3A_51 : i32
      %add3A_53 = arith.addi %mul3A_0, %mul3A_52 : i32
      %dma_start3A_54 = arith.constant 0 : i32
      %dma_start3A_55 = tpu.memref_slice %arg4[%arg0, %add3A_53, %dma_start3A_54] : memref<2x64000x128xf32, #tpu.memory_space<hbm>> -> memref<1x80x128xf32, #tpu.memory_space<hbm>>
      %dma_start3A_56 = tpu.memref_squeeze %dma_start3A_55 : memref<1x80x128xf32, #tpu.memory_space<hbm>> -> memref<80x128xf32, #tpu.memory_space<hbm>>
      %dma_start3A_57 = arith.constant 0 : i32
      %dma_start3A_58 = tpu.memref_slice %arg4[%arg0, %add3A_53, %dma_start3A_57] : memref<2x64000x128xf32, #tpu.memory_space<hbm>> -> memref<1x80x128xf32, #tpu.memory_space<hbm>>
      %dma_start3A_59 = tpu.memref_squeeze %dma_start3A_58 : memref<1x80x128xf32, #tpu.memory_space<hbm>> -> memref<80x128xf32, #tpu.memory_space<hbm>>
      tpu.enqueue_dma source(%arg8 : memref<80x128xf32, #tpu.memory_space<vmem>>) target(%dma_start3A_59 : memref<80x128xf32, #tpu.memory_space<hbm>>) target_semaphore(%arg12 : memref<!tpu.dma_semaphore, #tpu.memory_space<semaphore_mem>>)
      %mul3A_60 = arith.constant 80 : i32
      %mul3A_61 = arith.muli %mul3A_27, %mul3A_60 : i32
      %add3A_62 = arith.addi %mul3A_0, %mul3A_61 : i32
      %dma_wait3A_63 = arith.constant 0 : i32
      %dma_wait3A_64 = tpu.memref_slice %arg4[%arg0, %add3A_62, %dma_wait3A_63] : memref<2x64000x128xf32, #tpu.memory_space<hbm>> -> memref<1x80x128xf32, #tpu.memory_space<hbm>>
      %dma_wait3A_65 = tpu.memref_squeeze %dma_wait3A_64 : memref<1x80x128xf32, #tpu.memory_space<hbm>> -> memref<80x128xf32, #tpu.memory_space<hbm>>
      %dma_wait3A_66 = arith.constant 0 : i32
      %dma_wait3A_67 = tpu.memref_slice %arg4[%arg0, %add3A_62, %dma_wait3A_66] : memref<2x64000x128xf32, #tpu.memory_space<hbm>> -> memref<1x80x128xf32, #tpu.memory_space<hbm>>
      %dma_wait3A_68 = tpu.memref_squeeze %dma_wait3A_67 : memref<1x80x128xf32, #tpu.memory_space<hbm>> -> memref<80x128xf32, #tpu.memory_space<hbm>>
      tpu.wait_dma2 semaphore(%arg11 : memref<!tpu.dma_semaphore, #tpu.memory_space<semaphore_mem>>) src(%arg7 : memref<80x128xf32, #tpu.memory_space<vmem>>) dst(%dma_wait3A_68 : memref<80x128xf32, #tpu.memory_space<hbm>>)
      %lt3A_69 = arith.constant 24 : i32
      %lt3A_70 = arith.cmpi slt, %scan3A_25, %lt3A_69 : i32
      %convert_element_type3A_71 = arith.extui %lt3A_70 : i1 to i32
      %cond3A_72 = arith.constant 0 : i32
      %cond3A_73 = arith.cmpi ne, %convert_element_type3A_71, %cond3A_72 : i32
      scf.if %cond3A_73 {
        %add3A_88 = arith.constant 2 : i32
        %add3A_89 = arith.addi %mul3A_27, %add3A_88 : i32
        %dma_start3A_90 = arith.constant 0 : i32
        %dma_start3A_91 = tpu.memref_slice %arg6[%add3A_89, %dma_start3A_90] : memref<50x80xi32, #tpu.memory_space<vmem>> -> memref<1x80xi32, #tpu.memory_space<vmem>>
        %dma_start3A_92 = tpu.memref_squeeze %dma_start3A_91 : memref<1x80xi32, #tpu.memory_space<vmem>> -> memref<80xi32, #tpu.memory_space<vmem>>
        %dma_start3A_93 = arith.constant 0 : i32
        %dma_start3A_94 = arith.constant 0 : i32
        %dma_start3A_95 = tpu.memref_slice %arg5[%dma_start3A_93, %dma_start3A_94] : memref<10000x128xf32, #tpu.memory_space<vmem_shared>> -> memref<10000x128xf32, #tpu.memory_space<vmem_shared>>
        tpu.enqueue_indirect_dma source(%dma_start3A_95 : memref<10000x128xf32, #tpu.memory_space<vmem_shared>>) target(%arg7 : memref<80x128xf32, #tpu.memory_space<vmem>>) offsets(%dma_start3A_92 : memref<80xi32, #tpu.memory_space<vmem>>) semaphore(%arg9 : memref<!tpu.dma_semaphore, #tpu.memory_space<semaphore_mem>>)
      } else {
      }
      %mul3A_74 = arith.constant 80 : i32
      %mul3A_75 = arith.muli %add3A_30, %mul3A_74 : i32
      %add3A_76 = arith.addi %mul3A_0, %mul3A_75 : i32
      %dma_wait3A_77 = arith.constant 0 : i32
      %dma_wait3A_78 = tpu.memref_slice %arg4[%arg0, %add3A_76, %dma_wait3A_77] : memref<2x64000x128xf32, #tpu.memory_space<hbm>> -> memref<1x80x128xf32, #tpu.memory_space<hbm>>
      %dma_wait3A_79 = tpu.memref_squeeze %dma_wait3A_78 : memref<1x80x128xf32, #tpu.memory_space<hbm>> -> memref<80x128xf32, #tpu.memory_space<hbm>>
      %dma_wait3A_80 = arith.constant 0 : i32
      %dma_wait3A_81 = tpu.memref_slice %arg4[%arg0, %add3A_76, %dma_wait3A_80] : memref<2x64000x128xf32, #tpu.memory_space<hbm>> -> memref<1x80x128xf32, #tpu.memory_space<hbm>>
      %dma_wait3A_82 = tpu.memref_squeeze %dma_wait3A_81 : memref<1x80x128xf32, #tpu.memory_space<hbm>> -> memref<80x128xf32, #tpu.memory_space<hbm>>
      tpu.wait_dma2 semaphore(%arg12 : memref<!tpu.dma_semaphore, #tpu.memory_space<semaphore_mem>>) src(%arg8 : memref<80x128xf32, #tpu.memory_space<vmem>>) dst(%dma_wait3A_82 : memref<80x128xf32, #tpu.memory_space<hbm>>)
      %lt3A_83 = arith.constant 24 : i32
      %lt3A_84 = arith.cmpi slt, %scan3A_25, %lt3A_83 : i32
      %convert_element_type3A_85 = arith.extui %lt3A_84 : i1 to i32
      %cond3A_86 = arith.constant 0 : i32
      %cond3A_87 = arith.cmpi ne, %convert_element_type3A_85, %cond3A_86 : i32
      scf.if %cond3A_87 {
        %add3A_88 = arith.constant 2 : i32
        %add3A_89 = arith.addi %add3A_30, %add3A_88 : i32
        %dma_start3A_90 = arith.constant 0 : i32
        %dma_start3A_91 = tpu.memref_slice %arg6[%add3A_89, %dma_start3A_90] : memref<50x80xi32, #tpu.memory_space<vmem>> -> memref<1x80xi32, #tpu.memory_space<vmem>>
        %dma_start3A_92 = tpu.memref_squeeze %dma_start3A_91 : memref<1x80xi32, #tpu.memory_space<vmem>> -> memref<80xi32, #tpu.memory_space<vmem>>
        %dma_start3A_93 = arith.constant 0 : i32
        %dma_start3A_94 = arith.constant 0 : i32
        %dma_start3A_95 = tpu.memref_slice %arg5[%dma_start3A_93, %dma_start3A_94] : memref<10000x128xf32, #tpu.memory_space<vmem_shared>> -> memref<10000x128xf32, #tpu.memory_space<vmem_shared>>
        tpu.enqueue_indirect_dma source(%dma_start3A_95 : memref<10000x128xf32, #tpu.memory_space<vmem_shared>>) target(%arg8 : memref<80x128xf32, #tpu.memory_space<vmem>>) offsets(%dma_start3A_92 : memref<80xi32, #tpu.memory_space<vmem>>) semaphore(%arg10 : memref<!tpu.dma_semaphore, #tpu.memory_space<semaphore_mem>>)
      } else {
      }
    }
    %scan3A_24 = arith.constant 25 : i32
    return
  }
}

#map = affine_map<(d0, d1) -> (0, 0)>
#map1 = affine_map<(d0, d1) -> (0, 0, 0)>
module attributes {stable_mosaic.version = 14 : i64} {
  func.func @_scatter_body(%arg0: i32, %arg1: i32, %arg2: memref<64000x128xf32, #tpu.memory_space<hbm>>, %arg3: memref<32x25x80xi32, #tpu.memory_space<hbm>>, %arg4: memref<2x10000x128xf32, #tpu.memory_space<hbm>>, %arg5: memref<2x10000x128xf32, #tpu.memory_space<hbm>>, %arg6: memref<25x80xi32, #tpu.memory_space<vmem>>, %arg7: memref<80x128xf32, #tpu.memory_space<vmem>>, %arg8: memref<80x128xf32, #tpu.memory_space<vmem>>, %arg9: memref<10000x128xf32, #tpu.memory_space<vmem_shared>>, %arg10: memref<!tpu.dma_semaphore, #tpu.memory_space<semaphore_mem>>, %arg11: memref<!tpu.dma_semaphore, #tpu.memory_space<semaphore_mem>>, %arg12: memref<!tpu.dma_semaphore, #tpu.memory_space<semaphore_mem>>, %arg13: memref<!tpu.dma_semaphore, #tpu.memory_space<semaphore_mem>>) attributes {dimension_semantics = [#tpu.dimension_semantics<core_parallel>, #tpu.dimension_semantics<subcore_parallel>], iteration_bounds = array<i64: 2, 16>, scalar_prefetch = 0 : i64, scratch_operands = 8 : i64, tpu.core_type = #tpu.core_type<sc_vector_subcore>, window_params = [{transform_indices = #map}, {transform_indices = #map1}, {transform_indices = #map1}, {transform_indices = #map1}]} {
    %mul3A = arith.constant 2 : i32
    %mul3A_0 = arith.muli %arg1, %mul3A : i32
    %add3A = arith.addi %mul3A_0, %arg0 : i32
    %mul3A_1 = arith.constant 2000 : i32
    %mul3A_2 = arith.muli %add3A, %mul3A_1 : i32
    %eq3A = arith.constant 0 : i32
    %eq3A_3 = arith.cmpi eq, %arg1, %eq3A : i32
    %convert_element_type3A = arith.extui %eq3A_3 : i1 to i32
    %cond3A = arith.constant 0 : i32
    %cond3A_4 = arith.cmpi ne, %convert_element_type3A, %cond3A : i32
    scf.if %cond3A_4 {
      "tpu.region"() ({
        %run_scoped3A = tpu.sem_alloc : memref<!tpu.dma_semaphore, #tpu.memory_space<semaphore_mem>>
        %dma_start3A_56 = arith.constant 0 : i32
        %dma_start3A_57 = arith.constant 0 : i32
        %dma_start3A_58 = tpu.memref_slice %arg4[%arg0, %dma_start3A_56, %dma_start3A_57] : memref<2x10000x128xf32, #tpu.memory_space<hbm>> -> memref<1x10000x128xf32, #tpu.memory_space<hbm>>
        %dma_start3A_59 = tpu.memref_squeeze %dma_start3A_58 : memref<1x10000x128xf32, #tpu.memory_space<hbm>> -> memref<10000x128xf32, #tpu.memory_space<hbm>>
        tpu.enqueue_dma source(%dma_start3A_59 : memref<10000x128xf32, #tpu.memory_space<hbm>>) target(%arg9 : memref<10000x128xf32, #tpu.memory_space<vmem_shared>>) target_semaphore(%run_scoped3A : memref<!tpu.dma_semaphore, #tpu.memory_space<semaphore_mem>>)
        %dma_wait3A_60 = arith.constant 0 : i32
        %dma_wait3A_61 = arith.constant 0 : i32
        %dma_wait3A_62 = tpu.memref_slice %arg4[%arg0, %dma_wait3A_60, %dma_wait3A_61] : memref<2x10000x128xf32, #tpu.memory_space<hbm>> -> memref<1x10000x128xf32, #tpu.memory_space<hbm>>
        %dma_wait3A_63 = tpu.memref_squeeze %dma_wait3A_62 : memref<1x10000x128xf32, #tpu.memory_space<hbm>> -> memref<10000x128xf32, #tpu.memory_space<hbm>>
        tpu.wait_dma2 semaphore(%run_scoped3A : memref<!tpu.dma_semaphore, #tpu.memory_space<semaphore_mem>>) src(%dma_wait3A_63 : memref<10000x128xf32, #tpu.memory_space<hbm>>) dst(%arg9 : memref<10000x128xf32, #tpu.memory_space<vmem_shared>>)
        tpu.yield
      }) : () -> ()
    } else {
    }
    %barrier3A = arith.constant 0 : index
    tpu.barrier barrier_id(%barrier3A)
    "tpu.region"() ({
      %run_scoped3A = tpu.sem_alloc : memref<!tpu.dma_semaphore, #tpu.memory_space<semaphore_mem>>
      %dma_start3A_56 = arith.constant 0 : i32
      %dma_start3A_57 = arith.constant 0 : i32
      %dma_start3A_58 = tpu.memref_slice %arg3[%add3A, %dma_start3A_56, %dma_start3A_57] : memref<32x25x80xi32, #tpu.memory_space<hbm>> -> memref<1x25x80xi32, #tpu.memory_space<hbm>>
      %dma_start3A_59 = tpu.memref_squeeze %dma_start3A_58 : memref<1x25x80xi32, #tpu.memory_space<hbm>> -> memref<25x80xi32, #tpu.memory_space<hbm>>
      %dma_start3A_60 = arith.constant 0 : i32
      %dma_start3A_61 = arith.constant 0 : i32
      %dma_start3A_62 = tpu.memref_slice %arg3[%add3A, %dma_start3A_60, %dma_start3A_61] : memref<32x25x80xi32, #tpu.memory_space<hbm>> -> memref<1x25x80xi32, #tpu.memory_space<hbm>>
      %dma_start3A_63 = tpu.memref_squeeze %dma_start3A_62 : memref<1x25x80xi32, #tpu.memory_space<hbm>> -> memref<25x80xi32, #tpu.memory_space<hbm>>
      tpu.enqueue_dma source(%dma_start3A_63 : memref<25x80xi32, #tpu.memory_space<hbm>>) target(%arg6 : memref<25x80xi32, #tpu.memory_space<vmem>>) target_semaphore(%run_scoped3A : memref<!tpu.dma_semaphore, #tpu.memory_space<semaphore_mem>>)
      %dma_wait3A_64 = arith.constant 0 : i32
      %dma_wait3A_65 = arith.constant 0 : i32
      %dma_wait3A_66 = tpu.memref_slice %arg3[%add3A, %dma_wait3A_64, %dma_wait3A_65] : memref<32x25x80xi32, #tpu.memory_space<hbm>> -> memref<1x25x80xi32, #tpu.memory_space<hbm>>
      %dma_wait3A_67 = tpu.memref_squeeze %dma_wait3A_66 : memref<1x25x80xi32, #tpu.memory_space<hbm>> -> memref<25x80xi32, #tpu.memory_space<hbm>>
      %dma_wait3A_68 = arith.constant 0 : i32
      %dma_wait3A_69 = arith.constant 0 : i32
      %dma_wait3A_70 = tpu.memref_slice %arg3[%add3A, %dma_wait3A_68, %dma_wait3A_69] : memref<32x25x80xi32, #tpu.memory_space<hbm>> -> memref<1x25x80xi32, #tpu.memory_space<hbm>>
      %dma_wait3A_71 = tpu.memref_squeeze %dma_wait3A_70 : memref<1x25x80xi32, #tpu.memory_space<hbm>> -> memref<25x80xi32, #tpu.memory_space<hbm>>
      tpu.wait_dma2 semaphore(%run_scoped3A : memref<!tpu.dma_semaphore, #tpu.memory_space<semaphore_mem>>) src(%dma_wait3A_71 : memref<25x80xi32, #tpu.memory_space<hbm>>) dst(%arg6 : memref<25x80xi32, #tpu.memory_space<vmem>>)
      tpu.yield
    }) : () -> ()
    %add3A_5 = arith.constant 0 : i32
    %add3A_6 = arith.addi %mul3A_2, %add3A_5 : i32
    %dma_start3A = arith.constant 0 : i32
    %dma_start3A_7 = tpu.memref_slice %arg2[%add3A_6, %dma_start3A] : memref<64000x128xf32, #tpu.memory_space<hbm>> -> memref<80x128xf32, #tpu.memory_space<hbm>>
    %dma_start3A_8 = arith.constant 0 : i32
    %dma_start3A_9 = tpu.memref_slice %arg2[%add3A_6, %dma_start3A_8] : memref<64000x128xf32, #tpu.memory_space<hbm>> -> memref<80x128xf32, #tpu.memory_space<hbm>>
    tpu.enqueue_dma source(%dma_start3A_9 : memref<80x128xf32, #tpu.memory_space<hbm>>) target(%arg8 : memref<80x128xf32, #tpu.memory_space<vmem>>) target_semaphore(%arg11 : memref<!tpu.dma_semaphore, #tpu.memory_space<semaphore_mem>>)
    %add3A_10 = arith.constant 0 : i32
    %add3A_11 = arith.addi %mul3A_2, %add3A_10 : i32
    %dma_wait3A = arith.constant 0 : i32
    %dma_wait3A_12 = tpu.memref_slice %arg2[%add3A_11, %dma_wait3A] : memref<64000x128xf32, #tpu.memory_space<hbm>> -> memref<80x128xf32, #tpu.memory_space<hbm>>
    %dma_wait3A_13 = arith.constant 0 : i32
    %dma_wait3A_14 = tpu.memref_slice %arg2[%add3A_11, %dma_wait3A_13] : memref<64000x128xf32, #tpu.memory_space<hbm>> -> memref<80x128xf32, #tpu.memory_space<hbm>>
    tpu.wait_dma2 semaphore(%arg11 : memref<!tpu.dma_semaphore, #tpu.memory_space<semaphore_mem>>) src(%dma_wait3A_14 : memref<80x128xf32, #tpu.memory_space<hbm>>) dst(%arg8 : memref<80x128xf32, #tpu.memory_space<vmem>>)
    %dma_start3A_15 = arith.constant 0 : i32
    %dma_start3A_16 = arith.constant 0 : i32
    %dma_start3A_17 = tpu.memref_slice %arg6[%dma_start3A_15, %dma_start3A_16] : memref<25x80xi32, #tpu.memory_space<vmem>> -> memref<1x80xi32, #tpu.memory_space<vmem>>
    %dma_start3A_18 = tpu.memref_squeeze %dma_start3A_17 : memref<1x80xi32, #tpu.memory_space<vmem>> -> memref<80xi32, #tpu.memory_space<vmem>>
    %dma_start3A_19 = arith.constant 0 : i32
    %dma_start3A_20 = arith.constant 0 : i32
    %dma_start3A_21 = tpu.memref_slice %arg9[%dma_start3A_19, %dma_start3A_20] : memref<10000x128xf32, #tpu.memory_space<vmem_shared>> -> memref<10000x128xf32, #tpu.memory_space<vmem_shared>>
    tpu.enqueue_indirect_dma source(%arg8 : memref<80x128xf32, #tpu.memory_space<vmem>>) target(%dma_start3A_21 : memref<10000x128xf32, #tpu.memory_space<vmem_shared>>) offsets(%dma_start3A_18 : memref<80xi32, #tpu.memory_space<vmem>>) semaphore(%arg13 : memref<!tpu.dma_semaphore, #tpu.memory_space<semaphore_mem>>) {add = true}
    %add3A_22 = arith.constant 80 : i32
    %add3A_23 = arith.addi %mul3A_2, %add3A_22 : i32
    %dma_start3A_24 = arith.constant 0 : i32
    %dma_start3A_25 = tpu.memref_slice %arg2[%add3A_23, %dma_start3A_24] : memref<64000x128xf32, #tpu.memory_space<hbm>> -> memref<80x128xf32, #tpu.memory_space<hbm>>
    %dma_start3A_26 = arith.constant 0 : i32
    %dma_start3A_27 = tpu.memref_slice %arg2[%add3A_23, %dma_start3A_26] : memref<64000x128xf32, #tpu.memory_space<hbm>> -> memref<80x128xf32, #tpu.memory_space<hbm>>
    tpu.enqueue_dma source(%dma_start3A_27 : memref<80x128xf32, #tpu.memory_space<hbm>>) target(%arg7 : memref<80x128xf32, #tpu.memory_space<vmem>>) target_semaphore(%arg10 : memref<!tpu.dma_semaphore, #tpu.memory_space<semaphore_mem>>)
    %dma_wait3A_28 = arith.constant 0 : i32
    %dma_wait3A_29 = arith.constant 0 : i32
    %dma_wait3A_30 = tpu.memref_slice %arg6[%dma_wait3A_28, %dma_wait3A_29] : memref<25x80xi32, #tpu.memory_space<vmem>> -> memref<1x80xi32, #tpu.memory_space<vmem>>
    %dma_wait3A_31 = tpu.memref_squeeze %dma_wait3A_30 : memref<1x80xi32, #tpu.memory_space<vmem>> -> memref<80xi32, #tpu.memory_space<vmem>>
    %dma_wait3A_32 = arith.constant 0 : i32
    %dma_wait3A_33 = arith.constant 0 : i32
    %dma_wait3A_34 = tpu.memref_slice %arg9[%dma_wait3A_32, %dma_wait3A_33] : memref<10000x128xf32, #tpu.memory_space<vmem_shared>> -> memref<10000x128xf32, #tpu.memory_space<vmem_shared>>
    tpu.wait_indirect_dma semaphore(%arg13 : memref<!tpu.dma_semaphore, #tpu.memory_space<semaphore_mem>>) src(%arg8 : memref<80x128xf32, #tpu.memory_space<vmem>>) dst(%dma_wait3A_34 : memref<10000x128xf32, #tpu.memory_space<vmem_shared>>)
    %add3A_35 = arith.constant 160 : i32
    %add3A_36 = arith.addi %mul3A_2, %add3A_35 : i32
    %dma_start3A_37 = arith.constant 0 : i32
    %dma_start3A_38 = tpu.memref_slice %arg2[%add3A_36, %dma_start3A_37] : memref<64000x128xf32, #tpu.memory_space<hbm>> -> memref<80x128xf32, #tpu.memory_space<hbm>>
    %dma_start3A_39 = arith.constant 0 : i32
    %dma_start3A_40 = tpu.memref_slice %arg2[%add3A_36, %dma_start3A_39] : memref<64000x128xf32, #tpu.memory_space<hbm>> -> memref<80x128xf32, #tpu.memory_space<hbm>>
    tpu.enqueue_dma source(%dma_start3A_40 : memref<80x128xf32, #tpu.memory_space<hbm>>) target(%arg8 : memref<80x128xf32, #tpu.memory_space<vmem>>) target_semaphore(%arg11 : memref<!tpu.dma_semaphore, #tpu.memory_space<semaphore_mem>>)
    %scan3A = arith.constant 0 : i32
    %scan3A_41 = arith.constant 0 : i32
    %scan3A_42 = arith.constant 12 : i32
    %scan3A_43 = arith.addi %scan3A_41, %scan3A_42 : i32
    %scan3A_44 = arith.constant 1 : i32
    scf.for %scan3A_56 = %scan3A_41 to %scan3A_43 step %scan3A_44  : i32 {
      %mul3A_57 = arith.constant 2 : i32
      %mul3A_58 = arith.muli %mul3A_57, %scan3A_56 : i32
      %add3A_59 = arith.constant 1 : i32
      %add3A_60 = arith.addi %mul3A_58, %add3A_59 : i32
      %mul3A_61 = arith.constant 2 : i32
      %mul3A_62 = arith.muli %mul3A_61, %scan3A_56 : i32
      %add3A_63 = arith.constant 2 : i32
      %add3A_64 = arith.addi %mul3A_62, %add3A_63 : i32
      %mul3A_65 = arith.constant 80 : i32
      %mul3A_66 = arith.muli %add3A_60, %mul3A_65 : i32
      %add3A_67 = arith.addi %mul3A_2, %mul3A_66 : i32
      %dma_wait3A_68 = arith.constant 0 : i32
      %dma_wait3A_69 = tpu.memref_slice %arg2[%add3A_67, %dma_wait3A_68] : memref<64000x128xf32, #tpu.memory_space<hbm>> -> memref<80x128xf32, #tpu.memory_space<hbm>>
      %dma_wait3A_70 = arith.constant 0 : i32
      %dma_wait3A_71 = tpu.memref_slice %arg2[%add3A_67, %dma_wait3A_70] : memref<64000x128xf32, #tpu.memory_space<hbm>> -> memref<80x128xf32, #tpu.memory_space<hbm>>
      tpu.wait_dma2 semaphore(%arg10 : memref<!tpu.dma_semaphore, #tpu.memory_space<semaphore_mem>>) src(%dma_wait3A_71 : memref<80x128xf32, #tpu.memory_space<hbm>>) dst(%arg7 : memref<80x128xf32, #tpu.memory_space<vmem>>)
      %add3A_72 = arith.constant 0 : i32
      %add3A_73 = arith.addi %add3A_72, %add3A_60 : i32
      %dma_start3A_74 = arith.constant 0 : i32
      %dma_start3A_75 = tpu.memref_slice %arg6[%add3A_73, %dma_start3A_74] : memref<25x80xi32, #tpu.memory_space<vmem>> -> memref<1x80xi32, #tpu.memory_space<vmem>>
      %dma_start3A_76 = tpu.memref_squeeze %dma_start3A_75 : memref<1x80xi32, #tpu.memory_space<vmem>> -> memref<80xi32, #tpu.memory_space<vmem>>
      %dma_start3A_77 = arith.constant 0 : i32
      %dma_start3A_78 = arith.constant 0 : i32
      %dma_start3A_79 = tpu.memref_slice %arg9[%dma_start3A_77, %dma_start3A_78] : memref<10000x128xf32, #tpu.memory_space<vmem_shared>> -> memref<10000x128xf32, #tpu.memory_space<vmem_shared>>
      tpu.enqueue_indirect_dma source(%arg7 : memref<80x128xf32, #tpu.memory_space<vmem>>) target(%dma_start3A_79 : memref<10000x128xf32, #tpu.memory_space<vmem_shared>>) offsets(%dma_start3A_76 : memref<80xi32, #tpu.memory_space<vmem>>) semaphore(%arg12 : memref<!tpu.dma_semaphore, #tpu.memory_space<semaphore_mem>>) {add = true}
      %mul3A_80 = arith.constant 80 : i32
      %mul3A_81 = arith.muli %add3A_64, %mul3A_80 : i32
      %add3A_82 = arith.addi %mul3A_2, %mul3A_81 : i32
      %dma_wait3A_83 = arith.constant 0 : i32
      %dma_wait3A_84 = tpu.memref_slice %arg2[%add3A_82, %dma_wait3A_83] : memref<64000x128xf32, #tpu.memory_space<hbm>> -> memref<80x128xf32, #tpu.memory_space<hbm>>
      %dma_wait3A_85 = arith.constant 0 : i32
      %dma_wait3A_86 = tpu.memref_slice %arg2[%add3A_82, %dma_wait3A_85] : memref<64000x128xf32, #tpu.memory_space<hbm>> -> memref<80x128xf32, #tpu.memory_space<hbm>>
      tpu.wait_dma2 semaphore(%arg11 : memref<!tpu.dma_semaphore, #tpu.memory_space<semaphore_mem>>) src(%dma_wait3A_86 : memref<80x128xf32, #tpu.memory_space<hbm>>) dst(%arg8 : memref<80x128xf32, #tpu.memory_space<vmem>>)
      %add3A_87 = arith.constant 0 : i32
      %add3A_88 = arith.addi %add3A_87, %add3A_64 : i32
      %dma_start3A_89 = arith.constant 0 : i32
      %dma_start3A_90 = tpu.memref_slice %arg6[%add3A_88, %dma_start3A_89] : memref<25x80xi32, #tpu.memory_space<vmem>> -> memref<1x80xi32, #tpu.memory_space<vmem>>
      %dma_start3A_91 = tpu.memref_squeeze %dma_start3A_90 : memref<1x80xi32, #tpu.memory_space<vmem>> -> memref<80xi32, #tpu.memory_space<vmem>>
      %dma_start3A_92 = arith.constant 0 : i32
      %dma_start3A_93 = arith.constant 0 : i32
      %dma_start3A_94 = tpu.memref_slice %arg9[%dma_start3A_92, %dma_start3A_93] : memref<10000x128xf32, #tpu.memory_space<vmem_shared>> -> memref<10000x128xf32, #tpu.memory_space<vmem_shared>>
      tpu.enqueue_indirect_dma source(%arg8 : memref<80x128xf32, #tpu.memory_space<vmem>>) target(%dma_start3A_94 : memref<10000x128xf32, #tpu.memory_space<vmem_shared>>) offsets(%dma_start3A_91 : memref<80xi32, #tpu.memory_space<vmem>>) semaphore(%arg13 : memref<!tpu.dma_semaphore, #tpu.memory_space<semaphore_mem>>) {add = true}
      %add3A_95 = arith.constant 0 : i32
      %add3A_96 = arith.addi %add3A_95, %add3A_60 : i32
      %dma_wait3A_97 = arith.constant 0 : i32
      %dma_wait3A_98 = tpu.memref_slice %arg6[%add3A_96, %dma_wait3A_97] : memref<25x80xi32, #tpu.memory_space<vmem>> -> memref<1x80xi32, #tpu.memory_space<vmem>>
      %dma_wait3A_99 = tpu.memref_squeeze %dma_wait3A_98 : memref<1x80xi32, #tpu.memory_space<vmem>> -> memref<80xi32, #tpu.memory_space<vmem>>
      %dma_wait3A_100 = arith.constant 0 : i32
      %dma_wait3A_101 = arith.constant 0 : i32
      %dma_wait3A_102 = tpu.memref_slice %arg9[%dma_wait3A_100, %dma_wait3A_101] : memref<10000x128xf32, #tpu.memory_space<vmem_shared>> -> memref<10000x128xf32, #tpu.memory_space<vmem_shared>>
      tpu.wait_indirect_dma semaphore(%arg12 : memref<!tpu.dma_semaphore, #tpu.memory_space<semaphore_mem>>) src(%arg7 : memref<80x128xf32, #tpu.memory_space<vmem>>) dst(%dma_wait3A_102 : memref<10000x128xf32, #tpu.memory_space<vmem_shared>>)
      %lt3A_103 = arith.constant 11 : i32
      %lt3A_104 = arith.cmpi slt, %scan3A_56, %lt3A_103 : i32
      %convert_element_type3A_105 = arith.extui %lt3A_104 : i1 to i32
      %cond3A_106 = arith.constant 0 : i32
      %cond3A_107 = arith.cmpi ne, %convert_element_type3A_105, %cond3A_106 : i32
      scf.if %cond3A_107 {
        %add3A_121 = arith.constant 2 : i32
        %add3A_122 = arith.addi %add3A_60, %add3A_121 : i32
        %mul3A_123 = arith.constant 80 : i32
        %mul3A_124 = arith.muli %add3A_122, %mul3A_123 : i32
        %add3A_125 = arith.addi %mul3A_2, %mul3A_124 : i32
        %dma_start3A_126 = arith.constant 0 : i32
        %dma_start3A_127 = tpu.memref_slice %arg2[%add3A_125, %dma_start3A_126] : memref<64000x128xf32, #tpu.memory_space<hbm>> -> memref<80x128xf32, #tpu.memory_space<hbm>>
        %dma_start3A_128 = arith.constant 0 : i32
        %dma_start3A_129 = tpu.memref_slice %arg2[%add3A_125, %dma_start3A_128] : memref<64000x128xf32, #tpu.memory_space<hbm>> -> memref<80x128xf32, #tpu.memory_space<hbm>>
        tpu.enqueue_dma source(%dma_start3A_129 : memref<80x128xf32, #tpu.memory_space<hbm>>) target(%arg7 : memref<80x128xf32, #tpu.memory_space<vmem>>) target_semaphore(%arg10 : memref<!tpu.dma_semaphore, #tpu.memory_space<semaphore_mem>>)
      } else {
      }
      %add3A_108 = arith.constant 0 : i32
      %add3A_109 = arith.addi %add3A_108, %add3A_64 : i32
      %dma_wait3A_110 = arith.constant 0 : i32
      %dma_wait3A_111 = tpu.memref_slice %arg6[%add3A_109, %dma_wait3A_110] : memref<25x80xi32, #tpu.memory_space<vmem>> -> memref<1x80xi32, #tpu.memory_space<vmem>>
      %dma_wait3A_112 = tpu.memref_squeeze %dma_wait3A_111 : memref<1x80xi32, #tpu.memory_space<vmem>> -> memref<80xi32, #tpu.memory_space<vmem>>
      %dma_wait3A_113 = arith.constant 0 : i32
      %dma_wait3A_114 = arith.constant 0 : i32
      %dma_wait3A_115 = tpu.memref_slice %arg9[%dma_wait3A_113, %dma_wait3A_114] : memref<10000x128xf32, #tpu.memory_space<vmem_shared>> -> memref<10000x128xf32, #tpu.memory_space<vmem_shared>>
      tpu.wait_indirect_dma semaphore(%arg13 : memref<!tpu.dma_semaphore, #tpu.memory_space<semaphore_mem>>) src(%arg8 : memref<80x128xf32, #tpu.memory_space<vmem>>) dst(%dma_wait3A_115 : memref<10000x128xf32, #tpu.memory_space<vmem_shared>>)
      %lt3A_116 = arith.constant 11 : i32
      %lt3A_117 = arith.cmpi slt, %scan3A_56, %lt3A_116 : i32
      %convert_element_type3A_118 = arith.extui %lt3A_117 : i1 to i32
      %cond3A_119 = arith.constant 0 : i32
      %cond3A_120 = arith.cmpi ne, %convert_element_type3A_118, %cond3A_119 : i32
      scf.if %cond3A_120 {
        %add3A_121 = arith.constant 2 : i32
        %add3A_122 = arith.addi %add3A_64, %add3A_121 : i32
        %mul3A_123 = arith.constant 80 : i32
        %mul3A_124 = arith.muli %add3A_122, %mul3A_123 : i32
        %add3A_125 = arith.addi %mul3A_2, %mul3A_124 : i32
        %dma_start3A_126 = arith.constant 0 : i32
        %dma_start3A_127 = tpu.memref_slice %arg2[%add3A_125, %dma_start3A_126] : memref<64000x128xf32, #tpu.memory_space<hbm>> -> memref<80x128xf32, #tpu.memory_space<hbm>>
        %dma_start3A_128 = arith.constant 0 : i32
        %dma_start3A_129 = tpu.memref_slice %arg2[%add3A_125, %dma_start3A_128] : memref<64000x128xf32, #tpu.memory_space<hbm>> -> memref<80x128xf32, #tpu.memory_space<hbm>>
        tpu.enqueue_dma source(%dma_start3A_129 : memref<80x128xf32, #tpu.memory_space<hbm>>) target(%arg8 : memref<80x128xf32, #tpu.memory_space<vmem>>) target_semaphore(%arg11 : memref<!tpu.dma_semaphore, #tpu.memory_space<semaphore_mem>>)
      } else {
      }
    }
    %scan3A_45 = arith.constant 12 : i32
    %barrier3A_46 = arith.constant 0 : index
    tpu.barrier barrier_id(%barrier3A_46)
    %lt3A = arith.constant 15 : i32
    %lt3A_47 = arith.cmpi slt, %arg1, %lt3A : i32
    %convert_element_type3A_48 = arith.extui %lt3A_47 : i1 to i32
    %cond3A_49 = arith.constant 0 : i32
    %cond3A_50 = arith.cmpi ne, %convert_element_type3A_48, %cond3A_49 : i32
    scf.if %cond3A_50 {
      %mul3A_56 = arith.constant 640 : i32
      %mul3A_57 = arith.muli %arg1, %mul3A_56 : i32
      %mul3A_58 = arith.constant 640 : i32
      %mul3A_59 = arith.muli %arg1, %mul3A_58 : i32
      "tpu.region"() ({
        %run_scoped3A = tpu.sem_alloc : memref<!tpu.dma_semaphore, #tpu.memory_space<semaphore_mem>>
        %dma_start3A_60 = arith.constant 0 : i32
        %dma_start3A_61 = tpu.memref_slice %arg5[%arg0, %mul3A_59, %dma_start3A_60] : memref<2x10000x128xf32, #tpu.memory_space<hbm>> -> memref<1x640x128xf32, #tpu.memory_space<hbm>>
        %dma_start3A_62 = tpu.memref_squeeze %dma_start3A_61 : memref<1x640x128xf32, #tpu.memory_space<hbm>> -> memref<640x128xf32, #tpu.memory_space<hbm>>
        %dma_start3A_63 = arith.constant 0 : i32
        %dma_start3A_64 = tpu.memref_slice %arg9[%mul3A_57, %dma_start3A_63] : memref<10000x128xf32, #tpu.memory_space<vmem_shared>> -> memref<640x128xf32, #tpu.memory_space<vmem_shared>>
        tpu.enqueue_dma source(%dma_start3A_64 : memref<640x128xf32, #tpu.memory_space<vmem_shared>>) target(%dma_start3A_62 : memref<640x128xf32, #tpu.memory_space<hbm>>) target_semaphore(%run_scoped3A : memref<!tpu.dma_semaphore, #tpu.memory_space<semaphore_mem>>)
        %dma_wait3A_65 = arith.constant 0 : i32
        %dma_wait3A_66 = tpu.memref_slice %arg5[%arg0, %mul3A_59, %dma_wait3A_65] : memref<2x10000x128xf32, #tpu.memory_space<hbm>> -> memref<1x640x128xf32, #tpu.memory_space<hbm>>
        %dma_wait3A_67 = tpu.memref_squeeze %dma_wait3A_66 : memref<1x640x128xf32, #tpu.memory_space<hbm>> -> memref<640x128xf32, #tpu.memory_space<hbm>>
        %dma_wait3A_68 = arith.constant 0 : i32
        %dma_wait3A_69 = tpu.memref_slice %arg9[%mul3A_57, %dma_wait3A_68] : memref<10000x128xf32, #tpu.memory_space<vmem_shared>> -> memref<640x128xf32, #tpu.memory_space<vmem_shared>>
        tpu.wait_dma2 semaphore(%run_scoped3A : memref<!tpu.dma_semaphore, #tpu.memory_space<semaphore_mem>>) src(%dma_wait3A_69 : memref<640x128xf32, #tpu.memory_space<vmem_shared>>) dst(%dma_wait3A_67 : memref<640x128xf32, #tpu.memory_space<hbm>>)
        tpu.yield
      }) : () -> ()
    } else {
    }
    %eq3A_51 = arith.constant 15 : i32
    %eq3A_52 = arith.cmpi eq, %arg1, %eq3A_51 : i32
    %convert_element_type3A_53 = arith.extui %eq3A_52 : i1 to i32
    %cond3A_54 = arith.constant 0 : i32
    %cond3A_55 = arith.cmpi ne, %convert_element_type3A_53, %cond3A_54 : i32
    scf.if %cond3A_55 {
      "tpu.region"() ({
        %run_scoped3A = tpu.sem_alloc : memref<!tpu.dma_semaphore, #tpu.memory_space<semaphore_mem>>
        %dma_start3A_56 = arith.constant 9600 : i32
        %dma_start3A_57 = arith.constant 0 : i32
        %dma_start3A_58 = tpu.memref_slice %arg5[%arg0, %dma_start3A_56, %dma_start3A_57] : memref<2x10000x128xf32, #tpu.memory_space<hbm>> -> memref<1x400x128xf32, #tpu.memory_space<hbm>>
        %dma_start3A_59 = tpu.memref_squeeze %dma_start3A_58 : memref<1x400x128xf32, #tpu.memory_space<hbm>> -> memref<400x128xf32, #tpu.memory_space<hbm>>
        %dma_start3A_60 = arith.constant 9600 : i32
        %dma_start3A_61 = arith.constant 0 : i32
        %dma_start3A_62 = tpu.memref_slice %arg9[%dma_start3A_60, %dma_start3A_61] : memref<10000x128xf32, #tpu.memory_space<vmem_shared>> -> memref<400x128xf32, #tpu.memory_space<vmem_shared>>
        tpu.enqueue_dma source(%dma_start3A_62 : memref<400x128xf32, #tpu.memory_space<vmem_shared>>) target(%dma_start3A_59 : memref<400x128xf32, #tpu.memory_space<hbm>>) target_semaphore(%run_scoped3A : memref<!tpu.dma_semaphore, #tpu.memory_space<semaphore_mem>>)
        %dma_wait3A_63 = arith.constant 9600 : i32
        %dma_wait3A_64 = arith.constant 0 : i32
        %dma_wait3A_65 = tpu.memref_slice %arg5[%arg0, %dma_wait3A_63, %dma_wait3A_64] : memref<2x10000x128xf32, #tpu.memory_space<hbm>> -> memref<1x400x128xf32, #tpu.memory_space<hbm>>
        %dma_wait3A_66 = tpu.memref_squeeze %dma_wait3A_65 : memref<1x400x128xf32, #tpu.memory_space<hbm>> -> memref<400x128xf32, #tpu.memory_space<hbm>>
        %dma_wait3A_67 = arith.constant 9600 : i32
        %dma_wait3A_68 = arith.constant 0 : i32
        %dma_wait3A_69 = tpu.memref_slice %arg9[%dma_wait3A_67, %dma_wait3A_68] : memref<10000x128xf32, #tpu.memory_space<vmem_shared>> -> memref<400x128xf32, #tpu.memory_space<vmem_shared>>
        tpu.wait_dma2 semaphore(%run_scoped3A : memref<!tpu.dma_semaphore, #tpu.memory_space<semaphore_mem>>) src(%dma_wait3A_69 : memref<400x128xf32, #tpu.memory_space<vmem_shared>>) dst(%dma_wait3A_66 : memref<400x128xf32, #tpu.memory_space<hbm>>)
        tpu.yield
      }) : () -> ()
    } else {
    }
    return
  }
}

#map = affine_map<(d0, d1) -> (0, 0)>
#map1 = affine_map<(d0, d1) -> (0, 0, 0)>
module attributes {stable_mosaic.version = 14 : i64} {
  func.func @_scatter_body(%arg0: i32, %arg1: i32, %arg2: memref<64000x128xf32, #tpu.memory_space<hbm>>, %arg3: memref<32x25x80xi32, #tpu.memory_space<hbm>>, %arg4: memref<2x10000x128xf32, #tpu.memory_space<hbm>>, %arg5: memref<2x10000x128xf32, #tpu.memory_space<hbm>>, %arg6: memref<25x80xi32, #tpu.memory_space<vmem>>, %arg7: memref<80x128xf32, #tpu.memory_space<vmem>>, %arg8: memref<80x128xf32, #tpu.memory_space<vmem>>, %arg9: memref<10000x128xf32, #tpu.memory_space<vmem_shared>>, %arg10: memref<!tpu.dma_semaphore, #tpu.memory_space<semaphore_mem>>, %arg11: memref<!tpu.dma_semaphore, #tpu.memory_space<semaphore_mem>>, %arg12: memref<!tpu.dma_semaphore, #tpu.memory_space<semaphore_mem>>, %arg13: memref<!tpu.dma_semaphore, #tpu.memory_space<semaphore_mem>>) attributes {dimension_semantics = [#tpu.dimension_semantics<core_parallel>, #tpu.dimension_semantics<subcore_parallel>], iteration_bounds = array<i64: 2, 16>, scalar_prefetch = 0 : i64, scratch_operands = 8 : i64, tpu.core_type = #tpu.core_type<sc_vector_subcore>, window_params = [{transform_indices = #map}, {transform_indices = #map1}, {transform_indices = #map1}, {transform_indices = #map1}]} {
    %mul3A = arith.constant 2 : i32
    %mul3A_0 = arith.muli %arg1, %mul3A : i32
    %add3A = arith.addi %mul3A_0, %arg0 : i32
    %mul3A_1 = arith.constant 2000 : i32
    %mul3A_2 = arith.muli %add3A, %mul3A_1 : i32
    %eq3A = arith.constant 0 : i32
    %eq3A_3 = arith.cmpi eq, %arg1, %eq3A : i32
    %convert_element_type3A = arith.extui %eq3A_3 : i1 to i32
    %cond3A = arith.constant 0 : i32
    %cond3A_4 = arith.cmpi ne, %convert_element_type3A, %cond3A : i32
    scf.if %cond3A_4 {
      "tpu.region"() ({
        %run_scoped3A = tpu.sem_alloc : memref<!tpu.dma_semaphore, #tpu.memory_space<semaphore_mem>>
        %dma_start3A_56 = arith.constant 0 : i32
        %dma_start3A_57 = arith.constant 0 : i32
        %dma_start3A_58 = tpu.memref_slice %arg4[%arg0, %dma_start3A_56, %dma_start3A_57] : memref<2x10000x128xf32, #tpu.memory_space<hbm>> -> memref<1x10000x128xf32, #tpu.memory_space<hbm>>
        %dma_start3A_59 = tpu.memref_squeeze %dma_start3A_58 : memref<1x10000x128xf32, #tpu.memory_space<hbm>> -> memref<10000x128xf32, #tpu.memory_space<hbm>>
        tpu.enqueue_dma source(%dma_start3A_59 : memref<10000x128xf32, #tpu.memory_space<hbm>>) target(%arg9 : memref<10000x128xf32, #tpu.memory_space<vmem_shared>>) target_semaphore(%run_scoped3A : memref<!tpu.dma_semaphore, #tpu.memory_space<semaphore_mem>>)
        %dma_wait3A_60 = arith.constant 0 : i32
        %dma_wait3A_61 = arith.constant 0 : i32
        %dma_wait3A_62 = tpu.memref_slice %arg4[%arg0, %dma_wait3A_60, %dma_wait3A_61] : memref<2x10000x128xf32, #tpu.memory_space<hbm>> -> memref<1x10000x128xf32, #tpu.memory_space<hbm>>
        %dma_wait3A_63 = tpu.memref_squeeze %dma_wait3A_62 : memref<1x10000x128xf32, #tpu.memory_space<hbm>> -> memref<10000x128xf32, #tpu.memory_space<hbm>>
        tpu.wait_dma2 semaphore(%run_scoped3A : memref<!tpu.dma_semaphore, #tpu.memory_space<semaphore_mem>>) src(%dma_wait3A_63 : memref<10000x128xf32, #tpu.memory_space<hbm>>) dst(%arg9 : memref<10000x128xf32, #tpu.memory_space<vmem_shared>>)
        tpu.yield
      }) : () -> ()
    } else {
    }
    %barrier3A = arith.constant 0 : index
    tpu.barrier barrier_id(%barrier3A)
    "tpu.region"() ({
      %run_scoped3A = tpu.sem_alloc : memref<!tpu.dma_semaphore, #tpu.memory_space<semaphore_mem>>
      %dma_start3A_56 = arith.constant 0 : i32
      %dma_start3A_57 = arith.constant 0 : i32
      %dma_start3A_58 = tpu.memref_slice %arg3[%add3A, %dma_start3A_56, %dma_start3A_57] : memref<32x25x80xi32, #tpu.memory_space<hbm>> -> memref<1x25x80xi32, #tpu.memory_space<hbm>>
      %dma_start3A_59 = tpu.memref_squeeze %dma_start3A_58 : memref<1x25x80xi32, #tpu.memory_space<hbm>> -> memref<25x80xi32, #tpu.memory_space<hbm>>
      %dma_start3A_60 = arith.constant 0 : i32
      %dma_start3A_61 = arith.constant 0 : i32
      %dma_start3A_62 = tpu.memref_slice %arg3[%add3A, %dma_start3A_60, %dma_start3A_61] : memref<32x25x80xi32, #tpu.memory_space<hbm>> -> memref<1x25x80xi32, #tpu.memory_space<hbm>>
      %dma_start3A_63 = tpu.memref_squeeze %dma_start3A_62 : memref<1x25x80xi32, #tpu.memory_space<hbm>> -> memref<25x80xi32, #tpu.memory_space<hbm>>
      tpu.enqueue_dma source(%dma_start3A_63 : memref<25x80xi32, #tpu.memory_space<hbm>>) target(%arg6 : memref<25x80xi32, #tpu.memory_space<vmem>>) target_semaphore(%run_scoped3A : memref<!tpu.dma_semaphore, #tpu.memory_space<semaphore_mem>>)
      %dma_wait3A_64 = arith.constant 0 : i32
      %dma_wait3A_65 = arith.constant 0 : i32
      %dma_wait3A_66 = tpu.memref_slice %arg3[%add3A, %dma_wait3A_64, %dma_wait3A_65] : memref<32x25x80xi32, #tpu.memory_space<hbm>> -> memref<1x25x80xi32, #tpu.memory_space<hbm>>
      %dma_wait3A_67 = tpu.memref_squeeze %dma_wait3A_66 : memref<1x25x80xi32, #tpu.memory_space<hbm>> -> memref<25x80xi32, #tpu.memory_space<hbm>>
      %dma_wait3A_68 = arith.constant 0 : i32
      %dma_wait3A_69 = arith.constant 0 : i32
      %dma_wait3A_70 = tpu.memref_slice %arg3[%add3A, %dma_wait3A_68, %dma_wait3A_69] : memref<32x25x80xi32, #tpu.memory_space<hbm>> -> memref<1x25x80xi32, #tpu.memory_space<hbm>>
      %dma_wait3A_71 = tpu.memref_squeeze %dma_wait3A_70 : memref<1x25x80xi32, #tpu.memory_space<hbm>> -> memref<25x80xi32, #tpu.memory_space<hbm>>
      tpu.wait_dma2 semaphore(%run_scoped3A : memref<!tpu.dma_semaphore, #tpu.memory_space<semaphore_mem>>) src(%dma_wait3A_71 : memref<25x80xi32, #tpu.memory_space<hbm>>) dst(%arg6 : memref<25x80xi32, #tpu.memory_space<vmem>>)
      tpu.yield
    }) : () -> ()
    %add3A_5 = arith.constant 0 : i32
    %add3A_6 = arith.addi %mul3A_2, %add3A_5 : i32
    %dma_start3A = arith.constant 0 : i32
    %dma_start3A_7 = tpu.memref_slice %arg2[%add3A_6, %dma_start3A] : memref<64000x128xf32, #tpu.memory_space<hbm>> -> memref<80x128xf32, #tpu.memory_space<hbm>>
    %dma_start3A_8 = arith.constant 0 : i32
    %dma_start3A_9 = tpu.memref_slice %arg2[%add3A_6, %dma_start3A_8] : memref<64000x128xf32, #tpu.memory_space<hbm>> -> memref<80x128xf32, #tpu.memory_space<hbm>>
    tpu.enqueue_dma source(%dma_start3A_9 : memref<80x128xf32, #tpu.memory_space<hbm>>) target(%arg8 : memref<80x128xf32, #tpu.memory_space<vmem>>) target_semaphore(%arg11 : memref<!tpu.dma_semaphore, #tpu.memory_space<semaphore_mem>>)
    %add3A_10 = arith.constant 0 : i32
    %add3A_11 = arith.addi %mul3A_2, %add3A_10 : i32
    %dma_wait3A = arith.constant 0 : i32
    %dma_wait3A_12 = tpu.memref_slice %arg2[%add3A_11, %dma_wait3A] : memref<64000x128xf32, #tpu.memory_space<hbm>> -> memref<80x128xf32, #tpu.memory_space<hbm>>
    %dma_wait3A_13 = arith.constant 0 : i32
    %dma_wait3A_14 = tpu.memref_slice %arg2[%add3A_11, %dma_wait3A_13] : memref<64000x128xf32, #tpu.memory_space<hbm>> -> memref<80x128xf32, #tpu.memory_space<hbm>>
    tpu.wait_dma2 semaphore(%arg11 : memref<!tpu.dma_semaphore, #tpu.memory_space<semaphore_mem>>) src(%dma_wait3A_14 : memref<80x128xf32, #tpu.memory_space<hbm>>) dst(%arg8 : memref<80x128xf32, #tpu.memory_space<vmem>>)
    %dma_start3A_15 = arith.constant 0 : i32
    %dma_start3A_16 = arith.constant 0 : i32
    %dma_start3A_17 = tpu.memref_slice %arg6[%dma_start3A_15, %dma_start3A_16] : memref<25x80xi32, #tpu.memory_space<vmem>> -> memref<1x80xi32, #tpu.memory_space<vmem>>
    %dma_start3A_18 = tpu.memref_squeeze %dma_start3A_17 : memref<1x80xi32, #tpu.memory_space<vmem>> -> memref<80xi32, #tpu.memory_space<vmem>>
    %dma_start3A_19 = arith.constant 0 : i32
    %dma_start3A_20 = arith.constant 0 : i32
    %dma_start3A_21 = tpu.memref_slice %arg9[%dma_start3A_19, %dma_start3A_20] : memref<10000x128xf32, #tpu.memory_space<vmem_shared>> -> memref<10000x128xf32, #tpu.memory_space<vmem_shared>>
    tpu.enqueue_indirect_dma source(%arg8 : memref<80x128xf32, #tpu.memory_space<vmem>>) target(%dma_start3A_21 : memref<10000x128xf32, #tpu.memory_space<vmem_shared>>) offsets(%dma_start3A_18 : memref<80xi32, #tpu.memory_space<vmem>>) semaphore(%arg13 : memref<!tpu.dma_semaphore, #tpu.memory_space<semaphore_mem>>) {add = true}
    %add3A_22 = arith.constant 80 : i32
    %add3A_23 = arith.addi %mul3A_2, %add3A_22 : i32
    %dma_start3A_24 = arith.constant 0 : i32
    %dma_start3A_25 = tpu.memref_slice %arg2[%add3A_23, %dma_start3A_24] : memref<64000x128xf32, #tpu.memory_space<hbm>> -> memref<80x128xf32, #tpu.memory_space<hbm>>
    %dma_start3A_26 = arith.constant 0 : i32
    %dma_start3A_27 = tpu.memref_slice %arg2[%add3A_23, %dma_start3A_26] : memref<64000x128xf32, #tpu.memory_space<hbm>> -> memref<80x128xf32, #tpu.memory_space<hbm>>
    tpu.enqueue_dma source(%dma_start3A_27 : memref<80x128xf32, #tpu.memory_space<hbm>>) target(%arg7 : memref<80x128xf32, #tpu.memory_space<vmem>>) target_semaphore(%arg10 : memref<!tpu.dma_semaphore, #tpu.memory_space<semaphore_mem>>)
    %dma_wait3A_28 = arith.constant 0 : i32
    %dma_wait3A_29 = arith.constant 0 : i32
    %dma_wait3A_30 = tpu.memref_slice %arg6[%dma_wait3A_28, %dma_wait3A_29] : memref<25x80xi32, #tpu.memory_space<vmem>> -> memref<1x80xi32, #tpu.memory_space<vmem>>
    %dma_wait3A_31 = tpu.memref_squeeze %dma_wait3A_30 : memref<1x80xi32, #tpu.memory_space<vmem>> -> memref<80xi32, #tpu.memory_space<vmem>>
    %dma_wait3A_32 = arith.constant 0 : i32
    %dma_wait3A_33 = arith.constant 0 : i32
    %dma_wait3A_34 = tpu.memref_slice %arg9[%dma_wait3A_32, %dma_wait3A_33] : memref<10000x128xf32, #tpu.memory_space<vmem_shared>> -> memref<10000x128xf32, #tpu.memory_space<vmem_shared>>
    tpu.wait_indirect_dma semaphore(%arg13 : memref<!tpu.dma_semaphore, #tpu.memory_space<semaphore_mem>>) src(%arg8 : memref<80x128xf32, #tpu.memory_space<vmem>>) dst(%dma_wait3A_34 : memref<10000x128xf32, #tpu.memory_space<vmem_shared>>)
    %add3A_35 = arith.constant 160 : i32
    %add3A_36 = arith.addi %mul3A_2, %add3A_35 : i32
    %dma_start3A_37 = arith.constant 0 : i32
    %dma_start3A_38 = tpu.memref_slice %arg2[%add3A_36, %dma_start3A_37] : memref<64000x128xf32, #tpu.memory_space<hbm>> -> memref<80x128xf32, #tpu.memory_space<hbm>>
    %dma_start3A_39 = arith.constant 0 : i32
    %dma_start3A_40 = tpu.memref_slice %arg2[%add3A_36, %dma_start3A_39] : memref<64000x128xf32, #tpu.memory_space<hbm>> -> memref<80x128xf32, #tpu.memory_space<hbm>>
    tpu.enqueue_dma source(%dma_start3A_40 : memref<80x128xf32, #tpu.memory_space<hbm>>) target(%arg8 : memref<80x128xf32, #tpu.memory_space<vmem>>) target_semaphore(%arg11 : memref<!tpu.dma_semaphore, #tpu.memory_space<semaphore_mem>>)
    %scan3A = arith.constant 0 : i32
    %scan3A_41 = arith.constant 0 : i32
    %scan3A_42 = arith.constant 12 : i32
    %scan3A_43 = arith.addi %scan3A_41, %scan3A_42 : i32
    %scan3A_44 = arith.constant 1 : i32
    scf.for %scan3A_56 = %scan3A_41 to %scan3A_43 step %scan3A_44  : i32 {
      %mul3A_57 = arith.constant 2 : i32
      %mul3A_58 = arith.muli %mul3A_57, %scan3A_56 : i32
      %add3A_59 = arith.constant 1 : i32
      %add3A_60 = arith.addi %mul3A_58, %add3A_59 : i32
      %mul3A_61 = arith.constant 2 : i32
      %mul3A_62 = arith.muli %mul3A_61, %scan3A_56 : i32
      %add3A_63 = arith.constant 2 : i32
      %add3A_64 = arith.addi %mul3A_62, %add3A_63 : i32
      %mul3A_65 = arith.constant 80 : i32
      %mul3A_66 = arith.muli %add3A_60, %mul3A_65 : i32
      %add3A_67 = arith.addi %mul3A_2, %mul3A_66 : i32
      %dma_wait3A_68 = arith.constant 0 : i32
      %dma_wait3A_69 = tpu.memref_slice %arg2[%add3A_67, %dma_wait3A_68] : memref<64000x128xf32, #tpu.memory_space<hbm>> -> memref<80x128xf32, #tpu.memory_space<hbm>>
      %dma_wait3A_70 = arith.constant 0 : i32
      %dma_wait3A_71 = tpu.memref_slice %arg2[%add3A_67, %dma_wait3A_70] : memref<64000x128xf32, #tpu.memory_space<hbm>> -> memref<80x128xf32, #tpu.memory_space<hbm>>
      tpu.wait_dma2 semaphore(%arg10 : memref<!tpu.dma_semaphore, #tpu.memory_space<semaphore_mem>>) src(%dma_wait3A_71 : memref<80x128xf32, #tpu.memory_space<hbm>>) dst(%arg7 : memref<80x128xf32, #tpu.memory_space<vmem>>)
      %add3A_72 = arith.constant 0 : i32
      %add3A_73 = arith.addi %add3A_72, %add3A_60 : i32
      %dma_start3A_74 = arith.constant 0 : i32
      %dma_start3A_75 = tpu.memref_slice %arg6[%add3A_73, %dma_start3A_74] : memref<25x80xi32, #tpu.memory_space<vmem>> -> memref<1x80xi32, #tpu.memory_space<vmem>>
      %dma_start3A_76 = tpu.memref_squeeze %dma_start3A_75 : memref<1x80xi32, #tpu.memory_space<vmem>> -> memref<80xi32, #tpu.memory_space<vmem>>
      %dma_start3A_77 = arith.constant 0 : i32
      %dma_start3A_78 = arith.constant 0 : i32
      %dma_start3A_79 = tpu.memref_slice %arg9[%dma_start3A_77, %dma_start3A_78] : memref<10000x128xf32, #tpu.memory_space<vmem_shared>> -> memref<10000x128xf32, #tpu.memory_space<vmem_shared>>
      tpu.enqueue_indirect_dma source(%arg7 : memref<80x128xf32, #tpu.memory_space<vmem>>) target(%dma_start3A_79 : memref<10000x128xf32, #tpu.memory_space<vmem_shared>>) offsets(%dma_start3A_76 : memref<80xi32, #tpu.memory_space<vmem>>) semaphore(%arg12 : memref<!tpu.dma_semaphore, #tpu.memory_space<semaphore_mem>>) {add = true}
      %mul3A_80 = arith.constant 80 : i32
      %mul3A_81 = arith.muli %add3A_64, %mul3A_80 : i32
      %add3A_82 = arith.addi %mul3A_2, %mul3A_81 : i32
      %dma_wait3A_83 = arith.constant 0 : i32
      %dma_wait3A_84 = tpu.memref_slice %arg2[%add3A_82, %dma_wait3A_83] : memref<64000x128xf32, #tpu.memory_space<hbm>> -> memref<80x128xf32, #tpu.memory_space<hbm>>
      %dma_wait3A_85 = arith.constant 0 : i32
      %dma_wait3A_86 = tpu.memref_slice %arg2[%add3A_82, %dma_wait3A_85] : memref<64000x128xf32, #tpu.memory_space<hbm>> -> memref<80x128xf32, #tpu.memory_space<hbm>>
      tpu.wait_dma2 semaphore(%arg11 : memref<!tpu.dma_semaphore, #tpu.memory_space<semaphore_mem>>) src(%dma_wait3A_86 : memref<80x128xf32, #tpu.memory_space<hbm>>) dst(%arg8 : memref<80x128xf32, #tpu.memory_space<vmem>>)
      %add3A_87 = arith.constant 0 : i32
      %add3A_88 = arith.addi %add3A_87, %add3A_64 : i32
      %dma_start3A_89 = arith.constant 0 : i32
      %dma_start3A_90 = tpu.memref_slice %arg6[%add3A_88, %dma_start3A_89] : memref<25x80xi32, #tpu.memory_space<vmem>> -> memref<1x80xi32, #tpu.memory_space<vmem>>
      %dma_start3A_91 = tpu.memref_squeeze %dma_start3A_90 : memref<1x80xi32, #tpu.memory_space<vmem>> -> memref<80xi32, #tpu.memory_space<vmem>>
      %dma_start3A_92 = arith.constant 0 : i32
      %dma_start3A_93 = arith.constant 0 : i32
      %dma_start3A_94 = tpu.memref_slice %arg9[%dma_start3A_92, %dma_start3A_93] : memref<10000x128xf32, #tpu.memory_space<vmem_shared>> -> memref<10000x128xf32, #tpu.memory_space<vmem_shared>>
      tpu.enqueue_indirect_dma source(%arg8 : memref<80x128xf32, #tpu.memory_space<vmem>>) target(%dma_start3A_94 : memref<10000x128xf32, #tpu.memory_space<vmem_shared>>) offsets(%dma_start3A_91 : memref<80xi32, #tpu.memory_space<vmem>>) semaphore(%arg13 : memref<!tpu.dma_semaphore, #tpu.memory_space<semaphore_mem>>) {add = true}
      %add3A_95 = arith.constant 0 : i32
      %add3A_96 = arith.addi %add3A_95, %add3A_60 : i32
      %dma_wait3A_97 = arith.constant 0 : i32
      %dma_wait3A_98 = tpu.memref_slice %arg6[%add3A_96, %dma_wait3A_97] : memref<25x80xi32, #tpu.memory_space<vmem>> -> memref<1x80xi32, #tpu.memory_space<vmem>>
      %dma_wait3A_99 = tpu.memref_squeeze %dma_wait3A_98 : memref<1x80xi32, #tpu.memory_space<vmem>> -> memref<80xi32, #tpu.memory_space<vmem>>
      %dma_wait3A_100 = arith.constant 0 : i32
      %dma_wait3A_101 = arith.constant 0 : i32
      %dma_wait3A_102 = tpu.memref_slice %arg9[%dma_wait3A_100, %dma_wait3A_101] : memref<10000x128xf32, #tpu.memory_space<vmem_shared>> -> memref<10000x128xf32, #tpu.memory_space<vmem_shared>>
      tpu.wait_indirect_dma semaphore(%arg12 : memref<!tpu.dma_semaphore, #tpu.memory_space<semaphore_mem>>) src(%arg7 : memref<80x128xf32, #tpu.memory_space<vmem>>) dst(%dma_wait3A_102 : memref<10000x128xf32, #tpu.memory_space<vmem_shared>>)
      %lt3A_103 = arith.constant 11 : i32
      %lt3A_104 = arith.cmpi slt, %scan3A_56, %lt3A_103 : i32
      %convert_element_type3A_105 = arith.extui %lt3A_104 : i1 to i32
      %cond3A_106 = arith.constant 0 : i32
      %cond3A_107 = arith.cmpi ne, %convert_element_type3A_105, %cond3A_106 : i32
      scf.if %cond3A_107 {
        %add3A_121 = arith.constant 2 : i32
        %add3A_122 = arith.addi %add3A_60, %add3A_121 : i32
        %mul3A_123 = arith.constant 80 : i32
        %mul3A_124 = arith.muli %add3A_122, %mul3A_123 : i32
        %add3A_125 = arith.addi %mul3A_2, %mul3A_124 : i32
        %dma_start3A_126 = arith.constant 0 : i32
        %dma_start3A_127 = tpu.memref_slice %arg2[%add3A_125, %dma_start3A_126] : memref<64000x128xf32, #tpu.memory_space<hbm>> -> memref<80x128xf32, #tpu.memory_space<hbm>>
        %dma_start3A_128 = arith.constant 0 : i32
        %dma_start3A_129 = tpu.memref_slice %arg2[%add3A_125, %dma_start3A_128] : memref<64000x128xf32, #tpu.memory_space<hbm>> -> memref<80x128xf32, #tpu.memory_space<hbm>>
        tpu.enqueue_dma source(%dma_start3A_129 : memref<80x128xf32, #tpu.memory_space<hbm>>) target(%arg7 : memref<80x128xf32, #tpu.memory_space<vmem>>) target_semaphore(%arg10 : memref<!tpu.dma_semaphore, #tpu.memory_space<semaphore_mem>>)
      } else {
      }
      %add3A_108 = arith.constant 0 : i32
      %add3A_109 = arith.addi %add3A_108, %add3A_64 : i32
      %dma_wait3A_110 = arith.constant 0 : i32
      %dma_wait3A_111 = tpu.memref_slice %arg6[%add3A_109, %dma_wait3A_110] : memref<25x80xi32, #tpu.memory_space<vmem>> -> memref<1x80xi32, #tpu.memory_space<vmem>>
      %dma_wait3A_112 = tpu.memref_squeeze %dma_wait3A_111 : memref<1x80xi32, #tpu.memory_space<vmem>> -> memref<80xi32, #tpu.memory_space<vmem>>
      %dma_wait3A_113 = arith.constant 0 : i32
      %dma_wait3A_114 = arith.constant 0 : i32
      %dma_wait3A_115 = tpu.memref_slice %arg9[%dma_wait3A_113, %dma_wait3A_114] : memref<10000x128xf32, #tpu.memory_space<vmem_shared>> -> memref<10000x128xf32, #tpu.memory_space<vmem_shared>>
      tpu.wait_indirect_dma semaphore(%arg13 : memref<!tpu.dma_semaphore, #tpu.memory_space<semaphore_mem>>) src(%arg8 : memref<80x128xf32, #tpu.memory_space<vmem>>) dst(%dma_wait3A_115 : memref<10000x128xf32, #tpu.memory_space<vmem_shared>>)
      %lt3A_116 = arith.constant 11 : i32
      %lt3A_117 = arith.cmpi slt, %scan3A_56, %lt3A_116 : i32
      %convert_element_type3A_118 = arith.extui %lt3A_117 : i1 to i32
      %cond3A_119 = arith.constant 0 : i32
      %cond3A_120 = arith.cmpi ne, %convert_element_type3A_118, %cond3A_119 : i32
      scf.if %cond3A_120 {
        %add3A_121 = arith.constant 2 : i32
        %add3A_122 = arith.addi %add3A_64, %add3A_121 : i32
        %mul3A_123 = arith.constant 80 : i32
        %mul3A_124 = arith.muli %add3A_122, %mul3A_123 : i32
        %add3A_125 = arith.addi %mul3A_2, %mul3A_124 : i32
        %dma_start3A_126 = arith.constant 0 : i32
        %dma_start3A_127 = tpu.memref_slice %arg2[%add3A_125, %dma_start3A_126] : memref<64000x128xf32, #tpu.memory_space<hbm>> -> memref<80x128xf32, #tpu.memory_space<hbm>>
        %dma_start3A_128 = arith.constant 0 : i32
        %dma_start3A_129 = tpu.memref_slice %arg2[%add3A_125, %dma_start3A_128] : memref<64000x128xf32, #tpu.memory_space<hbm>> -> memref<80x128xf32, #tpu.memory_space<hbm>>
        tpu.enqueue_dma source(%dma_start3A_129 : memref<80x128xf32, #tpu.memory_space<hbm>>) target(%arg8 : memref<80x128xf32, #tpu.memory_space<vmem>>) target_semaphore(%arg11 : memref<!tpu.dma_semaphore, #tpu.memory_space<semaphore_mem>>)
      } else {
      }
    }
    %scan3A_45 = arith.constant 12 : i32
    %barrier3A_46 = arith.constant 0 : index
    tpu.barrier barrier_id(%barrier3A_46)
    %lt3A = arith.constant 15 : i32
    %lt3A_47 = arith.cmpi slt, %arg1, %lt3A : i32
    %convert_element_type3A_48 = arith.extui %lt3A_47 : i1 to i32
    %cond3A_49 = arith.constant 0 : i32
    %cond3A_50 = arith.cmpi ne, %convert_element_type3A_48, %cond3A_49 : i32
    scf.if %cond3A_50 {
      %mul3A_56 = arith.constant 640 : i32
      %mul3A_57 = arith.muli %arg1, %mul3A_56 : i32
      %mul3A_58 = arith.constant 640 : i32
      %mul3A_59 = arith.muli %arg1, %mul3A_58 : i32
      "tpu.region"() ({
        %run_scoped3A = tpu.sem_alloc : memref<!tpu.dma_semaphore, #tpu.memory_space<semaphore_mem>>
        %dma_start3A_60 = arith.constant 0 : i32
        %dma_start3A_61 = tpu.memref_slice %arg5[%arg0, %mul3A_59, %dma_start3A_60] : memref<2x10000x128xf32, #tpu.memory_space<hbm>> -> memref<1x640x128xf32, #tpu.memory_space<hbm>>
        %dma_start3A_62 = tpu.memref_squeeze %dma_start3A_61 : memref<1x640x128xf32, #tpu.memory_space<hbm>> -> memref<640x128xf32, #tpu.memory_space<hbm>>
        %dma_start3A_63 = arith.constant 0 : i32
        %dma_start3A_64 = tpu.memref_slice %arg9[%mul3A_57, %dma_start3A_63] : memref<10000x128xf32, #tpu.memory_space<vmem_shared>> -> memref<640x128xf32, #tpu.memory_space<vmem_shared>>
        tpu.enqueue_dma source(%dma_start3A_64 : memref<640x128xf32, #tpu.memory_space<vmem_shared>>) target(%dma_start3A_62 : memref<640x128xf32, #tpu.memory_space<hbm>>) target_semaphore(%run_scoped3A : memref<!tpu.dma_semaphore, #tpu.memory_space<semaphore_mem>>)
        %dma_wait3A_65 = arith.constant 0 : i32
        %dma_wait3A_66 = tpu.memref_slice %arg5[%arg0, %mul3A_59, %dma_wait3A_65] : memref<2x10000x128xf32, #tpu.memory_space<hbm>> -> memref<1x640x128xf32, #tpu.memory_space<hbm>>
        %dma_wait3A_67 = tpu.memref_squeeze %dma_wait3A_66 : memref<1x640x128xf32, #tpu.memory_space<hbm>> -> memref<640x128xf32, #tpu.memory_space<hbm>>
        %dma_wait3A_68 = arith.constant 0 : i32
        %dma_wait3A_69 = tpu.memref_slice %arg9[%mul3A_57, %dma_wait3A_68] : memref<10000x128xf32, #tpu.memory_space<vmem_shared>> -> memref<640x128xf32, #tpu.memory_space<vmem_shared>>
        tpu.wait_dma2 semaphore(%run_scoped3A : memref<!tpu.dma_semaphore, #tpu.memory_space<semaphore_mem>>) src(%dma_wait3A_69 : memref<640x128xf32, #tpu.memory_space<vmem_shared>>) dst(%dma_wait3A_67 : memref<640x128xf32, #tpu.memory_space<hbm>>)
        tpu.yield
      }) : () -> ()
    } else {
    }
    %eq3A_51 = arith.constant 15 : i32
    %eq3A_52 = arith.cmpi eq, %arg1, %eq3A_51 : i32
    %convert_element_type3A_53 = arith.extui %eq3A_52 : i1 to i32
    %cond3A_54 = arith.constant 0 : i32
    %cond3A_55 = arith.cmpi ne, %convert_element_type3A_53, %cond3A_54 : i32
    scf.if %cond3A_55 {
      "tpu.region"() ({
        %run_scoped3A = tpu.sem_alloc : memref<!tpu.dma_semaphore, #tpu.memory_space<semaphore_mem>>
        %dma_start3A_56 = arith.constant 9600 : i32
        %dma_start3A_57 = arith.constant 0 : i32
        %dma_start3A_58 = tpu.memref_slice %arg5[%arg0, %dma_start3A_56, %dma_start3A_57] : memref<2x10000x128xf32, #tpu.memory_space<hbm>> -> memref<1x400x128xf32, #tpu.memory_space<hbm>>
        %dma_start3A_59 = tpu.memref_squeeze %dma_start3A_58 : memref<1x400x128xf32, #tpu.memory_space<hbm>> -> memref<400x128xf32, #tpu.memory_space<hbm>>
        %dma_start3A_60 = arith.constant 9600 : i32
        %dma_start3A_61 = arith.constant 0 : i32
        %dma_start3A_62 = tpu.memref_slice %arg9[%dma_start3A_60, %dma_start3A_61] : memref<10000x128xf32, #tpu.memory_space<vmem_shared>> -> memref<400x128xf32, #tpu.memory_space<vmem_shared>>
        tpu.enqueue_dma source(%dma_start3A_62 : memref<400x128xf32, #tpu.memory_space<vmem_shared>>) target(%dma_start3A_59 : memref<400x128xf32, #tpu.memory_space<hbm>>) target_semaphore(%run_scoped3A : memref<!tpu.dma_semaphore, #tpu.memory_space<semaphore_mem>>)
        %dma_wait3A_63 = arith.constant 9600 : i32
        %dma_wait3A_64 = arith.constant 0 : i32
        %dma_wait3A_65 = tpu.memref_slice %arg5[%arg0, %dma_wait3A_63, %dma_wait3A_64] : memref<2x10000x128xf32, #tpu.memory_space<hbm>> -> memref<1x400x128xf32, #tpu.memory_space<hbm>>
        %dma_wait3A_66 = tpu.memref_squeeze %dma_wait3A_65 : memref<1x400x128xf32, #tpu.memory_space<hbm>> -> memref<400x128xf32, #tpu.memory_space<hbm>>
        %dma_wait3A_67 = arith.constant 9600 : i32
        %dma_wait3A_68 = arith.constant 0 : i32
        %dma_wait3A_69 = tpu.memref_slice %arg9[%dma_wait3A_67, %dma_wait3A_68] : memref<10000x128xf32, #tpu.memory_space<vmem_shared>> -> memref<400x128xf32, #tpu.memory_space<vmem_shared>>
        tpu.wait_dma2 semaphore(%run_scoped3A : memref<!tpu.dma_semaphore, #tpu.memory_space<semaphore_mem>>) src(%dma_wait3A_69 : memref<400x128xf32, #tpu.memory_space<vmem_shared>>) dst(%dma_wait3A_66 : memref<400x128xf32, #tpu.memory_space<hbm>>)
        tpu.yield
      }) : () -> ()
    } else {
    }
    return
  }
}

module attributes {stable_mosaic.version = 14 : i64} {
  func.func @_s1a_body(%arg0: i32, %arg1: memref<1000x128xf32, #tpu.memory_space<vmem>>, %arg2: memref<1000x128xf32, #tpu.memory_space<vmem>>, %arg3: memref<128x128xf32, #tpu.memory_space<vmem>>, %arg4: memref<128x128xf32, #tpu.memory_space<vmem>>, %arg5: memref<1x128xf32, #tpu.memory_space<vmem>>, %arg6: memref<2x1000x128xf32, #tpu.memory_space<vmem>>) attributes {dimension_semantics = [#tpu.dimension_semantics<arbitrary>], iteration_bounds = array<i64: 10>, scalar_prefetch = 0 : i64, scratch_operands = 0 : i64, tpu.core_type = #tpu.core_type<tc>, window_params = [{transform_indices = @transform_0, window_bounds = array<i64: 1000, 128>}, {transform_indices = @transform_1, window_bounds = array<i64: 1000, 128>}, {pipeline_mode = #tpu.pipeline_mode<synchronous>, transform_indices = @transform_2, window_bounds = array<i64: 128, 128>}, {pipeline_mode = #tpu.pipeline_mode<synchronous>, transform_indices = @transform_3, window_bounds = array<i64: 128, 128>}, {pipeline_mode = #tpu.pipeline_mode<synchronous>, transform_indices = @transform_4, window_bounds = array<i64: 1, 128>}, {transform_indices = @transform_5, window_bounds = array<i64: 2, 1000, 128>}]} {
    %get3A = arith.constant 0 : index
    %get3A_0 = arith.constant 0 : index
    %get3A_1 = vector.load %arg1[%get3A, %get3A_0] : memref<1000x128xf32, #tpu.memory_space<vmem>>, vector<1000x128xf32>
    %get3A_2 = arith.constant 0 : index
    %get3A_3 = arith.constant 0 : index
    %get3A_4 = vector.load %arg3[%get3A_2, %get3A_3] : memref<128x128xf32, #tpu.memory_space<vmem>>, vector<128x128xf32>
    %dot_general3A = arith.constant dense<0.000000e+00> : vector<1000x128xf32>
    %dot_general3A_5 = tpu.matmul %get3A_1, %get3A_4, %dot_general3A {dimension_numbers = #tpu.dot_dimension_numbers<[1], [0], [0], [1], [0, 0, 1, 1], [], []>, transpose_lhs_hint = false} : vector<1000x128xf32>, vector<128x128xf32>, vector<1000x128xf32> -> vector<1000x128xf32>
    %get3A_6 = arith.constant 0 : index
    %get3A_7 = arith.constant 0 : index
    %get3A_8 = vector.load %arg5[%get3A_6, %get3A_7] : memref<1x128xf32, #tpu.memory_space<vmem>>, vector<1x128xf32>
    %add3A = vector.broadcast %get3A_8 : vector<1x128xf32> to vector<1000x128xf32>
    %add3A_9 = arith.addf %dot_general3A_5, %add3A : vector<1000x128xf32>
    %swap3A = arith.constant 0 : index
    %swap3A_10 = arith.constant 0 : index
    %swap3A_11 = arith.constant 0 : index
    %swap3A_12 = vector.load %arg6[%swap3A, %swap3A_10, %swap3A_11] : memref<2x1000x128xf32, #tpu.memory_space<vmem>>, vector<1x1000x128xf32>
    %swap3A_13 = vector.shape_cast %swap3A_12 : vector<1x1000x128xf32> to vector<1000x128xf32>
    %swap3A_14 = vector.shape_cast %add3A_9 : vector<1000x128xf32> to vector<1x1000x128xf32>
    tpu.vector_store %arg6[%swap3A, %swap3A_10, %swap3A_11], %swap3A_14 {strides = array<i32>} : memref<2x1000x128xf32, #tpu.memory_space<vmem>>, vector<1x1000x128xf32>,
    %get3A_15 = arith.constant 0 : index
    %get3A_16 = arith.constant 0 : index
    %get3A_17 = vector.load %arg2[%get3A_15, %get3A_16] : memref<1000x128xf32, #tpu.memory_space<vmem>>, vector<1000x128xf32>
    %get3A_18 = arith.constant 0 : index
    %get3A_19 = arith.constant 0 : index
    %get3A_20 = vector.load %arg4[%get3A_18, %get3A_19] : memref<128x128xf32, #tpu.memory_space<vmem>>, vector<128x128xf32>
    %dot_general3A_21 = arith.constant dense<0.000000e+00> : vector<1000x128xf32>
    %dot_general3A_22 = tpu.matmul %get3A_17, %get3A_20, %dot_general3A_21 {dimension_numbers = #tpu.dot_dimension_numbers<[1], [0], [0], [1], [0, 0, 1, 1], [], []>, transpose_lhs_hint = false} : vector<1000x128xf32>, vector<128x128xf32>, vector<1000x128xf32> -> vector<1000x128xf32>
    %swap3A_23 = arith.constant 1 : index
    %swap3A_24 = arith.constant 0 : index
    %swap3A_25 = arith.constant 0 : index
    %swap3A_26 = vector.load %arg6[%swap3A_23, %swap3A_24, %swap3A_25] : memref<2x1000x128xf32, #tpu.memory_space<vmem>>, vector<1x1000x128xf32>
    %swap3A_27 = vector.shape_cast %swap3A_26 : vector<1x1000x128xf32> to vector<1000x128xf32>
    %swap3A_28 = vector.shape_cast %dot_general3A_22 : vector<1000x128xf32> to vector<1x1000x128xf32>
    tpu.vector_store %arg6[%swap3A_23, %swap3A_24, %swap3A_25], %swap3A_28 {strides = array<i32>} : memref<2x1000x128xf32, #tpu.memory_space<vmem>>, vector<1x1000x128xf32>,
    return
  }
  func.func @transform_0(%arg0: i32) -> (i32, i32) {
    %c0_i32 = arith.constant 0 : i32
    %c0_i32_0 = arith.constant 0 : i32
    return %arg0, %c0_i32 : i32, i32
  }
  func.func @transform_1(%arg0: i32) -> (i32, i32) {
    %c0_i32 = arith.constant 0 : i32
    %c0_i32_0 = arith.constant 0 : i32
    return %arg0, %c0_i32 : i32, i32
  }
  func.func @transform_2(%arg0: i32) -> (i32, i32) {
    %c0_i32 = arith.constant 0 : i32
    %c0_i32_0 = arith.constant 0 : i32
    %c0_i32_1 = arith.constant 0 : i32
    return %c0_i32, %c0_i32_0 : i32, i32
  }
  func.func @transform_3(%arg0: i32) -> (i32, i32) {
    %c0_i32 = arith.constant 0 : i32
    %c0_i32_0 = arith.constant 0 : i32
    %c0_i32_1 = arith.constant 0 : i32
    return %c0_i32, %c0_i32_0 : i32, i32
  }
  func.func @transform_4(%arg0: i32) -> (i32, i32) {
    %c0_i32 = arith.constant 0 : i32
    %c0_i32_0 = arith.constant 0 : i32
    %c0_i32_1 = arith.constant 0 : i32
    return %c0_i32, %c0_i32_0 : i32, i32
  }
  func.func @transform_5(%arg0: i32) -> (i32, i32, i32) {
    %c0_i32 = arith.constant 0 : i32
    %c0_i32_0 = arith.constant 0 : i32
    %c0_i32_1 = arith.constant 0 : i32
    return %c0_i32, %arg0, %c0_i32_0 : i32, i32, i32
  }
}

module attributes {stable_mosaic.version = 14 : i64} {
  func.func @_edge_body(%arg0: i32, %arg1: memref<1000x128xf32, #tpu.memory_space<vmem>>, %arg2: memref<2x1000x128xf32, #tpu.memory_space<vmem>>, %arg3: memref<128x128xf32, #tpu.memory_space<vmem>>, %arg4: memref<128x128xf32, #tpu.memory_space<vmem>>, %arg5: memref<1x128xf32, #tpu.memory_space<vmem>>, %arg6: memref<1x128xf32, #tpu.memory_space<vmem>>, %arg7: memref<1x128xf32, #tpu.memory_space<vmem>>, %arg8: memref<1000x128xf32, #tpu.memory_space<vmem>>) attributes {dimension_semantics = [#tpu.dimension_semantics<arbitrary>], iteration_bounds = array<i64: 64>, scalar_prefetch = 0 : i64, scratch_operands = 0 : i64, tpu.core_type = #tpu.core_type<tc>, window_params = [{transform_indices = @transform_0, window_bounds = array<i64: 1000, 128>}, {transform_indices = @transform_1, window_bounds = array<i64: 2, 1000, 128>}, {pipeline_mode = #tpu.pipeline_mode<synchronous>, transform_indices = @transform_2, window_bounds = array<i64: 128, 128>}, {pipeline_mode = #tpu.pipeline_mode<synchronous>, transform_indices = @transform_3, window_bounds = array<i64: 128, 128>}, {pipeline_mode = #tpu.pipeline_mode<synchronous>, transform_indices = @transform_4, window_bounds = array<i64: 1, 128>}, {pipeline_mode = #tpu.pipeline_mode<synchronous>, transform_indices = @transform_5, window_bounds = array<i64: 1, 128>}, {pipeline_mode = #tpu.pipeline_mode<synchronous>, transform_indices = @transform_6, window_bounds = array<i64: 1, 128>}, {transform_indices = @transform_7, window_bounds = array<i64: 1000, 128>}]} {
    %get3A = arith.constant 0 : index
    %get3A_0 = arith.constant 0 : index
    %get3A_1 = vector.load %arg1[%get3A, %get3A_0] : memref<1000x128xf32, #tpu.memory_space<vmem>>, vector<1000x128xf32>
    %get3A_2 = arith.constant 0 : index
    %get3A_3 = arith.constant 0 : index
    %get3A_4 = vector.load %arg3[%get3A_2, %get3A_3] : memref<128x128xf32, #tpu.memory_space<vmem>>, vector<128x128xf32>
    %dot_general3A = arith.constant dense<0.000000e+00> : vector<1000x128xf32>
    %dot_general3A_5 = tpu.matmul %get3A_1, %get3A_4, %dot_general3A {dimension_numbers = #tpu.dot_dimension_numbers<[1], [0], [0], [1], [0, 0, 1, 1], [], []>, transpose_lhs_hint = false} : vector<1000x128xf32>, vector<128x128xf32>, vector<1000x128xf32> -> vector<1000x128xf32>
    %get3A_6 = arith.constant 0 : index
    %get3A_7 = arith.constant 0 : index
    %get3A_8 = arith.constant 0 : index
    %get3A_9 = vector.load %arg2[%get3A_6, %get3A_7, %get3A_8] : memref<2x1000x128xf32, #tpu.memory_space<vmem>>, vector<1x1000x128xf32>
    %get3A_10 = vector.shape_cast %get3A_9 : vector<1x1000x128xf32> to vector<1000x128xf32>
    %add3A = arith.addf %dot_general3A_5, %get3A_10 : vector<1000x128xf32>
    %get3A_11 = arith.constant 1 : index
    %get3A_12 = arith.constant 0 : index
    %get3A_13 = arith.constant 0 : index
    %get3A_14 = vector.load %arg2[%get3A_11, %get3A_12, %get3A_13] : memref<2x1000x128xf32, #tpu.memory_space<vmem>>, vector<1x1000x128xf32>
    %get3A_15 = vector.shape_cast %get3A_14 : vector<1x1000x128xf32> to vector<1000x128xf32>
    %add3A_16 = arith.addf %add3A, %get3A_15 : vector<1000x128xf32>
    %logistic3A = arith.negf %add3A_16 : vector<1000x128xf32>
    %logistic3A_17 = math.exp %logistic3A : vector<1000x128xf32>
    %logistic3A_18 = arith.constant 1.000000e+00 : f32
    %logistic3A_19 = vector.broadcast %logistic3A_18 : f32 to vector<1000x128xf32>
    %logistic3A_20 = arith.addf %logistic3A_19, %logistic3A_17 : vector<1000x128xf32>
    %logistic3A_21 = arith.divf %logistic3A_19, %logistic3A_20 : vector<1000x128xf32>
    %mul3A = arith.mulf %add3A_16, %logistic3A_21 : vector<1000x128xf32>
    %get3A_22 = arith.constant 0 : index
    %get3A_23 = arith.constant 0 : index
    %get3A_24 = vector.load %arg4[%get3A_22, %get3A_23] : memref<128x128xf32, #tpu.memory_space<vmem>>, vector<128x128xf32>
    %dot_general3A_25 = arith.constant dense<0.000000e+00> : vector<1000x128xf32>
    %dot_general3A_26 = tpu.matmul %mul3A, %get3A_24, %dot_general3A_25 {dimension_numbers = #tpu.dot_dimension_numbers<[1], [0], [0], [1], [0, 0, 1, 1], [], []>, transpose_lhs_hint = false} : vector<1000x128xf32>, vector<128x128xf32>, vector<1000x128xf32> -> vector<1000x128xf32>
    %get3A_27 = arith.constant 0 : index
    %get3A_28 = arith.constant 0 : index
    %get3A_29 = vector.load %arg5[%get3A_27, %get3A_28] : memref<1x128xf32, #tpu.memory_space<vmem>>, vector<1x128xf32>
    %add3A_30 = vector.broadcast %get3A_29 : vector<1x128xf32> to vector<1000x128xf32>
    %add3A_31 = arith.addf %dot_general3A_26, %add3A_30 : vector<1000x128xf32>
    %get3A_32 = arith.constant 0 : index
    %get3A_33 = arith.constant 0 : index
    %get3A_34 = vector.load %arg6[%get3A_32, %get3A_33] : memref<1x128xf32, #tpu.memory_space<vmem>>, vector<1x128xf32>
    %get3A_35 = arith.constant 0 : index
    %get3A_36 = arith.constant 0 : index
    %get3A_37 = vector.load %arg7[%get3A_35, %get3A_36] : memref<1x128xf32, #tpu.memory_space<vmem>>, vector<1x128xf32>
    %reduce_sum3A = arith.constant dense<0.000000e+00> : vector<1000xf32>
    %reduce_sum3A_38 = vector.multi_reduction <add>, %add3A_31, %reduce_sum3A [1] : vector<1000x128xf32> to vector<1000xf32>
    %broadcast_in_dim3A = vector.shape_cast %reduce_sum3A_38 : vector<1000xf32> to vector<1000x1xf32>
    %div3A = arith.constant 1.280000e+02 : f32
    %div3A_39 = vector.broadcast %div3A : f32 to vector<1000x1xf32>
    %div3A_40 = arith.divf %broadcast_in_dim3A, %div3A_39 : vector<1000x1xf32>
    %sub3A = vector.broadcast %div3A_40 : vector<1000x1xf32> to vector<1000x128xf32>
    %sub3A_41 = arith.subf %add3A_31, %sub3A : vector<1000x128xf32>
    %integer_pow3A = arith.mulf %sub3A_41, %sub3A_41 : vector<1000x128xf32>
    %reduce_sum3A_42 = arith.constant dense<0.000000e+00> : vector<1000xf32>
    %reduce_sum3A_43 = vector.multi_reduction <add>, %integer_pow3A, %reduce_sum3A_42 [1] : vector<1000x128xf32> to vector<1000xf32>
    %broadcast_in_dim3A_44 = vector.shape_cast %reduce_sum3A_43 : vector<1000xf32> to vector<1000x1xf32>
    %div3A_45 = arith.constant 1.280000e+02 : f32
    %div3A_46 = vector.broadcast %div3A_45 : f32 to vector<1000x1xf32>
    %div3A_47 = arith.divf %broadcast_in_dim3A_44, %div3A_46 : vector<1000x1xf32>
    %sub3A_48 = vector.broadcast %div3A_40 : vector<1000x1xf32> to vector<1000x128xf32>
    %sub3A_49 = arith.subf %add3A_31, %sub3A_48 : vector<1000x128xf32>
    %add3A_50 = arith.constant 9.99999974E-6 : f32
    %add3A_51 = vector.broadcast %add3A_50 : f32 to vector<1000x1xf32>
    %add3A_52 = arith.addf %div3A_47, %add3A_51 : vector<1000x1xf32>
    %rsqrt3A = math.rsqrt %add3A_52 : vector<1000x1xf32>
    %mul3A_53 = vector.broadcast %rsqrt3A : vector<1000x1xf32> to vector<1000x128xf32>
    %mul3A_54 = arith.mulf %sub3A_49, %mul3A_53 : vector<1000x128xf32>
    %mul3A_55 = vector.broadcast %get3A_34 : vector<1x128xf32> to vector<1000x128xf32>
    %mul3A_56 = arith.mulf %mul3A_54, %mul3A_55 : vector<1000x128xf32>
    %add3A_57 = vector.broadcast %get3A_37 : vector<1x128xf32> to vector<1000x128xf32>
    %add3A_58 = arith.addf %mul3A_56, %add3A_57 : vector<1000x128xf32>
    %swap3A = arith.constant 0 : index
    %swap3A_59 = arith.constant 0 : index
    %swap3A_60 = vector.load %arg8[%swap3A, %swap3A_59] : memref<1000x128xf32, #tpu.memory_space<vmem>>, vector<1000x128xf32>
    tpu.vector_store %arg8[%swap3A, %swap3A_59], %add3A_58 {strides = array<i32>} : memref<1000x128xf32, #tpu.memory_space<vmem>>, vector<1000x128xf32>,
    return
  }
  func.func @transform_0(%arg0: i32) -> (i32, i32) {
    %add3A = arith.constant 0 : i32
    %add3A_0 = arith.addi %arg0, %add3A : i32
    %c0_i32 = arith.constant 0 : i32
    %c0_i32_1 = arith.constant 0 : i32
    return %add3A_0, %c0_i32 : i32, i32
  }
  func.func @transform_1(%arg0: i32) -> (i32, i32, i32) {
    %c0_i32 = arith.constant 0 : i32
    %c0_i32_0 = arith.constant 0 : i32
    %c0_i32_1 = arith.constant 0 : i32
    return %c0_i32, %arg0, %c0_i32_0 : i32, i32, i32
  }
  func.func @transform_2(%arg0: i32) -> (i32, i32) {
    %c0_i32 = arith.constant 0 : i32
    %c0_i32_0 = arith.constant 0 : i32
    %c0_i32_1 = arith.constant 0 : i32
    return %c0_i32, %c0_i32_0 : i32, i32
  }
  func.func @transform_3(%arg0: i32) -> (i32, i32) {
    %c0_i32 = arith.constant 0 : i32
    %c0_i32_0 = arith.constant 0 : i32
    %c0_i32_1 = arith.constant 0 : i32
    return %c0_i32, %c0_i32_0 : i32, i32
  }
  func.func @transform_4(%arg0: i32) -> (i32, i32) {
    %c0_i32 = arith.constant 0 : i32
    %c0_i32_0 = arith.constant 0 : i32
    %c0_i32_1 = arith.constant 0 : i32
    return %c0_i32, %c0_i32_0 : i32, i32
  }
  func.func @transform_5(%arg0: i32) -> (i32, i32) {
    %c0_i32 = arith.constant 0 : i32
    %c0_i32_0 = arith.constant 0 : i32
    %c0_i32_1 = arith.constant 0 : i32
    return %c0_i32, %c0_i32_0 : i32, i32
  }
  func.func @transform_6(%arg0: i32) -> (i32, i32) {
    %c0_i32 = arith.constant 0 : i32
    %c0_i32_0 = arith.constant 0 : i32
    %c0_i32_1 = arith.constant 0 : i32
    return %c0_i32, %c0_i32_0 : i32, i32
  }
  func.func @transform_7(%arg0: i32) -> (i32, i32) {
    %c0_i32 = arith.constant 0 : i32
    %c0_i32_0 = arith.constant 0 : i32
    return %arg0, %c0_i32 : i32, i32
  }
}

module attributes {stable_mosaic.version = 14 : i64} {
  func.func @_edge_body(%arg0: i32, %arg1: memref<1000x128xf32, #tpu.memory_space<vmem>>, %arg2: memref<2x1000x128xf32, #tpu.memory_space<vmem>>, %arg3: memref<128x128xf32, #tpu.memory_space<vmem>>, %arg4: memref<128x128xf32, #tpu.memory_space<vmem>>, %arg5: memref<1x128xf32, #tpu.memory_space<vmem>>, %arg6: memref<1x128xf32, #tpu.memory_space<vmem>>, %arg7: memref<1x128xf32, #tpu.memory_space<vmem>>, %arg8: memref<1000x128xf32, #tpu.memory_space<vmem>>) attributes {dimension_semantics = [#tpu.dimension_semantics<arbitrary>], iteration_bounds = array<i64: 64>, scalar_prefetch = 0 : i64, scratch_operands = 0 : i64, tpu.core_type = #tpu.core_type<tc>, window_params = [{transform_indices = @transform_0, window_bounds = array<i64: 1000, 128>}, {transform_indices = @transform_1, window_bounds = array<i64: 2, 1000, 128>}, {pipeline_mode = #tpu.pipeline_mode<synchronous>, transform_indices = @transform_2, window_bounds = array<i64: 128, 128>}, {pipeline_mode = #tpu.pipeline_mode<synchronous>, transform_indices = @transform_3, window_bounds = array<i64: 128, 128>}, {pipeline_mode = #tpu.pipeline_mode<synchronous>, transform_indices = @transform_4, window_bounds = array<i64: 1, 128>}, {pipeline_mode = #tpu.pipeline_mode<synchronous>, transform_indices = @transform_5, window_bounds = array<i64: 1, 128>}, {pipeline_mode = #tpu.pipeline_mode<synchronous>, transform_indices = @transform_6, window_bounds = array<i64: 1, 128>}, {transform_indices = @transform_7, window_bounds = array<i64: 1000, 128>}]} {
    %get3A = arith.constant 0 : index
    %get3A_0 = arith.constant 0 : index
    %get3A_1 = vector.load %arg1[%get3A, %get3A_0] : memref<1000x128xf32, #tpu.memory_space<vmem>>, vector<1000x128xf32>
    %get3A_2 = arith.constant 0 : index
    %get3A_3 = arith.constant 0 : index
    %get3A_4 = vector.load %arg3[%get3A_2, %get3A_3] : memref<128x128xf32, #tpu.memory_space<vmem>>, vector<128x128xf32>
    %dot_general3A = arith.constant dense<0.000000e+00> : vector<1000x128xf32>
    %dot_general3A_5 = tpu.matmul %get3A_1, %get3A_4, %dot_general3A {dimension_numbers = #tpu.dot_dimension_numbers<[1], [0], [0], [1], [0, 0, 1, 1], [], []>, transpose_lhs_hint = false} : vector<1000x128xf32>, vector<128x128xf32>, vector<1000x128xf32> -> vector<1000x128xf32>
    %get3A_6 = arith.constant 0 : index
    %get3A_7 = arith.constant 0 : index
    %get3A_8 = arith.constant 0 : index
    %get3A_9 = vector.load %arg2[%get3A_6, %get3A_7, %get3A_8] : memref<2x1000x128xf32, #tpu.memory_space<vmem>>, vector<1x1000x128xf32>
    %get3A_10 = vector.shape_cast %get3A_9 : vector<1x1000x128xf32> to vector<1000x128xf32>
    %add3A = arith.addf %dot_general3A_5, %get3A_10 : vector<1000x128xf32>
    %get3A_11 = arith.constant 1 : index
    %get3A_12 = arith.constant 0 : index
    %get3A_13 = arith.constant 0 : index
    %get3A_14 = vector.load %arg2[%get3A_11, %get3A_12, %get3A_13] : memref<2x1000x128xf32, #tpu.memory_space<vmem>>, vector<1x1000x128xf32>
    %get3A_15 = vector.shape_cast %get3A_14 : vector<1x1000x128xf32> to vector<1000x128xf32>
    %add3A_16 = arith.addf %add3A, %get3A_15 : vector<1000x128xf32>
    %logistic3A = arith.negf %add3A_16 : vector<1000x128xf32>
    %logistic3A_17 = math.exp %logistic3A : vector<1000x128xf32>
    %logistic3A_18 = arith.constant 1.000000e+00 : f32
    %logistic3A_19 = vector.broadcast %logistic3A_18 : f32 to vector<1000x128xf32>
    %logistic3A_20 = arith.addf %logistic3A_19, %logistic3A_17 : vector<1000x128xf32>
    %logistic3A_21 = arith.divf %logistic3A_19, %logistic3A_20 : vector<1000x128xf32>
    %mul3A = arith.mulf %add3A_16, %logistic3A_21 : vector<1000x128xf32>
    %get3A_22 = arith.constant 0 : index
    %get3A_23 = arith.constant 0 : index
    %get3A_24 = vector.load %arg4[%get3A_22, %get3A_23] : memref<128x128xf32, #tpu.memory_space<vmem>>, vector<128x128xf32>
    %dot_general3A_25 = arith.constant dense<0.000000e+00> : vector<1000x128xf32>
    %dot_general3A_26 = tpu.matmul %mul3A, %get3A_24, %dot_general3A_25 {dimension_numbers = #tpu.dot_dimension_numbers<[1], [0], [0], [1], [0, 0, 1, 1], [], []>, transpose_lhs_hint = false} : vector<1000x128xf32>, vector<128x128xf32>, vector<1000x128xf32> -> vector<1000x128xf32>
    %get3A_27 = arith.constant 0 : index
    %get3A_28 = arith.constant 0 : index
    %get3A_29 = vector.load %arg5[%get3A_27, %get3A_28] : memref<1x128xf32, #tpu.memory_space<vmem>>, vector<1x128xf32>
    %add3A_30 = vector.broadcast %get3A_29 : vector<1x128xf32> to vector<1000x128xf32>
    %add3A_31 = arith.addf %dot_general3A_26, %add3A_30 : vector<1000x128xf32>
    %get3A_32 = arith.constant 0 : index
    %get3A_33 = arith.constant 0 : index
    %get3A_34 = vector.load %arg6[%get3A_32, %get3A_33] : memref<1x128xf32, #tpu.memory_space<vmem>>, vector<1x128xf32>
    %get3A_35 = arith.constant 0 : index
    %get3A_36 = arith.constant 0 : index
    %get3A_37 = vector.load %arg7[%get3A_35, %get3A_36] : memref<1x128xf32, #tpu.memory_space<vmem>>, vector<1x128xf32>
    %reduce_sum3A = arith.constant dense<0.000000e+00> : vector<1000xf32>
    %reduce_sum3A_38 = vector.multi_reduction <add>, %add3A_31, %reduce_sum3A [1] : vector<1000x128xf32> to vector<1000xf32>
    %broadcast_in_dim3A = vector.shape_cast %reduce_sum3A_38 : vector<1000xf32> to vector<1000x1xf32>
    %div3A = arith.constant 1.280000e+02 : f32
    %div3A_39 = vector.broadcast %div3A : f32 to vector<1000x1xf32>
    %div3A_40 = arith.divf %broadcast_in_dim3A, %div3A_39 : vector<1000x1xf32>
    %sub3A = vector.broadcast %div3A_40 : vector<1000x1xf32> to vector<1000x128xf32>
    %sub3A_41 = arith.subf %add3A_31, %sub3A : vector<1000x128xf32>
    %integer_pow3A = arith.mulf %sub3A_41, %sub3A_41 : vector<1000x128xf32>
    %reduce_sum3A_42 = arith.constant dense<0.000000e+00> : vector<1000xf32>
    %reduce_sum3A_43 = vector.multi_reduction <add>, %integer_pow3A, %reduce_sum3A_42 [1] : vector<1000x128xf32> to vector<1000xf32>
    %broadcast_in_dim3A_44 = vector.shape_cast %reduce_sum3A_43 : vector<1000xf32> to vector<1000x1xf32>
    %div3A_45 = arith.constant 1.280000e+02 : f32
    %div3A_46 = vector.broadcast %div3A_45 : f32 to vector<1000x1xf32>
    %div3A_47 = arith.divf %broadcast_in_dim3A_44, %div3A_46 : vector<1000x1xf32>
    %sub3A_48 = vector.broadcast %div3A_40 : vector<1000x1xf32> to vector<1000x128xf32>
    %sub3A_49 = arith.subf %add3A_31, %sub3A_48 : vector<1000x128xf32>
    %add3A_50 = arith.constant 9.99999974E-6 : f32
    %add3A_51 = vector.broadcast %add3A_50 : f32 to vector<1000x1xf32>
    %add3A_52 = arith.addf %div3A_47, %add3A_51 : vector<1000x1xf32>
    %rsqrt3A = math.rsqrt %add3A_52 : vector<1000x1xf32>
    %mul3A_53 = vector.broadcast %rsqrt3A : vector<1000x1xf32> to vector<1000x128xf32>
    %mul3A_54 = arith.mulf %sub3A_49, %mul3A_53 : vector<1000x128xf32>
    %mul3A_55 = vector.broadcast %get3A_34 : vector<1x128xf32> to vector<1000x128xf32>
    %mul3A_56 = arith.mulf %mul3A_54, %mul3A_55 : vector<1000x128xf32>
    %add3A_57 = vector.broadcast %get3A_37 : vector<1x128xf32> to vector<1000x128xf32>
    %add3A_58 = arith.addf %mul3A_56, %add3A_57 : vector<1000x128xf32>
    %swap3A = arith.constant 0 : index
    %swap3A_59 = arith.constant 0 : index
    %swap3A_60 = vector.load %arg8[%swap3A, %swap3A_59] : memref<1000x128xf32, #tpu.memory_space<vmem>>, vector<1000x128xf32>
    tpu.vector_store %arg8[%swap3A, %swap3A_59], %add3A_58 {strides = array<i32>} : memref<1000x128xf32, #tpu.memory_space<vmem>>, vector<1000x128xf32>,
    return
  }
  func.func @transform_0(%arg0: i32) -> (i32, i32) {
    %add3A = arith.constant 64 : i32
    %add3A_0 = arith.addi %arg0, %add3A : i32
    %c0_i32 = arith.constant 0 : i32
    %c0_i32_1 = arith.constant 0 : i32
    return %add3A_0, %c0_i32 : i32, i32
  }
  func.func @transform_1(%arg0: i32) -> (i32, i32, i32) {
    %c0_i32 = arith.constant 0 : i32
    %c0_i32_0 = arith.constant 0 : i32
    %c0_i32_1 = arith.constant 0 : i32
    return %c0_i32, %arg0, %c0_i32_0 : i32, i32, i32
  }
  func.func @transform_2(%arg0: i32) -> (i32, i32) {
    %c0_i32 = arith.constant 0 : i32
    %c0_i32_0 = arith.constant 0 : i32
    %c0_i32_1 = arith.constant 0 : i32
    return %c0_i32, %c0_i32_0 : i32, i32
  }
  func.func @transform_3(%arg0: i32) -> (i32, i32) {
    %c0_i32 = arith.constant 0 : i32
    %c0_i32_0 = arith.constant 0 : i32
    %c0_i32_1 = arith.constant 0 : i32
    return %c0_i32, %c0_i32_0 : i32, i32
  }
  func.func @transform_4(%arg0: i32) -> (i32, i32) {
    %c0_i32 = arith.constant 0 : i32
    %c0_i32_0 = arith.constant 0 : i32
    %c0_i32_1 = arith.constant 0 : i32
    return %c0_i32, %c0_i32_0 : i32, i32
  }
  func.func @transform_5(%arg0: i32) -> (i32, i32) {
    %c0_i32 = arith.constant 0 : i32
    %c0_i32_0 = arith.constant 0 : i32
    %c0_i32_1 = arith.constant 0 : i32
    return %c0_i32, %c0_i32_0 : i32, i32
  }
  func.func @transform_6(%arg0: i32) -> (i32, i32) {
    %c0_i32 = arith.constant 0 : i32
    %c0_i32_0 = arith.constant 0 : i32
    %c0_i32_1 = arith.constant 0 : i32
    return %c0_i32, %c0_i32_0 : i32, i32
  }
  func.func @transform_7(%arg0: i32) -> (i32, i32) {
    %c0_i32 = arith.constant 0 : i32
    %c0_i32_0 = arith.constant 0 : i32
    return %arg0, %c0_i32 : i32, i32
  }
}

module attributes {stable_mosaic.version = 14 : i64} {
  func.func @_edge_body(%arg0: i32, %arg1: memref<1000x128xf32, #tpu.memory_space<vmem>>, %arg2: memref<2x1000x128xf32, #tpu.memory_space<vmem>>, %arg3: memref<128x128xf32, #tpu.memory_space<vmem>>, %arg4: memref<128x128xf32, #tpu.memory_space<vmem>>, %arg5: memref<1x128xf32, #tpu.memory_space<vmem>>, %arg6: memref<1x128xf32, #tpu.memory_space<vmem>>, %arg7: memref<1x128xf32, #tpu.memory_space<vmem>>, %arg8: memref<1000x128xf32, #tpu.memory_space<vmem>>) attributes {dimension_semantics = [#tpu.dimension_semantics<arbitrary>], iteration_bounds = array<i64: 64>, scalar_prefetch = 0 : i64, scratch_operands = 0 : i64, tpu.core_type = #tpu.core_type<tc>, window_params = [{transform_indices = @transform_0, window_bounds = array<i64: 1000, 128>}, {transform_indices = @transform_1, window_bounds = array<i64: 2, 1000, 128>}, {pipeline_mode = #tpu.pipeline_mode<synchronous>, transform_indices = @transform_2, window_bounds = array<i64: 128, 128>}, {pipeline_mode = #tpu.pipeline_mode<synchronous>, transform_indices = @transform_3, window_bounds = array<i64: 128, 128>}, {pipeline_mode = #tpu.pipeline_mode<synchronous>, transform_indices = @transform_4, window_bounds = array<i64: 1, 128>}, {pipeline_mode = #tpu.pipeline_mode<synchronous>, transform_indices = @transform_5, window_bounds = array<i64: 1, 128>}, {pipeline_mode = #tpu.pipeline_mode<synchronous>, transform_indices = @transform_6, window_bounds = array<i64: 1, 128>}, {transform_indices = @transform_7, window_bounds = array<i64: 1000, 128>}]} {
    %get3A = arith.constant 0 : index
    %get3A_0 = arith.constant 0 : index
    %get3A_1 = vector.load %arg1[%get3A, %get3A_0] : memref<1000x128xf32, #tpu.memory_space<vmem>>, vector<1000x128xf32>
    %get3A_2 = arith.constant 0 : index
    %get3A_3 = arith.constant 0 : index
    %get3A_4 = vector.load %arg3[%get3A_2, %get3A_3] : memref<128x128xf32, #tpu.memory_space<vmem>>, vector<128x128xf32>
    %dot_general3A = arith.constant dense<0.000000e+00> : vector<1000x128xf32>
    %dot_general3A_5 = tpu.matmul %get3A_1, %get3A_4, %dot_general3A {dimension_numbers = #tpu.dot_dimension_numbers<[1], [0], [0], [1], [0, 0, 1, 1], [], []>, transpose_lhs_hint = false} : vector<1000x128xf32>, vector<128x128xf32>, vector<1000x128xf32> -> vector<1000x128xf32>
    %get3A_6 = arith.constant 0 : index
    %get3A_7 = arith.constant 0 : index
    %get3A_8 = arith.constant 0 : index
    %get3A_9 = vector.load %arg2[%get3A_6, %get3A_7, %get3A_8] : memref<2x1000x128xf32, #tpu.memory_space<vmem>>, vector<1x1000x128xf32>
    %get3A_10 = vector.shape_cast %get3A_9 : vector<1x1000x128xf32> to vector<1000x128xf32>
    %add3A = arith.addf %dot_general3A_5, %get3A_10 : vector<1000x128xf32>
    %get3A_11 = arith.constant 1 : index
    %get3A_12 = arith.constant 0 : index
    %get3A_13 = arith.constant 0 : index
    %get3A_14 = vector.load %arg2[%get3A_11, %get3A_12, %get3A_13] : memref<2x1000x128xf32, #tpu.memory_space<vmem>>, vector<1x1000x128xf32>
    %get3A_15 = vector.shape_cast %get3A_14 : vector<1x1000x128xf32> to vector<1000x128xf32>
    %add3A_16 = arith.addf %add3A, %get3A_15 : vector<1000x128xf32>
    %logistic3A = arith.negf %add3A_16 : vector<1000x128xf32>
    %logistic3A_17 = math.exp %logistic3A : vector<1000x128xf32>
    %logistic3A_18 = arith.constant 1.000000e+00 : f32
    %logistic3A_19 = vector.broadcast %logistic3A_18 : f32 to vector<1000x128xf32>
    %logistic3A_20 = arith.addf %logistic3A_19, %logistic3A_17 : vector<1000x128xf32>
    %logistic3A_21 = arith.divf %logistic3A_19, %logistic3A_20 : vector<1000x128xf32>
    %mul3A = arith.mulf %add3A_16, %logistic3A_21 : vector<1000x128xf32>
    %get3A_22 = arith.constant 0 : index
    %get3A_23 = arith.constant 0 : index
    %get3A_24 = vector.load %arg4[%get3A_22, %get3A_23] : memref<128x128xf32, #tpu.memory_space<vmem>>, vector<128x128xf32>
    %dot_general3A_25 = arith.constant dense<0.000000e+00> : vector<1000x128xf32>
    %dot_general3A_26 = tpu.matmul %mul3A, %get3A_24, %dot_general3A_25 {dimension_numbers = #tpu.dot_dimension_numbers<[1], [0], [0], [1], [0, 0, 1, 1], [], []>, transpose_lhs_hint = false} : vector<1000x128xf32>, vector<128x128xf32>, vector<1000x128xf32> -> vector<1000x128xf32>
    %get3A_27 = arith.constant 0 : index
    %get3A_28 = arith.constant 0 : index
    %get3A_29 = vector.load %arg5[%get3A_27, %get3A_28] : memref<1x128xf32, #tpu.memory_space<vmem>>, vector<1x128xf32>
    %add3A_30 = vector.broadcast %get3A_29 : vector<1x128xf32> to vector<1000x128xf32>
    %add3A_31 = arith.addf %dot_general3A_26, %add3A_30 : vector<1000x128xf32>
    %get3A_32 = arith.constant 0 : index
    %get3A_33 = arith.constant 0 : index
    %get3A_34 = vector.load %arg6[%get3A_32, %get3A_33] : memref<1x128xf32, #tpu.memory_space<vmem>>, vector<1x128xf32>
    %get3A_35 = arith.constant 0 : index
    %get3A_36 = arith.constant 0 : index
    %get3A_37 = vector.load %arg7[%get3A_35, %get3A_36] : memref<1x128xf32, #tpu.memory_space<vmem>>, vector<1x128xf32>
    %reduce_sum3A = arith.constant dense<0.000000e+00> : vector<1000xf32>
    %reduce_sum3A_38 = vector.multi_reduction <add>, %add3A_31, %reduce_sum3A [1] : vector<1000x128xf32> to vector<1000xf32>
    %broadcast_in_dim3A = vector.shape_cast %reduce_sum3A_38 : vector<1000xf32> to vector<1000x1xf32>
    %div3A = arith.constant 1.280000e+02 : f32
    %div3A_39 = vector.broadcast %div3A : f32 to vector<1000x1xf32>
    %div3A_40 = arith.divf %broadcast_in_dim3A, %div3A_39 : vector<1000x1xf32>
    %sub3A = vector.broadcast %div3A_40 : vector<1000x1xf32> to vector<1000x128xf32>
    %sub3A_41 = arith.subf %add3A_31, %sub3A : vector<1000x128xf32>
    %integer_pow3A = arith.mulf %sub3A_41, %sub3A_41 : vector<1000x128xf32>
    %reduce_sum3A_42 = arith.constant dense<0.000000e+00> : vector<1000xf32>
    %reduce_sum3A_43 = vector.multi_reduction <add>, %integer_pow3A, %reduce_sum3A_42 [1] : vector<1000x128xf32> to vector<1000xf32>
    %broadcast_in_dim3A_44 = vector.shape_cast %reduce_sum3A_43 : vector<1000xf32> to vector<1000x1xf32>
    %div3A_45 = arith.constant 1.280000e+02 : f32
    %div3A_46 = vector.broadcast %div3A_45 : f32 to vector<1000x1xf32>
    %div3A_47 = arith.divf %broadcast_in_dim3A_44, %div3A_46 : vector<1000x1xf32>
    %sub3A_48 = vector.broadcast %div3A_40 : vector<1000x1xf32> to vector<1000x128xf32>
    %sub3A_49 = arith.subf %add3A_31, %sub3A_48 : vector<1000x128xf32>
    %add3A_50 = arith.constant 9.99999974E-6 : f32
    %add3A_51 = vector.broadcast %add3A_50 : f32 to vector<1000x1xf32>
    %add3A_52 = arith.addf %div3A_47, %add3A_51 : vector<1000x1xf32>
    %rsqrt3A = math.rsqrt %add3A_52 : vector<1000x1xf32>
    %mul3A_53 = vector.broadcast %rsqrt3A : vector<1000x1xf32> to vector<1000x128xf32>
    %mul3A_54 = arith.mulf %sub3A_49, %mul3A_53 : vector<1000x128xf32>
    %mul3A_55 = vector.broadcast %get3A_34 : vector<1x128xf32> to vector<1000x128xf32>
    %mul3A_56 = arith.mulf %mul3A_54, %mul3A_55 : vector<1000x128xf32>
    %add3A_57 = vector.broadcast %get3A_37 : vector<1x128xf32> to vector<1000x128xf32>
    %add3A_58 = arith.addf %mul3A_56, %add3A_57 : vector<1000x128xf32>
    %swap3A = arith.constant 0 : index
    %swap3A_59 = arith.constant 0 : index
    %swap3A_60 = vector.load %arg8[%swap3A, %swap3A_59] : memref<1000x128xf32, #tpu.memory_space<vmem>>, vector<1000x128xf32>
    tpu.vector_store %arg8[%swap3A, %swap3A_59], %add3A_58 {strides = array<i32>} : memref<1000x128xf32, #tpu.memory_space<vmem>>, vector<1000x128xf32>,
    return
  }
  func.func @transform_0(%arg0: i32) -> (i32, i32) {
    %add3A = arith.constant 128 : i32
    %add3A_0 = arith.addi %arg0, %add3A : i32
    %c0_i32 = arith.constant 0 : i32
    %c0_i32_1 = arith.constant 0 : i32
    return %add3A_0, %c0_i32 : i32, i32
  }
  func.func @transform_1(%arg0: i32) -> (i32, i32, i32) {
    %c0_i32 = arith.constant 0 : i32
    %c0_i32_0 = arith.constant 0 : i32
    %c0_i32_1 = arith.constant 0 : i32
    return %c0_i32, %arg0, %c0_i32_0 : i32, i32, i32
  }
  func.func @transform_2(%arg0: i32) -> (i32, i32) {
    %c0_i32 = arith.constant 0 : i32
    %c0_i32_0 = arith.constant 0 : i32
    %c0_i32_1 = arith.constant 0 : i32
    return %c0_i32, %c0_i32_0 : i32, i32
  }
  func.func @transform_3(%arg0: i32) -> (i32, i32) {
    %c0_i32 = arith.constant 0 : i32
    %c0_i32_0 = arith.constant 0 : i32
    %c0_i32_1 = arith.constant 0 : i32
    return %c0_i32, %c0_i32_0 : i32, i32
  }
  func.func @transform_4(%arg0: i32) -> (i32, i32) {
    %c0_i32 = arith.constant 0 : i32
    %c0_i32_0 = arith.constant 0 : i32
    %c0_i32_1 = arith.constant 0 : i32
    return %c0_i32, %c0_i32_0 : i32, i32
  }
  func.func @transform_5(%arg0: i32) -> (i32, i32) {
    %c0_i32 = arith.constant 0 : i32
    %c0_i32_0 = arith.constant 0 : i32
    %c0_i32_1 = arith.constant 0 : i32
    return %c0_i32, %c0_i32_0 : i32, i32
  }
  func.func @transform_6(%arg0: i32) -> (i32, i32) {
    %c0_i32 = arith.constant 0 : i32
    %c0_i32_0 = arith.constant 0 : i32
    %c0_i32_1 = arith.constant 0 : i32
    return %c0_i32, %c0_i32_0 : i32, i32
  }
  func.func @transform_7(%arg0: i32) -> (i32, i32) {
    %c0_i32 = arith.constant 0 : i32
    %c0_i32_0 = arith.constant 0 : i32
    return %arg0, %c0_i32 : i32, i32
  }
}

module attributes {stable_mosaic.version = 14 : i64} {
  func.func @_edge_body(%arg0: i32, %arg1: memref<1000x128xf32, #tpu.memory_space<vmem>>, %arg2: memref<2x1000x128xf32, #tpu.memory_space<vmem>>, %arg3: memref<128x128xf32, #tpu.memory_space<vmem>>, %arg4: memref<128x128xf32, #tpu.memory_space<vmem>>, %arg5: memref<1x128xf32, #tpu.memory_space<vmem>>, %arg6: memref<1x128xf32, #tpu.memory_space<vmem>>, %arg7: memref<1x128xf32, #tpu.memory_space<vmem>>, %arg8: memref<1000x128xf32, #tpu.memory_space<vmem>>) attributes {dimension_semantics = [#tpu.dimension_semantics<arbitrary>], iteration_bounds = array<i64: 64>, scalar_prefetch = 0 : i64, scratch_operands = 0 : i64, tpu.core_type = #tpu.core_type<tc>, window_params = [{transform_indices = @transform_0, window_bounds = array<i64: 1000, 128>}, {transform_indices = @transform_1, window_bounds = array<i64: 2, 1000, 128>}, {pipeline_mode = #tpu.pipeline_mode<synchronous>, transform_indices = @transform_2, window_bounds = array<i64: 128, 128>}, {pipeline_mode = #tpu.pipeline_mode<synchronous>, transform_indices = @transform_3, window_bounds = array<i64: 128, 128>}, {pipeline_mode = #tpu.pipeline_mode<synchronous>, transform_indices = @transform_4, window_bounds = array<i64: 1, 128>}, {pipeline_mode = #tpu.pipeline_mode<synchronous>, transform_indices = @transform_5, window_bounds = array<i64: 1, 128>}, {pipeline_mode = #tpu.pipeline_mode<synchronous>, transform_indices = @transform_6, window_bounds = array<i64: 1, 128>}, {transform_indices = @transform_7, window_bounds = array<i64: 1000, 128>}]} {
    %get3A = arith.constant 0 : index
    %get3A_0 = arith.constant 0 : index
    %get3A_1 = vector.load %arg1[%get3A, %get3A_0] : memref<1000x128xf32, #tpu.memory_space<vmem>>, vector<1000x128xf32>
    %get3A_2 = arith.constant 0 : index
    %get3A_3 = arith.constant 0 : index
    %get3A_4 = vector.load %arg3[%get3A_2, %get3A_3] : memref<128x128xf32, #tpu.memory_space<vmem>>, vector<128x128xf32>
    %dot_general3A = arith.constant dense<0.000000e+00> : vector<1000x128xf32>
    %dot_general3A_5 = tpu.matmul %get3A_1, %get3A_4, %dot_general3A {dimension_numbers = #tpu.dot_dimension_numbers<[1], [0], [0], [1], [0, 0, 1, 1], [], []>, transpose_lhs_hint = false} : vector<1000x128xf32>, vector<128x128xf32>, vector<1000x128xf32> -> vector<1000x128xf32>
    %get3A_6 = arith.constant 0 : index
    %get3A_7 = arith.constant 0 : index
    %get3A_8 = arith.constant 0 : index
    %get3A_9 = vector.load %arg2[%get3A_6, %get3A_7, %get3A_8] : memref<2x1000x128xf32, #tpu.memory_space<vmem>>, vector<1x1000x128xf32>
    %get3A_10 = vector.shape_cast %get3A_9 : vector<1x1000x128xf32> to vector<1000x128xf32>
    %add3A = arith.addf %dot_general3A_5, %get3A_10 : vector<1000x128xf32>
    %get3A_11 = arith.constant 1 : index
    %get3A_12 = arith.constant 0 : index
    %get3A_13 = arith.constant 0 : index
    %get3A_14 = vector.load %arg2[%get3A_11, %get3A_12, %get3A_13] : memref<2x1000x128xf32, #tpu.memory_space<vmem>>, vector<1x1000x128xf32>
    %get3A_15 = vector.shape_cast %get3A_14 : vector<1x1000x128xf32> to vector<1000x128xf32>
    %add3A_16 = arith.addf %add3A, %get3A_15 : vector<1000x128xf32>
    %logistic3A = arith.negf %add3A_16 : vector<1000x128xf32>
    %logistic3A_17 = math.exp %logistic3A : vector<1000x128xf32>
    %logistic3A_18 = arith.constant 1.000000e+00 : f32
    %logistic3A_19 = vector.broadcast %logistic3A_18 : f32 to vector<1000x128xf32>
    %logistic3A_20 = arith.addf %logistic3A_19, %logistic3A_17 : vector<1000x128xf32>
    %logistic3A_21 = arith.divf %logistic3A_19, %logistic3A_20 : vector<1000x128xf32>
    %mul3A = arith.mulf %add3A_16, %logistic3A_21 : vector<1000x128xf32>
    %get3A_22 = arith.constant 0 : index
    %get3A_23 = arith.constant 0 : index
    %get3A_24 = vector.load %arg4[%get3A_22, %get3A_23] : memref<128x128xf32, #tpu.memory_space<vmem>>, vector<128x128xf32>
    %dot_general3A_25 = arith.constant dense<0.000000e+00> : vector<1000x128xf32>
    %dot_general3A_26 = tpu.matmul %mul3A, %get3A_24, %dot_general3A_25 {dimension_numbers = #tpu.dot_dimension_numbers<[1], [0], [0], [1], [0, 0, 1, 1], [], []>, transpose_lhs_hint = false} : vector<1000x128xf32>, vector<128x128xf32>, vector<1000x128xf32> -> vector<1000x128xf32>
    %get3A_27 = arith.constant 0 : index
    %get3A_28 = arith.constant 0 : index
    %get3A_29 = vector.load %arg5[%get3A_27, %get3A_28] : memref<1x128xf32, #tpu.memory_space<vmem>>, vector<1x128xf32>
    %add3A_30 = vector.broadcast %get3A_29 : vector<1x128xf32> to vector<1000x128xf32>
    %add3A_31 = arith.addf %dot_general3A_26, %add3A_30 : vector<1000x128xf32>
    %get3A_32 = arith.constant 0 : index
    %get3A_33 = arith.constant 0 : index
    %get3A_34 = vector.load %arg6[%get3A_32, %get3A_33] : memref<1x128xf32, #tpu.memory_space<vmem>>, vector<1x128xf32>
    %get3A_35 = arith.constant 0 : index
    %get3A_36 = arith.constant 0 : index
    %get3A_37 = vector.load %arg7[%get3A_35, %get3A_36] : memref<1x128xf32, #tpu.memory_space<vmem>>, vector<1x128xf32>
    %reduce_sum3A = arith.constant dense<0.000000e+00> : vector<1000xf32>
    %reduce_sum3A_38 = vector.multi_reduction <add>, %add3A_31, %reduce_sum3A [1] : vector<1000x128xf32> to vector<1000xf32>
    %broadcast_in_dim3A = vector.shape_cast %reduce_sum3A_38 : vector<1000xf32> to vector<1000x1xf32>
    %div3A = arith.constant 1.280000e+02 : f32
    %div3A_39 = vector.broadcast %div3A : f32 to vector<1000x1xf32>
    %div3A_40 = arith.divf %broadcast_in_dim3A, %div3A_39 : vector<1000x1xf32>
    %sub3A = vector.broadcast %div3A_40 : vector<1000x1xf32> to vector<1000x128xf32>
    %sub3A_41 = arith.subf %add3A_31, %sub3A : vector<1000x128xf32>
    %integer_pow3A = arith.mulf %sub3A_41, %sub3A_41 : vector<1000x128xf32>
    %reduce_sum3A_42 = arith.constant dense<0.000000e+00> : vector<1000xf32>
    %reduce_sum3A_43 = vector.multi_reduction <add>, %integer_pow3A, %reduce_sum3A_42 [1] : vector<1000x128xf32> to vector<1000xf32>
    %broadcast_in_dim3A_44 = vector.shape_cast %reduce_sum3A_43 : vector<1000xf32> to vector<1000x1xf32>
    %div3A_45 = arith.constant 1.280000e+02 : f32
    %div3A_46 = vector.broadcast %div3A_45 : f32 to vector<1000x1xf32>
    %div3A_47 = arith.divf %broadcast_in_dim3A_44, %div3A_46 : vector<1000x1xf32>
    %sub3A_48 = vector.broadcast %div3A_40 : vector<1000x1xf32> to vector<1000x128xf32>
    %sub3A_49 = arith.subf %add3A_31, %sub3A_48 : vector<1000x128xf32>
    %add3A_50 = arith.constant 9.99999974E-6 : f32
    %add3A_51 = vector.broadcast %add3A_50 : f32 to vector<1000x1xf32>
    %add3A_52 = arith.addf %div3A_47, %add3A_51 : vector<1000x1xf32>
    %rsqrt3A = math.rsqrt %add3A_52 : vector<1000x1xf32>
    %mul3A_53 = vector.broadcast %rsqrt3A : vector<1000x1xf32> to vector<1000x128xf32>
    %mul3A_54 = arith.mulf %sub3A_49, %mul3A_53 : vector<1000x128xf32>
    %mul3A_55 = vector.broadcast %get3A_34 : vector<1x128xf32> to vector<1000x128xf32>
    %mul3A_56 = arith.mulf %mul3A_54, %mul3A_55 : vector<1000x128xf32>
    %add3A_57 = vector.broadcast %get3A_37 : vector<1x128xf32> to vector<1000x128xf32>
    %add3A_58 = arith.addf %mul3A_56, %add3A_57 : vector<1000x128xf32>
    %swap3A = arith.constant 0 : index
    %swap3A_59 = arith.constant 0 : index
    %swap3A_60 = vector.load %arg8[%swap3A, %swap3A_59] : memref<1000x128xf32, #tpu.memory_space<vmem>>, vector<1000x128xf32>
    tpu.vector_store %arg8[%swap3A, %swap3A_59], %add3A_58 {strides = array<i32>} : memref<1000x128xf32, #tpu.memory_space<vmem>>, vector<1000x128xf32>,
    return
  }
  func.func @transform_0(%arg0: i32) -> (i32, i32) {
    %add3A = arith.constant 192 : i32
    %add3A_0 = arith.addi %arg0, %add3A : i32
    %c0_i32 = arith.constant 0 : i32
    %c0_i32_1 = arith.constant 0 : i32
    return %add3A_0, %c0_i32 : i32, i32
  }
  func.func @transform_1(%arg0: i32) -> (i32, i32, i32) {
    %c0_i32 = arith.constant 0 : i32
    %c0_i32_0 = arith.constant 0 : i32
    %c0_i32_1 = arith.constant 0 : i32
    return %c0_i32, %arg0, %c0_i32_0 : i32, i32, i32
  }
  func.func @transform_2(%arg0: i32) -> (i32, i32) {
    %c0_i32 = arith.constant 0 : i32
    %c0_i32_0 = arith.constant 0 : i32
    %c0_i32_1 = arith.constant 0 : i32
    return %c0_i32, %c0_i32_0 : i32, i32
  }
  func.func @transform_3(%arg0: i32) -> (i32, i32) {
    %c0_i32 = arith.constant 0 : i32
    %c0_i32_0 = arith.constant 0 : i32
    %c0_i32_1 = arith.constant 0 : i32
    return %c0_i32, %c0_i32_0 : i32, i32
  }
  func.func @transform_4(%arg0: i32) -> (i32, i32) {
    %c0_i32 = arith.constant 0 : i32
    %c0_i32_0 = arith.constant 0 : i32
    %c0_i32_1 = arith.constant 0 : i32
    return %c0_i32, %c0_i32_0 : i32, i32
  }
  func.func @transform_5(%arg0: i32) -> (i32, i32) {
    %c0_i32 = arith.constant 0 : i32
    %c0_i32_0 = arith.constant 0 : i32
    %c0_i32_1 = arith.constant 0 : i32
    return %c0_i32, %c0_i32_0 : i32, i32
  }
  func.func @transform_6(%arg0: i32) -> (i32, i32) {
    %c0_i32 = arith.constant 0 : i32
    %c0_i32_0 = arith.constant 0 : i32
    %c0_i32_1 = arith.constant 0 : i32
    return %c0_i32, %c0_i32_0 : i32, i32
  }
  func.func @transform_7(%arg0: i32) -> (i32, i32) {
    %c0_i32 = arith.constant 0 : i32
    %c0_i32_0 = arith.constant 0 : i32
    return %arg0, %c0_i32 : i32, i32
  }
}

module attributes {stable_mosaic.version = 14 : i64} {
  func.func @_edge_body(%arg0: i32, %arg1: memref<1000x128xf32, #tpu.memory_space<vmem>>, %arg2: memref<2x1000x128xf32, #tpu.memory_space<vmem>>, %arg3: memref<128x128xf32, #tpu.memory_space<vmem>>, %arg4: memref<128x128xf32, #tpu.memory_space<vmem>>, %arg5: memref<1x128xf32, #tpu.memory_space<vmem>>, %arg6: memref<1x128xf32, #tpu.memory_space<vmem>>, %arg7: memref<1x128xf32, #tpu.memory_space<vmem>>, %arg8: memref<1000x128xf32, #tpu.memory_space<vmem>>) attributes {dimension_semantics = [#tpu.dimension_semantics<arbitrary>], iteration_bounds = array<i64: 64>, scalar_prefetch = 0 : i64, scratch_operands = 0 : i64, tpu.core_type = #tpu.core_type<tc>, window_params = [{transform_indices = @transform_0, window_bounds = array<i64: 1000, 128>}, {transform_indices = @transform_1, window_bounds = array<i64: 2, 1000, 128>}, {pipeline_mode = #tpu.pipeline_mode<synchronous>, transform_indices = @transform_2, window_bounds = array<i64: 128, 128>}, {pipeline_mode = #tpu.pipeline_mode<synchronous>, transform_indices = @transform_3, window_bounds = array<i64: 128, 128>}, {pipeline_mode = #tpu.pipeline_mode<synchronous>, transform_indices = @transform_4, window_bounds = array<i64: 1, 128>}, {pipeline_mode = #tpu.pipeline_mode<synchronous>, transform_indices = @transform_5, window_bounds = array<i64: 1, 128>}, {pipeline_mode = #tpu.pipeline_mode<synchronous>, transform_indices = @transform_6, window_bounds = array<i64: 1, 128>}, {transform_indices = @transform_7, window_bounds = array<i64: 1000, 128>}]} {
    %get3A = arith.constant 0 : index
    %get3A_0 = arith.constant 0 : index
    %get3A_1 = vector.load %arg1[%get3A, %get3A_0] : memref<1000x128xf32, #tpu.memory_space<vmem>>, vector<1000x128xf32>
    %get3A_2 = arith.constant 0 : index
    %get3A_3 = arith.constant 0 : index
    %get3A_4 = vector.load %arg3[%get3A_2, %get3A_3] : memref<128x128xf32, #tpu.memory_space<vmem>>, vector<128x128xf32>
    %dot_general3A = arith.constant dense<0.000000e+00> : vector<1000x128xf32>
    %dot_general3A_5 = tpu.matmul %get3A_1, %get3A_4, %dot_general3A {dimension_numbers = #tpu.dot_dimension_numbers<[1], [0], [0], [1], [0, 0, 1, 1], [], []>, transpose_lhs_hint = false} : vector<1000x128xf32>, vector<128x128xf32>, vector<1000x128xf32> -> vector<1000x128xf32>
    %get3A_6 = arith.constant 0 : index
    %get3A_7 = arith.constant 0 : index
    %get3A_8 = arith.constant 0 : index
    %get3A_9 = vector.load %arg2[%get3A_6, %get3A_7, %get3A_8] : memref<2x1000x128xf32, #tpu.memory_space<vmem>>, vector<1x1000x128xf32>
    %get3A_10 = vector.shape_cast %get3A_9 : vector<1x1000x128xf32> to vector<1000x128xf32>
    %add3A = arith.addf %dot_general3A_5, %get3A_10 : vector<1000x128xf32>
    %get3A_11 = arith.constant 1 : index
    %get3A_12 = arith.constant 0 : index
    %get3A_13 = arith.constant 0 : index
    %get3A_14 = vector.load %arg2[%get3A_11, %get3A_12, %get3A_13] : memref<2x1000x128xf32, #tpu.memory_space<vmem>>, vector<1x1000x128xf32>
    %get3A_15 = vector.shape_cast %get3A_14 : vector<1x1000x128xf32> to vector<1000x128xf32>
    %add3A_16 = arith.addf %add3A, %get3A_15 : vector<1000x128xf32>
    %logistic3A = arith.negf %add3A_16 : vector<1000x128xf32>
    %logistic3A_17 = math.exp %logistic3A : vector<1000x128xf32>
    %logistic3A_18 = arith.constant 1.000000e+00 : f32
    %logistic3A_19 = vector.broadcast %logistic3A_18 : f32 to vector<1000x128xf32>
    %logistic3A_20 = arith.addf %logistic3A_19, %logistic3A_17 : vector<1000x128xf32>
    %logistic3A_21 = arith.divf %logistic3A_19, %logistic3A_20 : vector<1000x128xf32>
    %mul3A = arith.mulf %add3A_16, %logistic3A_21 : vector<1000x128xf32>
    %get3A_22 = arith.constant 0 : index
    %get3A_23 = arith.constant 0 : index
    %get3A_24 = vector.load %arg4[%get3A_22, %get3A_23] : memref<128x128xf32, #tpu.memory_space<vmem>>, vector<128x128xf32>
    %dot_general3A_25 = arith.constant dense<0.000000e+00> : vector<1000x128xf32>
    %dot_general3A_26 = tpu.matmul %mul3A, %get3A_24, %dot_general3A_25 {dimension_numbers = #tpu.dot_dimension_numbers<[1], [0], [0], [1], [0, 0, 1, 1], [], []>, transpose_lhs_hint = false} : vector<1000x128xf32>, vector<128x128xf32>, vector<1000x128xf32> -> vector<1000x128xf32>
    %get3A_27 = arith.constant 0 : index
    %get3A_28 = arith.constant 0 : index
    %get3A_29 = vector.load %arg5[%get3A_27, %get3A_28] : memref<1x128xf32, #tpu.memory_space<vmem>>, vector<1x128xf32>
    %add3A_30 = vector.broadcast %get3A_29 : vector<1x128xf32> to vector<1000x128xf32>
    %add3A_31 = arith.addf %dot_general3A_26, %add3A_30 : vector<1000x128xf32>
    %get3A_32 = arith.constant 0 : index
    %get3A_33 = arith.constant 0 : index
    %get3A_34 = vector.load %arg6[%get3A_32, %get3A_33] : memref<1x128xf32, #tpu.memory_space<vmem>>, vector<1x128xf32>
    %get3A_35 = arith.constant 0 : index
    %get3A_36 = arith.constant 0 : index
    %get3A_37 = vector.load %arg7[%get3A_35, %get3A_36] : memref<1x128xf32, #tpu.memory_space<vmem>>, vector<1x128xf32>
    %reduce_sum3A = arith.constant dense<0.000000e+00> : vector<1000xf32>
    %reduce_sum3A_38 = vector.multi_reduction <add>, %add3A_31, %reduce_sum3A [1] : vector<1000x128xf32> to vector<1000xf32>
    %broadcast_in_dim3A = vector.shape_cast %reduce_sum3A_38 : vector<1000xf32> to vector<1000x1xf32>
    %div3A = arith.constant 1.280000e+02 : f32
    %div3A_39 = vector.broadcast %div3A : f32 to vector<1000x1xf32>
    %div3A_40 = arith.divf %broadcast_in_dim3A, %div3A_39 : vector<1000x1xf32>
    %sub3A = vector.broadcast %div3A_40 : vector<1000x1xf32> to vector<1000x128xf32>
    %sub3A_41 = arith.subf %add3A_31, %sub3A : vector<1000x128xf32>
    %integer_pow3A = arith.mulf %sub3A_41, %sub3A_41 : vector<1000x128xf32>
    %reduce_sum3A_42 = arith.constant dense<0.000000e+00> : vector<1000xf32>
    %reduce_sum3A_43 = vector.multi_reduction <add>, %integer_pow3A, %reduce_sum3A_42 [1] : vector<1000x128xf32> to vector<1000xf32>
    %broadcast_in_dim3A_44 = vector.shape_cast %reduce_sum3A_43 : vector<1000xf32> to vector<1000x1xf32>
    %div3A_45 = arith.constant 1.280000e+02 : f32
    %div3A_46 = vector.broadcast %div3A_45 : f32 to vector<1000x1xf32>
    %div3A_47 = arith.divf %broadcast_in_dim3A_44, %div3A_46 : vector<1000x1xf32>
    %sub3A_48 = vector.broadcast %div3A_40 : vector<1000x1xf32> to vector<1000x128xf32>
    %sub3A_49 = arith.subf %add3A_31, %sub3A_48 : vector<1000x128xf32>
    %add3A_50 = arith.constant 9.99999974E-6 : f32
    %add3A_51 = vector.broadcast %add3A_50 : f32 to vector<1000x1xf32>
    %add3A_52 = arith.addf %div3A_47, %add3A_51 : vector<1000x1xf32>
    %rsqrt3A = math.rsqrt %add3A_52 : vector<1000x1xf32>
    %mul3A_53 = vector.broadcast %rsqrt3A : vector<1000x1xf32> to vector<1000x128xf32>
    %mul3A_54 = arith.mulf %sub3A_49, %mul3A_53 : vector<1000x128xf32>
    %mul3A_55 = vector.broadcast %get3A_34 : vector<1x128xf32> to vector<1000x128xf32>
    %mul3A_56 = arith.mulf %mul3A_54, %mul3A_55 : vector<1000x128xf32>
    %add3A_57 = vector.broadcast %get3A_37 : vector<1x128xf32> to vector<1000x128xf32>
    %add3A_58 = arith.addf %mul3A_56, %add3A_57 : vector<1000x128xf32>
    %swap3A = arith.constant 0 : index
    %swap3A_59 = arith.constant 0 : index
    %swap3A_60 = vector.load %arg8[%swap3A, %swap3A_59] : memref<1000x128xf32, #tpu.memory_space<vmem>>, vector<1000x128xf32>
    tpu.vector_store %arg8[%swap3A, %swap3A_59], %add3A_58 {strides = array<i32>} : memref<1000x128xf32, #tpu.memory_space<vmem>>, vector<1000x128xf32>,
    return
  }
  func.func @transform_0(%arg0: i32) -> (i32, i32) {
    %add3A = arith.constant 256 : i32
    %add3A_0 = arith.addi %arg0, %add3A : i32
    %c0_i32 = arith.constant 0 : i32
    %c0_i32_1 = arith.constant 0 : i32
    return %add3A_0, %c0_i32 : i32, i32
  }
  func.func @transform_1(%arg0: i32) -> (i32, i32, i32) {
    %c0_i32 = arith.constant 0 : i32
    %c0_i32_0 = arith.constant 0 : i32
    %c0_i32_1 = arith.constant 0 : i32
    return %c0_i32, %arg0, %c0_i32_0 : i32, i32, i32
  }
  func.func @transform_2(%arg0: i32) -> (i32, i32) {
    %c0_i32 = arith.constant 0 : i32
    %c0_i32_0 = arith.constant 0 : i32
    %c0_i32_1 = arith.constant 0 : i32
    return %c0_i32, %c0_i32_0 : i32, i32
  }
  func.func @transform_3(%arg0: i32) -> (i32, i32) {
    %c0_i32 = arith.constant 0 : i32
    %c0_i32_0 = arith.constant 0 : i32
    %c0_i32_1 = arith.constant 0 : i32
    return %c0_i32, %c0_i32_0 : i32, i32
  }
  func.func @transform_4(%arg0: i32) -> (i32, i32) {
    %c0_i32 = arith.constant 0 : i32
    %c0_i32_0 = arith.constant 0 : i32
    %c0_i32_1 = arith.constant 0 : i32
    return %c0_i32, %c0_i32_0 : i32, i32
  }
  func.func @transform_5(%arg0: i32) -> (i32, i32) {
    %c0_i32 = arith.constant 0 : i32
    %c0_i32_0 = arith.constant 0 : i32
    %c0_i32_1 = arith.constant 0 : i32
    return %c0_i32, %c0_i32_0 : i32, i32
  }
  func.func @transform_6(%arg0: i32) -> (i32, i32) {
    %c0_i32 = arith.constant 0 : i32
    %c0_i32_0 = arith.constant 0 : i32
    %c0_i32_1 = arith.constant 0 : i32
    return %c0_i32, %c0_i32_0 : i32, i32
  }
  func.func @transform_7(%arg0: i32) -> (i32, i32) {
    %c0_i32 = arith.constant 0 : i32
    %c0_i32_0 = arith.constant 0 : i32
    return %arg0, %c0_i32 : i32, i32
  }
}

module attributes {stable_mosaic.version = 14 : i64} {
  func.func @_s1b_body(%arg0: i32, %arg1: memref<1000x128xf32, #tpu.memory_space<vmem>>, %arg2: memref<128x128xf32, #tpu.memory_space<vmem>>, %arg3: memref<1x128xf32, #tpu.memory_space<vmem>>, %arg4: memref<128x128xf32, #tpu.memory_space<vmem>>, %arg5: memref<1x128xf32, #tpu.memory_space<vmem>>, %arg6: memref<1x128xf32, #tpu.memory_space<vmem>>, %arg7: memref<1x128xf32, #tpu.memory_space<vmem>>, %arg8: memref<1000x128xf32, #tpu.memory_space<vmem>>) attributes {dimension_semantics = [#tpu.dimension_semantics<arbitrary>], iteration_bounds = array<i64: 10>, scalar_prefetch = 0 : i64, scratch_operands = 0 : i64, tpu.core_type = #tpu.core_type<tc>, window_params = [{transform_indices = @transform_0, window_bounds = array<i64: 1000, 128>}, {pipeline_mode = #tpu.pipeline_mode<synchronous>, transform_indices = @transform_1, window_bounds = array<i64: 128, 128>}, {pipeline_mode = #tpu.pipeline_mode<synchronous>, transform_indices = @transform_2, window_bounds = array<i64: 1, 128>}, {pipeline_mode = #tpu.pipeline_mode<synchronous>, transform_indices = @transform_3, window_bounds = array<i64: 128, 128>}, {pipeline_mode = #tpu.pipeline_mode<synchronous>, transform_indices = @transform_4, window_bounds = array<i64: 1, 128>}, {pipeline_mode = #tpu.pipeline_mode<synchronous>, transform_indices = @transform_5, window_bounds = array<i64: 1, 128>}, {pipeline_mode = #tpu.pipeline_mode<synchronous>, transform_indices = @transform_6, window_bounds = array<i64: 1, 128>}, {transform_indices = @transform_7, window_bounds = array<i64: 1000, 128>}]} {
    %get3A = arith.constant 0 : index
    %get3A_0 = arith.constant 0 : index
    %get3A_1 = vector.load %arg1[%get3A, %get3A_0] : memref<1000x128xf32, #tpu.memory_space<vmem>>, vector<1000x128xf32>
    %get3A_2 = arith.constant 0 : index
    %get3A_3 = arith.constant 0 : index
    %get3A_4 = vector.load %arg2[%get3A_2, %get3A_3] : memref<128x128xf32, #tpu.memory_space<vmem>>, vector<128x128xf32>
    %dot_general3A = arith.constant dense<0.000000e+00> : vector<1000x128xf32>
    %dot_general3A_5 = tpu.matmul %get3A_1, %get3A_4, %dot_general3A {dimension_numbers = #tpu.dot_dimension_numbers<[1], [0], [0], [1], [0, 0, 1, 1], [], []>, transpose_lhs_hint = false} : vector<1000x128xf32>, vector<128x128xf32>, vector<1000x128xf32> -> vector<1000x128xf32>
    %get3A_6 = arith.constant 0 : index
    %get3A_7 = arith.constant 0 : index
    %get3A_8 = vector.load %arg3[%get3A_6, %get3A_7] : memref<1x128xf32, #tpu.memory_space<vmem>>, vector<1x128xf32>
    %add3A = vector.broadcast %get3A_8 : vector<1x128xf32> to vector<1000x128xf32>
    %add3A_9 = arith.addf %dot_general3A_5, %add3A : vector<1000x128xf32>
    %logistic3A = arith.negf %add3A_9 : vector<1000x128xf32>
    %logistic3A_10 = math.exp %logistic3A : vector<1000x128xf32>
    %logistic3A_11 = arith.constant 1.000000e+00 : f32
    %logistic3A_12 = vector.broadcast %logistic3A_11 : f32 to vector<1000x128xf32>
    %logistic3A_13 = arith.addf %logistic3A_12, %logistic3A_10 : vector<1000x128xf32>
    %logistic3A_14 = arith.divf %logistic3A_12, %logistic3A_13 : vector<1000x128xf32>
    %mul3A = arith.mulf %add3A_9, %logistic3A_14 : vector<1000x128xf32>
    %get3A_15 = arith.constant 0 : index
    %get3A_16 = arith.constant 0 : index
    %get3A_17 = vector.load %arg4[%get3A_15, %get3A_16] : memref<128x128xf32, #tpu.memory_space<vmem>>, vector<128x128xf32>
    %dot_general3A_18 = arith.constant dense<0.000000e+00> : vector<1000x128xf32>
    %dot_general3A_19 = tpu.matmul %mul3A, %get3A_17, %dot_general3A_18 {dimension_numbers = #tpu.dot_dimension_numbers<[1], [0], [0], [1], [0, 0, 1, 1], [], []>, transpose_lhs_hint = false} : vector<1000x128xf32>, vector<128x128xf32>, vector<1000x128xf32> -> vector<1000x128xf32>
    %get3A_20 = arith.constant 0 : index
    %get3A_21 = arith.constant 0 : index
    %get3A_22 = vector.load %arg5[%get3A_20, %get3A_21] : memref<1x128xf32, #tpu.memory_space<vmem>>, vector<1x128xf32>
    %add3A_23 = vector.broadcast %get3A_22 : vector<1x128xf32> to vector<1000x128xf32>
    %add3A_24 = arith.addf %dot_general3A_19, %add3A_23 : vector<1000x128xf32>
    %get3A_25 = arith.constant 0 : index
    %get3A_26 = arith.constant 0 : index
    %get3A_27 = vector.load %arg6[%get3A_25, %get3A_26] : memref<1x128xf32, #tpu.memory_space<vmem>>, vector<1x128xf32>
    %get3A_28 = arith.constant 0 : index
    %get3A_29 = arith.constant 0 : index
    %get3A_30 = vector.load %arg7[%get3A_28, %get3A_29] : memref<1x128xf32, #tpu.memory_space<vmem>>, vector<1x128xf32>
    %reduce_sum3A = arith.constant dense<0.000000e+00> : vector<1000xf32>
    %reduce_sum3A_31 = vector.multi_reduction <add>, %add3A_24, %reduce_sum3A [1] : vector<1000x128xf32> to vector<1000xf32>
    %broadcast_in_dim3A = vector.shape_cast %reduce_sum3A_31 : vector<1000xf32> to vector<1000x1xf32>
    %div3A = arith.constant 1.280000e+02 : f32
    %div3A_32 = vector.broadcast %div3A : f32 to vector<1000x1xf32>
    %div3A_33 = arith.divf %broadcast_in_dim3A, %div3A_32 : vector<1000x1xf32>
    %sub3A = vector.broadcast %div3A_33 : vector<1000x1xf32> to vector<1000x128xf32>
    %sub3A_34 = arith.subf %add3A_24, %sub3A : vector<1000x128xf32>
    %integer_pow3A = arith.mulf %sub3A_34, %sub3A_34 : vector<1000x128xf32>
    %reduce_sum3A_35 = arith.constant dense<0.000000e+00> : vector<1000xf32>
    %reduce_sum3A_36 = vector.multi_reduction <add>, %integer_pow3A, %reduce_sum3A_35 [1] : vector<1000x128xf32> to vector<1000xf32>
    %broadcast_in_dim3A_37 = vector.shape_cast %reduce_sum3A_36 : vector<1000xf32> to vector<1000x1xf32>
    %div3A_38 = arith.constant 1.280000e+02 : f32
    %div3A_39 = vector.broadcast %div3A_38 : f32 to vector<1000x1xf32>
    %div3A_40 = arith.divf %broadcast_in_dim3A_37, %div3A_39 : vector<1000x1xf32>
    %sub3A_41 = vector.broadcast %div3A_33 : vector<1000x1xf32> to vector<1000x128xf32>
    %sub3A_42 = arith.subf %add3A_24, %sub3A_41 : vector<1000x128xf32>
    %add3A_43 = arith.constant 9.99999974E-6 : f32
    %add3A_44 = vector.broadcast %add3A_43 : f32 to vector<1000x1xf32>
    %add3A_45 = arith.addf %div3A_40, %add3A_44 : vector<1000x1xf32>
    %rsqrt3A = math.rsqrt %add3A_45 : vector<1000x1xf32>
    %mul3A_46 = vector.broadcast %rsqrt3A : vector<1000x1xf32> to vector<1000x128xf32>
    %mul3A_47 = arith.mulf %sub3A_42, %mul3A_46 : vector<1000x128xf32>
    %mul3A_48 = vector.broadcast %get3A_27 : vector<1x128xf32> to vector<1000x128xf32>
    %mul3A_49 = arith.mulf %mul3A_47, %mul3A_48 : vector<1000x128xf32>
    %add3A_50 = vector.broadcast %get3A_30 : vector<1x128xf32> to vector<1000x128xf32>
    %add3A_51 = arith.addf %mul3A_49, %add3A_50 : vector<1000x128xf32>
    %add3A_52 = arith.addf %get3A_1, %add3A_51 : vector<1000x128xf32>
    %swap3A = arith.constant 0 : index
    %swap3A_53 = arith.constant 0 : index
    %swap3A_54 = vector.load %arg8[%swap3A, %swap3A_53] : memref<1000x128xf32, #tpu.memory_space<vmem>>, vector<1000x128xf32>
    tpu.vector_store %arg8[%swap3A, %swap3A_53], %add3A_52 {strides = array<i32>} : memref<1000x128xf32, #tpu.memory_space<vmem>>, vector<1000x128xf32>,
    return
  }
  func.func @transform_0(%arg0: i32) -> (i32, i32) {
    %c0_i32 = arith.constant 0 : i32
    %c0_i32_0 = arith.constant 0 : i32
    return %arg0, %c0_i32 : i32, i32
  }
  func.func @transform_1(%arg0: i32) -> (i32, i32) {
    %c0_i32 = arith.constant 0 : i32
    %c0_i32_0 = arith.constant 0 : i32
    %c0_i32_1 = arith.constant 0 : i32
    return %c0_i32, %c0_i32_0 : i32, i32
  }
  func.func @transform_2(%arg0: i32) -> (i32, i32) {
    %c0_i32 = arith.constant 0 : i32
    %c0_i32_0 = arith.constant 0 : i32
    %c0_i32_1 = arith.constant 0 : i32
    return %c0_i32, %c0_i32_0 : i32, i32
  }
  func.func @transform_3(%arg0: i32) -> (i32, i32) {
    %c0_i32 = arith.constant 0 : i32
    %c0_i32_0 = arith.constant 0 : i32
    %c0_i32_1 = arith.constant 0 : i32
    return %c0_i32, %c0_i32_0 : i32, i32
  }
  func.func @transform_4(%arg0: i32) -> (i32, i32) {
    %c0_i32 = arith.constant 0 : i32
    %c0_i32_0 = arith.constant 0 : i32
    %c0_i32_1 = arith.constant 0 : i32
    return %c0_i32, %c0_i32_0 : i32, i32
  }
  func.func @transform_5(%arg0: i32) -> (i32, i32) {
    %c0_i32 = arith.constant 0 : i32
    %c0_i32_0 = arith.constant 0 : i32
    %c0_i32_1 = arith.constant 0 : i32
    return %c0_i32, %c0_i32_0 : i32, i32
  }
  func.func @transform_6(%arg0: i32) -> (i32, i32) {
    %c0_i32 = arith.constant 0 : i32
    %c0_i32_0 = arith.constant 0 : i32
    %c0_i32_1 = arith.constant 0 : i32
    return %c0_i32, %c0_i32_0 : i32, i32
  }
  func.func @transform_7(%arg0: i32) -> (i32, i32) {
    %c0_i32 = arith.constant 0 : i32
    %c0_i32_0 = arith.constant 0 : i32
    return %arg0, %c0_i32 : i32, i32
  }
}

module attributes {stable_mosaic.version = 14 : i64} {
  func.func @_s5_body(%arg0: i32, %arg1: memref<2x1000x128xf32, #tpu.memory_space<vmem>>, %arg2: memref<1000x128xf32, #tpu.memory_space<vmem>>, %arg3: memref<128x128xf32, #tpu.memory_space<vmem>>, %arg4: memref<128x128xf32, #tpu.memory_space<vmem>>, %arg5: memref<1x128xf32, #tpu.memory_space<vmem>>, %arg6: memref<128x128xf32, #tpu.memory_space<vmem>>, %arg7: memref<1x128xf32, #tpu.memory_space<vmem>>, %arg8: memref<1x128xf32, #tpu.memory_space<vmem>>, %arg9: memref<1x128xf32, #tpu.memory_space<vmem>>, %arg10: memref<1000x128xf32, #tpu.memory_space<vmem>>) attributes {dimension_semantics = [#tpu.dimension_semantics<arbitrary>], iteration_bounds = array<i64: 10>, scalar_prefetch = 0 : i64, scratch_operands = 0 : i64, tpu.core_type = #tpu.core_type<tc>, window_params = [{transform_indices = @transform_0, window_bounds = array<i64: 2, 1000, 128>}, {transform_indices = @transform_1, window_bounds = array<i64: 1000, 128>}, {pipeline_mode = #tpu.pipeline_mode<synchronous>, transform_indices = @transform_2, window_bounds = array<i64: 128, 128>}, {pipeline_mode = #tpu.pipeline_mode<synchronous>, transform_indices = @transform_3, window_bounds = array<i64: 128, 128>}, {pipeline_mode = #tpu.pipeline_mode<synchronous>, transform_indices = @transform_4, window_bounds = array<i64: 1, 128>}, {pipeline_mode = #tpu.pipeline_mode<synchronous>, transform_indices = @transform_5, window_bounds = array<i64: 128, 128>}, {pipeline_mode = #tpu.pipeline_mode<synchronous>, transform_indices = @transform_6, window_bounds = array<i64: 1, 128>}, {pipeline_mode = #tpu.pipeline_mode<synchronous>, transform_indices = @transform_7, window_bounds = array<i64: 1, 128>}, {pipeline_mode = #tpu.pipeline_mode<synchronous>, transform_indices = @transform_8, window_bounds = array<i64: 1, 128>}, {transform_indices = @transform_9, window_bounds = array<i64: 1000, 128>}]} {
    %get3A = arith.constant 0 : index
    %get3A_0 = arith.constant 0 : index
    %get3A_1 = arith.constant 0 : index
    %get3A_2 = vector.load %arg1[%get3A, %get3A_0, %get3A_1] : memref<2x1000x128xf32, #tpu.memory_space<vmem>>, vector<1x1000x128xf32>
    %get3A_3 = vector.shape_cast %get3A_2 : vector<1x1000x128xf32> to vector<1000x128xf32>
    %get3A_4 = arith.constant 1 : index
    %get3A_5 = arith.constant 0 : index
    %get3A_6 = arith.constant 0 : index
    %get3A_7 = vector.load %arg1[%get3A_4, %get3A_5, %get3A_6] : memref<2x1000x128xf32, #tpu.memory_space<vmem>>, vector<1x1000x128xf32>
    %get3A_8 = vector.shape_cast %get3A_7 : vector<1x1000x128xf32> to vector<1000x128xf32>
    %add3A = arith.addf %get3A_3, %get3A_8 : vector<1000x128xf32>
    %get3A_9 = arith.constant 0 : index
    %get3A_10 = arith.constant 0 : index
    %get3A_11 = vector.load %arg2[%get3A_9, %get3A_10] : memref<1000x128xf32, #tpu.memory_space<vmem>>, vector<1000x128xf32>
    %get3A_12 = arith.constant 0 : index
    %get3A_13 = arith.constant 0 : index
    %get3A_14 = vector.load %arg3[%get3A_12, %get3A_13] : memref<128x128xf32, #tpu.memory_space<vmem>>, vector<128x128xf32>
    %dot_general3A = arith.constant dense<0.000000e+00> : vector<1000x128xf32>
    %dot_general3A_15 = tpu.matmul %add3A, %get3A_14, %dot_general3A {dimension_numbers = #tpu.dot_dimension_numbers<[1], [0], [0], [1], [0, 0, 1, 1], [], []>, transpose_lhs_hint = false} : vector<1000x128xf32>, vector<128x128xf32>, vector<1000x128xf32> -> vector<1000x128xf32>
    %get3A_16 = arith.constant 0 : index
    %get3A_17 = arith.constant 0 : index
    %get3A_18 = vector.load %arg4[%get3A_16, %get3A_17] : memref<128x128xf32, #tpu.memory_space<vmem>>, vector<128x128xf32>
    %dot_general3A_19 = arith.constant dense<0.000000e+00> : vector<1000x128xf32>
    %dot_general3A_20 = tpu.matmul %get3A_11, %get3A_18, %dot_general3A_19 {dimension_numbers = #tpu.dot_dimension_numbers<[1], [0], [0], [1], [0, 0, 1, 1], [], []>, transpose_lhs_hint = false} : vector<1000x128xf32>, vector<128x128xf32>, vector<1000x128xf32> -> vector<1000x128xf32>
    %add3A_21 = arith.addf %dot_general3A_15, %dot_general3A_20 : vector<1000x128xf32>
    %get3A_22 = arith.constant 0 : index
    %get3A_23 = arith.constant 0 : index
    %get3A_24 = vector.load %arg5[%get3A_22, %get3A_23] : memref<1x128xf32, #tpu.memory_space<vmem>>, vector<1x128xf32>
    %add3A_25 = vector.broadcast %get3A_24 : vector<1x128xf32> to vector<1000x128xf32>
    %add3A_26 = arith.addf %add3A_21, %add3A_25 : vector<1000x128xf32>
    %logistic3A = arith.negf %add3A_26 : vector<1000x128xf32>
    %logistic3A_27 = math.exp %logistic3A : vector<1000x128xf32>
    %logistic3A_28 = arith.constant 1.000000e+00 : f32
    %logistic3A_29 = vector.broadcast %logistic3A_28 : f32 to vector<1000x128xf32>
    %logistic3A_30 = arith.addf %logistic3A_29, %logistic3A_27 : vector<1000x128xf32>
    %logistic3A_31 = arith.divf %logistic3A_29, %logistic3A_30 : vector<1000x128xf32>
    %mul3A = arith.mulf %add3A_26, %logistic3A_31 : vector<1000x128xf32>
    %get3A_32 = arith.constant 0 : index
    %get3A_33 = arith.constant 0 : index
    %get3A_34 = vector.load %arg6[%get3A_32, %get3A_33] : memref<128x128xf32, #tpu.memory_space<vmem>>, vector<128x128xf32>
    %dot_general3A_35 = arith.constant dense<0.000000e+00> : vector<1000x128xf32>
    %dot_general3A_36 = tpu.matmul %mul3A, %get3A_34, %dot_general3A_35 {dimension_numbers = #tpu.dot_dimension_numbers<[1], [0], [0], [1], [0, 0, 1, 1], [], []>, transpose_lhs_hint = false} : vector<1000x128xf32>, vector<128x128xf32>, vector<1000x128xf32> -> vector<1000x128xf32>
    %get3A_37 = arith.constant 0 : index
    %get3A_38 = arith.constant 0 : index
    %get3A_39 = vector.load %arg7[%get3A_37, %get3A_38] : memref<1x128xf32, #tpu.memory_space<vmem>>, vector<1x128xf32>
    %add3A_40 = vector.broadcast %get3A_39 : vector<1x128xf32> to vector<1000x128xf32>
    %add3A_41 = arith.addf %dot_general3A_36, %add3A_40 : vector<1000x128xf32>
    %get3A_42 = arith.constant 0 : index
    %get3A_43 = arith.constant 0 : index
    %get3A_44 = vector.load %arg8[%get3A_42, %get3A_43] : memref<1x128xf32, #tpu.memory_space<vmem>>, vector<1x128xf32>
    %get3A_45 = arith.constant 0 : index
    %get3A_46 = arith.constant 0 : index
    %get3A_47 = vector.load %arg9[%get3A_45, %get3A_46] : memref<1x128xf32, #tpu.memory_space<vmem>>, vector<1x128xf32>
    %reduce_sum3A = arith.constant dense<0.000000e+00> : vector<1000xf32>
    %reduce_sum3A_48 = vector.multi_reduction <add>, %add3A_41, %reduce_sum3A [1] : vector<1000x128xf32> to vector<1000xf32>
    %broadcast_in_dim3A = vector.shape_cast %reduce_sum3A_48 : vector<1000xf32> to vector<1000x1xf32>
    %div3A = arith.constant 1.280000e+02 : f32
    %div3A_49 = vector.broadcast %div3A : f32 to vector<1000x1xf32>
    %div3A_50 = arith.divf %broadcast_in_dim3A, %div3A_49 : vector<1000x1xf32>
    %sub3A = vector.broadcast %div3A_50 : vector<1000x1xf32> to vector<1000x128xf32>
    %sub3A_51 = arith.subf %add3A_41, %sub3A : vector<1000x128xf32>
    %integer_pow3A = arith.mulf %sub3A_51, %sub3A_51 : vector<1000x128xf32>
    %reduce_sum3A_52 = arith.constant dense<0.000000e+00> : vector<1000xf32>
    %reduce_sum3A_53 = vector.multi_reduction <add>, %integer_pow3A, %reduce_sum3A_52 [1] : vector<1000x128xf32> to vector<1000xf32>
    %broadcast_in_dim3A_54 = vector.shape_cast %reduce_sum3A_53 : vector<1000xf32> to vector<1000x1xf32>
    %div3A_55 = arith.constant 1.280000e+02 : f32
    %div3A_56 = vector.broadcast %div3A_55 : f32 to vector<1000x1xf32>
    %div3A_57 = arith.divf %broadcast_in_dim3A_54, %div3A_56 : vector<1000x1xf32>
    %sub3A_58 = vector.broadcast %div3A_50 : vector<1000x1xf32> to vector<1000x128xf32>
    %sub3A_59 = arith.subf %add3A_41, %sub3A_58 : vector<1000x128xf32>
    %add3A_60 = arith.constant 9.99999974E-6 : f32
    %add3A_61 = vector.broadcast %add3A_60 : f32 to vector<1000x1xf32>
    %add3A_62 = arith.addf %div3A_57, %add3A_61 : vector<1000x1xf32>
    %rsqrt3A = math.rsqrt %add3A_62 : vector<1000x1xf32>
    %mul3A_63 = vector.broadcast %rsqrt3A : vector<1000x1xf32> to vector<1000x128xf32>
    %mul3A_64 = arith.mulf %sub3A_59, %mul3A_63 : vector<1000x128xf32>
    %mul3A_65 = vector.broadcast %get3A_44 : vector<1x128xf32> to vector<1000x128xf32>
    %mul3A_66 = arith.mulf %mul3A_64, %mul3A_65 : vector<1000x128xf32>
    %add3A_67 = vector.broadcast %get3A_47 : vector<1x128xf32> to vector<1000x128xf32>
    %add3A_68 = arith.addf %mul3A_66, %add3A_67 : vector<1000x128xf32>
    %add3A_69 = arith.addf %get3A_11, %add3A_68 : vector<1000x128xf32>
    %swap3A = arith.constant 0 : index
    %swap3A_70 = arith.constant 0 : index
    %swap3A_71 = vector.load %arg10[%swap3A, %swap3A_70] : memref<1000x128xf32, #tpu.memory_space<vmem>>, vector<1000x128xf32>
    tpu.vector_store %arg10[%swap3A, %swap3A_70], %add3A_69 {strides = array<i32>} : memref<1000x128xf32, #tpu.memory_space<vmem>>, vector<1000x128xf32>,
    return
  }
  func.func @transform_0(%arg0: i32) -> (i32, i32, i32) {
    %c0_i32 = arith.constant 0 : i32
    %c0_i32_0 = arith.constant 0 : i32
    %c0_i32_1 = arith.constant 0 : i32
    return %c0_i32, %arg0, %c0_i32_0 : i32, i32, i32
  }
  func.func @transform_1(%arg0: i32) -> (i32, i32) {
    %c0_i32 = arith.constant 0 : i32
    %c0_i32_0 = arith.constant 0 : i32
    return %arg0, %c0_i32 : i32, i32
  }
  func.func @transform_2(%arg0: i32) -> (i32, i32) {
    %c0_i32 = arith.constant 0 : i32
    %c0_i32_0 = arith.constant 0 : i32
    %c0_i32_1 = arith.constant 0 : i32
    return %c0_i32, %c0_i32_0 : i32, i32
  }
  func.func @transform_3(%arg0: i32) -> (i32, i32) {
    %c0_i32 = arith.constant 0 : i32
    %c0_i32_0 = arith.constant 0 : i32
    %c0_i32_1 = arith.constant 0 : i32
    return %c0_i32, %c0_i32_0 : i32, i32
  }
  func.func @transform_4(%arg0: i32) -> (i32, i32) {
    %c0_i32 = arith.constant 0 : i32
    %c0_i32_0 = arith.constant 0 : i32
    %c0_i32_1 = arith.constant 0 : i32
    return %c0_i32, %c0_i32_0 : i32, i32
  }
  func.func @transform_5(%arg0: i32) -> (i32, i32) {
    %c0_i32 = arith.constant 0 : i32
    %c0_i32_0 = arith.constant 0 : i32
    %c0_i32_1 = arith.constant 0 : i32
    return %c0_i32, %c0_i32_0 : i32, i32
  }
  func.func @transform_6(%arg0: i32) -> (i32, i32) {
    %c0_i32 = arith.constant 0 : i32
    %c0_i32_0 = arith.constant 0 : i32
    %c0_i32_1 = arith.constant 0 : i32
    return %c0_i32, %c0_i32_0 : i32, i32
  }
  func.func @transform_7(%arg0: i32) -> (i32, i32) {
    %c0_i32 = arith.constant 0 : i32
    %c0_i32_0 = arith.constant 0 : i32
    %c0_i32_1 = arith.constant 0 : i32
    return %c0_i32, %c0_i32_0 : i32, i32
  }
  func.func @transform_8(%arg0: i32) -> (i32, i32) {
    %c0_i32 = arith.constant 0 : i32
    %c0_i32_0 = arith.constant 0 : i32
    %c0_i32_1 = arith.constant 0 : i32
    return %c0_i32, %c0_i32_0 : i32, i32
  }
  func.func @transform_9(%arg0: i32) -> (i32, i32) {
    %c0_i32 = arith.constant 0 : i32
    %c0_i32_0 = arith.constant 0 : i32
    return %arg0, %c0_i32 : i32, i32
  }
}

</mosaic_0001>

<sc_bundles>
// kernel: kernel.20.cloned.1.call-start
scs
__scs_entry_jumppad:
0x0: {  	(pc) =	sbr.rel $0x88, $3  }
0x1: {  	(tag) =	ssettag $0x0;
	lr =	simm.s32 $0x1  }
0x2: {  	[smem:$0x3F8A] =	sst lr;
	_ =	strace $0xD0000000  }
0x3: {  	_ = 	snop  }
0x4: {  	_ = 	snop  }
0x5: {  	_ = 	snop  }
0x6: {  	_ = 	snop  }
0x7: {  	_ = 	snop  }
__scs_overlays_trampoline_lowered:
0x8: {  	[smem:$0x3F99] =	sst s0  }
0x9: {  	[smem:$0x3F9A] =	sst s1  }
0xa: {  	[smem:$0x3F9B] =	sst s2  }
0xb: {  	[smem:$0x3F9C] =	sst s3  }
0xc: {  	[smem:$0x3F9D] =	sst s4  }
0xd: {  	[smem:$0x3F9E] =	sst s5  }
0xe: {  	[smem:$0x3F9F] =	sst s6  }
0xf: {  	[smem:$0x3FA0] =	sst s7  }
0x10: {  	[smem:$0x3FA1] =	sst s8  }
0x11: {  	[smem:$0x3FA2] =	sst s9;
	s0 =	simm.s32 @!p0 $0x0  }
0x12: {  	s1 =	sld [smem:$0x3F88];
	s0 =	simm.s32 @p0 $0x1  }
0x13: {  	[smem:$0x3FA3] =	sst s0;
	s0 =	simm.s32 @!p1 $0x0  }
0x14: {  	s2 =	sld [smem:$0x3F87];
	s0 =	simm.s32 @p1 $0x1  }
0x15: {  	[smem:$0x3FA4] =	sst s0;
	s0 =	simm.s32 @!p2 $0x0  }
0x16: {  	s3 =	sld [smem:$0x3FDB];
	s0 =	simm.s32 @p2 $0x1  }
0x17: {  	s4 =	simm.s32 $0x1BF5;
	[smem:$0x3FA6] =	sst s0  }
0x18: {  	s0 =	sld [smem:$0x3F89];
	_ =	swait.ge [sflag:s4], $0x0  }
0x19: {  	s7 =	sld [smem:$0x3F8A]  }
0x1a: {  	s8 =	sadd.s32 $0xFFFFE003, lr  }
0x1b: {  	s9 =	sadd.s32 $0xFFFFFEF7, lr;
	s5 =	simm.s32 $0xFFFFFFFF;
	p2 =	slt.u32 s8, $0xFFFFF086  }
0x1c: {  	p1 =	slt.u32 s9, $0xF7A;
	s5 =	simm.s32 @!p2 $0x0  }
0x1d: {  	s5 =	simm.s32 @p1 $0x1;
	p0 =	seq.s32 s7, s2  }
0x1e: {  	s7 =	smul.u32 @!p0 $0xF7A, s2;
	p2 =	seq.s32 @!p0 s5, $0x0  }
0x1f: {  	s9 =	smul.u32 $0xF7A, s1;
	s8 =	simm.s32 @!p0 $0x1BF5;
	p2 =	por !p2, p0  }
0x20: {  	[sflag:s8] =	ssyncset.s32 @!p0 $0xFFFFF086;
	s6 =	sadd.s32 @!p0 s3, s7;
	s7 =	simm.s32 @!p0 $0x108  }
0x21: {  	s3 =	sadd.s32 s3, s9;
	s6 =	sadd.s32 @!p0 $0x88, s6;
	s7 =	simm.s32 @p2 $0x1082  }
0x22: {  	[simem:s7], [sflag:s8] =	dma.local @!p0 [hbm:s6], $0xF7A  }
0x23: {  	s9 =	sor.u32 $0xD0000000, s2;
	s6 =	simm.s32 $0x108;
	_ =	swait.ge @!p0 [sflag:s8], $0x0  }
0x24: {  	s3 =	sadd.s32 $0x88, s3;
	s6 =	simm.s32 @!p1 $0x1082;
	[sflag:s4] =	ssyncset.s32 $0xFFFFF086  }
0x25: {  	[simem:s6], [sflag:s4] =	dma.local [hbm:s3], $0xF7A  }
0x26: {  	[smem:$0x3F8A] =	sst s1;
	(tag) =	ssettag s2;
	_ =	strace s9  }
0x27: {  	s1 =	sld [smem:$0x3F9A]  }
0x28: {  	s2 =	sld [smem:$0x3F9B]  }
0x29: {  	s4 =	sld [smem:$0x3F9D]  }
0x2a: {  	p0 =	seq.s32 s5, $0x0;
	s5 =	sld [smem:$0x3F9E]  }
0x2b: {  	s6 =	sld [smem:$0x3F9F]  }
0x2c: {  	s7 =	sld [smem:$0x3FA0]  }
0x2d: {  	s3 =	simm.s32 $0x108;
	s8 =	sld [smem:$0x3FA1]  }
0x2e: {  	s3 =	simm.s32 @!p0 $0x1082;
	s9 =	sld [smem:$0x3FA2]  }
0x2f: {  	lr =	sadd.s32 s0, s3;
	s0 =	sld [smem:$0x3F99]  }
0x30: {  	s3 =	sld [smem:$0x3F9C]  }
0x31: {  	[smem:$0x3FA5] =	sst s10  }
0x32: {  	s10 =	sld [smem:$0x3FA3];
	_ =	sdelay $0x3  }
0x33: {  	p0 =	seq.s32 s10, $0x1;
	s10 =	sld [smem:$0x3FA5];
	_ =	sdelay $0x3  }
0x34: {  	[smem:$0x3FA5] =	sst s10  }
0x35: {  	s10 =	sld [smem:$0x3FA4];
	_ =	sdelay $0x3  }
0x36: {  	p1 =	seq.s32 s10, $0x1;
	s10 =	sld [smem:$0x3FA5];
	_ =	sdelay $0x3  }
0x37: {  	[smem:$0x3FA5] =	sst s10  }
0x38: {  	s10 =	sld [smem:$0x3FA6]  }
0x39: {  	_ = 	snop;
	(pc) =	sbr.ind lr, $3  }
0x3a: {  	_ = 	snop  }
0x3b: {  	_ = 	snop  }
0x3c: {  	p2 =	seq.s32 s10, $0x1;
	s10 =	sld [smem:$0x3FA5]  }
0x3d: {  	_ =	shalt  }
0x3e: {  	_ =	shalt  }
0x3f: {  	_ =	shalt  }
0x40: {  	_ =	shalt  }
0x41: {  	_ =	shalt  }
0x42: {  	_ =	shalt  }
0x43: {  	_ =	shalt  }
0x44: {  	_ =	shalt  }
0x45: {  	_ =	shalt  }
0x46: {  	_ =	shalt  }
0x47: {  	_ =	shalt  }
0x48: {  	_ =	shalt  }
0x49: {  	_ =	shalt  }
0x4a: {  	_ =	shalt  }
0x4b: {  	_ =	shalt  }
0x4c: {  	_ =	shalt  }
0x4d: {  	_ =	shalt  }
0x4e: {  	_ =	shalt  }
0x4f: {  	_ =	shalt  }
0x50: {  	_ =	shalt  }
0x51: {  	_ =	shalt  }
0x52: {  	_ =	shalt  }
0x53: {  	_ =	shalt  }
0x54: {  	_ =	shalt  }
0x55: {  	_ =	shalt  }
0x56: {  	_ =	shalt  }
0x57: {  	_ =	shalt  }
0x58: {  	_ =	shalt  }
0x59: {  	_ =	shalt  }
0x5a: {  	_ =	shalt  }
0x5b: {  	_ =	shalt  }
0x5c: {  	_ =	shalt  }
0x5d: {  	_ =	shalt  }
0x5e: {  	_ =	shalt  }
0x5f: {  	_ =	shalt  }
0x60: {  	_ =	shalt  }
0x61: {  	_ =	shalt  }
0x62: {  	_ =	shalt  }
0x63: {  	_ =	shalt  }
0x64: {  	_ =	shalt  }
0x65: {  	_ =	shalt  }
0x66: {  	_ =	shalt  }
0x67: {  	_ =	shalt  }
0x68: {  	_ =	shalt  }
0x69: {  	_ =	shalt  }
0x6a: {  	_ =	shalt  }
0x6b: {  	_ =	shalt  }
0x6c: {  	_ =	shalt  }
0x6d: {  	_ =	shalt  }
0x6e: {  	_ =	shalt  }
0x6f: {  	_ =	shalt  }
0x70: {  	_ =	shalt  }
0x71: {  	_ =	shalt  }
0x72: {  	_ =	shalt  }
0x73: {  	_ =	shalt  }
0x74: {  	_ =	shalt  }
0x75: {  	_ =	shalt  }
0x76: {  	_ =	shalt  }
0x77: {  	_ =	shalt  }
0x78: {  	_ =	shalt  }
0x79: {  	_ =	shalt  }
0x7a: {  	_ =	shalt  }
0x7b: {  	_ =	shalt  }
0x7c: {  	_ =	shalt  }
0x7d: {  	_ =	shalt  }
0x7e: {  	_ =	shalt  }
0x7f: {  	_ =	shalt  }
0x80: {  	_ =	shalt  }
0x81: {  	_ =	shalt  }
0x82: {  	_ =	shalt  }
0x83: {  	_ =	shalt  }
0x84: {  	_ =	shalt  }
0x85: {  	_ =	shalt  }
0x86: {  	_ =	shalt  }
0x87: {  	_ =	shalt  }
.Lfunc_end0:
.L_simem_size_0:
called_computation_lowered:
.L_overlay_start_0:
0x88: {  	s2 =	sld [smem:$0x3FD9]  }
0x89: {  	s3 =	sld [smem:$0x3FFE];
	_ =	sdelay $0x1  }
0x8a: {  	s1 =	srdreg.scid  }
0x8b: {  	s0 =	sand.u32 $0x1, s1  }
0x8c: {  	s14 =	sshll.u32 s0, $0xA;
	s2 =	sadd.s32 s3, s2  }
0x8d: {  	s2 =	sadd.s32 s2, s14  }
0x8e: {  	[smem:$0x3FB1] =	sst s2  }
0x8f: {  	_ = 	snop  }
0x90: {  	s2 =	sld [smem:$0x3FD0];
	_ =	sdelay $0x2  }
0x91: {  	s15 =	simm.s32 $0xC;
	s4 =	simm.s32 $0x10  }
0x92: {  	[smem:s4], [sflag:s15] =	dma.local [hbm:s2], $0x1  }
0x93: {  	_ =	swait.eq [sflag:s15], $0x1  }
0x94: {  	[sflag:s15] =	ssyncset.done $0x0  }
0x95: {  	[sflag:s15] =	ssyncadd.s32 $0xFFFFFFFF  }
0x96: {  	s16 =	sld [smem:$0x11];
	(tm) =	ssettm $0x1  }
0x97: {  	s17 =	sld [smem:$0x3FFB];
	_ =	sdelay $0x3  }
0x98: {  	_ =	strace s17  }
0x99: {  	s3 =	sld [smem:$0x3FFC];
	_ =	sdelay $0x3  }
0x9a: {  	_ =	strace s3  }
0x9b: {  	s3 =	sld [smem:$0x3FFD];
	_ =	sdelay $0x3  }
0x9c: {  	_ =	strace s3  }
0x9d: {  	_ =	strace $0x8FFFFFFF  }
0x9e: {  	s18 =	sld [smem:$0x3FDB];
	_ =	sdelay $0x1  }
0x9f: {  	s19 =	simm.s32 $_scs_section_size  }
0xa0: {  	s5 =	simm.s32 $_size__tile_overlayer_lowered;
	s6 =	simm.s32 $_tile_overlayer_lowered  }
0xa1: {  	s22 =	simm.s32 $0x1BFF;
	s21 =	sshll.u32 s6, $0x1;
	s3 =	sadd.s32 s19, s18  }
0xa2: {  	s7 =	simm.s32 $0x0;
	s20 =	sshll.u32 s5, $0x1;
	s5 =	sadd.s32 s21, s3  }
0xa3: {  	[timem:s7], [sflag:s22] =	dma.local [hbm:s5], s20  }
0xa4: {  	_ =	swait.ge [sflag:s22], s20  }
0xa5: {  	s4 =	ssub.s32 $0x0, s20;
	[sflag:s22] =	ssyncset.done $0x0  }
0xa6: {  	[sflag:s22] =	ssyncadd.s32 s4;
	_ =	sdelay $0x1  }
0xa7: {  	s23 =	simm.s32 $0x1B8B  }
0xa8: {  	_ =	swait.ge [sflag:s23], $0x1  }
0xa9: {  	[sflag:s23] =	ssyncset.done $0x0  }
0xaa: {  	s25 =	simm.s32 $0x1B8E;
	s24 =	sld [smem:$0x3FFE];
	[sflag:s23] =	ssyncadd.s32 $0xFFFFFFFF  }
0xab: {  	s26 =	simm.s32 $execute0_lowered;
	[smem:$0x3FD2] =	sst s25  }
0xac: {  	s5 =	sshll.u32 s26, $0x1;
	_ =	strace $0x80000046;
	[dreg:$0x1] =	wrdreg $0xFFFFFFFF  }
0xad: {  	s28 =	simm.s32 $_size_execute0_lowered;
	s3 =	sadd.s32 s3, s5;
	[dreg:$0x0] =	wrdreg $0x0  }
0xae: {  	s5 =	sshll.u32 s28, $0x1;
	[dreg:$0x2] =	wrdreg s3  }
0xaf: {  	[dreg:$0x3] =	wrdreg s5  }
0xb0: {  	[dreg:$0x4] =	wrdreg $0xC0  }
0xb1: {  	_ =	task [dreg:s7], $0x5FFFF  }
0xb2: {  	[dreg:$0x1] =	wrdreg $0xFFFFFFFF  }
0xb3: {  	[dreg:$0x0] =	wrdreg $0x60  }
0xb4: {  	[dreg:$0x2] =	wrdreg s24  }
0xb5: {  	[dreg:$0x3] =	wrdreg s16  }
0xb6: {  	[dreg:$0x4] =	wrdreg $0x0  }
0xb7: {  	[dreg:$0x5] =	wrdreg $0x9  }
0xb8: {  	_ =	task.clear_ibuf [dreg:s7], $0x6FFFF;
	_ =	strace $0x90000046  }
0xb9: {  	s29 =	simm.s32 $0x9;
	_ =	strace $0x80000048  }
0xba: {  	_ =	swait.ge [sflag:s29], $0x1  }
0xbb: {  	[sflag:s29] =	ssyncadd.s32 $0xFFFFFFFF  }
0xbc: {  	_ =	strace $0x90000048  }
0xbd: {  	_ =	sfence  }
0xbe: {  	s30 =	sld [smem:$0x0];
	_ =	sdelay $0x2  }
0xbf: {  	s31 =	sshll.u32 s1, $0xD;
	s1 =	sshrl.u32 s1, $0x2  }
0xc0: {  	s3 =	sand.u32 $0x4000, s31;
	s1 =	sadd.s32 s1, s30  }
0xc1: {  	s0 =	sor.u32 s3, s0;
	s1 =	sshll.u32 s1, $0x11  }
0xc2: {  	s0 =	sor.u32 s1, s0  }
0xc3: {  	s0 =	sadd.s32 $0x8F2B, s0  }
0xc4: {  	[sflag:s0] =	ssyncadd.remote.s32 $0x1  }
0xc5: {  	_ =	sfence.sel $0xFFFF  }
0xc6: {  	[dreg:$0x0] =	wrdreg $0xFFFFFFFF;
	(pc) =	sbr.abs _section_cstart, $3  }
0xc7: {  	[dreg:$0x1] =	wrdreg $0xFFFFFFFF  }
0xc8: {  	_ =	task.clear_ibuf [dreg:s7], $0x2FFFF;
	_ =	strace $0x9FFFFFFF  }
0xc9: {  	(tm) =	ssettm $0x7FFFFFFF  }
tec
execute0_lowered:
.L_overlay_start_1:
0x0: {  	(tag) =	ssettag $0x1  }
0x1: {  	s4 =	rddreg [dreg:$0x0]  }
0x2: {  	s6 =	rddreg [dreg:$0x1]  }
0x3: {  	s1 =	rddreg [dreg:$0x2]  }
0x4: {  	s2 =	srdreg.scid;
	s0 =	rddreg [dreg:$0x3]  }
0x5: {  	s3 =	simm.s32 $0x0;
	s17 =	simm.s32 $0x50;
	s5 =	sand.u32 $0x1, s2  }
0x6: {  	s18 =	simm.s32 $0x15480;
	s2 =	stileid.u32;
	s7 =	smul.u32 $0x138800, s5  }
0x7: {  	s19 =	simm.s32 $0x13900;
	s20 =	simm.s32 $0x17C80;
	s8 =	smul.u32 $0x14000, s2  }
0x8: {  	s21 =	simm.s32 $0x1;
	s22 =	simm.s32 $0x2;
	s10 =	smul.u32 $0x50000, s2  }
0x9: {  	s23 =	simm.s32 $0x3;
	[smem:$0x7FF] =	sst s3;
	s13 =	smul.u32 $0x1C000, s5  }
0xa: {  	s11 =	sadd.s32 $0x1D000, s4;
	s14 =	sadd.s32 $0x6B200, s4;
	s24 =	smul.u32 $0x1C00, s2  }
0xb: {  	s16 =	sadd.s32 $0x12C000, s1;
	s9 =	ssub.s32 $0x2, s5;
	s5 =	smul.u32 $0x7D0000, s5  }
0xc: {  	_ =	strace $0x80000047;
	s28 =	smul.u32 $0x7D000, s2;
	s12 =	sshrl.u32 s9, $0x1  }
0xd: {  	p0 =	seq.s32 s2, $0xF;
	s9 =	ssub.s32 s9, s12;
	s25 =	sadd.s32 s8, s7  }
0xe: {  	s26 =	sshrl.u32 s10, $0x2;
	s7 =	sshrl.u32 s7, $0x3;
	s29 =	sadd.s32 s24, s13  }
0xf: {  	s30 =	sadd.s32 s28, s5;
	s13 =	sshll.u32 @!p0 s2, $0x6;
	s12 =	sshrl.u32 @p0 s16, $0x3  }
0x10: {  	s16 =	simm.s32 $0x5;
	s24 =	simm.s32 $0x4;
	s15 =	sadd.s32 s26, s1  }
0x11: {  	s4 =	sshrl.u32 s25, $0x3;
	s7 =	sadd.s32 s11, s7;
	s31 =	sshrl.u32 s29, $0x3  }
0x12: {  	s8 =	sshrl.u32 s30, $0x3;
	s13 =	sor.u32 @!p0 $0x1C05, s13;
	s25 =	simm.s32 $0x0  }
0x13: {  	s4 =	sadd.s32 s11, s4;
	s5 =	sadd.s32 $0x25800, s7;
	s6 =	sadd.s32 s6, s31  }
0x14: {  	s7 =	smax.u32 s9, $0x1;
	s8 =	sadd.s32 s8, s14;
	s11 =	sadd.s32 $0x2800, s30  }
0x15: {  	s9 =	sadd.s32 $0xF000, s8;
	s10 =	sadd.s32 $0xF500, s8;
	s11 =	sshrl.u32 s11, $0x3  }
0x16: {  	s11 =	sadd.s32 s11, s14;
	s14 =	sshrl.u32 @!p0 s15, $0x3;
	s15 =	simm.s32 $0x13880  }
.LBB2_1:
0x17: {  	s26 =	simm.s32 @p0 $0x1FC5  }
0x18: {  	[spmem:s12], [sflag:s26] =	dma.local @p0 [hbm:s5], $0x1900  }
0x19: {  	s26 =	simm.s32 @p0 $0x5  }
0x1a: {  	_ =	swait.ge @p0 [sflag:s26], $0x1900  }
0x1b: {  	[sflag:s26] =	ssyncset.done @p0 $0x0  }
0x1c: {  	[sflag:s26] =	ssyncadd.s32 @p0 $0xFFFFE700;
	s26 =	simm.s32 @!p0 $0x5  }
0x1d: {  	[spmem:s14], [sflag:s13] =	dma.local @!p0 [hbm:s4], $0x2800  }
0x1e: {  	_ =	swait.ge @!p0 [sflag:s26], $0x2800  }
0x1f: {  	[sflag:s26] =	ssyncset.done @!p0 $0x0  }
0x20: {  	[sflag:s26] =	ssyncadd.s32 @!p0 $0xFFFFD800  }
0x21: {  	[bflag:$0x0] =	sbarrier.arrive $0xFFFF  }
0x22: {  	[tilespmem:s15], [sflag:$0x5] =	stream.linear.gather [hbm4b:s6+s3], $0x1900, $0x38;
	[tilespmem:$0x1A480] =	vst v63  }
0x23: {  	_ =	swait.ge [sflag:s16], $0x1900  }
0x24: {  	[sflag:s16] =	ssyncset.done $0x0  }
0x25: {  	[sflag:s16] =	ssyncadd.s32 $0xFFFFE700  }
0x26: {  	[tilespmem:s18], [sflag:$0x1] =	stream.indirect.gather [spmem:s1], $0x80, s15, s17, $0xb8;
	[tilespmem:$0x1A480] =	vst v63  }
0x27: {  	_ = 	snop  }
0x28: {  	[tilespmem:s20], [sflag:$0x2] =	stream.indirect.gather [spmem:s1], $0x80, s19, s17, $0xb8;
	[tilespmem:$0x1A480] =	vst v63  }
0x29: {  	_ =	swait.ge [sflag:s21], $0x2800  }
0x2a: {  	[sflag:s21] =	ssyncset.done $0x0  }
0x2b: {  	s31 =	sadd.s32 $0x0, s8;
	[sflag:s21] =	ssyncadd.s32 $0xFFFFD800  }
0x2c: {  	[hbm4b:s31+s3] =	stream.linear.scatter [tilespmem:s18], [sflag:$0x3], $0x2800, $0x38;
	[tilespmem:$0x1A480] =	vst v63  }
0x2d: {  	_ =	swait.ge [sflag:s22], $0x2800  }
0x2e: {  	[sflag:s22] =	ssyncset.done $0x0  }
0x2f: {  	s30 =	sadd.s32 $0x0, s11;
	[sflag:s22] =	ssyncadd.s32 $0xFFFFD800  }
0x30: {  	[hbm4b:s30+s3] =	stream.linear.scatter [tilespmem:s20], [sflag:$0x4], $0x2800, $0x38;
	[tilespmem:$0x1A480] =	vst v63  }
0x31: {  	_ =	swait.ge [sflag:s23], $0x2800  }
0x32: {  	[sflag:s23] =	ssyncset.done $0x0  }
0x33: {  	s31 =	simm.s32 $0x13980;
	[sflag:s23] =	ssyncadd.s32 $0xFFFFD800  }
0x34: {  	[tilespmem:s18], [sflag:$0x1] =	stream.indirect.gather [spmem:s1], $0x80, s31, s17, $0xb8;
	[tilespmem:$0x1A480] =	vst v63  }
0x35: {  	_ =	swait.ge [sflag:s24], $0x2800  }
0x36: {  	s28 =	simm.s32 $0xA00;
	[sflag:s24] =	ssyncset.done $0x0  }
0x37: {  	s29 =	simm.s32 $0x13B00;
	s26 =	simm.s32 $0x13A00;
	[sflag:s24] =	ssyncadd.s32 $0xFFFFD800  }
.LBB2_2:
0x38: {  	[tilespmem:s20], [sflag:$0x2] =	stream.indirect.gather [spmem:s1], $0x80, s26, s17, $0xb8;
	[tilespmem:$0x1A480] =	vst v63  }
0x39: {  	s30 =	smov.u32 s28;
	s26 =	smov.u32 s29  }
0x3a: {  	p1 =	sne.s32 s28, $0xE600;
	s28 =	sadd.s32 $0xA00, s28;
	_ =	swait.ge [sflag:s21], $0x2800  }
0x3b: {  	[sflag:s21] =	ssyncset.done $0x0  }
0x3c: {  	s31 =	sadd.s32 s30, s8;
	[sflag:s21] =	ssyncadd.s32 $0xFFFFD800  }
0x3d: {  	[hbm4b:s31+s3] =	stream.linear.scatter [tilespmem:s18], [sflag:$0x3], $0x2800, $0x38;
	[tilespmem:$0x1A480] =	vst v63  }
0x3e: {  	_ =	swait.ge [sflag:s22], $0x2800  }
0x3f: {  	[sflag:s22] =	ssyncset.done $0x0  }
0x40: {  	s30 =	sadd.s32 s30, s11;
	[sflag:s22] =	ssyncadd.s32 $0xFFFFD800  }
0x41: {  	[hbm4b:s30+s3] =	stream.linear.scatter [tilespmem:s20], [sflag:$0x4], $0x2800, $0x38;
	[tilespmem:$0x1A480] =	vst v63  }
0x42: {  	_ =	swait.ge [sflag:s23], $0x2800  }
0x43: {  	[sflag:s23] =	ssyncset.done $0x0  }
.Ltmp0:
0x44: {  	s30 =	sadd.s32 $0xFFFFFF80, s29;
	[sflag:s23] =	ssyncadd.s32 $0xFFFFD800;
	(pc) =	sbr.rel @p1 .LBB2_2-.Ltmp0, $4  }
0x45: {  	[tilespmem:s18], [sflag:$0x1] =	stream.indirect.gather [spmem:s1], $0x80, s30, s17, $0xb8;
	[tilespmem:$0x1A480] =	vst v63  }
0x46: {  	_ =	swait.ge [sflag:s24], $0x2800  }
0x47: {  	[sflag:s24] =	ssyncset.done $0x0  }
0x48: {  	s29 =	sadd.s32 $0x100, s29;
	[sflag:s24] =	ssyncadd.s32 $0xFFFFD800  }
0x49: {  	[tilespmem:s20], [sflag:$0x2] =	stream.indirect.gather [spmem:s1], $0x80, s26, s17, $0xb8;
	[tilespmem:$0x1A480] =	vst v63  }
0x4a: {  	_ =	swait.ge [sflag:s21], $0x2800  }
0x4b: {  	[sflag:s21] =	ssyncset.done $0x0  }
0x4c: {  	[sflag:s21] =	ssyncadd.s32 $0xFFFFD800  }
0x4d: {  	[hbm4b:s9+s3] =	stream.linear.scatter [tilespmem:s18], [sflag:$0x3], $0x2800, $0x38;
	[tilespmem:$0x1A480] =	vst v63  }
0x4e: {  	_ =	swait.ge [sflag:s22], $0x2800  }
0x4f: {  	[sflag:s22] =	ssyncset.done $0x0  }
0x50: {  	s25 =	sadd.s32 $0x1, s25;
	[sflag:s22] =	ssyncadd.s32 $0xFFFFD800  }
0x51: {  	[hbm4b:s10+s3] =	stream.linear.scatter [tilespmem:s20], [sflag:$0x4], $0x2800, $0x38;
	[tilespmem:$0x1A480] =	vst v63  }
0x52: {  	p1 =	sne.s32 s25, s7;
	_ =	swait.ge [sflag:s23], $0x2800  }
.Ltmp1:
0x53: {  	[sflag:s23] =	ssyncset.done $0x0;
	(pc) =	sbr.rel @p1 .LBB2_1-.Ltmp1, $4  }
0x54: {  	[sflag:s23] =	ssyncadd.s32 $0xFFFFD800  }
0x55: {  	_ =	swait.ge [sflag:s24], $0x2800  }
0x56: {  	[sflag:s24] =	ssyncset.done $0x0  }
0x57: {  	[sflag:s24] =	ssyncadd.s32 $0xFFFFD800  }
0x58: {  	_ =	sfence.sel $0x180000  }
0x59: {  	[bflag:$0x0] =	sbarrier.arrive $0xFFFF  }
0x5a: {  	p0 =	sne.s32 s2, $0x0;
	_ =	strace $0x90000047  }
0x5b: {  	s0 =	sadd.s32 @!p0 $0x100000, s0;
	[bflag:$0x2] =	sbarrier.arrive $0xFFFF  }
0x5c: {  	[sflag:s0] =	ssyncadd.tile.s32 @!p0 $0x1;
	_ =	shalt  }
.Lfunc_end2:
_tile_overlayer_lowered:
.L_overlay_start_2:
0x5d: {  	(tag) =	ssettag $0x2  }
0x5e: {  	s0 =	rddreg [dreg:$0x0];
	s2 =	stileid.u32  }
0x5f: {  	s1 =	rddreg [dreg:$0x1];
	p0 =	sne.s32 s2, $0x0  }
0x60: {  	s3 =	rddreg [dreg:$0x2];
	[bflag:$0x3] =	sbarrier.arrive $0xFFFF;
	s2 =	simm.s32 @!p0 $0x1C05  }
0x61: {  	[timem:s3], [sflag:s2] =	dma.local @!p0 [hbm:s0], s1  }
0x62: {  	s0 =	simm.s32 @!p0 $0x5  }
0x63: {  	_ =	swait.ge @!p0 [sflag:s0], s1  }
0x64: {  	s1 =	ssub.s32 @!p0 $0x0, s1;
	[sflag:s0] =	ssyncset.done @!p0 $0x0  }
0x65: {  	[sflag:s0] =	ssyncadd.s32 @!p0 s1  }
0x66: {  	[bflag:$0x3] =	sbarrier.arrive $0xFFFF  }
0x67: {  	_ =	shalt  }

// kernel: kernel.23.cloned.1.call-start
scs
__scs_entry_jumppad:
0x0: {  	(pc) =	sbr.rel $0x88, $3  }
0x1: {  	(tag) =	ssettag $0x0;
	lr =	simm.s32 $0x1  }
0x2: {  	[smem:$0x3F8A] =	sst lr;
	_ =	strace $0xD0000000  }
0x3: {  	_ = 	snop  }
0x4: {  	_ = 	snop  }
0x5: {  	_ = 	snop  }
0x6: {  	_ = 	snop  }
0x7: {  	_ = 	snop  }
__scs_overlays_trampoline_lowered:
0x8: {  	[smem:$0x3F99] =	sst s0  }
0x9: {  	[smem:$0x3F9A] =	sst s1  }
0xa: {  	[smem:$0x3F9B] =	sst s2  }
0xb: {  	[smem:$0x3F9C] =	sst s3  }
0xc: {  	[smem:$0x3F9D] =	sst s4  }
0xd: {  	[smem:$0x3F9E] =	sst s5  }
0xe: {  	[smem:$0x3F9F] =	sst s6  }
0xf: {  	[smem:$0x3FA0] =	sst s7  }
0x10: {  	[smem:$0x3FA1] =	sst s8  }
0x11: {  	[smem:$0x3FA2] =	sst s9;
	s0 =	simm.s32 @!p0 $0x0  }
0x12: {  	s1 =	sld [smem:$0x3F88];
	s0 =	simm.s32 @p0 $0x1  }
0x13: {  	[smem:$0x3FA3] =	sst s0;
	s0 =	simm.s32 @!p1 $0x0  }
0x14: {  	s2 =	sld [smem:$0x3F87];
	s0 =	simm.s32 @p1 $0x1  }
0x15: {  	[smem:$0x3FA4] =	sst s0;
	s0 =	simm.s32 @!p2 $0x0  }
0x16: {  	s3 =	sld [smem:$0x3FDB];
	s0 =	simm.s32 @p2 $0x1  }
0x17: {  	s4 =	simm.s32 $0x1BF5;
	[smem:$0x3FA6] =	sst s0  }
0x18: {  	s0 =	sld [smem:$0x3F89];
	_ =	swait.ge [sflag:s4], $0x0  }
0x19: {  	s7 =	sld [smem:$0x3F8A]  }
0x1a: {  	s8 =	sadd.s32 $0xFFFFE003, lr  }
0x1b: {  	s9 =	sadd.s32 $0xFFFFFEF7, lr;
	s5 =	simm.s32 $0xFFFFFFFF;
	p2 =	slt.u32 s8, $0xFFFFF086  }
0x1c: {  	p1 =	slt.u32 s9, $0xF7A;
	s5 =	simm.s32 @!p2 $0x0  }
0x1d: {  	s5 =	simm.s32 @p1 $0x1;
	p0 =	seq.s32 s7, s2  }
0x1e: {  	s7 =	smul.u32 @!p0 $0xF7A, s2;
	p2 =	seq.s32 @!p0 s5, $0x0  }
0x1f: {  	s9 =	smul.u32 $0xF7A, s1;
	s8 =	simm.s32 @!p0 $0x1BF5;
	p2 =	por !p2, p0  }
0x20: {  	[sflag:s8] =	ssyncset.s32 @!p0 $0xFFFFF086;
	s6 =	sadd.s32 @!p0 s3, s7;
	s7 =	simm.s32 @!p0 $0x108  }
0x21: {  	s3 =	sadd.s32 s3, s9;
	s6 =	sadd.s32 @!p0 $0x88, s6;
	s7 =	simm.s32 @p2 $0x1082  }
0x22: {  	[simem:s7], [sflag:s8] =	dma.local @!p0 [hbm:s6], $0xF7A  }
0x23: {  	s9 =	sor.u32 $0xD0000000, s2;
	s6 =	simm.s32 $0x108;
	_ =	swait.ge @!p0 [sflag:s8], $0x0  }
0x24: {  	s3 =	sadd.s32 $0x88, s3;
	s6 =	simm.s32 @!p1 $0x1082;
	[sflag:s4] =	ssyncset.s32 $0xFFFFF086  }
0x25: {  	[simem:s6], [sflag:s4] =	dma.local [hbm:s3], $0xF7A  }
0x26: {  	[smem:$0x3F8A] =	sst s1;
	(tag) =	ssettag s2;
	_ =	strace s9  }
0x27: {  	s1 =	sld [smem:$0x3F9A]  }
0x28: {  	s2 =	sld [smem:$0x3F9B]  }
0x29: {  	s4 =	sld [smem:$0x3F9D]  }
0x2a: {  	p0 =	seq.s32 s5, $0x0;
	s5 =	sld [smem:$0x3F9E]  }
0x2b: {  	s6 =	sld [smem:$0x3F9F]  }
0x2c: {  	s7 =	sld [smem:$0x3FA0]  }
0x2d: {  	s3 =	simm.s32 $0x108;
	s8 =	sld [smem:$0x3FA1]  }
0x2e: {  	s3 =	simm.s32 @!p0 $0x1082;
	s9 =	sld [smem:$0x3FA2]  }
0x2f: {  	lr =	sadd.s32 s0, s3;
	s0 =	sld [smem:$0x3F99]  }
0x30: {  	s3 =	sld [smem:$0x3F9C]  }
0x31: {  	[smem:$0x3FA5] =	sst s10  }
0x32: {  	s10 =	sld [smem:$0x3FA3];
	_ =	sdelay $0x3  }
0x33: {  	p0 =	seq.s32 s10, $0x1;
	s10 =	sld [smem:$0x3FA5];
	_ =	sdelay $0x3  }
0x34: {  	[smem:$0x3FA5] =	sst s10  }
0x35: {  	s10 =	sld [smem:$0x3FA4];
	_ =	sdelay $0x3  }
0x36: {  	p1 =	seq.s32 s10, $0x1;
	s10 =	sld [smem:$0x3FA5];
	_ =	sdelay $0x3  }
0x37: {  	[smem:$0x3FA5] =	sst s10  }
0x38: {  	s10 =	sld [smem:$0x3FA6]  }
0x39: {  	_ = 	snop;
	(pc) =	sbr.ind lr, $3  }
0x3a: {  	_ = 	snop  }
0x3b: {  	_ = 	snop  }
0x3c: {  	p2 =	seq.s32 s10, $0x1;
	s10 =	sld [smem:$0x3FA5]  }
0x3d: {  	_ =	shalt  }
0x3e: {  	_ =	shalt  }
0x3f: {  	_ =	shalt  }
0x40: {  	_ =	shalt  }
0x41: {  	_ =	shalt  }
0x42: {  	_ =	shalt  }
0x43: {  	_ =	shalt  }
0x44: {  	_ =	shalt  }
0x45: {  	_ =	shalt  }
0x46: {  	_ =	shalt  }
0x47: {  	_ =	shalt  }
0x48: {  	_ =	shalt  }
0x49: {  	_ =	shalt  }
0x4a: {  	_ =	shalt  }
0x4b: {  	_ =	shalt  }
0x4c: {  	_ =	shalt  }
0x4d: {  	_ =	shalt  }
0x4e: {  	_ =	shalt  }
0x4f: {  	_ =	shalt  }
0x50: {  	_ =	shalt  }
0x51: {  	_ =	shalt  }
0x52: {  	_ =	shalt  }
0x53: {  	_ =	shalt  }
0x54: {  	_ =	shalt  }
0x55: {  	_ =	shalt  }
0x56: {  	_ =	shalt  }
0x57: {  	_ =	shalt  }
0x58: {  	_ =	shalt  }
0x59: {  	_ =	shalt  }
0x5a: {  	_ =	shalt  }
0x5b: {  	_ =	shalt  }
0x5c: {  	_ =	shalt  }
0x5d: {  	_ =	shalt  }
0x5e: {  	_ =	shalt  }
0x5f: {  	_ =	shalt  }
0x60: {  	_ =	shalt  }
0x61: {  	_ =	shalt  }
0x62: {  	_ =	shalt  }
0x63: {  	_ =	shalt  }
0x64: {  	_ =	shalt  }
0x65: {  	_ =	shalt  }
0x66: {  	_ =	shalt  }
0x67: {  	_ =	shalt  }
0x68: {  	_ =	shalt  }
0x69: {  	_ =	shalt  }
0x6a: {  	_ =	shalt  }
0x6b: {  	_ =	shalt  }
0x6c: {  	_ =	shalt  }
0x6d: {  	_ =	shalt  }
0x6e: {  	_ =	shalt  }
0x6f: {  	_ =	shalt  }
0x70: {  	_ =	shalt  }
0x71: {  	_ =	shalt  }
0x72: {  	_ =	shalt  }
0x73: {  	_ =	shalt  }
0x74: {  	_ =	shalt  }
0x75: {  	_ =	shalt  }
0x76: {  	_ =	shalt  }
0x77: {  	_ =	shalt  }
0x78: {  	_ =	shalt  }
0x79: {  	_ =	shalt  }
0x7a: {  	_ =	shalt  }
0x7b: {  	_ =	shalt  }
0x7c: {  	_ =	shalt  }
0x7d: {  	_ =	shalt  }
0x7e: {  	_ =	shalt  }
0x7f: {  	_ =	shalt  }
0x80: {  	_ =	shalt  }
0x81: {  	_ =	shalt  }
0x82: {  	_ =	shalt  }
0x83: {  	_ =	shalt  }
0x84: {  	_ =	shalt  }
0x85: {  	_ =	shalt  }
0x86: {  	_ =	shalt  }
0x87: {  	_ =	shalt  }
.Lfunc_end0:
.L_simem_size_0:
called_computation.1_lowered:
.L_overlay_start_0:
0x88: {  	s2 =	sld [smem:$0x3FD9]  }
0x89: {  	s3 =	sld [smem:$0x3FFE];
	_ =	sdelay $0x1  }
0x8a: {  	s1 =	srdreg.scid  }
0x8b: {  	s0 =	sand.u32 $0x1, s1  }
0x8c: {  	s17 =	sshll.u32 s0, $0xA;
	s2 =	sadd.s32 s3, s2  }
0x8d: {  	s2 =	sadd.s32 s2, s17  }
0x8e: {  	[smem:$0x3FB1] =	sst s2  }
0x8f: {  	_ = 	snop  }
0x90: {  	(tm) =	ssettm $0x1  }
0x91: {  	s18 =	sld [smem:$0x3FFB];
	_ =	sdelay $0x3  }
0x92: {  	_ =	strace s18  }
0x93: {  	s2 =	sld [smem:$0x3FFC];
	_ =	sdelay $0x3  }
0x94: {  	_ =	strace s2  }
0x95: {  	s2 =	sld [smem:$0x3FFD];
	_ =	sdelay $0x3  }
0x96: {  	_ =	strace s2  }
0x97: {  	_ =	strace $0x8FFFFFFF  }
0x98: {  	s19 =	sld [smem:$0x3FDB];
	_ =	sdelay $0x1  }
0x99: {  	s20 =	simm.s32 $_scs_section_size  }
0x9a: {  	s4 =	simm.s32 $_size__tile_overlayer_lowered;
	s5 =	simm.s32 $_tile_overlayer_lowered  }
0x9b: {  	s6 =	simm.s32 $0x1BFF;
	s21 =	sshll.u32 s5, $0x1;
	s3 =	sadd.s32 s20, s19  }
0x9c: {  	s22 =	simm.s32 $0x0;
	s4 =	sshll.u32 s4, $0x1;
	s5 =	sadd.s32 s21, s3  }
0x9d: {  	[timem:s22], [sflag:s6] =	dma.local [hbm:s5], s4  }
0x9e: {  	_ =	swait.ge [sflag:s6], s4  }
0x9f: {  	s4 =	ssub.s32 $0x0, s4;
	[sflag:s6] =	ssyncset.done $0x0  }
0xa0: {  	[sflag:s6] =	ssyncadd.s32 s4;
	_ =	sdelay $0x1  }
0xa1: {  	s23 =	simm.s32 $0x1B8B  }
0xa2: {  	_ =	swait.ge [sflag:s23], $0x1  }
0xa3: {  	[sflag:s23] =	ssyncset.done $0x0  }
0xa4: {  	[sflag:s23] =	ssyncadd.s32 $0xFFFFFFFF  }
0xa5: {  	s4 =	sld [smem:$0x0]  }
0xa6: {  	s5 =	sand.u32 $0xFFFFFFFE, s1  }
0xa7: {  	p0 =	sne.s32 s1, s5  }
0xa8: {  	s5 =	sshll.u32 @p0 s5, $0xE  }
0xa9: {  	s5 =	sadd.s32 @p0 $0x11B8D, s5;
	s6 =	sshll.u32 @p0 s4, $0x11  }
0xaa: {  	s5 =	sor.u32 @p0 s6, s5  }
0xab: {  	[sflag:s5] =	ssyncadd.remote.s32 @p0 $0x1;
	_ =	sdelay $0x1  }
0xac: {  	s5 =	simm.s32 @p0 $0x1B8D  }
0xad: {  	_ =	swait.eq @p0 [sflag:s5], $0x1  }
0xae: {  	[sflag:s5] =	ssyncadd.s32 @p0 $0xFFFFFFFF  }
0xaf: {  	s6 =	sshll.u32 @!p0 s1, $0xE  }
0xb0: {  	s6 =	sor.u32 @!p0 $0x4000, s6;
	s5 =	simm.s32 @!p0 $0x1B8D  }
0xb1: {  	s4 =	sshll.u32 @!p0 s4, $0x11;
	s6 =	sadd.s32 @!p0 $0x11B8D, s6;
	_ =	swait.eq @!p0 [sflag:s5], $0x1  }
0xb2: {  	s4 =	sor.u32 @!p0 s4, s6;
	[sflag:s5] =	ssyncadd.s32 @!p0 $0xFFFFFFFF  }
0xb3: {  	s25 =	simm.s32 $0x1B8E;
	s24 =	sld [smem:$0x3FFE];
	[sflag:s4] =	ssyncadd.remote.s32 @!p0 $0x1  }
0xb4: {  	s26 =	simm.s32 $execute0_lowered;
	[smem:$0x3FD2] =	sst s25  }
0xb5: {  	s5 =	sshll.u32 s26, $0x1;
	_ =	strace $0x8000004C;
	[dreg:$0x1] =	wrdreg $0xFFFFFFFF  }
0xb6: {  	s28 =	simm.s32 $_size_execute0_lowered;
	s3 =	sadd.s32 s3, s5;
	[dreg:$0x0] =	wrdreg $0x0  }
0xb7: {  	s5 =	sshll.u32 s28, $0x1;
	[dreg:$0x2] =	wrdreg s3  }
0xb8: {  	[dreg:$0x3] =	wrdreg s5  }
0xb9: {  	[dreg:$0x4] =	wrdreg $0xC0  }
0xba: {  	_ =	task [dreg:s22], $0x5FFFF  }
0xbb: {  	[dreg:$0x1] =	wrdreg $0xFFFFFFFF  }
0xbc: {  	[dreg:$0x0] =	wrdreg $0x60  }
0xbd: {  	[dreg:$0x2] =	wrdreg s24  }
0xbe: {  	[dreg:$0x3] =	wrdreg $0x60000  }
0xbf: {  	[dreg:$0x4] =	wrdreg $0xB  }
0xc0: {  	_ =	task.clear_ibuf [dreg:s22], $0x5FFFF;
	_ =	strace $0x9000004C  }
0xc1: {  	s29 =	simm.s32 $0xB;
	_ =	strace $0x8000004E  }
0xc2: {  	_ =	swait.ge [sflag:s29], $0x1  }
0xc3: {  	[sflag:s29] =	ssyncadd.s32 $0xFFFFFFFF  }
0xc4: {  	_ =	strace $0x9000004E  }
0xc5: {  	_ =	sfence  }
0xc6: {  	s30 =	sld [smem:$0x0];
	_ =	sdelay $0x2  }
0xc7: {  	s31 =	sshll.u32 s1, $0xD;
	s1 =	sshrl.u32 s1, $0x2  }
0xc8: {  	s4 =	sand.u32 $0x4000, s31;
	s1 =	sadd.s32 s1, s30  }
0xc9: {  	s0 =	sor.u32 s4, s0;
	s1 =	sshll.u32 s1, $0x11  }
0xca: {  	s0 =	sor.u32 s1, s0  }
0xcb: {  	s0 =	sadd.s32 $0x8F2B, s0  }
0xcc: {  	[sflag:s0] =	ssyncadd.remote.s32 $0x1  }
0xcd: {  	_ =	sfence.sel $0xFFFF  }
0xce: {  	[dreg:$0x0] =	wrdreg $0xFFFFFFFF;
	(pc) =	sbr.abs _section_cstart, $3  }
0xcf: {  	[dreg:$0x1] =	wrdreg $0xFFFFFFFF  }
0xd0: {  	_ =	task.clear_ibuf [dreg:s22], $0x2FFFF;
	_ =	strace $0x9FFFFFFF  }
0xd1: {  	(tm) =	ssettm $0x7FFFFFFF  }
tec
execute0_lowered:
.L_overlay_start_1:
0x0: {  	(tag) =	ssettag $0x1  }
0x1: {  	s4 =	rddreg [dreg:$0x0]  }
0x2: {  	s1 =	rddreg [dreg:$0x1]  }
0x3: {  	s2 =	simm.s32 $0x0;
	s5 =	srdreg.scid;
	s3 =	stileid.u32  }
0x4: {  	s18 =	simm.s32 $0x1000;
	s19 =	simm.s32 $0x4;
	s25 =	smul.u32 $0x14000, s3  }
0x5: {  	s20 =	simm.s32 $0x1;
	s21 =	simm.s32 $0x3;
	s29 =	smul.u32 $0x50000, s3  }
0x6: {  	[smem:$0x7FF] =	sst s2;
	s10 =	sand.u32 $0x1, s5;
	s16 =	smul.u32 $0xFA00, s3  }
0x7: {  	s22 =	sshll.u32 s3, $0x1;
	s11 =	sadd.s32 $0x457200, s4;
	s6 =	smul.u32 $0x27100, s10  }
0x8: {  	s14 =	sadd.s32 $0xB9400, s4;
	p0 =	sne.s32 s3, $0x0;
	s13 =	smul.u32 $0x138800, s10  }
0x9: {  	p1 =	seq.s32 s3, $0xF;
	s5 =	sor.u32 s10, s22;
	s17 =	smul.u32 $0x7D00, s10  }
0xa: {  	_ =	strace $0x8000004D;
	s9 =	ssub.s32 $0x2, s10;
	s8 =	smul.u32 $0x7D00, s5  }
0xb: {  	s22 =	simm.s32 $0xB80;
	s7 =	sshll.u32 s5, $0x9;
	s12 =	smul.u32 $0x3E800, s5  }
0xc: {  	s24 =	sshrl.u32 s9, $0x1;
	s7 =	sadd.s32 s7, s4;
	s23 =	sadd.s32 s6, s4  }
0xd: {  	s15 =	ssub.s32 s9, s24;
	s9 =	sadd.s32 s25, s13;
	s13 =	sshrl.u32 s13, $0x3  }
0xe: {  	s24 =	sadd.s32 $0x12C000, s1;
	s4 =	sadd.s32 $0x6B200, s23;
	s5 =	sadd.s32 $0x453200, s7  }
0xf: {  	s26 =	sshrl.u32 s12, $0x3;
	s6 =	sadd.s32 s11, s8;
	s9 =	sshrl.u32 s9, $0x3  }
0x10: {  	s12 =	sshrl.u32 s29, $0x2;
	s30 =	sadd.s32 s14, s13;
	s13 =	sshrl.u32 @!p0 s1, $0x3  }
0x11: {  	s23 =	simm.s32 $0xC00;
	s24 =	sshrl.u32 @p1 s24, $0x3;
	s28 =	sadd.s32 s11, s26  }
0x12: {  	s9 =	sadd.s32 s14, s9;
	s25 =	sadd.s32 s12, s1;
	s11 =	sadd.s32 s16, s11  }
0x13: {  	s10 =	sadd.s32 $0x25800, s30;
	s14 =	simm.s32 $0x5;
	s16 =	simm.s32 $0x2  }
0x14: {  	s26 =	simm.s32 $0x0;
	s7 =	sadd.s32 $0x500, s28;
	s8 =	sadd.s32 $0xA00, s28  }
0x15: {  	s31 =	sadd.s32 s17, s11;
	s11 =	smax.u32 s15, $0x1;
	s15 =	simm.s32 $0x3800  }
0x16: {  	s17 =	simm.s32 $0x50;
	s25 =	sshrl.u32 @!p1 s25, $0x3;
	s12 =	sadd.s32 $0x1400, s31  }
.LBB2_1:
0x17: {  	s28 =	simm.s32 @!p0 $0x1C05  }
0x18: {  	[spmem:s13], [sflag:s28] =	dma.local @!p0 [hbm:s4], $0x27100  }
0x19: {  	s28 =	simm.s32 @!p0 $0x5  }
0x1a: {  	_ =	swait.ge @!p0 [sflag:s28], $0x27100  }
0x1b: {  	[sflag:s28] =	ssyncset.done @!p0 $0x0  }
0x1c: {  	[sflag:s28] =	ssyncadd.s32 @!p0 $0xFFFD8F00  }
0x1d: {  	[bflag:$0x0] =	sbarrier.arrive $0xFFFF  }
0x1e: {  	[tilespmem:s2], [sflag:$0x5] =	stream.linear.gather [hbm4b:s5+s2], $0xC80, $0x38;
	[tilespmem:$0x19880] =	vst v63  }
0x1f: {  	_ =	swait.ge [sflag:s14], $0xC80  }
0x20: {  	[sflag:s14] =	ssyncset.done $0x0  }
0x21: {  	[sflag:s14] =	ssyncadd.s32 $0xFFFFF380  }
0x22: {  	[tilespmem:s15], [sflag:$0x2] =	stream.linear.gather [hbm4b:s6+s2], $0x2800, $0x38;
	[tilespmem:$0x19880] =	vst v63  }
0x23: {  	_ =	swait.ge [sflag:s16], $0x2800  }
0x24: {  	[sflag:s16] =	ssyncset.done $0x0  }
0x25: {  	[sflag:s16] =	ssyncadd.s32 $0xFFFFD800  }
0x26: {  	[spmem:s1] =	stream.indirect.scatter.add.f32 [tilespmem:s15], [sflag:$0x4], $0x80, s2, s17, $0xb8;
	[tilespmem:$0x19880] =	vst v63  }
0x27: {  	_ = 	snop  }
0x28: {  	[tilespmem:s18], [sflag:$0x1] =	stream.linear.gather [hbm4b:s7+s2], $0x2800, $0x38;
	[tilespmem:$0x19880] =	vst v63  }
0x29: {  	_ =	swait.ge [sflag:s19], $0x2800  }
0x2a: {  	[sflag:s19] =	ssyncset.done $0x0  }
0x2b: {  	[sflag:s19] =	ssyncadd.s32 $0xFFFFD800  }
0x2c: {  	[tilespmem:s15], [sflag:$0x2] =	stream.linear.gather [hbm4b:s8+s2], $0x2800, $0x38;
	[tilespmem:$0x19880] =	vst v63  }
0x2d: {  	_ =	swait.ge [sflag:s20], $0x2800  }
0x2e: {  	[sflag:s20] =	ssyncset.done $0x0  }
0x2f: {  	s28 =	simm.s32 $0x80;
	[sflag:s20] =	ssyncadd.s32 $0xFFFFD800  }
0x30: {  	[spmem:s1] =	stream.indirect.scatter.add.f32 [tilespmem:s18], [sflag:$0x3], $0x80, s28, s17, $0xb8;
	[tilespmem:$0x19880] =	vst v63  }
0x31: {  	_ =	swait.ge [sflag:s16], $0x2800  }
0x32: {  	[sflag:s16] =	ssyncset.done $0x0  }
0x33: {  	s28 =	simm.s32 $0x100;
	[sflag:s16] =	ssyncadd.s32 $0xFFFFD800  }
0x34: {  	[spmem:s1] =	stream.indirect.scatter.add.f32 [tilespmem:s15], [sflag:$0x4], $0x80, s28, s17, $0xb8;
	[tilespmem:$0x19880] =	vst v63  }
0x35: {  	_ =	swait.ge [sflag:s21], $0x2800  }
0x36: {  	[sflag:s21] =	ssyncset.done $0x0  }
0x37: {  	s28 =	sadd.s32 $0xFFFFFB00, s12;
	[sflag:s21] =	ssyncadd.s32 $0xFFFFD800  }
0x38: {  	[tilespmem:s18], [sflag:$0x1] =	stream.linear.gather [hbm4b:s28+s2], $0x2800, $0x38;
	[tilespmem:$0x19880] =	vst v63  }
0x39: {  	_ =	swait.ge [sflag:s19], $0x2800  }
0x3a: {  	s29 =	sadd.s32 $0xA00, s12;
	[sflag:s19] =	ssyncset.done $0x0  }
0x3b: {  	s30 =	smov.u32 s12;
	s28 =	simm.s32 $0x400;
	[sflag:s19] =	ssyncadd.s32 $0xFFFFD800  }
.LBB2_2:
0x3c: {  	[tilespmem:s15], [sflag:$0x2] =	stream.linear.gather [hbm4b:s30+s2], $0x2800, $0x38;
	[tilespmem:$0x19880] =	vst v63  }
0x3d: {  	s31 =	smov.u32 s28;
	s30 =	smov.u32 s29  }
0x3e: {  	p2 =	sne.s32 s28, $0x2800;
	s28 =	sadd.s32 $0x400, s28;
	_ =	swait.ge [sflag:s20], $0x2800  }
0x3f: {  	s31 =	sshra.s32 s31, $0x2;
	[sflag:s20] =	ssyncset.done $0x0  }
0x40: {  	s0 =	sadd.s32 $0x80, s31;
	[sflag:s20] =	ssyncadd.s32 $0xFFFFD800  }
0x41: {  	[spmem:s1] =	stream.indirect.scatter.add.f32 [tilespmem:s18], [sflag:$0x3], $0x80, s0, s17, $0xb8;
	[tilespmem:$0x19880] =	vst v63  }
0x42: {  	_ =	swait.ge [sflag:s16], $0x2800  }
0x43: {  	[sflag:s16] =	ssyncset.done $0x0  }
0x44: {  	s0 =	sadd.s32 $0x100, s31;
	[sflag:s16] =	ssyncadd.s32 $0xFFFFD800  }
0x45: {  	[spmem:s1] =	stream.indirect.scatter.add.f32 [tilespmem:s15], [sflag:$0x4], $0x80, s0, s17, $0xb8;
	[tilespmem:$0x19880] =	vst v63  }
0x46: {  	_ =	swait.ge [sflag:s21], $0x2800  }
0x47: {  	[sflag:s21] =	ssyncset.done $0x0  }
.Ltmp0:
0x48: {  	s0 =	sadd.s32 $0xFFFFFB00, s29;
	[sflag:s21] =	ssyncadd.s32 $0xFFFFD800;
	(pc) =	sbr.rel @p2 .LBB2_2-.Ltmp0, $4  }
0x49: {  	[tilespmem:s18], [sflag:$0x1] =	stream.linear.gather [hbm4b:s0+s2], $0x2800, $0x38;
	[tilespmem:$0x19880] =	vst v63  }
0x4a: {  	_ =	swait.ge [sflag:s19], $0x2800  }
0x4b: {  	[sflag:s19] =	ssyncset.done $0x0  }
0x4c: {  	s29 =	sadd.s32 $0xA00, s29;
	[sflag:s19] =	ssyncadd.s32 $0xFFFFD800  }
0x4d: {  	[tilespmem:s15], [sflag:$0x2] =	stream.linear.gather [hbm4b:s30+s2], $0x2800, $0x38;
	[tilespmem:$0x19880] =	vst v63  }
0x4e: {  	_ =	swait.ge [sflag:s20], $0x2800  }
0x4f: {  	[sflag:s20] =	ssyncset.done $0x0  }
0x50: {  	[sflag:s20] =	ssyncadd.s32 $0xFFFFD800  }
0x51: {  	[spmem:s1] =	stream.indirect.scatter.add.f32 [tilespmem:s18], [sflag:$0x3], $0x80, s22, s17, $0xb8;
	[tilespmem:$0x19880] =	vst v63  }
0x52: {  	_ =	swait.ge [sflag:s16], $0x2800  }
0x53: {  	[sflag:s16] =	ssyncset.done $0x0  }
0x54: {  	[sflag:s16] =	ssyncadd.s32 $0xFFFFD800  }
0x55: {  	[spmem:s1] =	stream.indirect.scatter.add.f32 [tilespmem:s15], [sflag:$0x4], $0x80, s23, s17, $0xb8;
	[tilespmem:$0x19880] =	vst v63  }
0x56: {  	_ =	swait.ge [sflag:s21], $0x2800  }
0x57: {  	[sflag:s21] =	ssyncset.done $0x0  }
0x58: {  	[sflag:s21] =	ssyncadd.s32 $0xFFFFD800  }
0x59: {  	_ =	swait.ge [sflag:s19], $0x2800  }
0x5a: {  	[sflag:s19] =	ssyncset.done $0x0  }
0x5b: {  	[sflag:s19] =	ssyncadd.s32 $0xFFFFD800  }
0x5c: {  	s0 =	simm.s32 @p1 $0x1FC5;
	[bflag:$0x0] =	sbarrier.arrive $0xFFFF  }
0x5d: {  	[hbm:s10], [sflag:s0] =	dma.local @p1 [spmem:s24], $0x1900  }
0x5e: {  	s0 =	simm.s32 @p1 $0x5  }
0x5f: {  	_ =	swait.ge @p1 [sflag:s0], $0x1900  }
0x60: {  	s28 =	sshll.u32 @!p1 s3, $0x6;
	s26 =	sadd.s32 $0x1, s26;
	[sflag:s0] =	ssyncset.done @p1 $0x0  }
0x61: {  	p2 =	sne.s32 s26, s11;
	[sflag:s0] =	ssyncadd.s32 @p1 $0xFFFFE700;
	s0 =	sor.u32 @!p1 $0x1C05, s28  }
0x62: {  	[hbm:s9], [sflag:s0] =	dma.local @!p1 [spmem:s25], $0x2800  }
.Ltmp1:
0x63: {  	_ = 	snop;
	(pc) =	sbr.rel @p2 .LBB2_1-.Ltmp1, $4  }
0x64: {  	s0 =	simm.s32 @!p1 $0x5  }
0x65: {  	_ =	swait.ge @!p1 [sflag:s0], $0x2800  }
0x66: {  	[sflag:s0] =	ssyncset.done @!p1 $0x0  }
0x67: {  	[sflag:s0] =	ssyncadd.s32 @!p1 $0xFFFFD800  }
0x68: {  	_ =	sfence.sel $0x180000  }
0x69: {  	[bflag:$0x0] =	sbarrier.arrive $0xFFFF  }
0x6a: {  	_ =	strace $0x9000004D  }
0x6b: {  	[bflag:$0x2] =	sbarrier.arrive $0xFFFF  }
0x6c: {  	s0 =	rddreg [dreg:$0x2]  }
0x6d: {  	s0 =	sadd.s32 @!p0 $0x100000, s0  }
0x6e: {  	[sflag:s0] =	ssyncadd.tile.s32 @!p0 $0x1;
	_ =	shalt  }
.Lfunc_end2:
_tile_overlayer_lowered:
.L_overlay_start_2:
0x6f: {  	(tag) =	ssettag $0x2  }
0x70: {  	s0 =	rddreg [dreg:$0x0];
	s2 =	stileid.u32  }
0x71: {  	s1 =	rddreg [dreg:$0x1];
	p0 =	sne.s32 s2, $0x0  }
0x72: {  	s3 =	rddreg [dreg:$0x2];
	[bflag:$0x3] =	sbarrier.arrive $0xFFFF;
	s2 =	simm.s32 @!p0 $0x1C05  }
0x73: {  	[timem:s3], [sflag:s2] =	dma.local @!p0 [hbm:s0], s1  }
0x74: {  	s0 =	simm.s32 @!p0 $0x5  }
0x75: {  	_ =	swait.ge @!p0 [sflag:s0], s1  }
0x76: {  	s1 =	ssub.s32 @!p0 $0x0, s1;
	[sflag:s0] =	ssyncset.done @!p0 $0x0  }
0x77: {  	[sflag:s0] =	ssyncadd.s32 @!p0 s1  }
0x78: {  	[bflag:$0x3] =	sbarrier.arrive $0xFFFF  }
0x79: {  	_ =	shalt  }

// kernel: kernel.26.cloned.1.call-start
scs
__scs_entry_jumppad:
0x0: {  	(pc) =	sbr.rel $0x88, $3  }
0x1: {  	(tag) =	ssettag $0x0;
	lr =	simm.s32 $0x1  }
0x2: {  	[smem:$0x3F8A] =	sst lr;
	_ =	strace $0xD0000000  }
0x3: {  	_ = 	snop  }
0x4: {  	_ = 	snop  }
0x5: {  	_ = 	snop  }
0x6: {  	_ = 	snop  }
0x7: {  	_ = 	snop  }
__scs_overlays_trampoline_lowered:
0x8: {  	[smem:$0x3F99] =	sst s0  }
0x9: {  	[smem:$0x3F9A] =	sst s1  }
0xa: {  	[smem:$0x3F9B] =	sst s2  }
0xb: {  	[smem:$0x3F9C] =	sst s3  }
0xc: {  	[smem:$0x3F9D] =	sst s4  }
0xd: {  	[smem:$0x3F9E] =	sst s5  }
0xe: {  	[smem:$0x3F9F] =	sst s6  }
0xf: {  	[smem:$0x3FA0] =	sst s7  }
0x10: {  	[smem:$0x3FA1] =	sst s8  }
0x11: {  	[smem:$0x3FA2] =	sst s9;
	s0 =	simm.s32 @!p0 $0x0  }
0x12: {  	s1 =	sld [smem:$0x3F88];
	s0 =	simm.s32 @p0 $0x1  }
0x13: {  	[smem:$0x3FA3] =	sst s0;
	s0 =	simm.s32 @!p1 $0x0  }
0x14: {  	s2 =	sld [smem:$0x3F87];
	s0 =	simm.s32 @p1 $0x1  }
0x15: {  	[smem:$0x3FA4] =	sst s0;
	s0 =	simm.s32 @!p2 $0x0  }
0x16: {  	s3 =	sld [smem:$0x3FDB];
	s0 =	simm.s32 @p2 $0x1  }
0x17: {  	s4 =	simm.s32 $0x1BF5;
	[smem:$0x3FA6] =	sst s0  }
0x18: {  	s0 =	sld [smem:$0x3F89];
	_ =	swait.ge [sflag:s4], $0x0  }
0x19: {  	s7 =	sld [smem:$0x3F8A]  }
0x1a: {  	s8 =	sadd.s32 $0xFFFFE003, lr  }
0x1b: {  	s9 =	sadd.s32 $0xFFFFFEF7, lr;
	s5 =	simm.s32 $0xFFFFFFFF;
	p2 =	slt.u32 s8, $0xFFFFF086  }
0x1c: {  	p1 =	slt.u32 s9, $0xF7A;
	s5 =	simm.s32 @!p2 $0x0  }
0x1d: {  	s5 =	simm.s32 @p1 $0x1;
	p0 =	seq.s32 s7, s2  }
0x1e: {  	s7 =	smul.u32 @!p0 $0xF7A, s2;
	p2 =	seq.s32 @!p0 s5, $0x0  }
0x1f: {  	s9 =	smul.u32 $0xF7A, s1;
	s8 =	simm.s32 @!p0 $0x1BF5;
	p2 =	por !p2, p0  }
0x20: {  	[sflag:s8] =	ssyncset.s32 @!p0 $0xFFFFF086;
	s6 =	sadd.s32 @!p0 s3, s7;
	s7 =	simm.s32 @!p0 $0x108  }
0x21: {  	s3 =	sadd.s32 s3, s9;
	s6 =	sadd.s32 @!p0 $0x88, s6;
	s7 =	simm.s32 @p2 $0x1082  }
0x22: {  	[simem:s7], [sflag:s8] =	dma.local @!p0 [hbm:s6], $0xF7A  }
0x23: {  	s9 =	sor.u32 $0xD0000000, s2;
	s6 =	simm.s32 $0x108;
	_ =	swait.ge @!p0 [sflag:s8], $0x0  }
0x24: {  	s3 =	sadd.s32 $0x88, s3;
	s6 =	simm.s32 @!p1 $0x1082;
	[sflag:s4] =	ssyncset.s32 $0xFFFFF086  }
0x25: {  	[simem:s6], [sflag:s4] =	dma.local [hbm:s3], $0xF7A  }
0x26: {  	[smem:$0x3F8A] =	sst s1;
	(tag) =	ssettag s2;
	_ =	strace s9  }
0x27: {  	s1 =	sld [smem:$0x3F9A]  }
0x28: {  	s2 =	sld [smem:$0x3F9B]  }
0x29: {  	s4 =	sld [smem:$0x3F9D]  }
0x2a: {  	p0 =	seq.s32 s5, $0x0;
	s5 =	sld [smem:$0x3F9E]  }
0x2b: {  	s6 =	sld [smem:$0x3F9F]  }
0x2c: {  	s7 =	sld [smem:$0x3FA0]  }
0x2d: {  	s3 =	simm.s32 $0x108;
	s8 =	sld [smem:$0x3FA1]  }
0x2e: {  	s3 =	simm.s32 @!p0 $0x1082;
	s9 =	sld [smem:$0x3FA2]  }
0x2f: {  	lr =	sadd.s32 s0, s3;
	s0 =	sld [smem:$0x3F99]  }
0x30: {  	s3 =	sld [smem:$0x3F9C]  }
0x31: {  	[smem:$0x3FA5] =	sst s10  }
0x32: {  	s10 =	sld [smem:$0x3FA3];
	_ =	sdelay $0x3  }
0x33: {  	p0 =	seq.s32 s10, $0x1;
	s10 =	sld [smem:$0x3FA5];
	_ =	sdelay $0x3  }
0x34: {  	[smem:$0x3FA5] =	sst s10  }
0x35: {  	s10 =	sld [smem:$0x3FA4];
	_ =	sdelay $0x3  }
0x36: {  	p1 =	seq.s32 s10, $0x1;
	s10 =	sld [smem:$0x3FA5];
	_ =	sdelay $0x3  }
0x37: {  	[smem:$0x3FA5] =	sst s10  }
0x38: {  	s10 =	sld [smem:$0x3FA6]  }
0x39: {  	_ = 	snop;
	(pc) =	sbr.ind lr, $3  }
0x3a: {  	_ = 	snop  }
0x3b: {  	_ = 	snop  }
0x3c: {  	p2 =	seq.s32 s10, $0x1;
	s10 =	sld [smem:$0x3FA5]  }
0x3d: {  	_ =	shalt  }
0x3e: {  	_ =	shalt  }
0x3f: {  	_ =	shalt  }
0x40: {  	_ =	shalt  }
0x41: {  	_ =	shalt  }
0x42: {  	_ =	shalt  }
0x43: {  	_ =	shalt  }
0x44: {  	_ =	shalt  }
0x45: {  	_ =	shalt  }
0x46: {  	_ =	shalt  }
0x47: {  	_ =	shalt  }
0x48: {  	_ =	shalt  }
0x49: {  	_ =	shalt  }
0x4a: {  	_ =	shalt  }
0x4b: {  	_ =	shalt  }
0x4c: {  	_ =	shalt  }
0x4d: {  	_ =	shalt  }
0x4e: {  	_ =	shalt  }
0x4f: {  	_ =	shalt  }
0x50: {  	_ =	shalt  }
0x51: {  	_ =	shalt  }
0x52: {  	_ =	shalt  }
0x53: {  	_ =	shalt  }
0x54: {  	_ =	shalt  }
0x55: {  	_ =	shalt  }
0x56: {  	_ =	shalt  }
0x57: {  	_ =	shalt  }
0x58: {  	_ =	shalt  }
0x59: {  	_ =	shalt  }
0x5a: {  	_ =	shalt  }
0x5b: {  	_ =	shalt  }
0x5c: {  	_ =	shalt  }
0x5d: {  	_ =	shalt  }
0x5e: {  	_ =	shalt  }
0x5f: {  	_ =	shalt  }
0x60: {  	_ =	shalt  }
0x61: {  	_ =	shalt  }
0x62: {  	_ =	shalt  }
0x63: {  	_ =	shalt  }
0x64: {  	_ =	shalt  }
0x65: {  	_ =	shalt  }
0x66: {  	_ =	shalt  }
0x67: {  	_ =	shalt  }
0x68: {  	_ =	shalt  }
0x69: {  	_ =	shalt  }
0x6a: {  	_ =	shalt  }
0x6b: {  	_ =	shalt  }
0x6c: {  	_ =	shalt  }
0x6d: {  	_ =	shalt  }
0x6e: {  	_ =	shalt  }
0x6f: {  	_ =	shalt  }
0x70: {  	_ =	shalt  }
0x71: {  	_ =	shalt  }
0x72: {  	_ =	shalt  }
0x73: {  	_ =	shalt  }
0x74: {  	_ =	shalt  }
0x75: {  	_ =	shalt  }
0x76: {  	_ =	shalt  }
0x77: {  	_ =	shalt  }
0x78: {  	_ =	shalt  }
0x79: {  	_ =	shalt  }
0x7a: {  	_ =	shalt  }
0x7b: {  	_ =	shalt  }
0x7c: {  	_ =	shalt  }
0x7d: {  	_ =	shalt  }
0x7e: {  	_ =	shalt  }
0x7f: {  	_ =	shalt  }
0x80: {  	_ =	shalt  }
0x81: {  	_ =	shalt  }
0x82: {  	_ =	shalt  }
0x83: {  	_ =	shalt  }
0x84: {  	_ =	shalt  }
0x85: {  	_ =	shalt  }
0x86: {  	_ =	shalt  }
0x87: {  	_ =	shalt  }
.Lfunc_end0:
.L_simem_size_0:
called_computation.2_lowered:
.L_overlay_start_0:
0x88: {  	s2 =	sld [smem:$0x3FD9]  }
0x89: {  	s3 =	sld [smem:$0x3FFE];
	_ =	sdelay $0x1  }
0x8a: {  	s1 =	srdreg.scid  }
0x8b: {  	s0 =	sand.u32 $0x1, s1  }
0x8c: {  	s15 =	sshll.u32 s0, $0xA;
	s2 =	sadd.s32 s3, s2  }
0x8d: {  	s2 =	sadd.s32 s2, s15  }
0x8e: {  	[smem:$0x3FB1] =	sst s2  }
0x8f: {  	_ = 	snop  }
0x90: {  	s2 =	sld [smem:$0x3FD0];
	_ =	sdelay $0x2  }
0x91: {  	s16 =	simm.s32 $0xC;
	s4 =	simm.s32 $0x10  }
0x92: {  	[smem:s4], [sflag:s16] =	dma.local [hbm:s2], $0x1  }
0x93: {  	_ =	swait.eq [sflag:s16], $0x1  }
0x94: {  	[sflag:s16] =	ssyncset.done $0x0  }
0x95: {  	[sflag:s16] =	ssyncadd.s32 $0xFFFFFFFF  }
0x96: {  	s17 =	sld [smem:$0x10];
	(tm) =	ssettm $0x1  }
0x97: {  	s18 =	sld [smem:$0x3FFB];
	_ =	sdelay $0x3  }
0x98: {  	_ =	strace s18  }
0x99: {  	s2 =	sld [smem:$0x3FFC];
	_ =	sdelay $0x3  }
0x9a: {  	_ =	strace s2  }
0x9b: {  	s2 =	sld [smem:$0x3FFD];
	_ =	sdelay $0x3  }
0x9c: {  	_ =	strace s2  }
0x9d: {  	_ =	strace $0x8FFFFFFF  }
0x9e: {  	s19 =	sld [smem:$0x3FDB];
	_ =	sdelay $0x1  }
0x9f: {  	s20 =	simm.s32 $_scs_section_size  }
0xa0: {  	s5 =	simm.s32 $_size__tile_overlayer_lowered;
	s6 =	simm.s32 $_tile_overlayer_lowered  }
0xa1: {  	s7 =	simm.s32 $0x1BFF;
	s21 =	sshll.u32 s6, $0x1;
	s4 =	sadd.s32 s20, s19  }
0xa2: {  	s22 =	simm.s32 $0x0;
	s5 =	sshll.u32 s5, $0x1;
	s6 =	sadd.s32 s21, s4  }
0xa3: {  	[timem:s22], [sflag:s7] =	dma.local [hbm:s6], s5  }
0xa4: {  	_ =	swait.ge [sflag:s7], s5  }
0xa5: {  	s5 =	ssub.s32 $0x0, s5;
	[sflag:s7] =	ssyncset.done $0x0  }
0xa6: {  	[sflag:s7] =	ssyncadd.s32 s5;
	_ =	sdelay $0x1  }
0xa7: {  	s23 =	simm.s32 $0x1B8B  }
0xa8: {  	_ =	swait.ge [sflag:s23], $0x1  }
0xa9: {  	[sflag:s23] =	ssyncset.done $0x0  }
0xaa: {  	[sflag:s23] =	ssyncadd.s32 $0xFFFFFFFF  }
0xab: {  	s5 =	sld [smem:$0x0]  }
0xac: {  	s6 =	sand.u32 $0xFFFFFFFE, s1  }
0xad: {  	p0 =	sne.s32 s1, s6  }
0xae: {  	s6 =	sshll.u32 @p0 s6, $0xE  }
0xaf: {  	s6 =	sadd.s32 @p0 $0x11B8D, s6;
	s7 =	sshll.u32 @p0 s5, $0x11  }
0xb0: {  	s6 =	sor.u32 @p0 s7, s6  }
0xb1: {  	[sflag:s6] =	ssyncadd.remote.s32 @p0 $0x1;
	_ =	sdelay $0x1  }
0xb2: {  	s6 =	simm.s32 @p0 $0x1B8D  }
0xb3: {  	_ =	swait.eq @p0 [sflag:s6], $0x1  }
0xb4: {  	[sflag:s6] =	ssyncadd.s32 @p0 $0xFFFFFFFF  }
0xb5: {  	s7 =	sshll.u32 @!p0 s1, $0xE  }
0xb6: {  	s7 =	sor.u32 @!p0 $0x4000, s7;
	s6 =	simm.s32 @!p0 $0x1B8D  }
0xb7: {  	s5 =	sshll.u32 @!p0 s5, $0x11;
	s7 =	sadd.s32 @!p0 $0x11B8D, s7;
	_ =	swait.eq @!p0 [sflag:s6], $0x1  }
0xb8: {  	s5 =	sor.u32 @!p0 s5, s7;
	[sflag:s6] =	ssyncadd.s32 @!p0 $0xFFFFFFFF  }
0xb9: {  	s25 =	simm.s32 $0x1B8E;
	s24 =	sld [smem:$0x3FFE];
	[sflag:s5] =	ssyncadd.remote.s32 @!p0 $0x1  }
0xba: {  	s26 =	simm.s32 $execute0_lowered;
	[smem:$0x3FD2] =	sst s25  }
0xbb: {  	s6 =	sshll.u32 s26, $0x1;
	_ =	strace $0x80000049;
	[dreg:$0x1] =	wrdreg $0xFFFFFFFF  }
0xbc: {  	s28 =	simm.s32 $_size_execute0_lowered;
	s4 =	sadd.s32 s4, s6;
	[dreg:$0x0] =	wrdreg $0x0  }
0xbd: {  	s6 =	sshll.u32 s28, $0x1;
	[dreg:$0x2] =	wrdreg s4  }
0xbe: {  	[dreg:$0x3] =	wrdreg s6  }
0xbf: {  	[dreg:$0x4] =	wrdreg $0xC0  }
0xc0: {  	_ =	task [dreg:s22], $0x5FFFF  }
0xc1: {  	[dreg:$0x1] =	wrdreg $0xFFFFFFFF  }
0xc2: {  	[dreg:$0x0] =	wrdreg $0x60  }
0xc3: {  	[dreg:$0x2] =	wrdreg s24  }
0xc4: {  	[dreg:$0x3] =	wrdreg s17  }
0xc5: {  	[dreg:$0x4] =	wrdreg $0x0  }
0xc6: {  	[dreg:$0x5] =	wrdreg $0xA  }
0xc7: {  	_ =	task.clear_ibuf [dreg:s22], $0x6FFFF;
	_ =	strace $0x90000049  }
0xc8: {  	s29 =	simm.s32 $0xA;
	_ =	strace $0x8000004B  }
0xc9: {  	_ =	swait.ge [sflag:s29], $0x1  }
0xca: {  	[sflag:s29] =	ssyncadd.s32 $0xFFFFFFFF  }
0xcb: {  	_ =	strace $0x9000004B  }
0xcc: {  	_ =	sfence  }
0xcd: {  	s30 =	sld [smem:$0x0];
	_ =	sdelay $0x2  }
0xce: {  	s31 =	sshll.u32 s1, $0xD;
	s1 =	sshrl.u32 s1, $0x2  }
0xcf: {  	s4 =	sand.u32 $0x4000, s31;
	s1 =	sadd.s32 s1, s30  }
0xd0: {  	s0 =	sor.u32 s4, s0;
	s1 =	sshll.u32 s1, $0x11  }
0xd1: {  	s0 =	sor.u32 s1, s0  }
0xd2: {  	s0 =	sadd.s32 $0x8F2B, s0  }
0xd3: {  	[sflag:s0] =	ssyncadd.remote.s32 $0x1  }
0xd4: {  	_ =	sfence.sel $0xFFFF  }
0xd5: {  	[dreg:$0x0] =	wrdreg $0xFFFFFFFF;
	(pc) =	sbr.abs _section_cstart, $3  }
0xd6: {  	[dreg:$0x1] =	wrdreg $0xFFFFFFFF  }
0xd7: {  	_ =	task.clear_ibuf [dreg:s22], $0x2FFFF;
	_ =	strace $0x9FFFFFFF  }
0xd8: {  	(tm) =	ssettm $0x7FFFFFFF  }
0xd9: {  	_ =	shalt  }
tec
execute0_lowered:
.L_overlay_start_1:
0x0: {  	(tag) =	ssettag $0x1  }
0x1: {  	s4 =	rddreg [dreg:$0x0]  }
0x2: {  	s6 =	rddreg [dreg:$0x1]  }
0x3: {  	s1 =	rddreg [dreg:$0x2]  }
0x4: {  	s2 =	srdreg.scid;
	s0 =	rddreg [dreg:$0x3]  }
0x5: {  	s3 =	simm.s32 $0x0;
	s17 =	simm.s32 $0x50;
	s5 =	sand.u32 $0x1, s2  }
0x6: {  	s18 =	simm.s32 $0x15480;
	s2 =	stileid.u32;
	s7 =	smul.u32 $0x138800, s5  }
0x7: {  	s19 =	simm.s32 $0x13900;
	s20 =	simm.s32 $0x17C80;
	s8 =	smul.u32 $0x14000, s2  }
0x8: {  	s21 =	simm.s32 $0x1;
	s22 =	simm.s32 $0x2;
	s10 =	smul.u32 $0x50000, s2  }
0x9: {  	s23 =	simm.s32 $0x3;
	[smem:$0x7FF] =	sst s3;
	s13 =	smul.u32 $0x1C000, s5  }
0xa: {  	s11 =	sadd.s32 $0x1D000, s4;
	s14 =	sadd.s32 $0x25F200, s4;
	s24 =	smul.u32 $0x1C00, s2  }
0xb: {  	s16 =	sadd.s32 $0x12C000, s1;
	s9 =	ssub.s32 $0x2, s5;
	s5 =	smul.u32 $0x7D0000, s5  }
0xc: {  	_ =	strace $0x8000004A;
	s28 =	smul.u32 $0x7D000, s2;
	s12 =	sshrl.u32 s9, $0x1  }
0xd: {  	p0 =	seq.s32 s2, $0xF;
	s9 =	ssub.s32 s9, s12;
	s25 =	sadd.s32 s8, s7  }
0xe: {  	s26 =	sshrl.u32 s10, $0x2;
	s7 =	sshrl.u32 s7, $0x3;
	s29 =	sadd.s32 s24, s13  }
0xf: {  	s30 =	sadd.s32 s28, s5;
	s13 =	sshll.u32 @!p0 s2, $0x6;
	s12 =	sshrl.u32 @p0 s16, $0x3  }
0x10: {  	s16 =	simm.s32 $0x5;
	s24 =	simm.s32 $0x4;
	s15 =	sadd.s32 s26, s1  }
0x11: {  	s4 =	sshrl.u32 s25, $0x3;
	s7 =	sadd.s32 s11, s7;
	s31 =	sshrl.u32 s29, $0x3  }
0x12: {  	s8 =	sshrl.u32 s30, $0x3;
	s13 =	sor.u32 @!p0 $0x1C05, s13;
	s25 =	simm.s32 $0x0  }
0x13: {  	s4 =	sadd.s32 s11, s4;
	s5 =	sadd.s32 $0x25800, s7;
	s6 =	sadd.s32 s6, s31  }
0x14: {  	s7 =	smax.u32 s9, $0x1;
	s8 =	sadd.s32 s8, s14;
	s11 =	sadd.s32 $0x2800, s30  }
0x15: {  	s9 =	sadd.s32 $0xF000, s8;
	s10 =	sadd.s32 $0xF500, s8;
	s11 =	sshrl.u32 s11, $0x3  }
0x16: {  	s11 =	sadd.s32 s11, s14;
	s14 =	sshrl.u32 @!p0 s15, $0x3;
	s15 =	simm.s32 $0x13880  }
.LBB2_1:
0x17: {  	s26 =	simm.s32 @p0 $0x1FC5  }
0x18: {  	[spmem:s12], [sflag:s26] =	dma.local @p0 [hbm:s5], $0x1900  }
0x19: {  	s26 =	simm.s32 @p0 $0x5  }
0x1a: {  	_ =	swait.ge @p0 [sflag:s26], $0x1900  }
0x1b: {  	[sflag:s26] =	ssyncset.done @p0 $0x0  }
0x1c: {  	[sflag:s26] =	ssyncadd.s32 @p0 $0xFFFFE700;
	s26 =	simm.s32 @!p0 $0x5  }
0x1d: {  	[spmem:s14], [sflag:s13] =	dma.local @!p0 [hbm:s4], $0x2800  }
0x1e: {  	_ =	swait.ge @!p0 [sflag:s26], $0x2800  }
0x1f: {  	[sflag:s26] =	ssyncset.done @!p0 $0x0  }
0x20: {  	[sflag:s26] =	ssyncadd.s32 @!p0 $0xFFFFD800  }
0x21: {  	[bflag:$0x0] =	sbarrier.arrive $0xFFFF  }
0x22: {  	[tilespmem:s15], [sflag:$0x5] =	stream.linear.gather [hbm4b:s6+s3], $0x1900, $0x38;
	[tilespmem:$0x1A480] =	vst v63  }
0x23: {  	_ =	swait.ge [sflag:s16], $0x1900  }
0x24: {  	[sflag:s16] =	ssyncset.done $0x0  }
0x25: {  	[sflag:s16] =	ssyncadd.s32 $0xFFFFE700  }
0x26: {  	[tilespmem:s18], [sflag:$0x1] =	stream.indirect.gather [spmem:s1], $0x80, s15, s17, $0xb8;
	[tilespmem:$0x1A480] =	vst v63  }
0x27: {  	_ = 	snop  }
0x28: {  	[tilespmem:s20], [sflag:$0x2] =	stream.indirect.gather [spmem:s1], $0x80, s19, s17, $0xb8;
	[tilespmem:$0x1A480] =	vst v63  }
0x29: {  	_ =	swait.ge [sflag:s21], $0x2800  }
0x2a: {  	[sflag:s21] =	ssyncset.done $0x0  }
0x2b: {  	s31 =	sadd.s32 $0x0, s8;
	[sflag:s21] =	ssyncadd.s32 $0xFFFFD800  }
0x2c: {  	[hbm4b:s31+s3] =	stream.linear.scatter [tilespmem:s18], [sflag:$0x3], $0x2800, $0x38;
	[tilespmem:$0x1A480] =	vst v63  }
0x2d: {  	_ =	swait.ge [sflag:s22], $0x2800  }
0x2e: {  	[sflag:s22] =	ssyncset.done $0x0  }
0x2f: {  	s30 =	sadd.s32 $0x0, s11;
	[sflag:s22] =	ssyncadd.s32 $0xFFFFD800  }
0x30: {  	[hbm4b:s30+s3] =	stream.linear.scatter [tilespmem:s20], [sflag:$0x4], $0x2800, $0x38;
	[tilespmem:$0x1A480] =	vst v63  }
0x31: {  	_ =	swait.ge [sflag:s23], $0x2800  }
0x32: {  	[sflag:s23] =	ssyncset.done $0x0  }
0x33: {  	s31 =	simm.s32 $0x13980;
	[sflag:s23] =	ssyncadd.s32 $0xFFFFD800  }
0x34: {  	[tilespmem:s18], [sflag:$0x1] =	stream.indirect.gather [spmem:s1], $0x80, s31, s17, $0xb8;
	[tilespmem:$0x1A480] =	vst v63  }
0x35: {  	_ =	swait.ge [sflag:s24], $0x2800  }
0x36: {  	s28 =	simm.s32 $0xA00;
	[sflag:s24] =	ssyncset.done $0x0  }
0x37: {  	s29 =	simm.s32 $0x13B00;
	s26 =	simm.s32 $0x13A00;
	[sflag:s24] =	ssyncadd.s32 $0xFFFFD800  }
.LBB2_2:
0x38: {  	[tilespmem:s20], [sflag:$0x2] =	stream.indirect.gather [spmem:s1], $0x80, s26, s17, $0xb8;
	[tilespmem:$0x1A480] =	vst v63  }
0x39: {  	s30 =	smov.u32 s28;
	s26 =	smov.u32 s29  }
0x3a: {  	p1 =	sne.s32 s28, $0xE600;
	s28 =	sadd.s32 $0xA00, s28;
	_ =	swait.ge [sflag:s21], $0x2800  }
0x3b: {  	[sflag:s21] =	ssyncset.done $0x0  }
0x3c: {  	s31 =	sadd.s32 s30, s8;
	[sflag:s21] =	ssyncadd.s32 $0xFFFFD800  }
0x3d: {  	[hbm4b:s31+s3] =	stream.linear.scatter [tilespmem:s18], [sflag:$0x3], $0x2800, $0x38;
	[tilespmem:$0x1A480] =	vst v63  }
0x3e: {  	_ =	swait.ge [sflag:s22], $0x2800  }
0x3f: {  	[sflag:s22] =	ssyncset.done $0x0  }
0x40: {  	s30 =	sadd.s32 s30, s11;
	[sflag:s22] =	ssyncadd.s32 $0xFFFFD800  }
0x41: {  	[hbm4b:s30+s3] =	stream.linear.scatter [tilespmem:s20], [sflag:$0x4], $0x2800, $0x38;
	[tilespmem:$0x1A480] =	vst v63  }
0x42: {  	_ =	swait.ge [sflag:s23], $0x2800  }
0x43: {  	[sflag:s23] =	ssyncset.done $0x0  }
.Ltmp0:
0x44: {  	s30 =	sadd.s32 $0xFFFFFF80, s29;
	[sflag:s23] =	ssyncadd.s32 $0xFFFFD800;
	(pc) =	sbr.rel @p1 .LBB2_2-.Ltmp0, $4  }
0x45: {  	[tilespmem:s18], [sflag:$0x1] =	stream.indirect.gather [spmem:s1], $0x80, s30, s17, $0xb8;
	[tilespmem:$0x1A480] =	vst v63  }
0x46: {  	_ =	swait.ge [sflag:s24], $0x2800  }
0x47: {  	[sflag:s24] =	ssyncset.done $0x0  }
0x48: {  	s29 =	sadd.s32 $0x100, s29;
	[sflag:s24] =	ssyncadd.s32 $0xFFFFD800  }
0x49: {  	[tilespmem:s20], [sflag:$0x2] =	stream.indirect.gather [spmem:s1], $0x80, s26, s17, $0xb8;
	[tilespmem:$0x1A480] =	vst v63  }
0x4a: {  	_ =	swait.ge [sflag:s21], $0x2800  }
0x4b: {  	[sflag:s21] =	ssyncset.done $0x0  }
0x4c: {  	[sflag:s21] =	ssyncadd.s32 $0xFFFFD800  }
0x4d: {  	[hbm4b:s9+s3] =	stream.linear.scatter [tilespmem:s18], [sflag:$0x3], $0x2800, $0x38;
	[tilespmem:$0x1A480] =	vst v63  }
0x4e: {  	_ =	swait.ge [sflag:s22], $0x2800  }
0x4f: {  	[sflag:s22] =	ssyncset.done $0x0  }
0x50: {  	s25 =	sadd.s32 $0x1, s25;
	[sflag:s22] =	ssyncadd.s32 $0xFFFFD800  }
0x51: {  	[hbm4b:s10+s3] =	stream.linear.scatter [tilespmem:s20], [sflag:$0x4], $0x2800, $0x38;
	[tilespmem:$0x1A480] =	vst v63  }
0x52: {  	p1 =	sne.s32 s25, s7;
	_ =	swait.ge [sflag:s23], $0x2800  }
.Ltmp1:
0x53: {  	[sflag:s23] =	ssyncset.done $0x0;
	(pc) =	sbr.rel @p1 .LBB2_1-.Ltmp1, $4  }
0x54: {  	[sflag:s23] =	ssyncadd.s32 $0xFFFFD800  }
0x55: {  	_ =	swait.ge [sflag:s24], $0x2800  }
0x56: {  	[sflag:s24] =	ssyncset.done $0x0  }
0x57: {  	[sflag:s24] =	ssyncadd.s32 $0xFFFFD800  }
0x58: {  	_ =	sfence.sel $0x180000  }
0x59: {  	[bflag:$0x0] =	sbarrier.arrive $0xFFFF  }
0x5a: {  	p0 =	sne.s32 s2, $0x0;
	_ =	strace $0x9000004A  }
0x5b: {  	s0 =	sadd.s32 @!p0 $0x100000, s0;
	[bflag:$0x2] =	sbarrier.arrive $0xFFFF  }
0x5c: {  	[sflag:s0] =	ssyncadd.tile.s32 @!p0 $0x1;
	_ =	shalt  }
.Lfunc_end2:
_tile_overlayer_lowered:
.L_overlay_start_2:
0x5d: {  	(tag) =	ssettag $0x2  }
0x5e: {  	s0 =	rddreg [dreg:$0x0];
	s2 =	stileid.u32  }
0x5f: {  	s1 =	rddreg [dreg:$0x1];
	p0 =	sne.s32 s2, $0x0  }
0x60: {  	s3 =	rddreg [dreg:$0x2];
	[bflag:$0x3] =	sbarrier.arrive $0xFFFF;
	s2 =	simm.s32 @!p0 $0x1C05  }
0x61: {  	[timem:s3], [sflag:s2] =	dma.local @!p0 [hbm:s0], s1  }
0x62: {  	s0 =	simm.s32 @!p0 $0x5  }
0x63: {  	_ =	swait.ge @!p0 [sflag:s0], s1  }
0x64: {  	s1 =	ssub.s32 @!p0 $0x0, s1;
	[sflag:s0] =	ssyncset.done @!p0 $0x0  }
0x65: {  	[sflag:s0] =	ssyncadd.s32 @!p0 s1  }
0x66: {  	[bflag:$0x3] =	sbarrier.arrive $0xFFFF  }
0x67: {  	_ =	shalt  }

// kernel: kernel.29.cloned.1.call-start
scs
__scs_entry_jumppad:
0x0: {  	(pc) =	sbr.rel $0x88, $3  }
0x1: {  	(tag) =	ssettag $0x0;
	lr =	simm.s32 $0x1  }
0x2: {  	[smem:$0x3F8A] =	sst lr;
	_ =	strace $0xD0000000  }
0x3: {  	_ = 	snop  }
0x4: {  	_ = 	snop  }
0x5: {  	_ = 	snop  }
0x6: {  	_ = 	snop  }
0x7: {  	_ = 	snop  }
__scs_overlays_trampoline_lowered:
0x8: {  	[smem:$0x3F99] =	sst s0  }
0x9: {  	[smem:$0x3F9A] =	sst s1  }
0xa: {  	[smem:$0x3F9B] =	sst s2  }
0xb: {  	[smem:$0x3F9C] =	sst s3  }
0xc: {  	[smem:$0x3F9D] =	sst s4  }
0xd: {  	[smem:$0x3F9E] =	sst s5  }
0xe: {  	[smem:$0x3F9F] =	sst s6  }
0xf: {  	[smem:$0x3FA0] =	sst s7  }
0x10: {  	[smem:$0x3FA1] =	sst s8  }
0x11: {  	[smem:$0x3FA2] =	sst s9;
	s0 =	simm.s32 @!p0 $0x0  }
0x12: {  	s1 =	sld [smem:$0x3F88];
	s0 =	simm.s32 @p0 $0x1  }
0x13: {  	[smem:$0x3FA3] =	sst s0;
	s0 =	simm.s32 @!p1 $0x0  }
0x14: {  	s2 =	sld [smem:$0x3F87];
	s0 =	simm.s32 @p1 $0x1  }
0x15: {  	[smem:$0x3FA4] =	sst s0;
	s0 =	simm.s32 @!p2 $0x0  }
0x16: {  	s3 =	sld [smem:$0x3FDB];
	s0 =	simm.s32 @p2 $0x1  }
0x17: {  	s4 =	simm.s32 $0x1BF5;
	[smem:$0x3FA6] =	sst s0  }
0x18: {  	s0 =	sld [smem:$0x3F89];
	_ =	swait.ge [sflag:s4], $0x0  }
0x19: {  	s7 =	sld [smem:$0x3F8A]  }
0x1a: {  	s8 =	sadd.s32 $0xFFFFE003, lr  }
0x1b: {  	s9 =	sadd.s32 $0xFFFFFEF7, lr;
	s5 =	simm.s32 $0xFFFFFFFF;
	p2 =	slt.u32 s8, $0xFFFFF086  }
0x1c: {  	p1 =	slt.u32 s9, $0xF7A;
	s5 =	simm.s32 @!p2 $0x0  }
0x1d: {  	s5 =	simm.s32 @p1 $0x1;
	p0 =	seq.s32 s7, s2  }
0x1e: {  	s7 =	smul.u32 @!p0 $0xF7A, s2;
	p2 =	seq.s32 @!p0 s5, $0x0  }
0x1f: {  	s9 =	smul.u32 $0xF7A, s1;
	s8 =	simm.s32 @!p0 $0x1BF5;
	p2 =	por !p2, p0  }
0x20: {  	[sflag:s8] =	ssyncset.s32 @!p0 $0xFFFFF086;
	s6 =	sadd.s32 @!p0 s3, s7;
	s7 =	simm.s32 @!p0 $0x108  }
0x21: {  	s3 =	sadd.s32 s3, s9;
	s6 =	sadd.s32 @!p0 $0x88, s6;
	s7 =	simm.s32 @p2 $0x1082  }
0x22: {  	[simem:s7], [sflag:s8] =	dma.local @!p0 [hbm:s6], $0xF7A  }
0x23: {  	s9 =	sor.u32 $0xD0000000, s2;
	s6 =	simm.s32 $0x108;
	_ =	swait.ge @!p0 [sflag:s8], $0x0  }
0x24: {  	s3 =	sadd.s32 $0x88, s3;
	s6 =	simm.s32 @!p1 $0x1082;
	[sflag:s4] =	ssyncset.s32 $0xFFFFF086  }
0x25: {  	[simem:s6], [sflag:s4] =	dma.local [hbm:s3], $0xF7A  }
0x26: {  	[smem:$0x3F8A] =	sst s1;
	(tag) =	ssettag s2;
	_ =	strace s9  }
0x27: {  	s1 =	sld [smem:$0x3F9A]  }
0x28: {  	s2 =	sld [smem:$0x3F9B]  }
0x29: {  	s4 =	sld [smem:$0x3F9D]  }
0x2a: {  	p0 =	seq.s32 s5, $0x0;
	s5 =	sld [smem:$0x3F9E]  }
0x2b: {  	s6 =	sld [smem:$0x3F9F]  }
0x2c: {  	s7 =	sld [smem:$0x3FA0]  }
0x2d: {  	s3 =	simm.s32 $0x108;
	s8 =	sld [smem:$0x3FA1]  }
0x2e: {  	s3 =	simm.s32 @!p0 $0x1082;
	s9 =	sld [smem:$0x3FA2]  }
0x2f: {  	lr =	sadd.s32 s0, s3;
	s0 =	sld [smem:$0x3F99]  }
0x30: {  	s3 =	sld [smem:$0x3F9C]  }
0x31: {  	[smem:$0x3FA5] =	sst s10  }
0x32: {  	s10 =	sld [smem:$0x3FA3];
	_ =	sdelay $0x3  }
0x33: {  	p0 =	seq.s32 s10, $0x1;
	s10 =	sld [smem:$0x3FA5];
	_ =	sdelay $0x3  }
0x34: {  	[smem:$0x3FA5] =	sst s10  }
0x35: {  	s10 =	sld [smem:$0x3FA4];
	_ =	sdelay $0x3  }
0x36: {  	p1 =	seq.s32 s10, $0x1;
	s10 =	sld [smem:$0x3FA5];
	_ =	sdelay $0x3  }
0x37: {  	[smem:$0x3FA5] =	sst s10  }
0x38: {  	s10 =	sld [smem:$0x3FA6]  }
0x39: {  	_ = 	snop;
	(pc) =	sbr.ind lr, $3  }
0x3a: {  	_ = 	snop  }
0x3b: {  	_ = 	snop  }
0x3c: {  	p2 =	seq.s32 s10, $0x1;
	s10 =	sld [smem:$0x3FA5]  }
0x3d: {  	_ =	shalt  }
0x3e: {  	_ =	shalt  }
0x3f: {  	_ =	shalt  }
0x40: {  	_ =	shalt  }
0x41: {  	_ =	shalt  }
0x42: {  	_ =	shalt  }
0x43: {  	_ =	shalt  }
0x44: {  	_ =	shalt  }
0x45: {  	_ =	shalt  }
0x46: {  	_ =	shalt  }
0x47: {  	_ =	shalt  }
0x48: {  	_ =	shalt  }
0x49: {  	_ =	shalt  }
0x4a: {  	_ =	shalt  }
0x4b: {  	_ =	shalt  }
0x4c: {  	_ =	shalt  }
0x4d: {  	_ =	shalt  }
0x4e: {  	_ =	shalt  }
0x4f: {  	_ =	shalt  }
0x50: {  	_ =	shalt  }
0x51: {  	_ =	shalt  }
0x52: {  	_ =	shalt  }
0x53: {  	_ =	shalt  }
0x54: {  	_ =	shalt  }
0x55: {  	_ =	shalt  }
0x56: {  	_ =	shalt  }
0x57: {  	_ =	shalt  }
0x58: {  	_ =	shalt  }
0x59: {  	_ =	shalt  }
0x5a: {  	_ =	shalt  }
0x5b: {  	_ =	shalt  }
0x5c: {  	_ =	shalt  }
0x5d: {  	_ =	shalt  }
0x5e: {  	_ =	shalt  }
0x5f: {  	_ =	shalt  }
0x60: {  	_ =	shalt  }
0x61: {  	_ =	shalt  }
0x62: {  	_ =	shalt  }
0x63: {  	_ =	shalt  }
0x64: {  	_ =	shalt  }
0x65: {  	_ =	shalt  }
0x66: {  	_ =	shalt  }
0x67: {  	_ =	shalt  }
0x68: {  	_ =	shalt  }
0x69: {  	_ =	shalt  }
0x6a: {  	_ =	shalt  }
0x6b: {  	_ =	shalt  }
0x6c: {  	_ =	shalt  }
0x6d: {  	_ =	shalt  }
0x6e: {  	_ =	shalt  }
0x6f: {  	_ =	shalt  }
0x70: {  	_ =	shalt  }
0x71: {  	_ =	shalt  }
0x72: {  	_ =	shalt  }
0x73: {  	_ =	shalt  }
0x74: {  	_ =	shalt  }
0x75: {  	_ =	shalt  }
0x76: {  	_ =	shalt  }
0x77: {  	_ =	shalt  }
0x78: {  	_ =	shalt  }
0x79: {  	_ =	shalt  }
0x7a: {  	_ =	shalt  }
0x7b: {  	_ =	shalt  }
0x7c: {  	_ =	shalt  }
0x7d: {  	_ =	shalt  }
0x7e: {  	_ =	shalt  }
0x7f: {  	_ =	shalt  }
0x80: {  	_ =	shalt  }
0x81: {  	_ =	shalt  }
0x82: {  	_ =	shalt  }
0x83: {  	_ =	shalt  }
0x84: {  	_ =	shalt  }
0x85: {  	_ =	shalt  }
0x86: {  	_ =	shalt  }
0x87: {  	_ =	shalt  }
.Lfunc_end0:
.L_simem_size_0:
called_computation.3_lowered:
.L_overlay_start_0:
0x88: {  	s2 =	sld [smem:$0x3FD9]  }
0x89: {  	s3 =	sld [smem:$0x3FFE];
	_ =	sdelay $0x1  }
0x8a: {  	s1 =	srdreg.scid  }
0x8b: {  	s0 =	sand.u32 $0x1, s1  }
0x8c: {  	s15 =	sshll.u32 s0, $0xA;
	s2 =	sadd.s32 s3, s2  }
0x8d: {  	s2 =	sadd.s32 s2, s15  }
0x8e: {  	[smem:$0x3FB1] =	sst s2  }
0x8f: {  	_ = 	snop  }
0x90: {  	s2 =	sld [smem:$0x3FD0];
	_ =	sdelay $0x2  }
0x91: {  	s16 =	simm.s32 $0xC;
	s4 =	simm.s32 $0x10  }
0x92: {  	[smem:s4], [sflag:s16] =	dma.local [hbm:s2], $0x1  }
0x93: {  	_ =	swait.eq [sflag:s16], $0x1  }
0x94: {  	[sflag:s16] =	ssyncset.done $0x0  }
0x95: {  	[sflag:s16] =	ssyncadd.s32 $0xFFFFFFFF  }
0x96: {  	s17 =	sld [smem:$0x11];
	(tm) =	ssettm $0x1  }
0x97: {  	s18 =	sld [smem:$0x3FFB];
	_ =	sdelay $0x3  }
0x98: {  	_ =	strace s18  }
0x99: {  	s2 =	sld [smem:$0x3FFC];
	_ =	sdelay $0x3  }
0x9a: {  	_ =	strace s2  }
0x9b: {  	s2 =	sld [smem:$0x3FFD];
	_ =	sdelay $0x3  }
0x9c: {  	_ =	strace s2  }
0x9d: {  	_ =	strace $0x8FFFFFFF  }
0x9e: {  	s19 =	sld [smem:$0x3FDB];
	_ =	sdelay $0x1  }
0x9f: {  	s20 =	simm.s32 $_scs_section_size  }
0xa0: {  	s5 =	simm.s32 $_size__tile_overlayer_lowered;
	s6 =	simm.s32 $_tile_overlayer_lowered  }
0xa1: {  	s7 =	simm.s32 $0x1BFF;
	s21 =	sshll.u32 s6, $0x1;
	s4 =	sadd.s32 s20, s19  }
0xa2: {  	s22 =	simm.s32 $0x0;
	s5 =	sshll.u32 s5, $0x1;
	s6 =	sadd.s32 s21, s4  }
0xa3: {  	[timem:s22], [sflag:s7] =	dma.local [hbm:s6], s5  }
0xa4: {  	_ =	swait.ge [sflag:s7], s5  }
0xa5: {  	s5 =	ssub.s32 $0x0, s5;
	[sflag:s7] =	ssyncset.done $0x0  }
0xa6: {  	[sflag:s7] =	ssyncadd.s32 s5;
	_ =	sdelay $0x1  }
0xa7: {  	s23 =	simm.s32 $0x1B8B  }
0xa8: {  	_ =	swait.ge [sflag:s23], $0x1  }
0xa9: {  	[sflag:s23] =	ssyncset.done $0x0  }
0xaa: {  	[sflag:s23] =	ssyncadd.s32 $0xFFFFFFFF  }
0xab: {  	s5 =	sld [smem:$0x0]  }
0xac: {  	s6 =	sand.u32 $0xFFFFFFFE, s1  }
0xad: {  	p0 =	sne.s32 s1, s6  }
0xae: {  	s6 =	sshll.u32 @p0 s6, $0xE  }
0xaf: {  	s6 =	sadd.s32 @p0 $0x11B8D, s6;
	s7 =	sshll.u32 @p0 s5, $0x11  }
0xb0: {  	s6 =	sor.u32 @p0 s7, s6  }
0xb1: {  	[sflag:s6] =	ssyncadd.remote.s32 @p0 $0x1;
	_ =	sdelay $0x1  }
0xb2: {  	s6 =	simm.s32 @p0 $0x1B8D  }
0xb3: {  	_ =	swait.eq @p0 [sflag:s6], $0x1  }
0xb4: {  	[sflag:s6] =	ssyncadd.s32 @p0 $0xFFFFFFFF  }
0xb5: {  	s7 =	sshll.u32 @!p0 s1, $0xE  }
0xb6: {  	s7 =	sor.u32 @!p0 $0x4000, s7;
	s6 =	simm.s32 @!p0 $0x1B8D  }
0xb7: {  	s5 =	sshll.u32 @!p0 s5, $0x11;
	s7 =	sadd.s32 @!p0 $0x11B8D, s7;
	_ =	swait.eq @!p0 [sflag:s6], $0x1  }
0xb8: {  	s5 =	sor.u32 @!p0 s5, s7;
	[sflag:s6] =	ssyncadd.s32 @!p0 $0xFFFFFFFF  }
0xb9: {  	s25 =	simm.s32 $0x1B8E;
	s24 =	sld [smem:$0x3FFE];
	[sflag:s5] =	ssyncadd.remote.s32 @!p0 $0x1  }
0xba: {  	s26 =	simm.s32 $execute0_lowered;
	[smem:$0x3FD2] =	sst s25  }
0xbb: {  	s6 =	sshll.u32 s26, $0x1;
	_ =	strace $0x80000052;
	[dreg:$0x1] =	wrdreg $0xFFFFFFFF  }
0xbc: {  	s28 =	simm.s32 $_size_execute0_lowered;
	s4 =	sadd.s32 s4, s6;
	[dreg:$0x0] =	wrdreg $0x0  }
0xbd: {  	s6 =	sshll.u32 s28, $0x1;
	[dreg:$0x2] =	wrdreg s4  }
0xbe: {  	[dreg:$0x3] =	wrdreg s6  }
0xbf: {  	[dreg:$0x4] =	wrdreg $0xC0  }
0xc0: {  	_ =	task [dreg:s22], $0x5FFFF  }
0xc1: {  	[dreg:$0x1] =	wrdreg $0xFFFFFFFF  }
0xc2: {  	[dreg:$0x0] =	wrdreg $0x60  }
0xc3: {  	[dreg:$0x2] =	wrdreg s24  }
0xc4: {  	[dreg:$0x3] =	wrdreg s17  }
0xc5: {  	[dreg:$0x4] =	wrdreg $0x60000  }
0xc6: {  	[dreg:$0x5] =	wrdreg $0xB  }
0xc7: {  	_ =	task.clear_ibuf [dreg:s22], $0x6FFFF;
	_ =	strace $0x90000052  }
0xc8: {  	s29 =	simm.s32 $0xB;
	_ =	strace $0x80000054  }
0xc9: {  	_ =	swait.ge [sflag:s29], $0x1  }
0xca: {  	[sflag:s29] =	ssyncadd.s32 $0xFFFFFFFF  }
0xcb: {  	_ =	strace $0x90000054  }
0xcc: {  	_ =	sfence  }
0xcd: {  	s30 =	sld [smem:$0x0];
	_ =	sdelay $0x2  }
0xce: {  	s31 =	sshll.u32 s1, $0xD;
	s1 =	sshrl.u32 s1, $0x2  }
0xcf: {  	s4 =	sand.u32 $0x4000, s31;
	s1 =	sadd.s32 s1, s30  }
0xd0: {  	s0 =	sor.u32 s4, s0;
	s1 =	sshll.u32 s1, $0x11  }
0xd1: {  	s0 =	sor.u32 s1, s0  }
0xd2: {  	s0 =	sadd.s32 $0x8F2B, s0  }
0xd3: {  	[sflag:s0] =	ssyncadd.remote.s32 $0x1  }
0xd4: {  	_ =	sfence.sel $0xFFFF  }
0xd5: {  	[dreg:$0x0] =	wrdreg $0xFFFFFFFF;
	(pc) =	sbr.abs _section_cstart, $3  }
0xd6: {  	[dreg:$0x1] =	wrdreg $0xFFFFFFFF  }
0xd7: {  	_ =	task.clear_ibuf [dreg:s22], $0x2FFFF;
	_ =	strace $0x9FFFFFFF  }
0xd8: {  	(tm) =	ssettm $0x7FFFFFFF  }
0xd9: {  	_ =	shalt  }
tec
execute0_lowered:
.L_overlay_start_1:
0x0: {  	(tag) =	ssettag $0x1  }
0x1: {  	s4 =	rddreg [dreg:$0x0]  }
0x2: {  	s5 =	rddreg [dreg:$0x1]  }
0x3: {  	s1 =	rddreg [dreg:$0x2];
	s2 =	simm.s32 $0x0;
	s6 =	srdreg.scid  }
0x4: {  	s3 =	stileid.u32;
	s18 =	simm.s32 $0x1000;
	s19 =	simm.s32 $0x4  }
0x5: {  	s20 =	simm.s32 $0x1;
	s21 =	simm.s32 $0x3;
	s25 =	smul.u32 $0x14000, s3  }
0x6: {  	s22 =	simm.s32 $0xB80;
	[smem:$0x7FF] =	sst s2;
	s29 =	smul.u32 $0x50000, s3  }
0x7: {  	s10 =	sand.u32 $0x1, s6;
	s23 =	sshll.u32 s3, $0x1;
	s16 =	smul.u32 $0xFA00, s3  }
0x8: {  	s11 =	sadd.s32 $0x113600, s4;
	s13 =	sadd.s32 $0x6B200, s4;
	s7 =	smul.u32 $0x27100, s10  }
0x9: {  	p0 =	sne.s32 s3, $0x0;
	p1 =	seq.s32 s3, $0xF;
	s14 =	smul.u32 $0x138800, s10  }
0xa: {  	_ =	strace $0x80000053;
	s6 =	sor.u32 s10, s23;
	s17 =	smul.u32 $0x7D00, s10  }
0xb: {  	s9 =	ssub.s32 $0x2, s10;
	s23 =	simm.s32 $0xC00;
	s8 =	smul.u32 $0x7D00, s6  }
0xc: {  	s12 =	smul.u32 $0x3E800, s6;
	s24 =	sshrl.u32 s9, $0x1;
	s6 =	sshll.u32 s6, $0x9  }
0xd: {  	s7 =	sadd.s32 s7, s4;
	s15 =	ssub.s32 s9, s24;
	s5 =	sadd.s32 s5, s6  }
0xe: {  	s9 =	sadd.s32 s25, s14;
	s14 =	sshrl.u32 s14, $0x3;
	s24 =	sadd.s32 $0x12C000, s1  }
0xf: {  	s4 =	sadd.s32 $0xB9400, s7;
	s26 =	sshrl.u32 s12, $0x3;
	s6 =	sadd.s32 s11, s8  }
0x10: {  	s9 =	sshrl.u32 s9, $0x3;
	s12 =	sshrl.u32 s29, $0x2;
	s30 =	sadd.s32 s13, s14  }
0x11: {  	s14 =	simm.s32 $0x5;
	s24 =	sshrl.u32 @p1 s24, $0x3;
	s28 =	sadd.s32 s11, s26  }
0x12: {  	s9 =	sadd.s32 s13, s9;
	s25 =	sadd.s32 s12, s1;
	s11 =	sadd.s32 s16, s11  }
0x13: {  	s10 =	sadd.s32 $0x25800, s30;
	s13 =	sshrl.u32 @!p0 s1, $0x3;
	s16 =	simm.s32 $0x2  }
0x14: {  	s26 =	simm.s32 $0x0;
	s7 =	sadd.s32 $0x500, s28;
	s8 =	sadd.s32 $0xA00, s28  }
0x15: {  	s31 =	sadd.s32 s17, s11;
	s11 =	smax.u32 s15, $0x1;
	s15 =	simm.s32 $0x3800  }
0x16: {  	s17 =	simm.s32 $0x50;
	s25 =	sshrl.u32 @!p1 s25, $0x3;
	s12 =	sadd.s32 $0x1400, s31  }
.LBB2_1:
0x17: {  	s28 =	simm.s32 @!p0 $0x1C05  }
0x18: {  	[spmem:s13], [sflag:s28] =	dma.local @!p0 [hbm:s4], $0x27100  }
0x19: {  	s28 =	simm.s32 @!p0 $0x5  }
0x1a: {  	_ =	swait.ge @!p0 [sflag:s28], $0x27100  }
0x1b: {  	[sflag:s28] =	ssyncset.done @!p0 $0x0  }
0x1c: {  	[sflag:s28] =	ssyncadd.s32 @!p0 $0xFFFD8F00  }
0x1d: {  	[bflag:$0x0] =	sbarrier.arrive $0xFFFF  }
0x1e: {  	[tilespmem:s2], [sflag:$0x5] =	stream.linear.gather [hbm4b:s5+s2], $0xC80, $0x38;
	[tilespmem:$0x19880] =	vst v63  }
0x1f: {  	_ =	swait.ge [sflag:s14], $0xC80  }
0x20: {  	[sflag:s14] =	ssyncset.done $0x0  }
0x21: {  	[sflag:s14] =	ssyncadd.s32 $0xFFFFF380  }
0x22: {  	[tilespmem:s15], [sflag:$0x2] =	stream.linear.gather [hbm4b:s6+s2], $0x2800, $0x38;
	[tilespmem:$0x19880] =	vst v63  }
0x23: {  	_ =	swait.ge [sflag:s16], $0x2800  }
0x24: {  	[sflag:s16] =	ssyncset.done $0x0  }
0x25: {  	[sflag:s16] =	ssyncadd.s32 $0xFFFFD800  }
0x26: {  	[spmem:s1] =	stream.indirect.scatter.add.f32 [tilespmem:s15], [sflag:$0x4], $0x80, s2, s17, $0xb8;
	[tilespmem:$0x19880] =	vst v63  }
0x27: {  	_ = 	snop  }
0x28: {  	[tilespmem:s18], [sflag:$0x1] =	stream.linear.gather [hbm4b:s7+s2], $0x2800, $0x38;
	[tilespmem:$0x19880] =	vst v63  }
0x29: {  	_ =	swait.ge [sflag:s19], $0x2800  }
0x2a: {  	[sflag:s19] =	ssyncset.done $0x0  }
0x2b: {  	[sflag:s19] =	ssyncadd.s32 $0xFFFFD800  }
0x2c: {  	[tilespmem:s15], [sflag:$0x2] =	stream.linear.gather [hbm4b:s8+s2], $0x2800, $0x38;
	[tilespmem:$0x19880] =	vst v63  }
0x2d: {  	_ =	swait.ge [sflag:s20], $0x2800  }
0x2e: {  	[sflag:s20] =	ssyncset.done $0x0  }
0x2f: {  	s28 =	simm.s32 $0x80;
	[sflag:s20] =	ssyncadd.s32 $0xFFFFD800  }
0x30: {  	[spmem:s1] =	stream.indirect.scatter.add.f32 [tilespmem:s18], [sflag:$0x3], $0x80, s28, s17, $0xb8;
	[tilespmem:$0x19880] =	vst v63  }
0x31: {  	_ =	swait.ge [sflag:s16], $0x2800  }
0x32: {  	[sflag:s16] =	ssyncset.done $0x0  }
0x33: {  	s28 =	simm.s32 $0x100;
	[sflag:s16] =	ssyncadd.s32 $0xFFFFD800  }
0x34: {  	[spmem:s1] =	stream.indirect.scatter.add.f32 [tilespmem:s15], [sflag:$0x4], $0x80, s28, s17, $0xb8;
	[tilespmem:$0x19880] =	vst v63  }
0x35: {  	_ =	swait.ge [sflag:s21], $0x2800  }
0x36: {  	[sflag:s21] =	ssyncset.done $0x0  }
0x37: {  	s28 =	sadd.s32 $0xFFFFFB00, s12;
	[sflag:s21] =	ssyncadd.s32 $0xFFFFD800  }
0x38: {  	[tilespmem:s18], [sflag:$0x1] =	stream.linear.gather [hbm4b:s28+s2], $0x2800, $0x38;
	[tilespmem:$0x19880] =	vst v63  }
0x39: {  	_ =	swait.ge [sflag:s19], $0x2800  }
0x3a: {  	s29 =	sadd.s32 $0xA00, s12;
	[sflag:s19] =	ssyncset.done $0x0  }
0x3b: {  	s30 =	smov.u32 s12;
	s28 =	simm.s32 $0x400;
	[sflag:s19] =	ssyncadd.s32 $0xFFFFD800  }
.LBB2_2:
0x3c: {  	[tilespmem:s15], [sflag:$0x2] =	stream.linear.gather [hbm4b:s30+s2], $0x2800, $0x38;
	[tilespmem:$0x19880] =	vst v63  }
0x3d: {  	s31 =	smov.u32 s28;
	s30 =	smov.u32 s29  }
0x3e: {  	p2 =	sne.s32 s28, $0x2800;
	s28 =	sadd.s32 $0x400, s28;
	_ =	swait.ge [sflag:s20], $0x2800  }
0x3f: {  	s31 =	sshra.s32 s31, $0x2;
	[sflag:s20] =	ssyncset.done $0x0  }
0x40: {  	s0 =	sadd.s32 $0x80, s31;
	[sflag:s20] =	ssyncadd.s32 $0xFFFFD800  }
0x41: {  	[spmem:s1] =	stream.indirect.scatter.add.f32 [tilespmem:s18], [sflag:$0x3], $0x80, s0, s17, $0xb8;
	[tilespmem:$0x19880] =	vst v63  }
0x42: {  	_ =	swait.ge [sflag:s16], $0x2800  }
0x43: {  	[sflag:s16] =	ssyncset.done $0x0  }
0x44: {  	s0 =	sadd.s32 $0x100, s31;
	[sflag:s16] =	ssyncadd.s32 $0xFFFFD800  }
0x45: {  	[spmem:s1] =	stream.indirect.scatter.add.f32 [tilespmem:s15], [sflag:$0x4], $0x80, s0, s17, $0xb8;
	[tilespmem:$0x19880] =	vst v63  }
0x46: {  	_ =	swait.ge [sflag:s21], $0x2800  }
0x47: {  	[sflag:s21] =	ssyncset.done $0x0  }
.Ltmp0:
0x48: {  	s0 =	sadd.s32 $0xFFFFFB00, s29;
	[sflag:s21] =	ssyncadd.s32 $0xFFFFD800;
	(pc) =	sbr.rel @p2 .LBB2_2-.Ltmp0, $4  }
0x49: {  	[tilespmem:s18], [sflag:$0x1] =	stream.linear.gather [hbm4b:s0+s2], $0x2800, $0x38;
	[tilespmem:$0x19880] =	vst v63  }
0x4a: {  	_ =	swait.ge [sflag:s19], $0x2800  }
0x4b: {  	[sflag:s19] =	ssyncset.done $0x0  }
0x4c: {  	s29 =	sadd.s32 $0xA00, s29;
	[sflag:s19] =	ssyncadd.s32 $0xFFFFD800  }
0x4d: {  	[tilespmem:s15], [sflag:$0x2] =	stream.linear.gather [hbm4b:s30+s2], $0x2800, $0x38;
	[tilespmem:$0x19880] =	vst v63  }
0x4e: {  	_ =	swait.ge [sflag:s20], $0x2800  }
0x4f: {  	[sflag:s20] =	ssyncset.done $0x0  }
0x50: {  	[sflag:s20] =	ssyncadd.s32 $0xFFFFD800  }
0x51: {  	[spmem:s1] =	stream.indirect.scatter.add.f32 [tilespmem:s18], [sflag:$0x3], $0x80, s22, s17, $0xb8;
	[tilespmem:$0x19880] =	vst v63  }
0x52: {  	_ =	swait.ge [sflag:s16], $0x2800  }
0x53: {  	[sflag:s16] =	ssyncset.done $0x0  }
0x54: {  	[sflag:s16] =	ssyncadd.s32 $0xFFFFD800  }
0x55: {  	[spmem:s1] =	stream.indirect.scatter.add.f32 [tilespmem:s15], [sflag:$0x4], $0x80, s23, s17, $0xb8;
	[tilespmem:$0x19880] =	vst v63  }
0x56: {  	_ =	swait.ge [sflag:s21], $0x2800  }
0x57: {  	[sflag:s21] =	ssyncset.done $0x0  }
0x58: {  	[sflag:s21] =	ssyncadd.s32 $0xFFFFD800  }
0x59: {  	_ =	swait.ge [sflag:s19], $0x2800  }
0x5a: {  	[sflag:s19] =	ssyncset.done $0x0  }
0x5b: {  	[sflag:s19] =	ssyncadd.s32 $0xFFFFD800  }
0x5c: {  	s0 =	simm.s32 @p1 $0x1FC5;
	[bflag:$0x0] =	sbarrier.arrive $0xFFFF  }
0x5d: {  	[hbm:s10], [sflag:s0] =	dma.local @p1 [spmem:s24], $0x1900  }
0x5e: {  	s0 =	simm.s32 @p1 $0x5  }
0x5f: {  	_ =	swait.ge @p1 [sflag:s0], $0x1900  }
0x60: {  	s28 =	sshll.u32 @!p1 s3, $0x6;
	s26 =	sadd.s32 $0x1, s26;
	[sflag:s0] =	ssyncset.done @p1 $0x0  }
0x61: {  	p2 =	sne.s32 s26, s11;
	[sflag:s0] =	ssyncadd.s32 @p1 $0xFFFFE700;
	s0 =	sor.u32 @!p1 $0x1C05, s28  }
0x62: {  	[hbm:s9], [sflag:s0] =	dma.local @!p1 [spmem:s25], $0x2800  }
.Ltmp1:
0x63: {  	_ = 	snop;
	(pc) =	sbr.rel @p2 .LBB2_1-.Ltmp1, $4  }
0x64: {  	s0 =	simm.s32 @!p1 $0x5  }
0x65: {  	_ =	swait.ge @!p1 [sflag:s0], $0x2800  }
0x66: {  	[sflag:s0] =	ssyncset.done @!p1 $0x0  }
0x67: {  	[sflag:s0] =	ssyncadd.s32 @!p1 $0xFFFFD800  }
0x68: {  	_ =	sfence.sel $0x180000  }
0x69: {  	[bflag:$0x0] =	sbarrier.arrive $0xFFFF  }
0x6a: {  	_ =	strace $0x90000053  }
0x6b: {  	[bflag:$0x2] =	sbarrier.arrive $0xFFFF  }
0x6c: {  	s0 =	rddreg [dreg:$0x3]  }
0x6d: {  	s0 =	sadd.s32 @!p0 $0x100000, s0  }
0x6e: {  	[sflag:s0] =	ssyncadd.tile.s32 @!p0 $0x1;
	_ =	shalt  }
.Lfunc_end2:
_tile_overlayer_lowered:
.L_overlay_start_2:
0x6f: {  	(tag) =	ssettag $0x2  }
0x70: {  	s0 =	rddreg [dreg:$0x0];
	s2 =	stileid.u32  }
0x71: {  	s1 =	rddreg [dreg:$0x1];
	p0 =	sne.s32 s2, $0x0  }
0x72: {  	s3 =	rddreg [dreg:$0x2];
	[bflag:$0x3] =	sbarrier.arrive $0xFFFF;
	s2 =	simm.s32 @!p0 $0x1C05  }
0x73: {  	[timem:s3], [sflag:s2] =	dma.local @!p0 [hbm:s0], s1  }
0x74: {  	s0 =	simm.s32 @!p0 $0x5  }
0x75: {  	_ =	swait.ge @!p0 [sflag:s0], s1  }
0x76: {  	s1 =	ssub.s32 @!p0 $0x0, s1;
	[sflag:s0] =	ssyncset.done @!p0 $0x0  }
0x77: {  	[sflag:s0] =	ssyncadd.s32 @!p0 s1  }
0x78: {  	[bflag:$0x3] =	sbarrier.arrive $0xFFFF  }
0x79: {  	_ =	shalt  }

// kernel: kernel.32.cloned.1.call-start
scs
__scs_entry_jumppad:
0x0: {  	(pc) =	sbr.rel $0x88, $3  }
0x1: {  	(tag) =	ssettag $0x0;
	lr =	simm.s32 $0x1  }
0x2: {  	[smem:$0x3F8A] =	sst lr;
	_ =	strace $0xD0000000  }
0x3: {  	_ = 	snop  }
0x4: {  	_ = 	snop  }
0x5: {  	_ = 	snop  }
0x6: {  	_ = 	snop  }
0x7: {  	_ = 	snop  }
__scs_overlays_trampoline_lowered:
0x8: {  	[smem:$0x3F99] =	sst s0  }
0x9: {  	[smem:$0x3F9A] =	sst s1  }
0xa: {  	[smem:$0x3F9B] =	sst s2  }
0xb: {  	[smem:$0x3F9C] =	sst s3  }
0xc: {  	[smem:$0x3F9D] =	sst s4  }
0xd: {  	[smem:$0x3F9E] =	sst s5  }
0xe: {  	[smem:$0x3F9F] =	sst s6  }
0xf: {  	[smem:$0x3FA0] =	sst s7  }
0x10: {  	[smem:$0x3FA1] =	sst s8  }
0x11: {  	[smem:$0x3FA2] =	sst s9;
	s0 =	simm.s32 @!p0 $0x0  }
0x12: {  	s1 =	sld [smem:$0x3F88];
	s0 =	simm.s32 @p0 $0x1  }
0x13: {  	[smem:$0x3FA3] =	sst s0;
	s0 =	simm.s32 @!p1 $0x0  }
0x14: {  	s2 =	sld [smem:$0x3F87];
	s0 =	simm.s32 @p1 $0x1  }
0x15: {  	[smem:$0x3FA4] =	sst s0;
	s0 =	simm.s32 @!p2 $0x0  }
0x16: {  	s3 =	sld [smem:$0x3FDB];
	s0 =	simm.s32 @p2 $0x1  }
0x17: {  	s4 =	simm.s32 $0x1BF5;
	[smem:$0x3FA6] =	sst s0  }
0x18: {  	s0 =	sld [smem:$0x3F89];
	_ =	swait.ge [sflag:s4], $0x0  }
0x19: {  	s7 =	sld [smem:$0x3F8A]  }
0x1a: {  	s8 =	sadd.s32 $0xFFFFE003, lr  }
0x1b: {  	s9 =	sadd.s32 $0xFFFFFEF7, lr;
	s5 =	simm.s32 $0xFFFFFFFF;
	p2 =	slt.u32 s8, $0xFFFFF086  }
0x1c: {  	p1 =	slt.u32 s9, $0xF7A;
	s5 =	simm.s32 @!p2 $0x0  }
0x1d: {  	s5 =	simm.s32 @p1 $0x1;
	p0 =	seq.s32 s7, s2  }
0x1e: {  	s7 =	smul.u32 @!p0 $0xF7A, s2;
	p2 =	seq.s32 @!p0 s5, $0x0  }
0x1f: {  	s9 =	smul.u32 $0xF7A, s1;
	s8 =	simm.s32 @!p0 $0x1BF5;
	p2 =	por !p2, p0  }
0x20: {  	[sflag:s8] =	ssyncset.s32 @!p0 $0xFFFFF086;
	s6 =	sadd.s32 @!p0 s3, s7;
	s7 =	simm.s32 @!p0 $0x108  }
0x21: {  	s3 =	sadd.s32 s3, s9;
	s6 =	sadd.s32 @!p0 $0x88, s6;
	s7 =	simm.s32 @p2 $0x1082  }
0x22: {  	[simem:s7], [sflag:s8] =	dma.local @!p0 [hbm:s6], $0xF7A  }
0x23: {  	s9 =	sor.u32 $0xD0000000, s2;
	s6 =	simm.s32 $0x108;
	_ =	swait.ge @!p0 [sflag:s8], $0x0  }
0x24: {  	s3 =	sadd.s32 $0x88, s3;
	s6 =	simm.s32 @!p1 $0x1082;
	[sflag:s4] =	ssyncset.s32 $0xFFFFF086  }
0x25: {  	[simem:s6], [sflag:s4] =	dma.local [hbm:s3], $0xF7A  }
0x26: {  	[smem:$0x3F8A] =	sst s1;
	(tag) =	ssettag s2;
	_ =	strace s9  }
0x27: {  	s1 =	sld [smem:$0x3F9A]  }
0x28: {  	s2 =	sld [smem:$0x3F9B]  }
0x29: {  	s4 =	sld [smem:$0x3F9D]  }
0x2a: {  	p0 =	seq.s32 s5, $0x0;
	s5 =	sld [smem:$0x3F9E]  }
0x2b: {  	s6 =	sld [smem:$0x3F9F]  }
0x2c: {  	s7 =	sld [smem:$0x3FA0]  }
0x2d: {  	s3 =	simm.s32 $0x108;
	s8 =	sld [smem:$0x3FA1]  }
0x2e: {  	s3 =	simm.s32 @!p0 $0x1082;
	s9 =	sld [smem:$0x3FA2]  }
0x2f: {  	lr =	sadd.s32 s0, s3;
	s0 =	sld [smem:$0x3F99]  }
0x30: {  	s3 =	sld [smem:$0x3F9C]  }
0x31: {  	[smem:$0x3FA5] =	sst s10  }
0x32: {  	s10 =	sld [smem:$0x3FA3];
	_ =	sdelay $0x3  }
0x33: {  	p0 =	seq.s32 s10, $0x1;
	s10 =	sld [smem:$0x3FA5];
	_ =	sdelay $0x3  }
0x34: {  	[smem:$0x3FA5] =	sst s10  }
0x35: {  	s10 =	sld [smem:$0x3FA4];
	_ =	sdelay $0x3  }
0x36: {  	p1 =	seq.s32 s10, $0x1;
	s10 =	sld [smem:$0x3FA5];
	_ =	sdelay $0x3  }
0x37: {  	[smem:$0x3FA5] =	sst s10  }
0x38: {  	s10 =	sld [smem:$0x3FA6]  }
0x39: {  	_ = 	snop;
	(pc) =	sbr.ind lr, $3  }
0x3a: {  	_ = 	snop  }
0x3b: {  	_ = 	snop  }
0x3c: {  	p2 =	seq.s32 s10, $0x1;
	s10 =	sld [smem:$0x3FA5]  }
0x3d: {  	_ =	shalt  }
0x3e: {  	_ =	shalt  }
0x3f: {  	_ =	shalt  }
0x40: {  	_ =	shalt  }
0x41: {  	_ =	shalt  }
0x42: {  	_ =	shalt  }
0x43: {  	_ =	shalt  }
0x44: {  	_ =	shalt  }
0x45: {  	_ =	shalt  }
0x46: {  	_ =	shalt  }
0x47: {  	_ =	shalt  }
0x48: {  	_ =	shalt  }
0x49: {  	_ =	shalt  }
0x4a: {  	_ =	shalt  }
0x4b: {  	_ =	shalt  }
0x4c: {  	_ =	shalt  }
0x4d: {  	_ =	shalt  }
0x4e: {  	_ =	shalt  }
0x4f: {  	_ =	shalt  }
0x50: {  	_ =	shalt  }
0x51: {  	_ =	shalt  }
0x52: {  	_ =	shalt  }
0x53: {  	_ =	shalt  }
0x54: {  	_ =	shalt  }
0x55: {  	_ =	shalt  }
0x56: {  	_ =	shalt  }
0x57: {  	_ =	shalt  }
0x58: {  	_ =	shalt  }
0x59: {  	_ =	shalt  }
0x5a: {  	_ =	shalt  }
0x5b: {  	_ =	shalt  }
0x5c: {  	_ =	shalt  }
0x5d: {  	_ =	shalt  }
0x5e: {  	_ =	shalt  }
0x5f: {  	_ =	shalt  }
0x60: {  	_ =	shalt  }
0x61: {  	_ =	shalt  }
0x62: {  	_ =	shalt  }
0x63: {  	_ =	shalt  }
0x64: {  	_ =	shalt  }
0x65: {  	_ =	shalt  }
0x66: {  	_ =	shalt  }
0x67: {  	_ =	shalt  }
0x68: {  	_ =	shalt  }
0x69: {  	_ =	shalt  }
0x6a: {  	_ =	shalt  }
0x6b: {  	_ =	shalt  }
0x6c: {  	_ =	shalt  }
0x6d: {  	_ =	shalt  }
0x6e: {  	_ =	shalt  }
0x6f: {  	_ =	shalt  }
0x70: {  	_ =	shalt  }
0x71: {  	_ =	shalt  }
0x72: {  	_ =	shalt  }
0x73: {  	_ =	shalt  }
0x74: {  	_ =	shalt  }
0x75: {  	_ =	shalt  }
0x76: {  	_ =	shalt  }
0x77: {  	_ =	shalt  }
0x78: {  	_ =	shalt  }
0x79: {  	_ =	shalt  }
0x7a: {  	_ =	shalt  }
0x7b: {  	_ =	shalt  }
0x7c: {  	_ =	shalt  }
0x7d: {  	_ =	shalt  }
0x7e: {  	_ =	shalt  }
0x7f: {  	_ =	shalt  }
0x80: {  	_ =	shalt  }
0x81: {  	_ =	shalt  }
0x82: {  	_ =	shalt  }
0x83: {  	_ =	shalt  }
0x84: {  	_ =	shalt  }
0x85: {  	_ =	shalt  }
0x86: {  	_ =	shalt  }
0x87: {  	_ =	shalt  }
.Lfunc_end0:
.L_simem_size_0:
called_computation.4_lowered:
.L_overlay_start_0:
0x88: {  	s2 =	sld [smem:$0x3FD9]  }
0x89: {  	s3 =	sld [smem:$0x3FFE];
	_ =	sdelay $0x1  }
0x8a: {  	s1 =	srdreg.scid  }
0x8b: {  	s0 =	sand.u32 $0x1, s1  }
0x8c: {  	s17 =	sshll.u32 s0, $0xA;
	s2 =	sadd.s32 s3, s2  }
0x8d: {  	s2 =	sadd.s32 s2, s17  }
0x8e: {  	[smem:$0x3FB1] =	sst s2  }
0x8f: {  	_ = 	snop  }
0x90: {  	(tm) =	ssettm $0x1  }
0x91: {  	s18 =	sld [smem:$0x3FFB];
	_ =	sdelay $0x3  }
0x92: {  	_ =	strace s18  }
0x93: {  	s2 =	sld [smem:$0x3FFC];
	_ =	sdelay $0x3  }
0x94: {  	_ =	strace s2  }
0x95: {  	s2 =	sld [smem:$0x3FFD];
	_ =	sdelay $0x3  }
0x96: {  	_ =	strace s2  }
0x97: {  	_ =	strace $0x8FFFFFFF  }
0x98: {  	s19 =	sld [smem:$0x3FDB];
	_ =	sdelay $0x1  }
0x99: {  	s20 =	simm.s32 $_scs_section_size  }
0x9a: {  	s4 =	simm.s32 $_size__tile_overlayer_lowered;
	s5 =	simm.s32 $_tile_overlayer_lowered  }
0x9b: {  	s6 =	simm.s32 $0x1BFF;
	s21 =	sshll.u32 s5, $0x1;
	s3 =	sadd.s32 s20, s19  }
0x9c: {  	s22 =	simm.s32 $0x0;
	s4 =	sshll.u32 s4, $0x1;
	s5 =	sadd.s32 s21, s3  }
0x9d: {  	[timem:s22], [sflag:s6] =	dma.local [hbm:s5], s4  }
0x9e: {  	_ =	swait.ge [sflag:s6], s4  }
0x9f: {  	s4 =	ssub.s32 $0x0, s4;
	[sflag:s6] =	ssyncset.done $0x0  }
0xa0: {  	[sflag:s6] =	ssyncadd.s32 s4;
	_ =	sdelay $0x1  }
0xa1: {  	s23 =	simm.s32 $0x1B8B  }
0xa2: {  	_ =	swait.ge [sflag:s23], $0x1  }
0xa3: {  	[sflag:s23] =	ssyncset.done $0x0  }
0xa4: {  	[sflag:s23] =	ssyncadd.s32 $0xFFFFFFFF  }
0xa5: {  	s4 =	sld [smem:$0x0]  }
0xa6: {  	s5 =	sand.u32 $0xFFFFFFFE, s1  }
0xa7: {  	p0 =	sne.s32 s1, s5  }
0xa8: {  	s5 =	sshll.u32 @p0 s5, $0xE  }
0xa9: {  	s5 =	sadd.s32 @p0 $0x11B8D, s5;
	s6 =	sshll.u32 @p0 s4, $0x11  }
0xaa: {  	s5 =	sor.u32 @p0 s6, s5  }
0xab: {  	[sflag:s5] =	ssyncadd.remote.s32 @p0 $0x1;
	_ =	sdelay $0x1  }
0xac: {  	s5 =	simm.s32 @p0 $0x1B8D  }
0xad: {  	_ =	swait.eq @p0 [sflag:s5], $0x1  }
0xae: {  	[sflag:s5] =	ssyncadd.s32 @p0 $0xFFFFFFFF  }
0xaf: {  	s6 =	sshll.u32 @!p0 s1, $0xE  }
0xb0: {  	s6 =	sor.u32 @!p0 $0x4000, s6;
	s5 =	simm.s32 @!p0 $0x1B8D  }
0xb1: {  	s4 =	sshll.u32 @!p0 s4, $0x11;
	s6 =	sadd.s32 @!p0 $0x11B8D, s6;
	_ =	swait.eq @!p0 [sflag:s5], $0x1  }
0xb2: {  	s4 =	sor.u32 @!p0 s4, s6;
	[sflag:s5] =	ssyncadd.s32 @!p0 $0xFFFFFFFF  }
0xb3: {  	s25 =	simm.s32 $0x1B8E;
	s24 =	sld [smem:$0x3FFE];
	[sflag:s4] =	ssyncadd.remote.s32 @!p0 $0x1  }
0xb4: {  	s26 =	simm.s32 $execute0_lowered;
	[smem:$0x3FD2] =	sst s25  }
0xb5: {  	s5 =	sshll.u32 s26, $0x1;
	_ =	strace $0x8000004F;
	[dreg:$0x1] =	wrdreg $0xFFFFFFFF  }
0xb6: {  	s28 =	simm.s32 $_size_execute0_lowered;
	s3 =	sadd.s32 s3, s5;
	[dreg:$0x0] =	wrdreg $0x0  }
0xb7: {  	s5 =	sshll.u32 s28, $0x1;
	[dreg:$0x2] =	wrdreg s3  }
0xb8: {  	[dreg:$0x3] =	wrdreg s5  }
0xb9: {  	[dreg:$0x4] =	wrdreg $0xC0  }
0xba: {  	_ =	task [dreg:s22], $0x5FFFF  }
0xbb: {  	[dreg:$0x1] =	wrdreg $0xFFFFFFFF  }
0xbc: {  	[dreg:$0x0] =	wrdreg $0x60  }
0xbd: {  	[dreg:$0x2] =	wrdreg s24  }
0xbe: {  	[dreg:$0x3] =	wrdreg $0x0  }
0xbf: {  	[dreg:$0x4] =	wrdreg $0x9  }
0xc0: {  	_ =	task.clear_ibuf [dreg:s22], $0x5FFFF;
	_ =	strace $0x9000004F  }
0xc1: {  	s29 =	simm.s32 $0x9;
	_ =	strace $0x80000051  }
0xc2: {  	_ =	swait.ge [sflag:s29], $0x1  }
0xc3: {  	[sflag:s29] =	ssyncadd.s32 $0xFFFFFFFF  }
0xc4: {  	_ =	strace $0x90000051  }
0xc5: {  	_ =	sfence  }
0xc6: {  	s30 =	sld [smem:$0x0];
	_ =	sdelay $0x2  }
0xc7: {  	s31 =	sshll.u32 s1, $0xD;
	s1 =	sshrl.u32 s1, $0x2  }
0xc8: {  	s4 =	sand.u32 $0x4000, s31;
	s1 =	sadd.s32 s1, s30  }
0xc9: {  	s0 =	sor.u32 s4, s0;
	s1 =	sshll.u32 s1, $0x11  }
0xca: {  	s0 =	sor.u32 s1, s0  }
0xcb: {  	s0 =	sadd.s32 $0x8F2B, s0  }
0xcc: {  	[sflag:s0] =	ssyncadd.remote.s32 $0x1  }
0xcd: {  	_ =	sfence.sel $0xFFFF  }
0xce: {  	[dreg:$0x0] =	wrdreg $0xFFFFFFFF;
	(pc) =	sbr.abs _section_cstart, $3  }
0xcf: {  	[dreg:$0x1] =	wrdreg $0xFFFFFFFF  }
0xd0: {  	_ =	task.clear_ibuf [dreg:s22], $0x2FFFF;
	_ =	strace $0x9FFFFFFF  }
0xd1: {  	(tm) =	ssettm $0x7FFFFFFF  }
tec
execute0_lowered:
.L_overlay_start_1:
0x0: {  	(tag) =	ssettag $0x1  }
0x1: {  	s4 =	rddreg [dreg:$0x0]  }
0x2: {  	s1 =	rddreg [dreg:$0x1]  }
0x3: {  	s2 =	srdreg.scid;
	s0 =	rddreg [dreg:$0x2];
	s3 =	simm.s32 $0x0  }
0x4: {  	s16 =	simm.s32 $0x5;
	s17 =	simm.s32 $0x50;
	s5 =	sand.u32 $0x1, s2  }
0x5: {  	s18 =	simm.s32 $0x15480;
	s2 =	stileid.u32;
	s6 =	smul.u32 $0x1C000, s5  }
0x6: {  	s19 =	simm.s32 $0x13900;
	s20 =	simm.s32 $0x17C80;
	s7 =	smul.u32 $0x1C00, s2  }
0x7: {  	s21 =	simm.s32 $0x1;
	s22 =	simm.s32 $0x2;
	s25 =	smul.u32 $0x138800, s5  }
0x8: {  	s23 =	simm.s32 $0x3;
	s24 =	simm.s32 $0x4;
	s10 =	smul.u32 $0x14000, s2  }
0x9: {  	[smem:$0x7FF] =	sst s3;
	s8 =	sadd.s32 $0x1D000, s4;
	s12 =	smul.u32 $0x50000, s2  }
0xa: {  	s13 =	sadd.s32 $0x551200, s4;
	s9 =	ssub.s32 $0x2, s5;
	s5 =	smul.u32 $0x7D0000, s5  }
0xb: {  	_ =	strace $0x80000050;
	s29 =	smul.u32 $0x7D000, s2;
	p0 =	seq.s32 s2, $0xF  }
0xc: {  	s11 =	sshrl.u32 s9, $0x1;
	s15 =	sshll.u32 @!p0 s2, $0x6;
	s6 =	sadd.s32 s7, s6  }
0xd: {  	s9 =	ssub.s32 s9, s11;
	s26 =	sadd.s32 s10, s25;
	s28 =	sshrl.u32 s12, $0x2  }
0xe: {  	s7 =	sshrl.u32 s25, $0x3;
	s30 =	sadd.s32 s29, s5;
	s12 =	sadd.s32 $0x12C000, s1  }
0xf: {  	s25 =	simm.s32 $0x0;
	s6 =	sshrl.u32 s6, $0x3;
	s14 =	sadd.s32 s28, s1  }
0x10: {  	s7 =	sadd.s32 s8, s7;
	s31 =	sshrl.u32 s30, $0x3;
	s11 =	sadd.s32 $0x2800, s30  }
0x11: {  	s12 =	sshrl.u32 @p0 s12, $0x3;
	s6 =	sadd.s32 s6, s4;
	s4 =	sshrl.u32 s26, $0x3  }
0x12: {  	s5 =	sadd.s32 $0x25800, s7;
	s7 =	smax.u32 s9, $0x1;
	s11 =	sshrl.u32 s11, $0x3  }
0x13: {  	s14 =	sshrl.u32 @!p0 s14, $0x3;
	s4 =	sadd.s32 s8, s4;
	s6 =	sadd.s32 $0x8000, s6  }
0x14: {  	s8 =	sadd.s32 s31, s13;
	s11 =	sadd.s32 s11, s13;
	s13 =	sor.u32 @!p0 $0x1C05, s15  }
0x15: {  	s15 =	simm.s32 $0x13880;
	s9 =	sadd.s32 $0xF000, s8;
	s10 =	sadd.s32 $0xF500, s8  }
.LBB2_1:
0x16: {  	s26 =	simm.s32 @p0 $0x1FC5  }
0x17: {  	[spmem:s12], [sflag:s26] =	dma.local @p0 [hbm:s5], $0x1900  }
0x18: {  	s26 =	simm.s32 @p0 $0x5  }
0x19: {  	_ =	swait.ge @p0 [sflag:s26], $0x1900  }
0x1a: {  	[sflag:s26] =	ssyncset.done @p0 $0x0  }
0x1b: {  	[sflag:s26] =	ssyncadd.s32 @p0 $0xFFFFE700;
	s26 =	simm.s32 @!p0 $0x5  }
0x1c: {  	[spmem:s14], [sflag:s13] =	dma.local @!p0 [hbm:s4], $0x2800  }
0x1d: {  	_ =	swait.ge @!p0 [sflag:s26], $0x2800  }
0x1e: {  	[sflag:s26] =	ssyncset.done @!p0 $0x0  }
0x1f: {  	[sflag:s26] =	ssyncadd.s32 @!p0 $0xFFFFD800  }
0x20: {  	[bflag:$0x0] =	sbarrier.arrive $0xFFFF  }
0x21: {  	[tilespmem:s15], [sflag:$0x5] =	stream.linear.gather [hbm4b:s6+s3], $0x1900, $0x38;
	[tilespmem:$0x1A480] =	vst v63  }
0x22: {  	_ =	swait.ge [sflag:s16], $0x1900  }
0x23: {  	[sflag:s16] =	ssyncset.done $0x0  }
0x24: {  	[sflag:s16] =	ssyncadd.s32 $0xFFFFE700  }
0x25: {  	[tilespmem:s18], [sflag:$0x1] =	stream.indirect.gather [spmem:s1], $0x80, s15, s17, $0xb8;
	[tilespmem:$0x1A480] =	vst v63  }
0x26: {  	_ = 	snop  }
0x27: {  	[tilespmem:s20], [sflag:$0x2] =	stream.indirect.gather [spmem:s1], $0x80, s19, s17, $0xb8;
	[tilespmem:$0x1A480] =	vst v63  }
0x28: {  	_ =	swait.ge [sflag:s21], $0x2800  }
0x29: {  	[sflag:s21] =	ssyncset.done $0x0  }
0x2a: {  	s31 =	sadd.s32 $0x0, s8;
	[sflag:s21] =	ssyncadd.s32 $0xFFFFD800  }
0x2b: {  	[hbm4b:s31+s3] =	stream.linear.scatter [tilespmem:s18], [sflag:$0x3], $0x2800, $0x38;
	[tilespmem:$0x1A480] =	vst v63  }
0x2c: {  	_ =	swait.ge [sflag:s22], $0x2800  }
0x2d: {  	[sflag:s22] =	ssyncset.done $0x0  }
0x2e: {  	s30 =	sadd.s32 $0x0, s11;
	[sflag:s22] =	ssyncadd.s32 $0xFFFFD800  }
0x2f: {  	[hbm4b:s30+s3] =	stream.linear.scatter [tilespmem:s20], [sflag:$0x4], $0x2800, $0x38;
	[tilespmem:$0x1A480] =	vst v63  }
0x30: {  	_ =	swait.ge [sflag:s23], $0x2800  }
0x31: {  	[sflag:s23] =	ssyncset.done $0x0  }
0x32: {  	s31 =	simm.s32 $0x13980;
	[sflag:s23] =	ssyncadd.s32 $0xFFFFD800  }
0x33: {  	[tilespmem:s18], [sflag:$0x1] =	stream.indirect.gather [spmem:s1], $0x80, s31, s17, $0xb8;
	[tilespmem:$0x1A480] =	vst v63  }
0x34: {  	_ =	swait.ge [sflag:s24], $0x2800  }
0x35: {  	s28 =	simm.s32 $0xA00;
	[sflag:s24] =	ssyncset.done $0x0  }
0x36: {  	s29 =	simm.s32 $0x13B00;
	s26 =	simm.s32 $0x13A00;
	[sflag:s24] =	ssyncadd.s32 $0xFFFFD800  }
.LBB2_2:
0x37: {  	[tilespmem:s20], [sflag:$0x2] =	stream.indirect.gather [spmem:s1], $0x80, s26, s17, $0xb8;
	[tilespmem:$0x1A480] =	vst v63  }
0x38: {  	s30 =	smov.u32 s28;
	s26 =	smov.u32 s29  }
0x39: {  	p1 =	sne.s32 s28, $0xE600;
	s28 =	sadd.s32 $0xA00, s28;
	_ =	swait.ge [sflag:s21], $0x2800  }
0x3a: {  	[sflag:s21] =	ssyncset.done $0x0  }
0x3b: {  	s31 =	sadd.s32 s30, s8;
	[sflag:s21] =	ssyncadd.s32 $0xFFFFD800  }
0x3c: {  	[hbm4b:s31+s3] =	stream.linear.scatter [tilespmem:s18], [sflag:$0x3], $0x2800, $0x38;
	[tilespmem:$0x1A480] =	vst v63  }
0x3d: {  	_ =	swait.ge [sflag:s22], $0x2800  }
0x3e: {  	[sflag:s22] =	ssyncset.done $0x0  }
0x3f: {  	s30 =	sadd.s32 s30, s11;
	[sflag:s22] =	ssyncadd.s32 $0xFFFFD800  }
0x40: {  	[hbm4b:s30+s3] =	stream.linear.scatter [tilespmem:s20], [sflag:$0x4], $0x2800, $0x38;
	[tilespmem:$0x1A480] =	vst v63  }
0x41: {  	_ =	swait.ge [sflag:s23], $0x2800  }
0x42: {  	[sflag:s23] =	ssyncset.done $0x0  }
.Ltmp0:
0x43: {  	s30 =	sadd.s32 $0xFFFFFF80, s29;
	[sflag:s23] =	ssyncadd.s32 $0xFFFFD800;
	(pc) =	sbr.rel @p1 .LBB2_2-.Ltmp0, $4  }
0x44: {  	[tilespmem:s18], [sflag:$0x1] =	stream.indirect.gather [spmem:s1], $0x80, s30, s17, $0xb8;
	[tilespmem:$0x1A480] =	vst v63  }
0x45: {  	_ =	swait.ge [sflag:s24], $0x2800  }
0x46: {  	[sflag:s24] =	ssyncset.done $0x0  }
0x47: {  	s29 =	sadd.s32 $0x100, s29;
	[sflag:s24] =	ssyncadd.s32 $0xFFFFD800  }
0x48: {  	[tilespmem:s20], [sflag:$0x2] =	stream.indirect.gather [spmem:s1], $0x80, s26, s17, $0xb8;
	[tilespmem:$0x1A480] =	vst v63  }
0x49: {  	_ =	swait.ge [sflag:s21], $0x2800  }
0x4a: {  	[sflag:s21] =	ssyncset.done $0x0  }
0x4b: {  	[sflag:s21] =	ssyncadd.s32 $0xFFFFD800  }
0x4c: {  	[hbm4b:s9+s3] =	stream.linear.scatter [tilespmem:s18], [sflag:$0x3], $0x2800, $0x38;
	[tilespmem:$0x1A480] =	vst v63  }
0x4d: {  	_ =	swait.ge [sflag:s22], $0x2800  }
0x4e: {  	[sflag:s22] =	ssyncset.done $0x0  }
0x4f: {  	s25 =	sadd.s32 $0x1, s25;
	[sflag:s22] =	ssyncadd.s32 $0xFFFFD800  }
0x50: {  	[hbm4b:s10+s3] =	stream.linear.scatter [tilespmem:s20], [sflag:$0x4], $0x2800, $0x38;
	[tilespmem:$0x1A480] =	vst v63  }
0x51: {  	p1 =	sne.s32 s25, s7;
	_ =	swait.ge [sflag:s23], $0x2800  }
.Ltmp1:
0x52: {  	[sflag:s23] =	ssyncset.done $0x0;
	(pc) =	sbr.rel @p1 .LBB2_1-.Ltmp1, $4  }
0x53: {  	[sflag:s23] =	ssyncadd.s32 $0xFFFFD800  }
0x54: {  	_ =	swait.ge [sflag:s24], $0x2800  }
0x55: {  	[sflag:s24] =	ssyncset.done $0x0  }
0x56: {  	[sflag:s24] =	ssyncadd.s32 $0xFFFFD800  }
0x57: {  	_ =	sfence.sel $0x180000  }
0x58: {  	[bflag:$0x0] =	sbarrier.arrive $0xFFFF  }
0x59: {  	p0 =	sne.s32 s2, $0x0;
	_ =	strace $0x90000050  }
0x5a: {  	s0 =	sadd.s32 @!p0 $0x100000, s0;
	[bflag:$0x2] =	sbarrier.arrive $0xFFFF  }
0x5b: {  	[sflag:s0] =	ssyncadd.tile.s32 @!p0 $0x1;
	_ =	shalt  }
.Lfunc_end2:
_tile_overlayer_lowered:
.L_overlay_start_2:
0x5c: {  	(tag) =	ssettag $0x2  }
0x5d: {  	s0 =	rddreg [dreg:$0x0];
	s2 =	stileid.u32  }
0x5e: {  	s1 =	rddreg [dreg:$0x1];
	p0 =	sne.s32 s2, $0x0  }
0x5f: {  	s3 =	rddreg [dreg:$0x2];
	[bflag:$0x3] =	sbarrier.arrive $0xFFFF;
	s2 =	simm.s32 @!p0 $0x1C05  }
0x60: {  	[timem:s3], [sflag:s2] =	dma.local @!p0 [hbm:s0], s1  }
0x61: {  	s0 =	simm.s32 @!p0 $0x5  }
0x62: {  	_ =	swait.ge @!p0 [sflag:s0], s1  }
0x63: {  	s1 =	ssub.s32 @!p0 $0x0, s1;
	[sflag:s0] =	ssyncset.done @!p0 $0x0  }
0x64: {  	[sflag:s0] =	ssyncadd.s32 @!p0 s1  }
0x65: {  	[bflag:$0x3] =	sbarrier.arrive $0xFFFF  }
0x66: {  	_ =	shalt  }

// kernel: kernel.35.cloned.1.call-start
scs
__scs_entry_jumppad:
0x0: {  	(pc) =	sbr.rel $0x88, $3  }
0x1: {  	(tag) =	ssettag $0x0;
	lr =	simm.s32 $0x1  }
0x2: {  	[smem:$0x3F8A] =	sst lr;
	_ =	strace $0xD0000000  }
0x3: {  	_ = 	snop  }
0x4: {  	_ = 	snop  }
0x5: {  	_ = 	snop  }
0x6: {  	_ = 	snop  }
0x7: {  	_ = 	snop  }
__scs_overlays_trampoline_lowered:
0x8: {  	[smem:$0x3F99] =	sst s0  }
0x9: {  	[smem:$0x3F9A] =	sst s1  }
0xa: {  	[smem:$0x3F9B] =	sst s2  }
0xb: {  	[smem:$0x3F9C] =	sst s3  }
0xc: {  	[smem:$0x3F9D] =	sst s4  }
0xd: {  	[smem:$0x3F9E] =	sst s5  }
0xe: {  	[smem:$0x3F9F] =	sst s6  }
0xf: {  	[smem:$0x3FA0] =	sst s7  }
0x10: {  	[smem:$0x3FA1] =	sst s8  }
0x11: {  	[smem:$0x3FA2] =	sst s9;
	s0 =	simm.s32 @!p0 $0x0  }
0x12: {  	s1 =	sld [smem:$0x3F88];
	s0 =	simm.s32 @p0 $0x1  }
0x13: {  	[smem:$0x3FA3] =	sst s0;
	s0 =	simm.s32 @!p1 $0x0  }
0x14: {  	s2 =	sld [smem:$0x3F87];
	s0 =	simm.s32 @p1 $0x1  }
0x15: {  	[smem:$0x3FA4] =	sst s0;
	s0 =	simm.s32 @!p2 $0x0  }
0x16: {  	s3 =	sld [smem:$0x3FDB];
	s0 =	simm.s32 @p2 $0x1  }
0x17: {  	s4 =	simm.s32 $0x1BF5;
	[smem:$0x3FA6] =	sst s0  }
0x18: {  	s0 =	sld [smem:$0x3F89];
	_ =	swait.ge [sflag:s4], $0x0  }
0x19: {  	s7 =	sld [smem:$0x3F8A]  }
0x1a: {  	s8 =	sadd.s32 $0xFFFFE003, lr  }
0x1b: {  	s9 =	sadd.s32 $0xFFFFFEF7, lr;
	s5 =	simm.s32 $0xFFFFFFFF;
	p2 =	slt.u32 s8, $0xFFFFF086  }
0x1c: {  	p1 =	slt.u32 s9, $0xF7A;
	s5 =	simm.s32 @!p2 $0x0  }
0x1d: {  	s5 =	simm.s32 @p1 $0x1;
	p0 =	seq.s32 s7, s2  }
0x1e: {  	s7 =	smul.u32 @!p0 $0xF7A, s2;
	p2 =	seq.s32 @!p0 s5, $0x0  }
0x1f: {  	s9 =	smul.u32 $0xF7A, s1;
	s8 =	simm.s32 @!p0 $0x1BF5;
	p2 =	por !p2, p0  }
0x20: {  	[sflag:s8] =	ssyncset.s32 @!p0 $0xFFFFF086;
	s6 =	sadd.s32 @!p0 s3, s7;
	s7 =	simm.s32 @!p0 $0x108  }
0x21: {  	s3 =	sadd.s32 s3, s9;
	s6 =	sadd.s32 @!p0 $0x88, s6;
	s7 =	simm.s32 @p2 $0x1082  }
0x22: {  	[simem:s7], [sflag:s8] =	dma.local @!p0 [hbm:s6], $0xF7A  }
0x23: {  	s9 =	sor.u32 $0xD0000000, s2;
	s6 =	simm.s32 $0x108;
	_ =	swait.ge @!p0 [sflag:s8], $0x0  }
0x24: {  	s3 =	sadd.s32 $0x88, s3;
	s6 =	simm.s32 @!p1 $0x1082;
	[sflag:s4] =	ssyncset.s32 $0xFFFFF086  }
0x25: {  	[simem:s6], [sflag:s4] =	dma.local [hbm:s3], $0xF7A  }
0x26: {  	[smem:$0x3F8A] =	sst s1;
	(tag) =	ssettag s2;
	_ =	strace s9  }
0x27: {  	s1 =	sld [smem:$0x3F9A]  }
0x28: {  	s2 =	sld [smem:$0x3F9B]  }
0x29: {  	s4 =	sld [smem:$0x3F9D]  }
0x2a: {  	p0 =	seq.s32 s5, $0x0;
	s5 =	sld [smem:$0x3F9E]  }
0x2b: {  	s6 =	sld [smem:$0x3F9F]  }
0x2c: {  	s7 =	sld [smem:$0x3FA0]  }
0x2d: {  	s3 =	simm.s32 $0x108;
	s8 =	sld [smem:$0x3FA1]  }
0x2e: {  	s3 =	simm.s32 @!p0 $0x1082;
	s9 =	sld [smem:$0x3FA2]  }
0x2f: {  	lr =	sadd.s32 s0, s3;
	s0 =	sld [smem:$0x3F99]  }
0x30: {  	s3 =	sld [smem:$0x3F9C]  }
0x31: {  	[smem:$0x3FA5] =	sst s10  }
0x32: {  	s10 =	sld [smem:$0x3FA3];
	_ =	sdelay $0x3  }
0x33: {  	p0 =	seq.s32 s10, $0x1;
	s10 =	sld [smem:$0x3FA5];
	_ =	sdelay $0x3  }
0x34: {  	[smem:$0x3FA5] =	sst s10  }
0x35: {  	s10 =	sld [smem:$0x3FA4];
	_ =	sdelay $0x3  }
0x36: {  	p1 =	seq.s32 s10, $0x1;
	s10 =	sld [smem:$0x3FA5];
	_ =	sdelay $0x3  }
0x37: {  	[smem:$0x3FA5] =	sst s10  }
0x38: {  	s10 =	sld [smem:$0x3FA6]  }
0x39: {  	_ = 	snop;
	(pc) =	sbr.ind lr, $3  }
0x3a: {  	_ = 	snop  }
0x3b: {  	_ = 	snop  }
0x3c: {  	p2 =	seq.s32 s10, $0x1;
	s10 =	sld [smem:$0x3FA5]  }
0x3d: {  	_ =	shalt  }
0x3e: {  	_ =	shalt  }
0x3f: {  	_ =	shalt  }
0x40: {  	_ =	shalt  }
0x41: {  	_ =	shalt  }
0x42: {  	_ =	shalt  }
0x43: {  	_ =	shalt  }
0x44: {  	_ =	shalt  }
0x45: {  	_ =	shalt  }
0x46: {  	_ =	shalt  }
0x47: {  	_ =	shalt  }
0x48: {  	_ =	shalt  }
0x49: {  	_ =	shalt  }
0x4a: {  	_ =	shalt  }
0x4b: {  	_ =	shalt  }
0x4c: {  	_ =	shalt  }
0x4d: {  	_ =	shalt  }
0x4e: {  	_ =	shalt  }
0x4f: {  	_ =	shalt  }
0x50: {  	_ =	shalt  }
0x51: {  	_ =	shalt  }
0x52: {  	_ =	shalt  }
0x53: {  	_ =	shalt  }
0x54: {  	_ =	shalt  }
0x55: {  	_ =	shalt  }
0x56: {  	_ =	shalt  }
0x57: {  	_ =	shalt  }
0x58: {  	_ =	shalt  }
0x59: {  	_ =	shalt  }
0x5a: {  	_ =	shalt  }
0x5b: {  	_ =	shalt  }
0x5c: {  	_ =	shalt  }
0x5d: {  	_ =	shalt  }
0x5e: {  	_ =	shalt  }
0x5f: {  	_ =	shalt  }
0x60: {  	_ =	shalt  }
0x61: {  	_ =	shalt  }
0x62: {  	_ =	shalt  }
0x63: {  	_ =	shalt  }
0x64: {  	_ =	shalt  }
0x65: {  	_ =	shalt  }
0x66: {  	_ =	shalt  }
0x67: {  	_ =	shalt  }
0x68: {  	_ =	shalt  }
0x69: {  	_ =	shalt  }
0x6a: {  	_ =	shalt  }
0x6b: {  	_ =	shalt  }
0x6c: {  	_ =	shalt  }
0x6d: {  	_ =	shalt  }
0x6e: {  	_ =	shalt  }
0x6f: {  	_ =	shalt  }
0x70: {  	_ =	shalt  }
0x71: {  	_ =	shalt  }
0x72: {  	_ =	shalt  }
0x73: {  	_ =	shalt  }
0x74: {  	_ =	shalt  }
0x75: {  	_ =	shalt  }
0x76: {  	_ =	shalt  }
0x77: {  	_ =	shalt  }
0x78: {  	_ =	shalt  }
0x79: {  	_ =	shalt  }
0x7a: {  	_ =	shalt  }
0x7b: {  	_ =	shalt  }
0x7c: {  	_ =	shalt  }
0x7d: {  	_ =	shalt  }
0x7e: {  	_ =	shalt  }
0x7f: {  	_ =	shalt  }
0x80: {  	_ =	shalt  }
0x81: {  	_ =	shalt  }
0x82: {  	_ =	shalt  }
0x83: {  	_ =	shalt  }
0x84: {  	_ =	shalt  }
0x85: {  	_ =	shalt  }
0x86: {  	_ =	shalt  }
0x87: {  	_ =	shalt  }
.Lfunc_end0:
.L_simem_size_0:
called_computation.5_lowered:
.L_overlay_start_0:
0x88: {  	s2 =	sld [smem:$0x3FD9]  }
0x89: {  	s3 =	sld [smem:$0x3FFE];
	_ =	sdelay $0x1  }
0x8a: {  	s1 =	srdreg.scid  }
0x8b: {  	s0 =	sand.u32 $0x1, s1  }
0x8c: {  	s17 =	sshll.u32 s0, $0xA;
	s2 =	sadd.s32 s3, s2  }
0x8d: {  	s2 =	sadd.s32 s2, s17  }
0x8e: {  	[smem:$0x3FB1] =	sst s2  }
0x8f: {  	_ = 	snop  }
0x90: {  	(tm) =	ssettm $0x1  }
0x91: {  	s18 =	sld [smem:$0x3FFB];
	_ =	sdelay $0x3  }
0x92: {  	_ =	strace s18  }
0x93: {  	s2 =	sld [smem:$0x3FFC];
	_ =	sdelay $0x3  }
0x94: {  	_ =	strace s2  }
0x95: {  	s2 =	sld [smem:$0x3FFD];
	_ =	sdelay $0x3  }
0x96: {  	_ =	strace s2  }
0x97: {  	_ =	strace $0x8FFFFFFF  }
0x98: {  	s19 =	sld [smem:$0x3FDB];
	_ =	sdelay $0x1  }
0x99: {  	s20 =	simm.s32 $_scs_section_size  }
0x9a: {  	s4 =	simm.s32 $_size__tile_overlayer_lowered;
	s5 =	simm.s32 $_tile_overlayer_lowered  }
0x9b: {  	s6 =	simm.s32 $0x1BFF;
	s21 =	sshll.u32 s5, $0x1;
	s3 =	sadd.s32 s20, s19  }
0x9c: {  	s22 =	simm.s32 $0x0;
	s4 =	sshll.u32 s4, $0x1;
	s5 =	sadd.s32 s21, s3  }
0x9d: {  	[timem:s22], [sflag:s6] =	dma.local [hbm:s5], s4  }
0x9e: {  	_ =	swait.ge [sflag:s6], s4  }
0x9f: {  	s4 =	ssub.s32 $0x0, s4;
	[sflag:s6] =	ssyncset.done $0x0  }
0xa0: {  	[sflag:s6] =	ssyncadd.s32 s4;
	_ =	sdelay $0x1  }
0xa1: {  	s23 =	simm.s32 $0x1B8B  }
0xa2: {  	_ =	swait.ge [sflag:s23], $0x1  }
0xa3: {  	[sflag:s23] =	ssyncset.done $0x0  }
0xa4: {  	[sflag:s23] =	ssyncadd.s32 $0xFFFFFFFF  }
0xa5: {  	s4 =	sld [smem:$0x0]  }
0xa6: {  	s5 =	sand.u32 $0xFFFFFFFE, s1  }
0xa7: {  	p0 =	sne.s32 s1, s5  }
0xa8: {  	s5 =	sshll.u32 @p0 s5, $0xE  }
0xa9: {  	s5 =	sadd.s32 @p0 $0x11B8D, s5;
	s6 =	sshll.u32 @p0 s4, $0x11  }
0xaa: {  	s5 =	sor.u32 @p0 s6, s5  }
0xab: {  	[sflag:s5] =	ssyncadd.remote.s32 @p0 $0x1;
	_ =	sdelay $0x1  }
0xac: {  	s5 =	simm.s32 @p0 $0x1B8D  }
0xad: {  	_ =	swait.eq @p0 [sflag:s5], $0x1  }
0xae: {  	[sflag:s5] =	ssyncadd.s32 @p0 $0xFFFFFFFF  }
0xaf: {  	s6 =	sshll.u32 @!p0 s1, $0xE  }
0xb0: {  	s6 =	sor.u32 @!p0 $0x4000, s6;
	s5 =	simm.s32 @!p0 $0x1B8D  }
0xb1: {  	s4 =	sshll.u32 @!p0 s4, $0x11;
	s6 =	sadd.s32 @!p0 $0x11B8D, s6;
	_ =	swait.eq @!p0 [sflag:s5], $0x1  }
0xb2: {  	s4 =	sor.u32 @!p0 s4, s6;
	[sflag:s5] =	ssyncadd.s32 @!p0 $0xFFFFFFFF  }
0xb3: {  	s25 =	simm.s32 $0x1B8E;
	s24 =	sld [smem:$0x3FFE];
	[sflag:s4] =	ssyncadd.remote.s32 @!p0 $0x1  }
0xb4: {  	s26 =	simm.s32 $execute0_lowered;
	[smem:$0x3FD2] =	sst s25  }
0xb5: {  	s5 =	sshll.u32 s26, $0x1;
	_ =	strace $0x80000058;
	[dreg:$0x1] =	wrdreg $0xFFFFFFFF  }
0xb6: {  	s28 =	simm.s32 $_size_execute0_lowered;
	s3 =	sadd.s32 s3, s5;
	[dreg:$0x0] =	wrdreg $0x0  }
0xb7: {  	s5 =	sshll.u32 s28, $0x1;
	[dreg:$0x2] =	wrdreg s3  }
0xb8: {  	[dreg:$0x3] =	wrdreg s5  }
0xb9: {  	[dreg:$0x4] =	wrdreg $0xC0  }
0xba: {  	_ =	task [dreg:s22], $0x5FFFF  }
0xbb: {  	[dreg:$0x1] =	wrdreg $0xFFFFFFFF  }
0xbc: {  	[dreg:$0x0] =	wrdreg $0x60  }
0xbd: {  	[dreg:$0x2] =	wrdreg s24  }
0xbe: {  	[dreg:$0x3] =	wrdreg $0x60000  }
0xbf: {  	[dreg:$0x4] =	wrdreg $0xB  }
0xc0: {  	_ =	task.clear_ibuf [dreg:s22], $0x5FFFF;
	_ =	strace $0x90000058  }
0xc1: {  	s29 =	simm.s32 $0xB;
	_ =	strace $0x8000005A  }
0xc2: {  	_ =	swait.ge [sflag:s29], $0x1  }
0xc3: {  	[sflag:s29] =	ssyncadd.s32 $0xFFFFFFFF  }
0xc4: {  	_ =	strace $0x9000005A  }
0xc5: {  	_ =	sfence  }
0xc6: {  	s30 =	sld [smem:$0x0];
	_ =	sdelay $0x2  }
0xc7: {  	s31 =	sshll.u32 s1, $0xD;
	s1 =	sshrl.u32 s1, $0x2  }
0xc8: {  	s4 =	sand.u32 $0x4000, s31;
	s1 =	sadd.s32 s1, s30  }
0xc9: {  	s0 =	sor.u32 s4, s0;
	s1 =	sshll.u32 s1, $0x11  }
0xca: {  	s0 =	sor.u32 s1, s0  }
0xcb: {  	s0 =	sadd.s32 $0x8F2B, s0  }
0xcc: {  	[sflag:s0] =	ssyncadd.remote.s32 $0x1  }
0xcd: {  	_ =	sfence.sel $0xFFFF  }
0xce: {  	[dreg:$0x0] =	wrdreg $0xFFFFFFFF;
	(pc) =	sbr.abs _section_cstart, $3  }
0xcf: {  	[dreg:$0x1] =	wrdreg $0xFFFFFFFF  }
0xd0: {  	_ =	task.clear_ibuf [dreg:s22], $0x2FFFF;
	_ =	strace $0x9FFFFFFF  }
0xd1: {  	(tm) =	ssettm $0x7FFFFFFF  }
tec
execute0_lowered:
.L_overlay_start_1:
0x0: {  	(tag) =	ssettag $0x1  }
0x1: {  	s4 =	rddreg [dreg:$0x0]  }
0x2: {  	s1 =	rddreg [dreg:$0x1]  }
0x3: {  	s2 =	simm.s32 $0x0;
	s5 =	srdreg.scid;
	s3 =	stileid.u32  }
0x4: {  	s18 =	simm.s32 $0x1000;
	s19 =	simm.s32 $0x4;
	s25 =	smul.u32 $0x14000, s3  }
0x5: {  	s20 =	simm.s32 $0x1;
	s21 =	simm.s32 $0x3;
	s29 =	smul.u32 $0x50000, s3  }
0x6: {  	[smem:$0x7FF] =	sst s2;
	s10 =	sand.u32 $0x1, s5;
	s16 =	smul.u32 $0xFA00, s3  }
0x7: {  	s22 =	sshll.u32 s3, $0x1;
	s11 =	sadd.s32 $0x401600, s4;
	s6 =	smul.u32 $0x27100, s10  }
0x8: {  	s14 =	sadd.s32 $0xB9400, s4;
	p0 =	sne.s32 s3, $0x0;
	s13 =	smul.u32 $0x138800, s10  }
0x9: {  	p1 =	seq.s32 s3, $0xF;
	s5 =	sor.u32 s10, s22;
	s17 =	smul.u32 $0x7D00, s10  }
0xa: {  	_ =	strace $0x80000059;
	s9 =	ssub.s32 $0x2, s10;
	s8 =	smul.u32 $0x7D00, s5  }
0xb: {  	s22 =	simm.s32 $0xB80;
	s7 =	sshll.u32 s5, $0x9;
	s12 =	smul.u32 $0x3E800, s5  }
0xc: {  	s24 =	sshrl.u32 s9, $0x1;
	s7 =	sadd.s32 s7, s4;
	s23 =	sadd.s32 s6, s4  }
0xd: {  	s15 =	ssub.s32 s9, s24;
	s9 =	sadd.s32 s25, s13;
	s13 =	sshrl.u32 s13, $0x3  }
0xe: {  	s24 =	sadd.s32 $0x12C000, s1;
	s4 =	sadd.s32 $0x6B200, s23;
	s5 =	sadd.s32 $0x107600, s7  }
0xf: {  	s26 =	sshrl.u32 s12, $0x3;
	s6 =	sadd.s32 s11, s8;
	s9 =	sshrl.u32 s9, $0x3  }
0x10: {  	s12 =	sshrl.u32 s29, $0x2;
	s30 =	sadd.s32 s14, s13;
	s13 =	sshrl.u32 @!p0 s1, $0x3  }
0x11: {  	s23 =	simm.s32 $0xC00;
	s24 =	sshrl.u32 @p1 s24, $0x3;
	s28 =	sadd.s32 s11, s26  }
0x12: {  	s9 =	sadd.s32 s14, s9;
	s25 =	sadd.s32 s12, s1;
	s11 =	sadd.s32 s16, s11  }
0x13: {  	s10 =	sadd.s32 $0x25800, s30;
	s14 =	simm.s32 $0x5;
	s16 =	simm.s32 $0x2  }
0x14: {  	s26 =	simm.s32 $0x0;
	s7 =	sadd.s32 $0x500, s28;
	s8 =	sadd.s32 $0xA00, s28  }
0x15: {  	s31 =	sadd.s32 s17, s11;
	s11 =	smax.u32 s15, $0x1;
	s15 =	simm.s32 $0x3800  }
0x16: {  	s17 =	simm.s32 $0x50;
	s25 =	sshrl.u32 @!p1 s25, $0x3;
	s12 =	sadd.s32 $0x1400, s31  }
.LBB2_1:
0x17: {  	s28 =	simm.s32 @!p0 $0x1C05  }
0x18: {  	[spmem:s13], [sflag:s28] =	dma.local @!p0 [hbm:s4], $0x27100  }
0x19: {  	s28 =	simm.s32 @!p0 $0x5  }
0x1a: {  	_ =	swait.ge @!p0 [sflag:s28], $0x27100  }
0x1b: {  	[sflag:s28] =	ssyncset.done @!p0 $0x0  }
0x1c: {  	[sflag:s28] =	ssyncadd.s32 @!p0 $0xFFFD8F00  }
0x1d: {  	[bflag:$0x0] =	sbarrier.arrive $0xFFFF  }
0x1e: {  	[tilespmem:s2], [sflag:$0x5] =	stream.linear.gather [hbm4b:s5+s2], $0xC80, $0x38;
	[tilespmem:$0x19880] =	vst v63  }
0x1f: {  	_ =	swait.ge [sflag:s14], $0xC80  }
0x20: {  	[sflag:s14] =	ssyncset.done $0x0  }
0x21: {  	[sflag:s14] =	ssyncadd.s32 $0xFFFFF380  }
0x22: {  	[tilespmem:s15], [sflag:$0x2] =	stream.linear.gather [hbm4b:s6+s2], $0x2800, $0x38;
	[tilespmem:$0x19880] =	vst v63  }
0x23: {  	_ =	swait.ge [sflag:s16], $0x2800  }
0x24: {  	[sflag:s16] =	ssyncset.done $0x0  }
0x25: {  	[sflag:s16] =	ssyncadd.s32 $0xFFFFD800  }
0x26: {  	[spmem:s1] =	stream.indirect.scatter.add.f32 [tilespmem:s15], [sflag:$0x4], $0x80, s2, s17, $0xb8;
	[tilespmem:$0x19880] =	vst v63  }
0x27: {  	_ = 	snop  }
0x28: {  	[tilespmem:s18], [sflag:$0x1] =	stream.linear.gather [hbm4b:s7+s2], $0x2800, $0x38;
	[tilespmem:$0x19880] =	vst v63  }
0x29: {  	_ =	swait.ge [sflag:s19], $0x2800  }
0x2a: {  	[sflag:s19] =	ssyncset.done $0x0  }
0x2b: {  	[sflag:s19] =	ssyncadd.s32 $0xFFFFD800  }
0x2c: {  	[tilespmem:s15], [sflag:$0x2] =	stream.linear.gather [hbm4b:s8+s2], $0x2800, $0x38;
	[tilespmem:$0x19880] =	vst v63  }
0x2d: {  	_ =	swait.ge [sflag:s20], $0x2800  }
0x2e: {  	[sflag:s20] =	ssyncset.done $0x0  }
0x2f: {  	s28 =	simm.s32 $0x80;
	[sflag:s20] =	ssyncadd.s32 $0xFFFFD800  }
0x30: {  	[spmem:s1] =	stream.indirect.scatter.add.f32 [tilespmem:s18], [sflag:$0x3], $0x80, s28, s17, $0xb8;
	[tilespmem:$0x19880] =	vst v63  }
0x31: {  	_ =	swait.ge [sflag:s16], $0x2800  }
0x32: {  	[sflag:s16] =	ssyncset.done $0x0  }
0x33: {  	s28 =	simm.s32 $0x100;
	[sflag:s16] =	ssyncadd.s32 $0xFFFFD800  }
0x34: {  	[spmem:s1] =	stream.indirect.scatter.add.f32 [tilespmem:s15], [sflag:$0x4], $0x80, s28, s17, $0xb8;
	[tilespmem:$0x19880] =	vst v63  }
0x35: {  	_ =	swait.ge [sflag:s21], $0x2800  }
0x36: {  	[sflag:s21] =	ssyncset.done $0x0  }
0x37: {  	s28 =	sadd.s32 $0xFFFFFB00, s12;
	[sflag:s21] =	ssyncadd.s32 $0xFFFFD800  }
0x38: {  	[tilespmem:s18], [sflag:$0x1] =	stream.linear.gather [hbm4b:s28+s2], $0x2800, $0x38;
	[tilespmem:$0x19880] =	vst v63  }
0x39: {  	_ =	swait.ge [sflag:s19], $0x2800  }
0x3a: {  	s29 =	sadd.s32 $0xA00, s12;
	[sflag:s19] =	ssyncset.done $0x0  }
0x3b: {  	s30 =	smov.u32 s12;
	s28 =	simm.s32 $0x400;
	[sflag:s19] =	ssyncadd.s32 $0xFFFFD800  }
.LBB2_2:
0x3c: {  	[tilespmem:s15], [sflag:$0x2] =	stream.linear.gather [hbm4b:s30+s2], $0x2800, $0x38;
	[tilespmem:$0x19880] =	vst v63  }
0x3d: {  	s31 =	smov.u32 s28;
	s30 =	smov.u32 s29  }
0x3e: {  	p2 =	sne.s32 s28, $0x2800;
	s28 =	sadd.s32 $0x400, s28;
	_ =	swait.ge [sflag:s20], $0x2800  }
0x3f: {  	s31 =	sshra.s32 s31, $0x2;
	[sflag:s20] =	ssyncset.done $0x0  }
0x40: {  	s0 =	sadd.s32 $0x80, s31;
	[sflag:s20] =	ssyncadd.s32 $0xFFFFD800  }
0x41: {  	[spmem:s1] =	stream.indirect.scatter.add.f32 [tilespmem:s18], [sflag:$0x3], $0x80, s0, s17, $0xb8;
	[tilespmem:$0x19880] =	vst v63  }
0x42: {  	_ =	swait.ge [sflag:s16], $0x2800  }
0x43: {  	[sflag:s16] =	ssyncset.done $0x0  }
0x44: {  	s0 =	sadd.s32 $0x100, s31;
	[sflag:s16] =	ssyncadd.s32 $0xFFFFD800  }
0x45: {  	[spmem:s1] =	stream.indirect.scatter.add.f32 [tilespmem:s15], [sflag:$0x4], $0x80, s0, s17, $0xb8;
	[tilespmem:$0x19880] =	vst v63  }
0x46: {  	_ =	swait.ge [sflag:s21], $0x2800  }
0x47: {  	[sflag:s21] =	ssyncset.done $0x0  }
.Ltmp0:
0x48: {  	s0 =	sadd.s32 $0xFFFFFB00, s29;
	[sflag:s21] =	ssyncadd.s32 $0xFFFFD800;
	(pc) =	sbr.rel @p2 .LBB2_2-.Ltmp0, $4  }
0x49: {  	[tilespmem:s18], [sflag:$0x1] =	stream.linear.gather [hbm4b:s0+s2], $0x2800, $0x38;
	[tilespmem:$0x19880] =	vst v63  }
0x4a: {  	_ =	swait.ge [sflag:s19], $0x2800  }
0x4b: {  	[sflag:s19] =	ssyncset.done $0x0  }
0x4c: {  	s29 =	sadd.s32 $0xA00, s29;
	[sflag:s19] =	ssyncadd.s32 $0xFFFFD800  }
0x4d: {  	[tilespmem:s15], [sflag:$0x2] =	stream.linear.gather [hbm4b:s30+s2], $0x2800, $0x38;
	[tilespmem:$0x19880] =	vst v63  }
0x4e: {  	_ =	swait.ge [sflag:s20], $0x2800  }
0x4f: {  	[sflag:s20] =	ssyncset.done $0x0  }
0x50: {  	[sflag:s20] =	ssyncadd.s32 $0xFFFFD800  }
0x51: {  	[spmem:s1] =	stream.indirect.scatter.add.f32 [tilespmem:s18], [sflag:$0x3], $0x80, s22, s17, $0xb8;
	[tilespmem:$0x19880] =	vst v63  }
0x52: {  	_ =	swait.ge [sflag:s16], $0x2800  }
0x53: {  	[sflag:s16] =	ssyncset.done $0x0  }
0x54: {  	[sflag:s16] =	ssyncadd.s32 $0xFFFFD800  }
0x55: {  	[spmem:s1] =	stream.indirect.scatter.add.f32 [tilespmem:s15], [sflag:$0x4], $0x80, s23, s17, $0xb8;
	[tilespmem:$0x19880] =	vst v63  }
0x56: {  	_ =	swait.ge [sflag:s21], $0x2800  }
0x57: {  	[sflag:s21] =	ssyncset.done $0x0  }
0x58: {  	[sflag:s21] =	ssyncadd.s32 $0xFFFFD800  }
0x59: {  	_ =	swait.ge [sflag:s19], $0x2800  }
0x5a: {  	[sflag:s19] =	ssyncset.done $0x0  }
0x5b: {  	[sflag:s19] =	ssyncadd.s32 $0xFFFFD800  }
0x5c: {  	s0 =	simm.s32 @p1 $0x1FC5;
	[bflag:$0x0] =	sbarrier.arrive $0xFFFF  }
0x5d: {  	[hbm:s10], [sflag:s0] =	dma.local @p1 [spmem:s24], $0x1900  }
0x5e: {  	s0 =	simm.s32 @p1 $0x5  }
0x5f: {  	_ =	swait.ge @p1 [sflag:s0], $0x1900  }
0x60: {  	s28 =	sshll.u32 @!p1 s3, $0x6;
	s26 =	sadd.s32 $0x1, s26;
	[sflag:s0] =	ssyncset.done @p1 $0x0  }
0x61: {  	p2 =	sne.s32 s26, s11;
	[sflag:s0] =	ssyncadd.s32 @p1 $0xFFFFE700;
	s0 =	sor.u32 @!p1 $0x1C05, s28  }
0x62: {  	[hbm:s9], [sflag:s0] =	dma.local @!p1 [spmem:s25], $0x2800  }
.Ltmp1:
0x63: {  	_ = 	snop;
	(pc) =	sbr.rel @p2 .LBB2_1-.Ltmp1, $4  }
0x64: {  	s0 =	simm.s32 @!p1 $0x5  }
0x65: {  	_ =	swait.ge @!p1 [sflag:s0], $0x2800  }
0x66: {  	[sflag:s0] =	ssyncset.done @!p1 $0x0  }
0x67: {  	[sflag:s0] =	ssyncadd.s32 @!p1 $0xFFFFD800  }
0x68: {  	_ =	sfence.sel $0x180000  }
0x69: {  	[bflag:$0x0] =	sbarrier.arrive $0xFFFF  }
0x6a: {  	_ =	strace $0x90000059  }
0x6b: {  	[bflag:$0x2] =	sbarrier.arrive $0xFFFF  }
0x6c: {  	s0 =	rddreg [dreg:$0x2]  }
0x6d: {  	s0 =	sadd.s32 @!p0 $0x100000, s0  }
0x6e: {  	[sflag:s0] =	ssyncadd.tile.s32 @!p0 $0x1;
	_ =	shalt  }
.Lfunc_end2:
_tile_overlayer_lowered:
.L_overlay_start_2:
0x6f: {  	(tag) =	ssettag $0x2  }
0x70: {  	s0 =	rddreg [dreg:$0x0];
	s2 =	stileid.u32  }
0x71: {  	s1 =	rddreg [dreg:$0x1];
	p0 =	sne.s32 s2, $0x0  }
0x72: {  	s3 =	rddreg [dreg:$0x2];
	[bflag:$0x3] =	sbarrier.arrive $0xFFFF;
	s2 =	simm.s32 @!p0 $0x1C05  }
0x73: {  	[timem:s3], [sflag:s2] =	dma.local @!p0 [hbm:s0], s1  }
0x74: {  	s0 =	simm.s32 @!p0 $0x5  }
0x75: {  	_ =	swait.ge @!p0 [sflag:s0], s1  }
0x76: {  	s1 =	ssub.s32 @!p0 $0x0, s1;
	[sflag:s0] =	ssyncset.done @!p0 $0x0  }
0x77: {  	[sflag:s0] =	ssyncadd.s32 @!p0 s1  }
0x78: {  	[bflag:$0x3] =	sbarrier.arrive $0xFFFF  }
0x79: {  	_ =	shalt  }

// kernel: kernel.38.cloned.1.call-start
scs
__scs_entry_jumppad:
0x0: {  	(pc) =	sbr.rel $0x88, $3  }
0x1: {  	(tag) =	ssettag $0x0;
	lr =	simm.s32 $0x1  }
0x2: {  	[smem:$0x3F8A] =	sst lr;
	_ =	strace $0xD0000000  }
0x3: {  	_ = 	snop  }
0x4: {  	_ = 	snop  }
0x5: {  	_ = 	snop  }
0x6: {  	_ = 	snop  }
0x7: {  	_ = 	snop  }
__scs_overlays_trampoline_lowered:
0x8: {  	[smem:$0x3F99] =	sst s0  }
0x9: {  	[smem:$0x3F9A] =	sst s1  }
0xa: {  	[smem:$0x3F9B] =	sst s2  }
0xb: {  	[smem:$0x3F9C] =	sst s3  }
0xc: {  	[smem:$0x3F9D] =	sst s4  }
0xd: {  	[smem:$0x3F9E] =	sst s5  }
0xe: {  	[smem:$0x3F9F] =	sst s6  }
0xf: {  	[smem:$0x3FA0] =	sst s7  }
0x10: {  	[smem:$0x3FA1] =	sst s8  }
0x11: {  	[smem:$0x3FA2] =	sst s9;
	s0 =	simm.s32 @!p0 $0x0  }
0x12: {  	s1 =	sld [smem:$0x3F88];
	s0 =	simm.s32 @p0 $0x1  }
0x13: {  	[smem:$0x3FA3] =	sst s0;
	s0 =	simm.s32 @!p1 $0x0  }
0x14: {  	s2 =	sld [smem:$0x3F87];
	s0 =	simm.s32 @p1 $0x1  }
0x15: {  	[smem:$0x3FA4] =	sst s0;
	s0 =	simm.s32 @!p2 $0x0  }
0x16: {  	s3 =	sld [smem:$0x3FDB];
	s0 =	simm.s32 @p2 $0x1  }
0x17: {  	s4 =	simm.s32 $0x1BF5;
	[smem:$0x3FA6] =	sst s0  }
0x18: {  	s0 =	sld [smem:$0x3F89];
	_ =	swait.ge [sflag:s4], $0x0  }
0x19: {  	s7 =	sld [smem:$0x3F8A]  }
0x1a: {  	s8 =	sadd.s32 $0xFFFFE003, lr  }
0x1b: {  	s9 =	sadd.s32 $0xFFFFFEF7, lr;
	s5 =	simm.s32 $0xFFFFFFFF;
	p2 =	slt.u32 s8, $0xFFFFF086  }
0x1c: {  	p1 =	slt.u32 s9, $0xF7A;
	s5 =	simm.s32 @!p2 $0x0  }
0x1d: {  	s5 =	simm.s32 @p1 $0x1;
	p0 =	seq.s32 s7, s2  }
0x1e: {  	s7 =	smul.u32 @!p0 $0xF7A, s2;
	p2 =	seq.s32 @!p0 s5, $0x0  }
0x1f: {  	s9 =	smul.u32 $0xF7A, s1;
	s8 =	simm.s32 @!p0 $0x1BF5;
	p2 =	por !p2, p0  }
0x20: {  	[sflag:s8] =	ssyncset.s32 @!p0 $0xFFFFF086;
	s6 =	sadd.s32 @!p0 s3, s7;
	s7 =	simm.s32 @!p0 $0x108  }
0x21: {  	s3 =	sadd.s32 s3, s9;
	s6 =	sadd.s32 @!p0 $0x88, s6;
	s7 =	simm.s32 @p2 $0x1082  }
0x22: {  	[simem:s7], [sflag:s8] =	dma.local @!p0 [hbm:s6], $0xF7A  }
0x23: {  	s9 =	sor.u32 $0xD0000000, s2;
	s6 =	simm.s32 $0x108;
	_ =	swait.ge @!p0 [sflag:s8], $0x0  }
0x24: {  	s3 =	sadd.s32 $0x88, s3;
	s6 =	simm.s32 @!p1 $0x1082;
	[sflag:s4] =	ssyncset.s32 $0xFFFFF086  }
0x25: {  	[simem:s6], [sflag:s4] =	dma.local [hbm:s3], $0xF7A  }
0x26: {  	[smem:$0x3F8A] =	sst s1;
	(tag) =	ssettag s2;
	_ =	strace s9  }
0x27: {  	s1 =	sld [smem:$0x3F9A]  }
0x28: {  	s2 =	sld [smem:$0x3F9B]  }
0x29: {  	s4 =	sld [smem:$0x3F9D]  }
0x2a: {  	p0 =	seq.s32 s5, $0x0;
	s5 =	sld [smem:$0x3F9E]  }
0x2b: {  	s6 =	sld [smem:$0x3F9F]  }
0x2c: {  	s7 =	sld [smem:$0x3FA0]  }
0x2d: {  	s3 =	simm.s32 $0x108;
	s8 =	sld [smem:$0x3FA1]  }
0x2e: {  	s3 =	simm.s32 @!p0 $0x1082;
	s9 =	sld [smem:$0x3FA2]  }
0x2f: {  	lr =	sadd.s32 s0, s3;
	s0 =	sld [smem:$0x3F99]  }
0x30: {  	s3 =	sld [smem:$0x3F9C]  }
0x31: {  	[smem:$0x3FA5] =	sst s10  }
0x32: {  	s10 =	sld [smem:$0x3FA3];
	_ =	sdelay $0x3  }
0x33: {  	p0 =	seq.s32 s10, $0x1;
	s10 =	sld [smem:$0x3FA5];
	_ =	sdelay $0x3  }
0x34: {  	[smem:$0x3FA5] =	sst s10  }
0x35: {  	s10 =	sld [smem:$0x3FA4];
	_ =	sdelay $0x3  }
0x36: {  	p1 =	seq.s32 s10, $0x1;
	s10 =	sld [smem:$0x3FA5];
	_ =	sdelay $0x3  }
0x37: {  	[smem:$0x3FA5] =	sst s10  }
0x38: {  	s10 =	sld [smem:$0x3FA6]  }
0x39: {  	_ = 	snop;
	(pc) =	sbr.ind lr, $3  }
0x3a: {  	_ = 	snop  }
0x3b: {  	_ = 	snop  }
0x3c: {  	p2 =	seq.s32 s10, $0x1;
	s10 =	sld [smem:$0x3FA5]  }
0x3d: {  	_ =	shalt  }
0x3e: {  	_ =	shalt  }
0x3f: {  	_ =	shalt  }
0x40: {  	_ =	shalt  }
0x41: {  	_ =	shalt  }
0x42: {  	_ =	shalt  }
0x43: {  	_ =	shalt  }
0x44: {  	_ =	shalt  }
0x45: {  	_ =	shalt  }
0x46: {  	_ =	shalt  }
0x47: {  	_ =	shalt  }
0x48: {  	_ =	shalt  }
0x49: {  	_ =	shalt  }
0x4a: {  	_ =	shalt  }
0x4b: {  	_ =	shalt  }
0x4c: {  	_ =	shalt  }
0x4d: {  	_ =	shalt  }
0x4e: {  	_ =	shalt  }
0x4f: {  	_ =	shalt  }
0x50: {  	_ =	shalt  }
0x51: {  	_ =	shalt  }
0x52: {  	_ =	shalt  }
0x53: {  	_ =	shalt  }
0x54: {  	_ =	shalt  }
0x55: {  	_ =	shalt  }
0x56: {  	_ =	shalt  }
0x57: {  	_ =	shalt  }
0x58: {  	_ =	shalt  }
0x59: {  	_ =	shalt  }
0x5a: {  	_ =	shalt  }
0x5b: {  	_ =	shalt  }
0x5c: {  	_ =	shalt  }
0x5d: {  	_ =	shalt  }
0x5e: {  	_ =	shalt  }
0x5f: {  	_ =	shalt  }
0x60: {  	_ =	shalt  }
0x61: {  	_ =	shalt  }
0x62: {  	_ =	shalt  }
0x63: {  	_ =	shalt  }
0x64: {  	_ =	shalt  }
0x65: {  	_ =	shalt  }
0x66: {  	_ =	shalt  }
0x67: {  	_ =	shalt  }
0x68: {  	_ =	shalt  }
0x69: {  	_ =	shalt  }
0x6a: {  	_ =	shalt  }
0x6b: {  	_ =	shalt  }
0x6c: {  	_ =	shalt  }
0x6d: {  	_ =	shalt  }
0x6e: {  	_ =	shalt  }
0x6f: {  	_ =	shalt  }
0x70: {  	_ =	shalt  }
0x71: {  	_ =	shalt  }
0x72: {  	_ =	shalt  }
0x73: {  	_ =	shalt  }
0x74: {  	_ =	shalt  }
0x75: {  	_ =	shalt  }
0x76: {  	_ =	shalt  }
0x77: {  	_ =	shalt  }
0x78: {  	_ =	shalt  }
0x79: {  	_ =	shalt  }
0x7a: {  	_ =	shalt  }
0x7b: {  	_ =	shalt  }
0x7c: {  	_ =	shalt  }
0x7d: {  	_ =	shalt  }
0x7e: {  	_ =	shalt  }
0x7f: {  	_ =	shalt  }
0x80: {  	_ =	shalt  }
0x81: {  	_ =	shalt  }
0x82: {  	_ =	shalt  }
0x83: {  	_ =	shalt  }
0x84: {  	_ =	shalt  }
0x85: {  	_ =	shalt  }
0x86: {  	_ =	shalt  }
0x87: {  	_ =	shalt  }
.Lfunc_end0:
.L_simem_size_0:
called_computation.6_lowered:
.L_overlay_start_0:
0x88: {  	s2 =	sld [smem:$0x3FD9]  }
0x89: {  	s3 =	sld [smem:$0x3FFE];
	_ =	sdelay $0x1  }
0x8a: {  	s1 =	srdreg.scid  }
0x8b: {  	s0 =	sand.u32 $0x1, s1  }
0x8c: {  	s17 =	sshll.u32 s0, $0xA;
	s2 =	sadd.s32 s3, s2  }
0x8d: {  	s2 =	sadd.s32 s2, s17  }
0x8e: {  	[smem:$0x3FB1] =	sst s2  }
0x8f: {  	_ = 	snop  }
0x90: {  	(tm) =	ssettm $0x1  }
0x91: {  	s18 =	sld [smem:$0x3FFB];
	_ =	sdelay $0x3  }
0x92: {  	_ =	strace s18  }
0x93: {  	s2 =	sld [smem:$0x3FFC];
	_ =	sdelay $0x3  }
0x94: {  	_ =	strace s2  }
0x95: {  	s2 =	sld [smem:$0x3FFD];
	_ =	sdelay $0x3  }
0x96: {  	_ =	strace s2  }
0x97: {  	_ =	strace $0x8FFFFFFF  }
0x98: {  	s19 =	sld [smem:$0x3FDB];
	_ =	sdelay $0x1  }
0x99: {  	s20 =	simm.s32 $_scs_section_size  }
0x9a: {  	s4 =	simm.s32 $_size__tile_overlayer_lowered;
	s5 =	simm.s32 $_tile_overlayer_lowered  }
0x9b: {  	s6 =	simm.s32 $0x1BFF;
	s21 =	sshll.u32 s5, $0x1;
	s3 =	sadd.s32 s20, s19  }
0x9c: {  	s22 =	simm.s32 $0x0;
	s4 =	sshll.u32 s4, $0x1;
	s5 =	sadd.s32 s21, s3  }
0x9d: {  	[timem:s22], [sflag:s6] =	dma.local [hbm:s5], s4  }
0x9e: {  	_ =	swait.ge [sflag:s6], s4  }
0x9f: {  	s4 =	ssub.s32 $0x0, s4;
	[sflag:s6] =	ssyncset.done $0x0  }
0xa0: {  	[sflag:s6] =	ssyncadd.s32 s4;
	_ =	sdelay $0x1  }
0xa1: {  	s23 =	simm.s32 $0x1B8B  }
0xa2: {  	_ =	swait.ge [sflag:s23], $0x1  }
0xa3: {  	[sflag:s23] =	ssyncset.done $0x0  }
0xa4: {  	[sflag:s23] =	ssyncadd.s32 $0xFFFFFFFF  }
0xa5: {  	s4 =	sld [smem:$0x0]  }
0xa6: {  	s5 =	sand.u32 $0xFFFFFFFE, s1  }
0xa7: {  	p0 =	sne.s32 s1, s5  }
0xa8: {  	s5 =	sshll.u32 @p0 s5, $0xE  }
0xa9: {  	s5 =	sadd.s32 @p0 $0x11B8D, s5;
	s6 =	sshll.u32 @p0 s4, $0x11  }
0xaa: {  	s5 =	sor.u32 @p0 s6, s5  }
0xab: {  	[sflag:s5] =	ssyncadd.remote.s32 @p0 $0x1;
	_ =	sdelay $0x1  }
0xac: {  	s5 =	simm.s32 @p0 $0x1B8D  }
0xad: {  	_ =	swait.eq @p0 [sflag:s5], $0x1  }
0xae: {  	[sflag:s5] =	ssyncadd.s32 @p0 $0xFFFFFFFF  }
0xaf: {  	s6 =	sshll.u32 @!p0 s1, $0xE  }
0xb0: {  	s6 =	sor.u32 @!p0 $0x4000, s6;
	s5 =	simm.s32 @!p0 $0x1B8D  }
0xb1: {  	s4 =	sshll.u32 @!p0 s4, $0x11;
	s6 =	sadd.s32 @!p0 $0x11B8D, s6;
	_ =	swait.eq @!p0 [sflag:s5], $0x1  }
0xb2: {  	s4 =	sor.u32 @!p0 s4, s6;
	[sflag:s5] =	ssyncadd.s32 @!p0 $0xFFFFFFFF  }
0xb3: {  	s25 =	simm.s32 $0x1B8E;
	s24 =	sld [smem:$0x3FFE];
	[sflag:s4] =	ssyncadd.remote.s32 @!p0 $0x1  }
0xb4: {  	s26 =	simm.s32 $execute0_lowered;
	[smem:$0x3FD2] =	sst s25  }
0xb5: {  	s5 =	sshll.u32 s26, $0x1;
	_ =	strace $0x80000055;
	[dreg:$0x1] =	wrdreg $0xFFFFFFFF  }
0xb6: {  	s28 =	simm.s32 $_size_execute0_lowered;
	s3 =	sadd.s32 s3, s5;
	[dreg:$0x0] =	wrdreg $0x0  }
0xb7: {  	s5 =	sshll.u32 s28, $0x1;
	[dreg:$0x2] =	wrdreg s3  }
0xb8: {  	[dreg:$0x3] =	wrdreg s5  }
0xb9: {  	[dreg:$0x4] =	wrdreg $0xC0  }
0xba: {  	_ =	task [dreg:s22], $0x5FFFF  }
0xbb: {  	[dreg:$0x1] =	wrdreg $0xFFFFFFFF  }
0xbc: {  	[dreg:$0x0] =	wrdreg $0x60  }
0xbd: {  	[dreg:$0x2] =	wrdreg s24  }
0xbe: {  	[dreg:$0x3] =	wrdreg $0x0  }
0xbf: {  	[dreg:$0x4] =	wrdreg $0xA  }
0xc0: {  	_ =	task.clear_ibuf [dreg:s22], $0x5FFFF;
	_ =	strace $0x90000055  }
0xc1: {  	s29 =	simm.s32 $0xA;
	_ =	strace $0x80000057  }
0xc2: {  	_ =	swait.ge [sflag:s29], $0x1  }
0xc3: {  	[sflag:s29] =	ssyncadd.s32 $0xFFFFFFFF  }
0xc4: {  	_ =	strace $0x90000057  }
0xc5: {  	_ =	sfence  }
0xc6: {  	s30 =	sld [smem:$0x0];
	_ =	sdelay $0x2  }
0xc7: {  	s31 =	sshll.u32 s1, $0xD;
	s1 =	sshrl.u32 s1, $0x2  }
0xc8: {  	s4 =	sand.u32 $0x4000, s31;
	s1 =	sadd.s32 s1, s30  }
0xc9: {  	s0 =	sor.u32 s4, s0;
	s1 =	sshll.u32 s1, $0x11  }
0xca: {  	s0 =	sor.u32 s1, s0  }
0xcb: {  	s0 =	sadd.s32 $0x8F2B, s0  }
0xcc: {  	[sflag:s0] =	ssyncadd.remote.s32 $0x1  }
0xcd: {  	_ =	sfence.sel $0xFFFF  }
0xce: {  	[dreg:$0x0] =	wrdreg $0xFFFFFFFF;
	(pc) =	sbr.abs _section_cstart, $3  }
0xcf: {  	[dreg:$0x1] =	wrdreg $0xFFFFFFFF  }
0xd0: {  	_ =	task.clear_ibuf [dreg:s22], $0x2FFFF;
	_ =	strace $0x9FFFFFFF  }
0xd1: {  	(tm) =	ssettm $0x7FFFFFFF  }
tec
execute0_lowered:
.L_overlay_start_1:
0x0: {  	(tag) =	ssettag $0x1  }
0x1: {  	s4 =	rddreg [dreg:$0x0]  }
0x2: {  	s1 =	rddreg [dreg:$0x1]  }
0x3: {  	s2 =	srdreg.scid;
	s0 =	rddreg [dreg:$0x2];
	s3 =	simm.s32 $0x0  }
0x4: {  	s16 =	simm.s32 $0x5;
	s17 =	simm.s32 $0x50;
	s5 =	sand.u32 $0x1, s2  }
0x5: {  	s18 =	simm.s32 $0x15480;
	s2 =	stileid.u32;
	s6 =	smul.u32 $0x1C000, s5  }
0x6: {  	s19 =	simm.s32 $0x13900;
	s20 =	simm.s32 $0x17C80;
	s7 =	smul.u32 $0x1C00, s2  }
0x7: {  	s21 =	simm.s32 $0x1;
	s22 =	simm.s32 $0x2;
	s25 =	smul.u32 $0x138800, s5  }
0x8: {  	s23 =	simm.s32 $0x3;
	s24 =	simm.s32 $0x4;
	s10 =	smul.u32 $0x14000, s2  }
0x9: {  	[smem:$0x7FF] =	sst s3;
	s8 =	sadd.s32 $0x1D000, s4;
	s12 =	smul.u32 $0x50000, s2  }
0xa: {  	s13 =	sadd.s32 $0x20D600, s4;
	s9 =	ssub.s32 $0x2, s5;
	s5 =	smul.u32 $0x7D0000, s5  }
0xb: {  	_ =	strace $0x80000056;
	s29 =	smul.u32 $0x7D000, s2;
	p0 =	seq.s32 s2, $0xF  }
0xc: {  	s11 =	sshrl.u32 s9, $0x1;
	s15 =	sshll.u32 @!p0 s2, $0x6;
	s6 =	sadd.s32 s7, s6  }
0xd: {  	s9 =	ssub.s32 s9, s11;
	s26 =	sadd.s32 s10, s25;
	s28 =	sshrl.u32 s12, $0x2  }
0xe: {  	s7 =	sshrl.u32 s25, $0x3;
	s30 =	sadd.s32 s29, s5;
	s12 =	sadd.s32 $0x12C000, s1  }
0xf: {  	s25 =	simm.s32 $0x0;
	s6 =	sshrl.u32 s6, $0x3;
	s14 =	sadd.s32 s28, s1  }
0x10: {  	s7 =	sadd.s32 s8, s7;
	s31 =	sshrl.u32 s30, $0x3;
	s11 =	sadd.s32 $0x2800, s30  }
0x11: {  	s12 =	sshrl.u32 @p0 s12, $0x3;
	s6 =	sadd.s32 s6, s4;
	s4 =	sshrl.u32 s26, $0x3  }
0x12: {  	s5 =	sadd.s32 $0x25800, s7;
	s7 =	smax.u32 s9, $0x1;
	s11 =	sshrl.u32 s11, $0x3  }
0x13: {  	s14 =	sshrl.u32 @!p0 s14, $0x3;
	s4 =	sadd.s32 s8, s4;
	s6 =	sadd.s32 $0xF000, s6  }
0x14: {  	s8 =	sadd.s32 s31, s13;
	s11 =	sadd.s32 s11, s13;
	s13 =	sor.u32 @!p0 $0x1C05, s15  }
0x15: {  	s15 =	simm.s32 $0x13880;
	s9 =	sadd.s32 $0xF000, s8;
	s10 =	sadd.s32 $0xF500, s8  }
.LBB2_1:
0x16: {  	s26 =	simm.s32 @p0 $0x1FC5  }
0x17: {  	[spmem:s12], [sflag:s26] =	dma.local @p0 [hbm:s5], $0x1900  }
0x18: {  	s26 =	simm.s32 @p0 $0x5  }
0x19: {  	_ =	swait.ge @p0 [sflag:s26], $0x1900  }
0x1a: {  	[sflag:s26] =	ssyncset.done @p0 $0x0  }
0x1b: {  	[sflag:s26] =	ssyncadd.s32 @p0 $0xFFFFE700;
	s26 =	simm.s32 @!p0 $0x5  }
0x1c: {  	[spmem:s14], [sflag:s13] =	dma.local @!p0 [hbm:s4], $0x2800  }
0x1d: {  	_ =	swait.ge @!p0 [sflag:s26], $0x2800  }
0x1e: {  	[sflag:s26] =	ssyncset.done @!p0 $0x0  }
0x1f: {  	[sflag:s26] =	ssyncadd.s32 @!p0 $0xFFFFD800  }
0x20: {  	[bflag:$0x0] =	sbarrier.arrive $0xFFFF  }
0x21: {  	[tilespmem:s15], [sflag:$0x5] =	stream.linear.gather [hbm4b:s6+s3], $0x1900, $0x38;
	[tilespmem:$0x1A480] =	vst v63  }
0x22: {  	_ =	swait.ge [sflag:s16], $0x1900  }
0x23: {  	[sflag:s16] =	ssyncset.done $0x0  }
0x24: {  	[sflag:s16] =	ssyncadd.s32 $0xFFFFE700  }
0x25: {  	[tilespmem:s18], [sflag:$0x1] =	stream.indirect.gather [spmem:s1], $0x80, s15, s17, $0xb8;
	[tilespmem:$0x1A480] =	vst v63  }
0x26: {  	_ = 	snop  }
0x27: {  	[tilespmem:s20], [sflag:$0x2] =	stream.indirect.gather [spmem:s1], $0x80, s19, s17, $0xb8;
	[tilespmem:$0x1A480] =	vst v63  }
0x28: {  	_ =	swait.ge [sflag:s21], $0x2800  }
0x29: {  	[sflag:s21] =	ssyncset.done $0x0  }
0x2a: {  	s31 =	sadd.s32 $0x0, s8;
	[sflag:s21] =	ssyncadd.s32 $0xFFFFD800  }
0x2b: {  	[hbm4b:s31+s3] =	stream.linear.scatter [tilespmem:s18], [sflag:$0x3], $0x2800, $0x38;
	[tilespmem:$0x1A480] =	vst v63  }
0x2c: {  	_ =	swait.ge [sflag:s22], $0x2800  }
0x2d: {  	[sflag:s22] =	ssyncset.done $0x0  }
0x2e: {  	s30 =	sadd.s32 $0x0, s11;
	[sflag:s22] =	ssyncadd.s32 $0xFFFFD800  }
0x2f: {  	[hbm4b:s30+s3] =	stream.linear.scatter [tilespmem:s20], [sflag:$0x4], $0x2800, $0x38;
	[tilespmem:$0x1A480] =	vst v63  }
0x30: {  	_ =	swait.ge [sflag:s23], $0x2800  }
0x31: {  	[sflag:s23] =	ssyncset.done $0x0  }
0x32: {  	s31 =	simm.s32 $0x13980;
	[sflag:s23] =	ssyncadd.s32 $0xFFFFD800  }
0x33: {  	[tilespmem:s18], [sflag:$0x1] =	stream.indirect.gather [spmem:s1], $0x80, s31, s17, $0xb8;
	[tilespmem:$0x1A480] =	vst v63  }
0x34: {  	_ =	swait.ge [sflag:s24], $0x2800  }
0x35: {  	s28 =	simm.s32 $0xA00;
	[sflag:s24] =	ssyncset.done $0x0  }
0x36: {  	s29 =	simm.s32 $0x13B00;
	s26 =	simm.s32 $0x13A00;
	[sflag:s24] =	ssyncadd.s32 $0xFFFFD800  }
.LBB2_2:
0x37: {  	[tilespmem:s20], [sflag:$0x2] =	stream.indirect.gather [spmem:s1], $0x80, s26, s17, $0xb8;
	[tilespmem:$0x1A480] =	vst v63  }
0x38: {  	s30 =	smov.u32 s28;
	s26 =	smov.u32 s29  }
0x39: {  	p1 =	sne.s32 s28, $0xE600;
	s28 =	sadd.s32 $0xA00, s28;
	_ =	swait.ge [sflag:s21], $0x2800  }
0x3a: {  	[sflag:s21] =	ssyncset.done $0x0  }
0x3b: {  	s31 =	sadd.s32 s30, s8;
	[sflag:s21] =	ssyncadd.s32 $0xFFFFD800  }
0x3c: {  	[hbm4b:s31+s3] =	stream.linear.scatter [tilespmem:s18], [sflag:$0x3], $0x2800, $0x38;
	[tilespmem:$0x1A480] =	vst v63  }
0x3d: {  	_ =	swait.ge [sflag:s22], $0x2800  }
0x3e: {  	[sflag:s22] =	ssyncset.done $0x0  }
0x3f: {  	s30 =	sadd.s32 s30, s11;
	[sflag:s22] =	ssyncadd.s32 $0xFFFFD800  }
0x40: {  	[hbm4b:s30+s3] =	stream.linear.scatter [tilespmem:s20], [sflag:$0x4], $0x2800, $0x38;
	[tilespmem:$0x1A480] =	vst v63  }
0x41: {  	_ =	swait.ge [sflag:s23], $0x2800  }
0x42: {  	[sflag:s23] =	ssyncset.done $0x0  }
.Ltmp0:
0x43: {  	s30 =	sadd.s32 $0xFFFFFF80, s29;
	[sflag:s23] =	ssyncadd.s32 $0xFFFFD800;
	(pc) =	sbr.rel @p1 .LBB2_2-.Ltmp0, $4  }
0x44: {  	[tilespmem:s18], [sflag:$0x1] =	stream.indirect.gather [spmem:s1], $0x80, s30, s17, $0xb8;
	[tilespmem:$0x1A480] =	vst v63  }
0x45: {  	_ =	swait.ge [sflag:s24], $0x2800  }
0x46: {  	[sflag:s24] =	ssyncset.done $0x0  }
0x47: {  	s29 =	sadd.s32 $0x100, s29;
	[sflag:s24] =	ssyncadd.s32 $0xFFFFD800  }
0x48: {  	[tilespmem:s20], [sflag:$0x2] =	stream.indirect.gather [spmem:s1], $0x80, s26, s17, $0xb8;
	[tilespmem:$0x1A480] =	vst v63  }
0x49: {  	_ =	swait.ge [sflag:s21], $0x2800  }
0x4a: {  	[sflag:s21] =	ssyncset.done $0x0  }
0x4b: {  	[sflag:s21] =	ssyncadd.s32 $0xFFFFD800  }
0x4c: {  	[hbm4b:s9+s3] =	stream.linear.scatter [tilespmem:s18], [sflag:$0x3], $0x2800, $0x38;
	[tilespmem:$0x1A480] =	vst v63  }
0x4d: {  	_ =	swait.ge [sflag:s22], $0x2800  }
0x4e: {  	[sflag:s22] =	ssyncset.done $0x0  }
0x4f: {  	s25 =	sadd.s32 $0x1, s25;
	[sflag:s22] =	ssyncadd.s32 $0xFFFFD800  }
0x50: {  	[hbm4b:s10+s3] =	stream.linear.scatter [tilespmem:s20], [sflag:$0x4], $0x2800, $0x38;
	[tilespmem:$0x1A480] =	vst v63  }
0x51: {  	p1 =	sne.s32 s25, s7;
	_ =	swait.ge [sflag:s23], $0x2800  }
.Ltmp1:
0x52: {  	[sflag:s23] =	ssyncset.done $0x0;
	(pc) =	sbr.rel @p1 .LBB2_1-.Ltmp1, $4  }
0x53: {  	[sflag:s23] =	ssyncadd.s32 $0xFFFFD800  }
0x54: {  	_ =	swait.ge [sflag:s24], $0x2800  }
0x55: {  	[sflag:s24] =	ssyncset.done $0x0  }
0x56: {  	[sflag:s24] =	ssyncadd.s32 $0xFFFFD800  }
0x57: {  	_ =	sfence.sel $0x180000  }
0x58: {  	[bflag:$0x0] =	sbarrier.arrive $0xFFFF  }
0x59: {  	p0 =	sne.s32 s2, $0x0;
	_ =	strace $0x90000056  }
0x5a: {  	s0 =	sadd.s32 @!p0 $0x100000, s0;
	[bflag:$0x2] =	sbarrier.arrive $0xFFFF  }
0x5b: {  	[sflag:s0] =	ssyncadd.tile.s32 @!p0 $0x1;
	_ =	shalt  }
.Lfunc_end2:
_tile_overlayer_lowered:
.L_overlay_start_2:
0x5c: {  	(tag) =	ssettag $0x2  }
0x5d: {  	s0 =	rddreg [dreg:$0x0];
	s2 =	stileid.u32  }
0x5e: {  	s1 =	rddreg [dreg:$0x1];
	p0 =	sne.s32 s2, $0x0  }
0x5f: {  	s3 =	rddreg [dreg:$0x2];
	[bflag:$0x3] =	sbarrier.arrive $0xFFFF;
	s2 =	simm.s32 @!p0 $0x1C05  }
0x60: {  	[timem:s3], [sflag:s2] =	dma.local @!p0 [hbm:s0], s1  }
0x61: {  	s0 =	simm.s32 @!p0 $0x5  }
0x62: {  	_ =	swait.ge @!p0 [sflag:s0], s1  }
0x63: {  	s1 =	ssub.s32 @!p0 $0x0, s1;
	[sflag:s0] =	ssyncset.done @!p0 $0x0  }
0x64: {  	[sflag:s0] =	ssyncadd.s32 @!p0 s1  }
0x65: {  	[bflag:$0x3] =	sbarrier.arrive $0xFFFF  }
0x66: {  	_ =	shalt  }

// kernel: kernel.41.cloned.1.call-start
scs
__scs_entry_jumppad:
0x0: {  	(pc) =	sbr.rel $0x88, $3  }
0x1: {  	(tag) =	ssettag $0x0;
	lr =	simm.s32 $0x1  }
0x2: {  	[smem:$0x3F8A] =	sst lr;
	_ =	strace $0xD0000000  }
0x3: {  	_ = 	snop  }
0x4: {  	_ = 	snop  }
0x5: {  	_ = 	snop  }
0x6: {  	_ = 	snop  }
0x7: {  	_ = 	snop  }
__scs_overlays_trampoline_lowered:
0x8: {  	[smem:$0x3F99] =	sst s0  }
0x9: {  	[smem:$0x3F9A] =	sst s1  }
0xa: {  	[smem:$0x3F9B] =	sst s2  }
0xb: {  	[smem:$0x3F9C] =	sst s3  }
0xc: {  	[smem:$0x3F9D] =	sst s4  }
0xd: {  	[smem:$0x3F9E] =	sst s5  }
0xe: {  	[smem:$0x3F9F] =	sst s6  }
0xf: {  	[smem:$0x3FA0] =	sst s7  }
0x10: {  	[smem:$0x3FA1] =	sst s8  }
0x11: {  	[smem:$0x3FA2] =	sst s9;
	s0 =	simm.s32 @!p0 $0x0  }
0x12: {  	s1 =	sld [smem:$0x3F88];
	s0 =	simm.s32 @p0 $0x1  }
0x13: {  	[smem:$0x3FA3] =	sst s0;
	s0 =	simm.s32 @!p1 $0x0  }
0x14: {  	s2 =	sld [smem:$0x3F87];
	s0 =	simm.s32 @p1 $0x1  }
0x15: {  	[smem:$0x3FA4] =	sst s0;
	s0 =	simm.s32 @!p2 $0x0  }
0x16: {  	s3 =	sld [smem:$0x3FDB];
	s0 =	simm.s32 @p2 $0x1  }
0x17: {  	s4 =	simm.s32 $0x1BF5;
	[smem:$0x3FA6] =	sst s0  }
0x18: {  	s0 =	sld [smem:$0x3F89];
	_ =	swait.ge [sflag:s4], $0x0  }
0x19: {  	s7 =	sld [smem:$0x3F8A]  }
0x1a: {  	s8 =	sadd.s32 $0xFFFFE003, lr  }
0x1b: {  	s9 =	sadd.s32 $0xFFFFFEF7, lr;
	s5 =	simm.s32 $0xFFFFFFFF;
	p2 =	slt.u32 s8, $0xFFFFF086  }
0x1c: {  	p1 =	slt.u32 s9, $0xF7A;
	s5 =	simm.s32 @!p2 $0x0  }
0x1d: {  	s5 =	simm.s32 @p1 $0x1;
	p0 =	seq.s32 s7, s2  }
0x1e: {  	s7 =	smul.u32 @!p0 $0xF7A, s2;
	p2 =	seq.s32 @!p0 s5, $0x0  }
0x1f: {  	s9 =	smul.u32 $0xF7A, s1;
	s8 =	simm.s32 @!p0 $0x1BF5;
	p2 =	por !p2, p0  }
0x20: {  	[sflag:s8] =	ssyncset.s32 @!p0 $0xFFFFF086;
	s6 =	sadd.s32 @!p0 s3, s7;
	s7 =	simm.s32 @!p0 $0x108  }
0x21: {  	s3 =	sadd.s32 s3, s9;
	s6 =	sadd.s32 @!p0 $0x88, s6;
	s7 =	simm.s32 @p2 $0x1082  }
0x22: {  	[simem:s7], [sflag:s8] =	dma.local @!p0 [hbm:s6], $0xF7A  }
0x23: {  	s9 =	sor.u32 $0xD0000000, s2;
	s6 =	simm.s32 $0x108;
	_ =	swait.ge @!p0 [sflag:s8], $0x0  }
0x24: {  	s3 =	sadd.s32 $0x88, s3;
	s6 =	simm.s32 @!p1 $0x1082;
	[sflag:s4] =	ssyncset.s32 $0xFFFFF086  }
0x25: {  	[simem:s6], [sflag:s4] =	dma.local [hbm:s3], $0xF7A  }
0x26: {  	[smem:$0x3F8A] =	sst s1;
	(tag) =	ssettag s2;
	_ =	strace s9  }
0x27: {  	s1 =	sld [smem:$0x3F9A]  }
0x28: {  	s2 =	sld [smem:$0x3F9B]  }
0x29: {  	s4 =	sld [smem:$0x3F9D]  }
0x2a: {  	p0 =	seq.s32 s5, $0x0;
	s5 =	sld [smem:$0x3F9E]  }
0x2b: {  	s6 =	sld [smem:$0x3F9F]  }
0x2c: {  	s7 =	sld [smem:$0x3FA0]  }
0x2d: {  	s3 =	simm.s32 $0x108;
	s8 =	sld [smem:$0x3FA1]  }
0x2e: {  	s3 =	simm.s32 @!p0 $0x1082;
	s9 =	sld [smem:$0x3FA2]  }
0x2f: {  	lr =	sadd.s32 s0, s3;
	s0 =	sld [smem:$0x3F99]  }
0x30: {  	s3 =	sld [smem:$0x3F9C]  }
0x31: {  	[smem:$0x3FA5] =	sst s10  }
0x32: {  	s10 =	sld [smem:$0x3FA3];
	_ =	sdelay $0x3  }
0x33: {  	p0 =	seq.s32 s10, $0x1;
	s10 =	sld [smem:$0x3FA5];
	_ =	sdelay $0x3  }
0x34: {  	[smem:$0x3FA5] =	sst s10  }
0x35: {  	s10 =	sld [smem:$0x3FA4];
	_ =	sdelay $0x3  }
0x36: {  	p1 =	seq.s32 s10, $0x1;
	s10 =	sld [smem:$0x3FA5];
	_ =	sdelay $0x3  }
0x37: {  	[smem:$0x3FA5] =	sst s10  }
0x38: {  	s10 =	sld [smem:$0x3FA6]  }
0x39: {  	_ = 	snop;
	(pc) =	sbr.ind lr, $3  }
0x3a: {  	_ = 	snop  }
0x3b: {  	_ = 	snop  }
0x3c: {  	p2 =	seq.s32 s10, $0x1;
	s10 =	sld [smem:$0x3FA5]  }
0x3d: {  	_ =	shalt  }
0x3e: {  	_ =	shalt  }
0x3f: {  	_ =	shalt  }
0x40: {  	_ =	shalt  }
0x41: {  	_ =	shalt  }
0x42: {  	_ =	shalt  }
0x43: {  	_ =	shalt  }
0x44: {  	_ =	shalt  }
0x45: {  	_ =	shalt  }
0x46: {  	_ =	shalt  }
0x47: {  	_ =	shalt  }
0x48: {  	_ =	shalt  }
0x49: {  	_ =	shalt  }
0x4a: {  	_ =	shalt  }
0x4b: {  	_ =	shalt  }
0x4c: {  	_ =	shalt  }
0x4d: {  	_ =	shalt  }
0x4e: {  	_ =	shalt  }
0x4f: {  	_ =	shalt  }
0x50: {  	_ =	shalt  }
0x51: {  	_ =	shalt  }
0x52: {  	_ =	shalt  }
0x53: {  	_ =	shalt  }
0x54: {  	_ =	shalt  }
0x55: {  	_ =	shalt  }
0x56: {  	_ =	shalt  }
0x57: {  	_ =	shalt  }
0x58: {  	_ =	shalt  }
0x59: {  	_ =	shalt  }
0x5a: {  	_ =	shalt  }
0x5b: {  	_ =	shalt  }
0x5c: {  	_ =	shalt  }
0x5d: {  	_ =	shalt  }
0x5e: {  	_ =	shalt  }
0x5f: {  	_ =	shalt  }
0x60: {  	_ =	shalt  }
0x61: {  	_ =	shalt  }
0x62: {  	_ =	shalt  }
0x63: {  	_ =	shalt  }
0x64: {  	_ =	shalt  }
0x65: {  	_ =	shalt  }
0x66: {  	_ =	shalt  }
0x67: {  	_ =	shalt  }
0x68: {  	_ =	shalt  }
0x69: {  	_ =	shalt  }
0x6a: {  	_ =	shalt  }
0x6b: {  	_ =	shalt  }
0x6c: {  	_ =	shalt  }
0x6d: {  	_ =	shalt  }
0x6e: {  	_ =	shalt  }
0x6f: {  	_ =	shalt  }
0x70: {  	_ =	shalt  }
0x71: {  	_ =	shalt  }
0x72: {  	_ =	shalt  }
0x73: {  	_ =	shalt  }
0x74: {  	_ =	shalt  }
0x75: {  	_ =	shalt  }
0x76: {  	_ =	shalt  }
0x77: {  	_ =	shalt  }
0x78: {  	_ =	shalt  }
0x79: {  	_ =	shalt  }
0x7a: {  	_ =	shalt  }
0x7b: {  	_ =	shalt  }
0x7c: {  	_ =	shalt  }
0x7d: {  	_ =	shalt  }
0x7e: {  	_ =	shalt  }
0x7f: {  	_ =	shalt  }
0x80: {  	_ =	shalt  }
0x81: {  	_ =	shalt  }
0x82: {  	_ =	shalt  }
0x83: {  	_ =	shalt  }
0x84: {  	_ =	shalt  }
0x85: {  	_ =	shalt  }
0x86: {  	_ =	shalt  }
0x87: {  	_ =	shalt  }
.Lfunc_end0:
.L_simem_size_0:
called_computation.7_lowered:
.L_overlay_start_0:
0x88: {  	s2 =	sld [smem:$0x3FD9]  }
0x89: {  	s3 =	sld [smem:$0x3FFE];
	_ =	sdelay $0x1  }
0x8a: {  	s1 =	srdreg.scid  }
0x8b: {  	s0 =	sand.u32 $0x1, s1  }
0x8c: {  	s17 =	sshll.u32 s0, $0xA;
	s2 =	sadd.s32 s3, s2  }
0x8d: {  	s2 =	sadd.s32 s2, s17  }
0x8e: {  	[smem:$0x3FB1] =	sst s2  }
0x8f: {  	_ = 	snop  }
0x90: {  	(tm) =	ssettm $0x1  }
0x91: {  	s18 =	sld [smem:$0x3FFB];
	_ =	sdelay $0x3  }
0x92: {  	_ =	strace s18  }
0x93: {  	s2 =	sld [smem:$0x3FFC];
	_ =	sdelay $0x3  }
0x94: {  	_ =	strace s2  }
0x95: {  	s2 =	sld [smem:$0x3FFD];
	_ =	sdelay $0x3  }
0x96: {  	_ =	strace s2  }
0x97: {  	_ =	strace $0x8FFFFFFF  }
0x98: {  	s19 =	sld [smem:$0x3FDB];
	_ =	sdelay $0x1  }
0x99: {  	s20 =	simm.s32 $_scs_section_size  }
0x9a: {  	s4 =	simm.s32 $_size__tile_overlayer_lowered;
	s5 =	simm.s32 $_tile_overlayer_lowered  }
0x9b: {  	s6 =	simm.s32 $0x1BFF;
	s21 =	sshll.u32 s5, $0x1;
	s3 =	sadd.s32 s20, s19  }
0x9c: {  	s22 =	simm.s32 $0x0;
	s4 =	sshll.u32 s4, $0x1;
	s5 =	sadd.s32 s21, s3  }
0x9d: {  	[timem:s22], [sflag:s6] =	dma.local [hbm:s5], s4  }
0x9e: {  	_ =	swait.ge [sflag:s6], s4  }
0x9f: {  	s4 =	ssub.s32 $0x0, s4;
	[sflag:s6] =	ssyncset.done $0x0  }
0xa0: {  	[sflag:s6] =	ssyncadd.s32 s4;
	_ =	sdelay $0x1  }
0xa1: {  	s23 =	simm.s32 $0x1B8B  }
0xa2: {  	_ =	swait.ge [sflag:s23], $0x1  }
0xa3: {  	[sflag:s23] =	ssyncset.done $0x0  }
0xa4: {  	[sflag:s23] =	ssyncadd.s32 $0xFFFFFFFF  }
0xa5: {  	s4 =	sld [smem:$0x0]  }
0xa6: {  	s5 =	sand.u32 $0xFFFFFFFE, s1  }
0xa7: {  	p0 =	sne.s32 s1, s5  }
0xa8: {  	s5 =	sshll.u32 @p0 s5, $0xE  }
0xa9: {  	s5 =	sadd.s32 @p0 $0x11B8D, s5;
	s6 =	sshll.u32 @p0 s4, $0x11  }
0xaa: {  	s5 =	sor.u32 @p0 s6, s5  }
0xab: {  	[sflag:s5] =	ssyncadd.remote.s32 @p0 $0x1;
	_ =	sdelay $0x1  }
0xac: {  	s5 =	simm.s32 @p0 $0x1B8D  }
0xad: {  	_ =	swait.eq @p0 [sflag:s5], $0x1  }
0xae: {  	[sflag:s5] =	ssyncadd.s32 @p0 $0xFFFFFFFF  }
0xaf: {  	s6 =	sshll.u32 @!p0 s1, $0xE  }
0xb0: {  	s6 =	sor.u32 @!p0 $0x4000, s6;
	s5 =	simm.s32 @!p0 $0x1B8D  }
0xb1: {  	s4 =	sshll.u32 @!p0 s4, $0x11;
	s6 =	sadd.s32 @!p0 $0x11B8D, s6;
	_ =	swait.eq @!p0 [sflag:s5], $0x1  }
0xb2: {  	s4 =	sor.u32 @!p0 s4, s6;
	[sflag:s5] =	ssyncadd.s32 @!p0 $0xFFFFFFFF  }
0xb3: {  	s25 =	simm.s32 $0x1B8E;
	s24 =	sld [smem:$0x3FFE];
	[sflag:s4] =	ssyncadd.remote.s32 @!p0 $0x1  }
0xb4: {  	s26 =	simm.s32 $execute0_lowered;
	[smem:$0x3FD2] =	sst s25  }
0xb5: {  	s5 =	sshll.u32 s26, $0x1;
	_ =	strace $0x8000005E;
	[dreg:$0x1] =	wrdreg $0xFFFFFFFF  }
0xb6: {  	s28 =	simm.s32 $_size_execute0_lowered;
	s3 =	sadd.s32 s3, s5;
	[dreg:$0x0] =	wrdreg $0x0  }
0xb7: {  	s5 =	sshll.u32 s28, $0x1;
	[dreg:$0x2] =	wrdreg s3  }
0xb8: {  	[dreg:$0x3] =	wrdreg s5  }
0xb9: {  	[dreg:$0x4] =	wrdreg $0xC0  }
0xba: {  	_ =	task [dreg:s22], $0x5FFFF  }
0xbb: {  	[dreg:$0x1] =	wrdreg $0xFFFFFFFF  }
0xbc: {  	[dreg:$0x0] =	wrdreg $0x60  }
0xbd: {  	[dreg:$0x2] =	wrdreg s24  }
0xbe: {  	[dreg:$0x3] =	wrdreg $0x60000  }
0xbf: {  	[dreg:$0x4] =	wrdreg $0xA  }
0xc0: {  	_ =	task.clear_ibuf [dreg:s22], $0x5FFFF;
	_ =	strace $0x9000005E  }
0xc1: {  	s29 =	simm.s32 $0xA;
	_ =	strace $0x80000060  }
0xc2: {  	_ =	swait.ge [sflag:s29], $0x1  }
0xc3: {  	[sflag:s29] =	ssyncadd.s32 $0xFFFFFFFF  }
0xc4: {  	_ =	strace $0x90000060  }
0xc5: {  	_ =	sfence  }
0xc6: {  	s30 =	sld [smem:$0x0];
	_ =	sdelay $0x2  }
0xc7: {  	s31 =	sshll.u32 s1, $0xD;
	s1 =	sshrl.u32 s1, $0x2  }
0xc8: {  	s4 =	sand.u32 $0x4000, s31;
	s1 =	sadd.s32 s1, s30  }
0xc9: {  	s0 =	sor.u32 s4, s0;
	s1 =	sshll.u32 s1, $0x11  }
0xca: {  	s0 =	sor.u32 s1, s0  }
0xcb: {  	s0 =	sadd.s32 $0x8F2B, s0  }
0xcc: {  	[sflag:s0] =	ssyncadd.remote.s32 $0x1  }
0xcd: {  	_ =	sfence.sel $0xFFFF  }
0xce: {  	[dreg:$0x0] =	wrdreg $0xFFFFFFFF;
	(pc) =	sbr.abs _section_cstart, $3  }
0xcf: {  	[dreg:$0x1] =	wrdreg $0xFFFFFFFF  }
0xd0: {  	_ =	task.clear_ibuf [dreg:s22], $0x2FFFF;
	_ =	strace $0x9FFFFFFF  }
0xd1: {  	(tm) =	ssettm $0x7FFFFFFF  }
tec
execute0_lowered:
.L_overlay_start_1:
0x0: {  	(tag) =	ssettag $0x1  }
0x1: {  	s4 =	rddreg [dreg:$0x0]  }
0x2: {  	s1 =	rddreg [dreg:$0x1]  }
0x3: {  	s2 =	simm.s32 $0x0;
	s5 =	srdreg.scid;
	s3 =	stileid.u32  }
0x4: {  	s18 =	simm.s32 $0x1000;
	s19 =	simm.s32 $0x4;
	s25 =	smul.u32 $0x14000, s3  }
0x5: {  	s20 =	simm.s32 $0x1;
	s21 =	simm.s32 $0x3;
	s29 =	smul.u32 $0x50000, s3  }
0x6: {  	[smem:$0x7FF] =	sst s2;
	s10 =	sand.u32 $0x1, s5;
	s16 =	smul.u32 $0xFA00, s3  }
0x7: {  	s22 =	sshll.u32 s3, $0x1;
	s11 =	sadd.s32 $0x113600, s4;
	s6 =	smul.u32 $0x27100, s10  }
0x8: {  	s14 =	sadd.s32 $0x6B200, s4;
	p0 =	sne.s32 s3, $0x0;
	s13 =	smul.u32 $0x138800, s10  }
0x9: {  	p1 =	seq.s32 s3, $0xF;
	s5 =	sor.u32 s10, s22;
	s17 =	smul.u32 $0x7D00, s10  }
0xa: {  	_ =	strace $0x8000005F;
	s9 =	ssub.s32 $0x2, s10;
	s8 =	smul.u32 $0x7D00, s5  }
0xb: {  	s22 =	simm.s32 $0xB80;
	s7 =	sshll.u32 s5, $0x9;
	s12 =	smul.u32 $0x3E800, s5  }
0xc: {  	s24 =	sshrl.u32 s9, $0x1;
	s7 =	sadd.s32 s7, s4;
	s23 =	sadd.s32 s6, s4  }
0xd: {  	s15 =	ssub.s32 s9, s24;
	s9 =	sadd.s32 s25, s13;
	s13 =	sshrl.u32 s13, $0x3  }
0xe: {  	s24 =	sadd.s32 $0x12C000, s1;
	s4 =	sadd.s32 $0xB9400, s23;
	s5 =	sadd.s32 $0x10B600, s7  }
0xf: {  	s26 =	sshrl.u32 s12, $0x3;
	s6 =	sadd.s32 s11, s8;
	s9 =	sshrl.u32 s9, $0x3  }
0x10: {  	s12 =	sshrl.u32 s29, $0x2;
	s30 =	sadd.s32 s14, s13;
	s13 =	sshrl.u32 @!p0 s1, $0x3  }
0x11: {  	s23 =	simm.s32 $0xC00;
	s24 =	sshrl.u32 @p1 s24, $0x3;
	s28 =	sadd.s32 s11, s26  }
0x12: {  	s9 =	sadd.s32 s14, s9;
	s25 =	sadd.s32 s12, s1;
	s11 =	sadd.s32 s16, s11  }
0x13: {  	s10 =	sadd.s32 $0x25800, s30;
	s14 =	simm.s32 $0x5;
	s16 =	simm.s32 $0x2  }
0x14: {  	s26 =	simm.s32 $0x0;
	s7 =	sadd.s32 $0x500, s28;
	s8 =	sadd.s32 $0xA00, s28  }
0x15: {  	s31 =	sadd.s32 s17, s11;
	s11 =	smax.u32 s15, $0x1;
	s15 =	simm.s32 $0x3800  }
0x16: {  	s17 =	simm.s32 $0x50;
	s25 =	sshrl.u32 @!p1 s25, $0x3;
	s12 =	sadd.s32 $0x1400, s31  }
.LBB2_1:
0x17: {  	s28 =	simm.s32 @!p0 $0x1C05  }
0x18: {  	[spmem:s13], [sflag:s28] =	dma.local @!p0 [hbm:s4], $0x27100  }
0x19: {  	s28 =	simm.s32 @!p0 $0x5  }
0x1a: {  	_ =	swait.ge @!p0 [sflag:s28], $0x27100  }
0x1b: {  	[sflag:s28] =	ssyncset.done @!p0 $0x0  }
0x1c: {  	[sflag:s28] =	ssyncadd.s32 @!p0 $0xFFFD8F00  }
0x1d: {  	[bflag:$0x0] =	sbarrier.arrive $0xFFFF  }
0x1e: {  	[tilespmem:s2], [sflag:$0x5] =	stream.linear.gather [hbm4b:s5+s2], $0xC80, $0x38;
	[tilespmem:$0x19880] =	vst v63  }
0x1f: {  	_ =	swait.ge [sflag:s14], $0xC80  }
0x20: {  	[sflag:s14] =	ssyncset.done $0x0  }
0x21: {  	[sflag:s14] =	ssyncadd.s32 $0xFFFFF380  }
0x22: {  	[tilespmem:s15], [sflag:$0x2] =	stream.linear.gather [hbm4b:s6+s2], $0x2800, $0x38;
	[tilespmem:$0x19880] =	vst v63  }
0x23: {  	_ =	swait.ge [sflag:s16], $0x2800  }
0x24: {  	[sflag:s16] =	ssyncset.done $0x0  }
0x25: {  	[sflag:s16] =	ssyncadd.s32 $0xFFFFD800  }
0x26: {  	[spmem:s1] =	stream.indirect.scatter.add.f32 [tilespmem:s15], [sflag:$0x4], $0x80, s2, s17, $0xb8;
	[tilespmem:$0x19880] =	vst v63  }
0x27: {  	_ = 	snop  }
0x28: {  	[tilespmem:s18], [sflag:$0x1] =	stream.linear.gather [hbm4b:s7+s2], $0x2800, $0x38;
	[tilespmem:$0x19880] =	vst v63  }
0x29: {  	_ =	swait.ge [sflag:s19], $0x2800  }
0x2a: {  	[sflag:s19] =	ssyncset.done $0x0  }
0x2b: {  	[sflag:s19] =	ssyncadd.s32 $0xFFFFD800  }
0x2c: {  	[tilespmem:s15], [sflag:$0x2] =	stream.linear.gather [hbm4b:s8+s2], $0x2800, $0x38;
	[tilespmem:$0x19880] =	vst v63  }
0x2d: {  	_ =	swait.ge [sflag:s20], $0x2800  }
0x2e: {  	[sflag:s20] =	ssyncset.done $0x0  }
0x2f: {  	s28 =	simm.s32 $0x80;
	[sflag:s20] =	ssyncadd.s32 $0xFFFFD800  }
0x30: {  	[spmem:s1] =	stream.indirect.scatter.add.f32 [tilespmem:s18], [sflag:$0x3], $0x80, s28, s17, $0xb8;
	[tilespmem:$0x19880] =	vst v63  }
0x31: {  	_ =	swait.ge [sflag:s16], $0x2800  }
0x32: {  	[sflag:s16] =	ssyncset.done $0x0  }
0x33: {  	s28 =	simm.s32 $0x100;
	[sflag:s16] =	ssyncadd.s32 $0xFFFFD800  }
0x34: {  	[spmem:s1] =	stream.indirect.scatter.add.f32 [tilespmem:s15], [sflag:$0x4], $0x80, s28, s17, $0xb8;
	[tilespmem:$0x19880] =	vst v63  }
0x35: {  	_ =	swait.ge [sflag:s21], $0x2800  }
0x36: {  	[sflag:s21] =	ssyncset.done $0x0  }
0x37: {  	s28 =	sadd.s32 $0xFFFFFB00, s12;
	[sflag:s21] =	ssyncadd.s32 $0xFFFFD800  }
0x38: {  	[tilespmem:s18], [sflag:$0x1] =	stream.linear.gather [hbm4b:s28+s2], $0x2800, $0x38;
	[tilespmem:$0x19880] =	vst v63  }
0x39: {  	_ =	swait.ge [sflag:s19], $0x2800  }
0x3a: {  	s29 =	sadd.s32 $0xA00, s12;
	[sflag:s19] =	ssyncset.done $0x0  }
0x3b: {  	s30 =	smov.u32 s12;
	s28 =	simm.s32 $0x400;
	[sflag:s19] =	ssyncadd.s32 $0xFFFFD800  }
.LBB2_2:
0x3c: {  	[tilespmem:s15], [sflag:$0x2] =	stream.linear.gather [hbm4b:s30+s2], $0x2800, $0x38;
	[tilespmem:$0x19880] =	vst v63  }
0x3d: {  	s31 =	smov.u32 s28;
	s30 =	smov.u32 s29  }
0x3e: {  	p2 =	sne.s32 s28, $0x2800;
	s28 =	sadd.s32 $0x400, s28;
	_ =	swait.ge [sflag:s20], $0x2800  }
0x3f: {  	s31 =	sshra.s32 s31, $0x2;
	[sflag:s20] =	ssyncset.done $0x0  }
0x40: {  	s0 =	sadd.s32 $0x80, s31;
	[sflag:s20] =	ssyncadd.s32 $0xFFFFD800  }
0x41: {  	[spmem:s1] =	stream.indirect.scatter.add.f32 [tilespmem:s18], [sflag:$0x3], $0x80, s0, s17, $0xb8;
	[tilespmem:$0x19880] =	vst v63  }
0x42: {  	_ =	swait.ge [sflag:s16], $0x2800  }
0x43: {  	[sflag:s16] =	ssyncset.done $0x0  }
0x44: {  	s0 =	sadd.s32 $0x100, s31;
	[sflag:s16] =	ssyncadd.s32 $0xFFFFD800  }
0x45: {  	[spmem:s1] =	stream.indirect.scatter.add.f32 [tilespmem:s15], [sflag:$0x4], $0x80, s0, s17, $0xb8;
	[tilespmem:$0x19880] =	vst v63  }
0x46: {  	_ =	swait.ge [sflag:s21], $0x2800  }
0x47: {  	[sflag:s21] =	ssyncset.done $0x0  }
.Ltmp0:
0x48: {  	s0 =	sadd.s32 $0xFFFFFB00, s29;
	[sflag:s21] =	ssyncadd.s32 $0xFFFFD800;
	(pc) =	sbr.rel @p2 .LBB2_2-.Ltmp0, $4  }
0x49: {  	[tilespmem:s18], [sflag:$0x1] =	stream.linear.gather [hbm4b:s0+s2], $0x2800, $0x38;
	[tilespmem:$0x19880] =	vst v63  }
0x4a: {  	_ =	swait.ge [sflag:s19], $0x2800  }
0x4b: {  	[sflag:s19] =	ssyncset.done $0x0  }
0x4c: {  	s29 =	sadd.s32 $0xA00, s29;
	[sflag:s19] =	ssyncadd.s32 $0xFFFFD800  }
0x4d: {  	[tilespmem:s15], [sflag:$0x2] =	stream.linear.gather [hbm4b:s30+s2], $0x2800, $0x38;
	[tilespmem:$0x19880] =	vst v63  }
0x4e: {  	_ =	swait.ge [sflag:s20], $0x2800  }
0x4f: {  	[sflag:s20] =	ssyncset.done $0x0  }
0x50: {  	[sflag:s20] =	ssyncadd.s32 $0xFFFFD800  }
0x51: {  	[spmem:s1] =	stream.indirect.scatter.add.f32 [tilespmem:s18], [sflag:$0x3], $0x80, s22, s17, $0xb8;
	[tilespmem:$0x19880] =	vst v63  }
0x52: {  	_ =	swait.ge [sflag:s16], $0x2800  }
0x53: {  	[sflag:s16] =	ssyncset.done $0x0  }
0x54: {  	[sflag:s16] =	ssyncadd.s32 $0xFFFFD800  }
0x55: {  	[spmem:s1] =	stream.indirect.scatter.add.f32 [tilespmem:s15], [sflag:$0x4], $0x80, s23, s17, $0xb8;
	[tilespmem:$0x19880] =	vst v63  }
0x56: {  	_ =	swait.ge [sflag:s21], $0x2800  }
0x57: {  	[sflag:s21] =	ssyncset.done $0x0  }
0x58: {  	[sflag:s21] =	ssyncadd.s32 $0xFFFFD800  }
0x59: {  	_ =	swait.ge [sflag:s19], $0x2800  }
0x5a: {  	[sflag:s19] =	ssyncset.done $0x0  }
0x5b: {  	[sflag:s19] =	ssyncadd.s32 $0xFFFFD800  }
0x5c: {  	s0 =	simm.s32 @p1 $0x1FC5;
	[bflag:$0x0] =	sbarrier.arrive $0xFFFF  }
0x5d: {  	[hbm:s10], [sflag:s0] =	dma.local @p1 [spmem:s24], $0x1900  }
0x5e: {  	s0 =	simm.s32 @p1 $0x5  }
0x5f: {  	_ =	swait.ge @p1 [sflag:s0], $0x1900  }
0x60: {  	s28 =	sshll.u32 @!p1 s3, $0x6;
	s26 =	sadd.s32 $0x1, s26;
	[sflag:s0] =	ssyncset.done @p1 $0x0  }
0x61: {  	p2 =	sne.s32 s26, s11;
	[sflag:s0] =	ssyncadd.s32 @p1 $0xFFFFE700;
	s0 =	sor.u32 @!p1 $0x1C05, s28  }
0x62: {  	[hbm:s9], [sflag:s0] =	dma.local @!p1 [spmem:s25], $0x2800  }
.Ltmp1:
0x63: {  	_ = 	snop;
	(pc) =	sbr.rel @p2 .LBB2_1-.Ltmp1, $4  }
0x64: {  	s0 =	simm.s32 @!p1 $0x5  }
0x65: {  	_ =	swait.ge @!p1 [sflag:s0], $0x2800  }
0x66: {  	[sflag:s0] =	ssyncset.done @!p1 $0x0  }
0x67: {  	[sflag:s0] =	ssyncadd.s32 @!p1 $0xFFFFD800  }
0x68: {  	_ =	sfence.sel $0x180000  }
0x69: {  	[bflag:$0x0] =	sbarrier.arrive $0xFFFF  }
0x6a: {  	_ =	strace $0x9000005F  }
0x6b: {  	[bflag:$0x2] =	sbarrier.arrive $0xFFFF  }
0x6c: {  	s0 =	rddreg [dreg:$0x2]  }
0x6d: {  	s0 =	sadd.s32 @!p0 $0x100000, s0  }
0x6e: {  	[sflag:s0] =	ssyncadd.tile.s32 @!p0 $0x1;
	_ =	shalt  }
.Lfunc_end2:
_tile_overlayer_lowered:
.L_overlay_start_2:
0x6f: {  	(tag) =	ssettag $0x2  }
0x70: {  	s0 =	rddreg [dreg:$0x0];
	s2 =	stileid.u32  }
0x71: {  	s1 =	rddreg [dreg:$0x1];
	p0 =	sne.s32 s2, $0x0  }
0x72: {  	s3 =	rddreg [dreg:$0x2];
	[bflag:$0x3] =	sbarrier.arrive $0xFFFF;
	s2 =	simm.s32 @!p0 $0x1C05  }
0x73: {  	[timem:s3], [sflag:s2] =	dma.local @!p0 [hbm:s0], s1  }
0x74: {  	s0 =	simm.s32 @!p0 $0x5  }
0x75: {  	_ =	swait.ge @!p0 [sflag:s0], s1  }
0x76: {  	s1 =	ssub.s32 @!p0 $0x0, s1;
	[sflag:s0] =	ssyncset.done @!p0 $0x0  }
0x77: {  	[sflag:s0] =	ssyncadd.s32 @!p0 s1  }
0x78: {  	[bflag:$0x3] =	sbarrier.arrive $0xFFFF  }
0x79: {  	_ =	shalt  }

// kernel: kernel.44.cloned.1.call-start
scs
__scs_entry_jumppad:
0x0: {  	(pc) =	sbr.rel $0x88, $3  }
0x1: {  	(tag) =	ssettag $0x0;
	lr =	simm.s32 $0x1  }
0x2: {  	[smem:$0x3F8A] =	sst lr;
	_ =	strace $0xD0000000  }
0x3: {  	_ = 	snop  }
0x4: {  	_ = 	snop  }
0x5: {  	_ = 	snop  }
0x6: {  	_ = 	snop  }
0x7: {  	_ = 	snop  }
__scs_overlays_trampoline_lowered:
0x8: {  	[smem:$0x3F99] =	sst s0  }
0x9: {  	[smem:$0x3F9A] =	sst s1  }
0xa: {  	[smem:$0x3F9B] =	sst s2  }
0xb: {  	[smem:$0x3F9C] =	sst s3  }
0xc: {  	[smem:$0x3F9D] =	sst s4  }
0xd: {  	[smem:$0x3F9E] =	sst s5  }
0xe: {  	[smem:$0x3F9F] =	sst s6  }
0xf: {  	[smem:$0x3FA0] =	sst s7  }
0x10: {  	[smem:$0x3FA1] =	sst s8  }
0x11: {  	[smem:$0x3FA2] =	sst s9;
	s0 =	simm.s32 @!p0 $0x0  }
0x12: {  	s1 =	sld [smem:$0x3F88];
	s0 =	simm.s32 @p0 $0x1  }
0x13: {  	[smem:$0x3FA3] =	sst s0;
	s0 =	simm.s32 @!p1 $0x0  }
0x14: {  	s2 =	sld [smem:$0x3F87];
	s0 =	simm.s32 @p1 $0x1  }
0x15: {  	[smem:$0x3FA4] =	sst s0;
	s0 =	simm.s32 @!p2 $0x0  }
0x16: {  	s3 =	sld [smem:$0x3FDB];
	s0 =	simm.s32 @p2 $0x1  }
0x17: {  	s4 =	simm.s32 $0x1BF5;
	[smem:$0x3FA6] =	sst s0  }
0x18: {  	s0 =	sld [smem:$0x3F89];
	_ =	swait.ge [sflag:s4], $0x0  }
0x19: {  	s7 =	sld [smem:$0x3F8A]  }
0x1a: {  	s8 =	sadd.s32 $0xFFFFE003, lr  }
0x1b: {  	s9 =	sadd.s32 $0xFFFFFEF7, lr;
	s5 =	simm.s32 $0xFFFFFFFF;
	p2 =	slt.u32 s8, $0xFFFFF086  }
0x1c: {  	p1 =	slt.u32 s9, $0xF7A;
	s5 =	simm.s32 @!p2 $0x0  }
0x1d: {  	s5 =	simm.s32 @p1 $0x1;
	p0 =	seq.s32 s7, s2  }
0x1e: {  	s7 =	smul.u32 @!p0 $0xF7A, s2;
	p2 =	seq.s32 @!p0 s5, $0x0  }
0x1f: {  	s9 =	smul.u32 $0xF7A, s1;
	s8 =	simm.s32 @!p0 $0x1BF5;
	p2 =	por !p2, p0  }
0x20: {  	[sflag:s8] =	ssyncset.s32 @!p0 $0xFFFFF086;
	s6 =	sadd.s32 @!p0 s3, s7;
	s7 =	simm.s32 @!p0 $0x108  }
0x21: {  	s3 =	sadd.s32 s3, s9;
	s6 =	sadd.s32 @!p0 $0x88, s6;
	s7 =	simm.s32 @p2 $0x1082  }
0x22: {  	[simem:s7], [sflag:s8] =	dma.local @!p0 [hbm:s6], $0xF7A  }
0x23: {  	s9 =	sor.u32 $0xD0000000, s2;
	s6 =	simm.s32 $0x108;
	_ =	swait.ge @!p0 [sflag:s8], $0x0  }
0x24: {  	s3 =	sadd.s32 $0x88, s3;
	s6 =	simm.s32 @!p1 $0x1082;
	[sflag:s4] =	ssyncset.s32 $0xFFFFF086  }
0x25: {  	[simem:s6], [sflag:s4] =	dma.local [hbm:s3], $0xF7A  }
0x26: {  	[smem:$0x3F8A] =	sst s1;
	(tag) =	ssettag s2;
	_ =	strace s9  }
0x27: {  	s1 =	sld [smem:$0x3F9A]  }
0x28: {  	s2 =	sld [smem:$0x3F9B]  }
0x29: {  	s4 =	sld [smem:$0x3F9D]  }
0x2a: {  	p0 =	seq.s32 s5, $0x0;
	s5 =	sld [smem:$0x3F9E]  }
0x2b: {  	s6 =	sld [smem:$0x3F9F]  }
0x2c: {  	s7 =	sld [smem:$0x3FA0]  }
0x2d: {  	s3 =	simm.s32 $0x108;
	s8 =	sld [smem:$0x3FA1]  }
0x2e: {  	s3 =	simm.s32 @!p0 $0x1082;
	s9 =	sld [smem:$0x3FA2]  }
0x2f: {  	lr =	sadd.s32 s0, s3;
	s0 =	sld [smem:$0x3F99]  }
0x30: {  	s3 =	sld [smem:$0x3F9C]  }
0x31: {  	[smem:$0x3FA5] =	sst s10  }
0x32: {  	s10 =	sld [smem:$0x3FA3];
	_ =	sdelay $0x3  }
0x33: {  	p0 =	seq.s32 s10, $0x1;
	s10 =	sld [smem:$0x3FA5];
	_ =	sdelay $0x3  }
0x34: {  	[smem:$0x3FA5] =	sst s10  }
0x35: {  	s10 =	sld [smem:$0x3FA4];
	_ =	sdelay $0x3  }
0x36: {  	p1 =	seq.s32 s10, $0x1;
	s10 =	sld [smem:$0x3FA5];
	_ =	sdelay $0x3  }
0x37: {  	[smem:$0x3FA5] =	sst s10  }
0x38: {  	s10 =	sld [smem:$0x3FA6]  }
0x39: {  	_ = 	snop;
	(pc) =	sbr.ind lr, $3  }
0x3a: {  	_ = 	snop  }
0x3b: {  	_ = 	snop  }
0x3c: {  	p2 =	seq.s32 s10, $0x1;
	s10 =	sld [smem:$0x3FA5]  }
0x3d: {  	_ =	shalt  }
0x3e: {  	_ =	shalt  }
0x3f: {  	_ =	shalt  }
0x40: {  	_ =	shalt  }
0x41: {  	_ =	shalt  }
0x42: {  	_ =	shalt  }
0x43: {  	_ =	shalt  }
0x44: {  	_ =	shalt  }
0x45: {  	_ =	shalt  }
0x46: {  	_ =	shalt  }
0x47: {  	_ =	shalt  }
0x48: {  	_ =	shalt  }
0x49: {  	_ =	shalt  }
0x4a: {  	_ =	shalt  }
0x4b: {  	_ =	shalt  }
0x4c: {  	_ =	shalt  }
0x4d: {  	_ =	shalt  }
0x4e: {  	_ =	shalt  }
0x4f: {  	_ =	shalt  }
0x50: {  	_ =	shalt  }
0x51: {  	_ =	shalt  }
0x52: {  	_ =	shalt  }
0x53: {  	_ =	shalt  }
0x54: {  	_ =	shalt  }
0x55: {  	_ =	shalt  }
0x56: {  	_ =	shalt  }
0x57: {  	_ =	shalt  }
0x58: {  	_ =	shalt  }
0x59: {  	_ =	shalt  }
0x5a: {  	_ =	shalt  }
0x5b: {  	_ =	shalt  }
0x5c: {  	_ =	shalt  }
0x5d: {  	_ =	shalt  }
0x5e: {  	_ =	shalt  }
0x5f: {  	_ =	shalt  }
0x60: {  	_ =	shalt  }
0x61: {  	_ =	shalt  }
0x62: {  	_ =	shalt  }
0x63: {  	_ =	shalt  }
0x64: {  	_ =	shalt  }
0x65: {  	_ =	shalt  }
0x66: {  	_ =	shalt  }
0x67: {  	_ =	shalt  }
0x68: {  	_ =	shalt  }
0x69: {  	_ =	shalt  }
0x6a: {  	_ =	shalt  }
0x6b: {  	_ =	shalt  }
0x6c: {  	_ =	shalt  }
0x6d: {  	_ =	shalt  }
0x6e: {  	_ =	shalt  }
0x6f: {  	_ =	shalt  }
0x70: {  	_ =	shalt  }
0x71: {  	_ =	shalt  }
0x72: {  	_ =	shalt  }
0x73: {  	_ =	shalt  }
0x74: {  	_ =	shalt  }
0x75: {  	_ =	shalt  }
0x76: {  	_ =	shalt  }
0x77: {  	_ =	shalt  }
0x78: {  	_ =	shalt  }
0x79: {  	_ =	shalt  }
0x7a: {  	_ =	shalt  }
0x7b: {  	_ =	shalt  }
0x7c: {  	_ =	shalt  }
0x7d: {  	_ =	shalt  }
0x7e: {  	_ =	shalt  }
0x7f: {  	_ =	shalt  }
0x80: {  	_ =	shalt  }
0x81: {  	_ =	shalt  }
0x82: {  	_ =	shalt  }
0x83: {  	_ =	shalt  }
0x84: {  	_ =	shalt  }
0x85: {  	_ =	shalt  }
0x86: {  	_ =	shalt  }
0x87: {  	_ =	shalt  }
.Lfunc_end0:
.L_simem_size_0:
called_computation.8_lowered:
.L_overlay_start_0:
0x88: {  	s2 =	sld [smem:$0x3FD9]  }
0x89: {  	s3 =	sld [smem:$0x3FFE];
	_ =	sdelay $0x1  }
0x8a: {  	s1 =	srdreg.scid  }
0x8b: {  	s0 =	sand.u32 $0x1, s1  }
0x8c: {  	s17 =	sshll.u32 s0, $0xA;
	s2 =	sadd.s32 s3, s2  }
0x8d: {  	s2 =	sadd.s32 s2, s17  }
0x8e: {  	[smem:$0x3FB1] =	sst s2  }
0x8f: {  	_ = 	snop  }
0x90: {  	(tm) =	ssettm $0x1  }
0x91: {  	s18 =	sld [smem:$0x3FFB];
	_ =	sdelay $0x3  }
0x92: {  	_ =	strace s18  }
0x93: {  	s2 =	sld [smem:$0x3FFC];
	_ =	sdelay $0x3  }
0x94: {  	_ =	strace s2  }
0x95: {  	s2 =	sld [smem:$0x3FFD];
	_ =	sdelay $0x3  }
0x96: {  	_ =	strace s2  }
0x97: {  	_ =	strace $0x8FFFFFFF  }
0x98: {  	s19 =	sld [smem:$0x3FDB];
	_ =	sdelay $0x1  }
0x99: {  	s20 =	simm.s32 $_scs_section_size  }
0x9a: {  	s4 =	simm.s32 $_size__tile_overlayer_lowered;
	s5 =	simm.s32 $_tile_overlayer_lowered  }
0x9b: {  	s6 =	simm.s32 $0x1BFF;
	s21 =	sshll.u32 s5, $0x1;
	s3 =	sadd.s32 s20, s19  }
0x9c: {  	s22 =	simm.s32 $0x0;
	s4 =	sshll.u32 s4, $0x1;
	s5 =	sadd.s32 s21, s3  }
0x9d: {  	[timem:s22], [sflag:s6] =	dma.local [hbm:s5], s4  }
0x9e: {  	_ =	swait.ge [sflag:s6], s4  }
0x9f: {  	s4 =	ssub.s32 $0x0, s4;
	[sflag:s6] =	ssyncset.done $0x0  }
0xa0: {  	[sflag:s6] =	ssyncadd.s32 s4;
	_ =	sdelay $0x1  }
0xa1: {  	s23 =	simm.s32 $0x1B8B  }
0xa2: {  	_ =	swait.ge [sflag:s23], $0x1  }
0xa3: {  	[sflag:s23] =	ssyncset.done $0x0  }
0xa4: {  	[sflag:s23] =	ssyncadd.s32 $0xFFFFFFFF  }
0xa5: {  	s4 =	sld [smem:$0x0]  }
0xa6: {  	s5 =	sand.u32 $0xFFFFFFFE, s1  }
0xa7: {  	p0 =	sne.s32 s1, s5  }
0xa8: {  	s5 =	sshll.u32 @p0 s5, $0xE  }
0xa9: {  	s5 =	sadd.s32 @p0 $0x11B8D, s5;
	s6 =	sshll.u32 @p0 s4, $0x11  }
0xaa: {  	s5 =	sor.u32 @p0 s6, s5  }
0xab: {  	[sflag:s5] =	ssyncadd.remote.s32 @p0 $0x1;
	_ =	sdelay $0x1  }
0xac: {  	s5 =	simm.s32 @p0 $0x1B8D  }
0xad: {  	_ =	swait.eq @p0 [sflag:s5], $0x1  }
0xae: {  	[sflag:s5] =	ssyncadd.s32 @p0 $0xFFFFFFFF  }
0xaf: {  	s6 =	sshll.u32 @!p0 s1, $0xE  }
0xb0: {  	s6 =	sor.u32 @!p0 $0x4000, s6;
	s5 =	simm.s32 @!p0 $0x1B8D  }
0xb1: {  	s4 =	sshll.u32 @!p0 s4, $0x11;
	s6 =	sadd.s32 @!p0 $0x11B8D, s6;
	_ =	swait.eq @!p0 [sflag:s5], $0x1  }
0xb2: {  	s4 =	sor.u32 @!p0 s4, s6;
	[sflag:s5] =	ssyncadd.s32 @!p0 $0xFFFFFFFF  }
0xb3: {  	s25 =	simm.s32 $0x1B8E;
	s24 =	sld [smem:$0x3FFE];
	[sflag:s4] =	ssyncadd.remote.s32 @!p0 $0x1  }
0xb4: {  	s26 =	simm.s32 $execute0_lowered;
	[smem:$0x3FD2] =	sst s25  }
0xb5: {  	s5 =	sshll.u32 s26, $0x1;
	_ =	strace $0x8000005B;
	[dreg:$0x1] =	wrdreg $0xFFFFFFFF  }
0xb6: {  	s28 =	simm.s32 $_size_execute0_lowered;
	s3 =	sadd.s32 s3, s5;
	[dreg:$0x0] =	wrdreg $0x0  }
0xb7: {  	s5 =	sshll.u32 s28, $0x1;
	[dreg:$0x2] =	wrdreg s3  }
0xb8: {  	[dreg:$0x3] =	wrdreg s5  }
0xb9: {  	[dreg:$0x4] =	wrdreg $0xC0  }
0xba: {  	_ =	task [dreg:s22], $0x5FFFF  }
0xbb: {  	[dreg:$0x1] =	wrdreg $0xFFFFFFFF  }
0xbc: {  	[dreg:$0x0] =	wrdreg $0x60  }
0xbd: {  	[dreg:$0x2] =	wrdreg s24  }
0xbe: {  	[dreg:$0x3] =	wrdreg $0x0  }
0xbf: {  	[dreg:$0x4] =	wrdreg $0x9  }
0xc0: {  	_ =	task.clear_ibuf [dreg:s22], $0x5FFFF;
	_ =	strace $0x9000005B  }
0xc1: {  	s29 =	simm.s32 $0x9;
	_ =	strace $0x8000005D  }
0xc2: {  	_ =	swait.ge [sflag:s29], $0x1  }
0xc3: {  	[sflag:s29] =	ssyncadd.s32 $0xFFFFFFFF  }
0xc4: {  	_ =	strace $0x9000005D  }
0xc5: {  	_ =	sfence  }
0xc6: {  	s30 =	sld [smem:$0x0];
	_ =	sdelay $0x2  }
0xc7: {  	s31 =	sshll.u32 s1, $0xD;
	s1 =	sshrl.u32 s1, $0x2  }
0xc8: {  	s4 =	sand.u32 $0x4000, s31;
	s1 =	sadd.s32 s1, s30  }
0xc9: {  	s0 =	sor.u32 s4, s0;
	s1 =	sshll.u32 s1, $0x11  }
0xca: {  	s0 =	sor.u32 s1, s0  }
0xcb: {  	s0 =	sadd.s32 $0x8F2B, s0  }
0xcc: {  	[sflag:s0] =	ssyncadd.remote.s32 $0x1  }
0xcd: {  	_ =	sfence.sel $0xFFFF  }
0xce: {  	[dreg:$0x0] =	wrdreg $0xFFFFFFFF;
	(pc) =	sbr.abs _section_cstart, $3  }
0xcf: {  	[dreg:$0x1] =	wrdreg $0xFFFFFFFF  }
0xd0: {  	_ =	task.clear_ibuf [dreg:s22], $0x2FFFF;
	_ =	strace $0x9FFFFFFF  }
0xd1: {  	(tm) =	ssettm $0x7FFFFFFF  }
tec
execute0_lowered:
.L_overlay_start_1:
0x0: {  	(tag) =	ssettag $0x1  }
0x1: {  	s4 =	rddreg [dreg:$0x0]  }
0x2: {  	s1 =	rddreg [dreg:$0x1]  }
0x3: {  	s2 =	srdreg.scid;
	s0 =	rddreg [dreg:$0x2];
	s3 =	simm.s32 $0x0  }
0x4: {  	s16 =	simm.s32 $0x5;
	s17 =	simm.s32 $0x50;
	s5 =	sand.u32 $0x1, s2  }
0x5: {  	s18 =	simm.s32 $0x15480;
	s2 =	stileid.u32;
	s6 =	smul.u32 $0x1C000, s5  }
0x6: {  	s19 =	simm.s32 $0x13900;
	s20 =	simm.s32 $0x17C80;
	s7 =	smul.u32 $0x1C00, s2  }
0x7: {  	s21 =	simm.s32 $0x1;
	s22 =	simm.s32 $0x2;
	s25 =	smul.u32 $0x138800, s5  }
0x8: {  	s23 =	simm.s32 $0x3;
	s24 =	simm.s32 $0x4;
	s10 =	smul.u32 $0x14000, s2  }
0x9: {  	[smem:$0x7FF] =	sst s3;
	s8 =	sadd.s32 $0x1D000, s4;
	s12 =	smul.u32 $0x50000, s2  }
0xa: {  	s13 =	sadd.s32 $0x4FB600, s4;
	s9 =	ssub.s32 $0x2, s5;
	s5 =	smul.u32 $0x7D0000, s5  }
0xb: {  	_ =	strace $0x8000005C;
	s29 =	smul.u32 $0x7D000, s2;
	p0 =	seq.s32 s2, $0xF  }
0xc: {  	s11 =	sshrl.u32 s9, $0x1;
	s15 =	sshll.u32 @!p0 s2, $0x6;
	s6 =	sadd.s32 s7, s6  }
0xd: {  	s9 =	ssub.s32 s9, s11;
	s26 =	sadd.s32 s10, s25;
	s28 =	sshrl.u32 s12, $0x2  }
0xe: {  	s7 =	sshrl.u32 s25, $0x3;
	s30 =	sadd.s32 s29, s5;
	s12 =	sadd.s32 $0x12C000, s1  }
0xf: {  	s25 =	simm.s32 $0x0;
	s6 =	sshrl.u32 s6, $0x3;
	s14 =	sadd.s32 s28, s1  }
0x10: {  	s7 =	sadd.s32 s8, s7;
	s31 =	sshrl.u32 s30, $0x3;
	s11 =	sadd.s32 $0x2800, s30  }
0x11: {  	s12 =	sshrl.u32 @p0 s12, $0x3;
	s6 =	sadd.s32 s6, s4;
	s4 =	sshrl.u32 s26, $0x3  }
0x12: {  	s5 =	sadd.s32 $0x25800, s7;
	s7 =	smax.u32 s9, $0x1;
	s11 =	sshrl.u32 s11, $0x3  }
0x13: {  	s14 =	sshrl.u32 @!p0 s14, $0x3;
	s4 =	sadd.s32 s8, s4;
	s6 =	sadd.s32 $0x16000, s6  }
0x14: {  	s8 =	sadd.s32 s31, s13;
	s11 =	sadd.s32 s11, s13;
	s13 =	sor.u32 @!p0 $0x1C05, s15  }
0x15: {  	s15 =	simm.s32 $0x13880;
	s9 =	sadd.s32 $0xF000, s8;
	s10 =	sadd.s32 $0xF500, s8  }
.LBB2_1:
0x16: {  	s26 =	simm.s32 @p0 $0x1FC5  }
0x17: {  	[spmem:s12], [sflag:s26] =	dma.local @p0 [hbm:s5], $0x1900  }
0x18: {  	s26 =	simm.s32 @p0 $0x5  }
0x19: {  	_ =	swait.ge @p0 [sflag:s26], $0x1900  }
0x1a: {  	[sflag:s26] =	ssyncset.done @p0 $0x0  }
0x1b: {  	[sflag:s26] =	ssyncadd.s32 @p0 $0xFFFFE700;
	s26 =	simm.s32 @!p0 $0x5  }
0x1c: {  	[spmem:s14], [sflag:s13] =	dma.local @!p0 [hbm:s4], $0x2800  }
0x1d: {  	_ =	swait.ge @!p0 [sflag:s26], $0x2800  }
0x1e: {  	[sflag:s26] =	ssyncset.done @!p0 $0x0  }
0x1f: {  	[sflag:s26] =	ssyncadd.s32 @!p0 $0xFFFFD800  }
0x20: {  	[bflag:$0x0] =	sbarrier.arrive $0xFFFF  }
0x21: {  	[tilespmem:s15], [sflag:$0x5] =	stream.linear.gather [hbm4b:s6+s3], $0x1900, $0x38;
	[tilespmem:$0x1A480] =	vst v63  }
0x22: {  	_ =	swait.ge [sflag:s16], $0x1900  }
0x23: {  	[sflag:s16] =	ssyncset.done $0x0  }
0x24: {  	[sflag:s16] =	ssyncadd.s32 $0xFFFFE700  }
0x25: {  	[tilespmem:s18], [sflag:$0x1] =	stream.indirect.gather [spmem:s1], $0x80, s15, s17, $0xb8;
	[tilespmem:$0x1A480] =	vst v63  }
0x26: {  	_ = 	snop  }
0x27: {  	[tilespmem:s20], [sflag:$0x2] =	stream.indirect.gather [spmem:s1], $0x80, s19, s17, $0xb8;
	[tilespmem:$0x1A480] =	vst v63  }
0x28: {  	_ =	swait.ge [sflag:s21], $0x2800  }
0x29: {  	[sflag:s21] =	ssyncset.done $0x0  }
0x2a: {  	s31 =	sadd.s32 $0x0, s8;
	[sflag:s21] =	ssyncadd.s32 $0xFFFFD800  }
0x2b: {  	[hbm4b:s31+s3] =	stream.linear.scatter [tilespmem:s18], [sflag:$0x3], $0x2800, $0x38;
	[tilespmem:$0x1A480] =	vst v63  }
0x2c: {  	_ =	swait.ge [sflag:s22], $0x2800  }
0x2d: {  	[sflag:s22] =	ssyncset.done $0x0  }
0x2e: {  	s30 =	sadd.s32 $0x0, s11;
	[sflag:s22] =	ssyncadd.s32 $0xFFFFD800  }
0x2f: {  	[hbm4b:s30+s3] =	stream.linear.scatter [tilespmem:s20], [sflag:$0x4], $0x2800, $0x38;
	[tilespmem:$0x1A480] =	vst v63  }
0x30: {  	_ =	swait.ge [sflag:s23], $0x2800  }
0x31: {  	[sflag:s23] =	ssyncset.done $0x0  }
0x32: {  	s31 =	simm.s32 $0x13980;
	[sflag:s23] =	ssyncadd.s32 $0xFFFFD800  }
0x33: {  	[tilespmem:s18], [sflag:$0x1] =	stream.indirect.gather [spmem:s1], $0x80, s31, s17, $0xb8;
	[tilespmem:$0x1A480] =	vst v63  }
0x34: {  	_ =	swait.ge [sflag:s24], $0x2800  }
0x35: {  	s28 =	simm.s32 $0xA00;
	[sflag:s24] =	ssyncset.done $0x0  }
0x36: {  	s29 =	simm.s32 $0x13B00;
	s26 =	simm.s32 $0x13A00;
	[sflag:s24] =	ssyncadd.s32 $0xFFFFD800  }
.LBB2_2:
0x37: {  	[tilespmem:s20], [sflag:$0x2] =	stream.indirect.gather [spmem:s1], $0x80, s26, s17, $0xb8;
	[tilespmem:$0x1A480] =	vst v63  }
0x38: {  	s30 =	smov.u32 s28;
	s26 =	smov.u32 s29  }
0x39: {  	p1 =	sne.s32 s28, $0xE600;
	s28 =	sadd.s32 $0xA00, s28;
	_ =	swait.ge [sflag:s21], $0x2800  }
0x3a: {  	[sflag:s21] =	ssyncset.done $0x0  }
0x3b: {  	s31 =	sadd.s32 s30, s8;
	[sflag:s21] =	ssyncadd.s32 $0xFFFFD800  }
0x3c: {  	[hbm4b:s31+s3] =	stream.linear.scatter [tilespmem:s18], [sflag:$0x3], $0x2800, $0x38;
	[tilespmem:$0x1A480] =	vst v63  }
0x3d: {  	_ =	swait.ge [sflag:s22], $0x2800  }
0x3e: {  	[sflag:s22] =	ssyncset.done $0x0  }
0x3f: {  	s30 =	sadd.s32 s30, s11;
	[sflag:s22] =	ssyncadd.s32 $0xFFFFD800  }
0x40: {  	[hbm4b:s30+s3] =	stream.linear.scatter [tilespmem:s20], [sflag:$0x4], $0x2800, $0x38;
	[tilespmem:$0x1A480] =	vst v63  }
0x41: {  	_ =	swait.ge [sflag:s23], $0x2800  }
0x42: {  	[sflag:s23] =	ssyncset.done $0x0  }
.Ltmp0:
0x43: {  	s30 =	sadd.s32 $0xFFFFFF80, s29;
	[sflag:s23] =	ssyncadd.s32 $0xFFFFD800;
	(pc) =	sbr.rel @p1 .LBB2_2-.Ltmp0, $4  }
0x44: {  	[tilespmem:s18], [sflag:$0x1] =	stream.indirect.gather [spmem:s1], $0x80, s30, s17, $0xb8;
	[tilespmem:$0x1A480] =	vst v63  }
0x45: {  	_ =	swait.ge [sflag:s24], $0x2800  }
0x46: {  	[sflag:s24] =	ssyncset.done $0x0  }
0x47: {  	s29 =	sadd.s32 $0x100, s29;
	[sflag:s24] =	ssyncadd.s32 $0xFFFFD800  }
0x48: {  	[tilespmem:s20], [sflag:$0x2] =	stream.indirect.gather [spmem:s1], $0x80, s26, s17, $0xb8;
	[tilespmem:$0x1A480] =	vst v63  }
0x49: {  	_ =	swait.ge [sflag:s21], $0x2800  }
0x4a: {  	[sflag:s21] =	ssyncset.done $0x0  }
0x4b: {  	[sflag:s21] =	ssyncadd.s32 $0xFFFFD800  }
0x4c: {  	[hbm4b:s9+s3] =	stream.linear.scatter [tilespmem:s18], [sflag:$0x3], $0x2800, $0x38;
	[tilespmem:$0x1A480] =	vst v63  }
0x4d: {  	_ =	swait.ge [sflag:s22], $0x2800  }
0x4e: {  	[sflag:s22] =	ssyncset.done $0x0  }
0x4f: {  	s25 =	sadd.s32 $0x1, s25;
	[sflag:s22] =	ssyncadd.s32 $0xFFFFD800  }
0x50: {  	[hbm4b:s10+s3] =	stream.linear.scatter [tilespmem:s20], [sflag:$0x4], $0x2800, $0x38;
	[tilespmem:$0x1A480] =	vst v63  }
0x51: {  	p1 =	sne.s32 s25, s7;
	_ =	swait.ge [sflag:s23], $0x2800  }
.Ltmp1:
0x52: {  	[sflag:s23] =	ssyncset.done $0x0;
	(pc) =	sbr.rel @p1 .LBB2_1-.Ltmp1, $4  }
0x53: {  	[sflag:s23] =	ssyncadd.s32 $0xFFFFD800  }
0x54: {  	_ =	swait.ge [sflag:s24], $0x2800  }
0x55: {  	[sflag:s24] =	ssyncset.done $0x0  }
0x56: {  	[sflag:s24] =	ssyncadd.s32 $0xFFFFD800  }
0x57: {  	_ =	sfence.sel $0x180000  }
0x58: {  	[bflag:$0x0] =	sbarrier.arrive $0xFFFF  }
0x59: {  	p0 =	sne.s32 s2, $0x0;
	_ =	strace $0x9000005C  }
0x5a: {  	s0 =	sadd.s32 @!p0 $0x100000, s0;
	[bflag:$0x2] =	sbarrier.arrive $0xFFFF  }
0x5b: {  	[sflag:s0] =	ssyncadd.tile.s32 @!p0 $0x1;
	_ =	shalt  }
.Lfunc_end2:
_tile_overlayer_lowered:
.L_overlay_start_2:
0x5c: {  	(tag) =	ssettag $0x2  }
0x5d: {  	s0 =	rddreg [dreg:$0x0];
	s2 =	stileid.u32  }
0x5e: {  	s1 =	rddreg [dreg:$0x1];
	p0 =	sne.s32 s2, $0x0  }
0x5f: {  	s3 =	rddreg [dreg:$0x2];
	[bflag:$0x3] =	sbarrier.arrive $0xFFFF;
	s2 =	simm.s32 @!p0 $0x1C05  }
0x60: {  	[timem:s3], [sflag:s2] =	dma.local @!p0 [hbm:s0], s1  }
0x61: {  	s0 =	simm.s32 @!p0 $0x5  }
0x62: {  	_ =	swait.ge @!p0 [sflag:s0], s1  }
0x63: {  	s1 =	ssub.s32 @!p0 $0x0, s1;
	[sflag:s0] =	ssyncset.done @!p0 $0x0  }
0x64: {  	[sflag:s0] =	ssyncadd.s32 @!p0 s1  }
0x65: {  	[bflag:$0x3] =	sbarrier.arrive $0xFFFF  }
0x66: {  	_ =	shalt  }

// kernel: kernel.47.cloned.1.call-start
scs
__scs_entry_jumppad:
0x0: {  	(pc) =	sbr.rel $0x88, $3  }
0x1: {  	(tag) =	ssettag $0x0;
	lr =	simm.s32 $0x1  }
0x2: {  	[smem:$0x3F8A] =	sst lr;
	_ =	strace $0xD0000000  }
0x3: {  	_ = 	snop  }
0x4: {  	_ = 	snop  }
0x5: {  	_ = 	snop  }
0x6: {  	_ = 	snop  }
0x7: {  	_ = 	snop  }
__scs_overlays_trampoline_lowered:
0x8: {  	[smem:$0x3F99] =	sst s0  }
0x9: {  	[smem:$0x3F9A] =	sst s1  }
0xa: {  	[smem:$0x3F9B] =	sst s2  }
0xb: {  	[smem:$0x3F9C] =	sst s3  }
0xc: {  	[smem:$0x3F9D] =	sst s4  }
0xd: {  	[smem:$0x3F9E] =	sst s5  }
0xe: {  	[smem:$0x3F9F] =	sst s6  }
0xf: {  	[smem:$0x3FA0] =	sst s7  }
0x10: {  	[smem:$0x3FA1] =	sst s8  }
0x11: {  	[smem:$0x3FA2] =	sst s9;
	s0 =	simm.s32 @!p0 $0x0  }
0x12: {  	s1 =	sld [smem:$0x3F88];
	s0 =	simm.s32 @p0 $0x1  }
0x13: {  	[smem:$0x3FA3] =	sst s0;
	s0 =	simm.s32 @!p1 $0x0  }
0x14: {  	s2 =	sld [smem:$0x3F87];
	s0 =	simm.s32 @p1 $0x1  }
0x15: {  	[smem:$0x3FA4] =	sst s0;
	s0 =	simm.s32 @!p2 $0x0  }
0x16: {  	s3 =	sld [smem:$0x3FDB];
	s0 =	simm.s32 @p2 $0x1  }
0x17: {  	s4 =	simm.s32 $0x1BF5;
	[smem:$0x3FA6] =	sst s0  }
0x18: {  	s0 =	sld [smem:$0x3F89];
	_ =	swait.ge [sflag:s4], $0x0  }
0x19: {  	s7 =	sld [smem:$0x3F8A]  }
0x1a: {  	s8 =	sadd.s32 $0xFFFFE003, lr  }
0x1b: {  	s9 =	sadd.s32 $0xFFFFFEF7, lr;
	s5 =	simm.s32 $0xFFFFFFFF;
	p2 =	slt.u32 s8, $0xFFFFF086  }
0x1c: {  	p1 =	slt.u32 s9, $0xF7A;
	s5 =	simm.s32 @!p2 $0x0  }
0x1d: {  	s5 =	simm.s32 @p1 $0x1;
	p0 =	seq.s32 s7, s2  }
0x1e: {  	s7 =	smul.u32 @!p0 $0xF7A, s2;
	p2 =	seq.s32 @!p0 s5, $0x0  }
0x1f: {  	s9 =	smul.u32 $0xF7A, s1;
	s8 =	simm.s32 @!p0 $0x1BF5;
	p2 =	por !p2, p0  }
0x20: {  	[sflag:s8] =	ssyncset.s32 @!p0 $0xFFFFF086;
	s6 =	sadd.s32 @!p0 s3, s7;
	s7 =	simm.s32 @!p0 $0x108  }
0x21: {  	s3 =	sadd.s32 s3, s9;
	s6 =	sadd.s32 @!p0 $0x88, s6;
	s7 =	simm.s32 @p2 $0x1082  }
0x22: {  	[simem:s7], [sflag:s8] =	dma.local @!p0 [hbm:s6], $0xF7A  }
0x23: {  	s9 =	sor.u32 $0xD0000000, s2;
	s6 =	simm.s32 $0x108;
	_ =	swait.ge @!p0 [sflag:s8], $0x0  }
0x24: {  	s3 =	sadd.s32 $0x88, s3;
	s6 =	simm.s32 @!p1 $0x1082;
	[sflag:s4] =	ssyncset.s32 $0xFFFFF086  }
0x25: {  	[simem:s6], [sflag:s4] =	dma.local [hbm:s3], $0xF7A  }
0x26: {  	[smem:$0x3F8A] =	sst s1;
	(tag) =	ssettag s2;
	_ =	strace s9  }
0x27: {  	s1 =	sld [smem:$0x3F9A]  }
0x28: {  	s2 =	sld [smem:$0x3F9B]  }
0x29: {  	s4 =	sld [smem:$0x3F9D]  }
0x2a: {  	p0 =	seq.s32 s5, $0x0;
	s5 =	sld [smem:$0x3F9E]  }
0x2b: {  	s6 =	sld [smem:$0x3F9F]  }
0x2c: {  	s7 =	sld [smem:$0x3FA0]  }
0x2d: {  	s3 =	simm.s32 $0x108;
	s8 =	sld [smem:$0x3FA1]  }
0x2e: {  	s3 =	simm.s32 @!p0 $0x1082;
	s9 =	sld [smem:$0x3FA2]  }
0x2f: {  	lr =	sadd.s32 s0, s3;
	s0 =	sld [smem:$0x3F99]  }
0x30: {  	s3 =	sld [smem:$0x3F9C]  }
0x31: {  	[smem:$0x3FA5] =	sst s10  }
0x32: {  	s10 =	sld [smem:$0x3FA3];
	_ =	sdelay $0x3  }
0x33: {  	p0 =	seq.s32 s10, $0x1;
	s10 =	sld [smem:$0x3FA5];
	_ =	sdelay $0x3  }
0x34: {  	[smem:$0x3FA5] =	sst s10  }
0x35: {  	s10 =	sld [smem:$0x3FA4];
	_ =	sdelay $0x3  }
0x36: {  	p1 =	seq.s32 s10, $0x1;
	s10 =	sld [smem:$0x3FA5];
	_ =	sdelay $0x3  }
0x37: {  	[smem:$0x3FA5] =	sst s10  }
0x38: {  	s10 =	sld [smem:$0x3FA6]  }
0x39: {  	_ = 	snop;
	(pc) =	sbr.ind lr, $3  }
0x3a: {  	_ = 	snop  }
0x3b: {  	_ = 	snop  }
0x3c: {  	p2 =	seq.s32 s10, $0x1;
	s10 =	sld [smem:$0x3FA5]  }
0x3d: {  	_ =	shalt  }
0x3e: {  	_ =	shalt  }
0x3f: {  	_ =	shalt  }
0x40: {  	_ =	shalt  }
0x41: {  	_ =	shalt  }
0x42: {  	_ =	shalt  }
0x43: {  	_ =	shalt  }
0x44: {  	_ =	shalt  }
0x45: {  	_ =	shalt  }
0x46: {  	_ =	shalt  }
0x47: {  	_ =	shalt  }
0x48: {  	_ =	shalt  }
0x49: {  	_ =	shalt  }
0x4a: {  	_ =	shalt  }
0x4b: {  	_ =	shalt  }
0x4c: {  	_ =	shalt  }
0x4d: {  	_ =	shalt  }
0x4e: {  	_ =	shalt  }
0x4f: {  	_ =	shalt  }
0x50: {  	_ =	shalt  }
0x51: {  	_ =	shalt  }
0x52: {  	_ =	shalt  }
0x53: {  	_ =	shalt  }
0x54: {  	_ =	shalt  }
0x55: {  	_ =	shalt  }
0x56: {  	_ =	shalt  }
0x57: {  	_ =	shalt  }
0x58: {  	_ =	shalt  }
0x59: {  	_ =	shalt  }
0x5a: {  	_ =	shalt  }
0x5b: {  	_ =	shalt  }
0x5c: {  	_ =	shalt  }
0x5d: {  	_ =	shalt  }
0x5e: {  	_ =	shalt  }
0x5f: {  	_ =	shalt  }
0x60: {  	_ =	shalt  }
0x61: {  	_ =	shalt  }
0x62: {  	_ =	shalt  }
0x63: {  	_ =	shalt  }
0x64: {  	_ =	shalt  }
0x65: {  	_ =	shalt  }
0x66: {  	_ =	shalt  }
0x67: {  	_ =	shalt  }
0x68: {  	_ =	shalt  }
0x69: {  	_ =	shalt  }
0x6a: {  	_ =	shalt  }
0x6b: {  	_ =	shalt  }
0x6c: {  	_ =	shalt  }
0x6d: {  	_ =	shalt  }
0x6e: {  	_ =	shalt  }
0x6f: {  	_ =	shalt  }
0x70: {  	_ =	shalt  }
0x71: {  	_ =	shalt  }
0x72: {  	_ =	shalt  }
0x73: {  	_ =	shalt  }
0x74: {  	_ =	shalt  }
0x75: {  	_ =	shalt  }
0x76: {  	_ =	shalt  }
0x77: {  	_ =	shalt  }
0x78: {  	_ =	shalt  }
0x79: {  	_ =	shalt  }
0x7a: {  	_ =	shalt  }
0x7b: {  	_ =	shalt  }
0x7c: {  	_ =	shalt  }
0x7d: {  	_ =	shalt  }
0x7e: {  	_ =	shalt  }
0x7f: {  	_ =	shalt  }
0x80: {  	_ =	shalt  }
0x81: {  	_ =	shalt  }
0x82: {  	_ =	shalt  }
0x83: {  	_ =	shalt  }
0x84: {  	_ =	shalt  }
0x85: {  	_ =	shalt  }
0x86: {  	_ =	shalt  }
0x87: {  	_ =	shalt  }
.Lfunc_end0:
.L_simem_size_0:
called_computation.9_lowered:
.L_overlay_start_0:
0x88: {  	s2 =	sld [smem:$0x3FD9]  }
0x89: {  	s3 =	sld [smem:$0x3FFE];
	_ =	sdelay $0x1  }
0x8a: {  	s1 =	srdreg.scid  }
0x8b: {  	s0 =	sand.u32 $0x1, s1  }
0x8c: {  	s16 =	sshll.u32 s0, $0xA;
	s2 =	sadd.s32 s3, s2  }
0x8d: {  	s2 =	sadd.s32 s2, s16  }
0x8e: {  	[smem:$0x3FB1] =	sst s2  }
0x8f: {  	_ = 	snop  }
0x90: {  	(tm) =	ssettm $0x1  }
0x91: {  	s17 =	sld [smem:$0x3FFB];
	_ =	sdelay $0x3  }
0x92: {  	_ =	strace s17  }
0x93: {  	s2 =	sld [smem:$0x3FFC];
	_ =	sdelay $0x3  }
0x94: {  	_ =	strace s2  }
0x95: {  	s2 =	sld [smem:$0x3FFD];
	_ =	sdelay $0x3  }
0x96: {  	_ =	strace s2  }
0x97: {  	_ =	strace $0x8FFFFFFF  }
0x98: {  	s18 =	sld [smem:$0x3FDB];
	_ =	sdelay $0x1  }
0x99: {  	s19 =	simm.s32 $_scs_section_size  }
0x9a: {  	s4 =	simm.s32 $_size__tile_overlayer_lowered;
	s5 =	simm.s32 $_tile_overlayer_lowered  }
0x9b: {  	s22 =	simm.s32 $0x1BFF;
	s21 =	sshll.u32 s5, $0x1;
	s2 =	sadd.s32 s19, s18  }
0x9c: {  	s6 =	simm.s32 $0x0;
	s20 =	sshll.u32 s4, $0x1;
	s4 =	sadd.s32 s21, s2  }
0x9d: {  	[timem:s6], [sflag:s22] =	dma.local [hbm:s4], s20  }
0x9e: {  	_ =	swait.ge [sflag:s22], s20  }
0x9f: {  	s3 =	ssub.s32 $0x0, s20;
	[sflag:s22] =	ssyncset.done $0x0  }
0xa0: {  	[sflag:s22] =	ssyncadd.s32 s3;
	_ =	sdelay $0x1  }
0xa1: {  	s23 =	simm.s32 $0x1B8B  }
0xa2: {  	_ =	swait.ge [sflag:s23], $0x1  }
0xa3: {  	[sflag:s23] =	ssyncset.done $0x0  }
0xa4: {  	s25 =	simm.s32 $0x1B8E;
	s24 =	sld [smem:$0x3FFE];
	[sflag:s23] =	ssyncadd.s32 $0xFFFFFFFF  }
0xa5: {  	s26 =	simm.s32 $execute0_lowered;
	[smem:$0x3FD2] =	sst s25  }
0xa6: {  	s4 =	sshll.u32 s26, $0x1;
	_ =	strace $0x80000061;
	[dreg:$0x1] =	wrdreg $0xFFFFFFFF  }
0xa7: {  	s28 =	simm.s32 $_size_execute0_lowered;
	s2 =	sadd.s32 s2, s4;
	[dreg:$0x0] =	wrdreg $0x0  }
0xa8: {  	s4 =	sshll.u32 s28, $0x1;
	[dreg:$0x2] =	wrdreg s2  }
0xa9: {  	[dreg:$0x3] =	wrdreg s4  }
0xaa: {  	[dreg:$0x4] =	wrdreg $0xC0  }
0xab: {  	_ =	task [dreg:s6], $0x5FFFF  }
0xac: {  	[dreg:$0x1] =	wrdreg $0xFFFFFFFF  }
0xad: {  	[dreg:$0x0] =	wrdreg $0x60  }
0xae: {  	[dreg:$0x2] =	wrdreg s24  }
0xaf: {  	[dreg:$0x3] =	wrdreg $0x60000  }
0xb0: {  	[dreg:$0x4] =	wrdreg $0x9  }
0xb1: {  	_ =	task.clear_ibuf [dreg:s6], $0x5FFFF;
	_ =	strace $0x90000061  }
0xb2: {  	s29 =	simm.s32 $0x9;
	_ =	strace $0x80000063  }
0xb3: {  	_ =	swait.ge [sflag:s29], $0x1  }
0xb4: {  	[sflag:s29] =	ssyncadd.s32 $0xFFFFFFFF  }
0xb5: {  	_ =	strace $0x90000063  }
0xb6: {  	_ =	sfence  }
0xb7: {  	s30 =	sld [smem:$0x0];
	_ =	sdelay $0x2  }
0xb8: {  	s31 =	sshll.u32 s1, $0xD;
	s1 =	sshrl.u32 s1, $0x2  }
0xb9: {  	s3 =	sand.u32 $0x4000, s31;
	s1 =	sadd.s32 s1, s30  }
0xba: {  	s0 =	sor.u32 s3, s0;
	s1 =	sshll.u32 s1, $0x11  }
0xbb: {  	s0 =	sor.u32 s1, s0  }
0xbc: {  	s0 =	sadd.s32 $0x8F2B, s0  }
0xbd: {  	[sflag:s0] =	ssyncadd.remote.s32 $0x1  }
0xbe: {  	_ =	sfence.sel $0xFFFF  }
0xbf: {  	[dreg:$0x0] =	wrdreg $0xFFFFFFFF;
	(pc) =	sbr.abs _section_cstart, $3  }
0xc0: {  	[dreg:$0x1] =	wrdreg $0xFFFFFFFF  }
0xc1: {  	_ =	task.clear_ibuf [dreg:s6], $0x2FFFF;
	_ =	strace $0x9FFFFFFF  }
0xc2: {  	(tm) =	ssettm $0x7FFFFFFF  }
0xc3: {  	_ =	shalt  }
tec
execute0_lowered:
.L_overlay_start_1:
0x0: {  	(tag) =	ssettag $0x1  }
0x1: {  	s4 =	rddreg [dreg:$0x0]  }
0x2: {  	s1 =	rddreg [dreg:$0x1]  }
0x3: {  	s2 =	simm.s32 $0x0;
	s5 =	srdreg.scid;
	s3 =	stileid.u32  }
0x4: {  	s18 =	simm.s32 $0x1000;
	s19 =	simm.s32 $0x4;
	s25 =	smul.u32 $0x14000, s3  }
0x5: {  	s20 =	simm.s32 $0x1;
	s21 =	simm.s32 $0x3;
	s29 =	smul.u32 $0x50000, s3  }
0x6: {  	[smem:$0x7FF] =	sst s2;
	s10 =	sand.u32 $0x1, s5;
	s16 =	smul.u32 $0xFA00, s3  }
0x7: {  	s22 =	sshll.u32 s3, $0x1;
	s11 =	sadd.s32 $0x20D600, s4;
	s6 =	smul.u32 $0x27100, s10  }
0x8: {  	s14 =	sadd.s32 $0xB9400, s4;
	p0 =	sne.s32 s3, $0x0;
	s13 =	smul.u32 $0x138800, s10  }
0x9: {  	p1 =	seq.s32 s3, $0xF;
	s5 =	sor.u32 s10, s22;
	s17 =	smul.u32 $0x7D00, s10  }
0xa: {  	_ =	strace $0x80000062;
	s9 =	ssub.s32 $0x2, s10;
	s8 =	smul.u32 $0x7D00, s5  }
0xb: {  	s22 =	simm.s32 $0xB80;
	s7 =	sshll.u32 s5, $0x9;
	s12 =	smul.u32 $0x3E800, s5  }
0xc: {  	s24 =	sshrl.u32 s9, $0x1;
	s7 =	sadd.s32 s7, s4;
	s23 =	sadd.s32 s6, s4  }
0xd: {  	s15 =	ssub.s32 s9, s24;
	s9 =	sadd.s32 s25, s13;
	s13 =	sshrl.u32 s13, $0x3  }
0xe: {  	s24 =	sadd.s32 $0x12C000, s1;
	s4 =	sadd.s32 $0x6B200, s23;
	s5 =	sadd.s32 $0x10F600, s7  }
0xf: {  	s26 =	sshrl.u32 s12, $0x3;
	s6 =	sadd.s32 s11, s8;
	s9 =	sshrl.u32 s9, $0x3  }
0x10: {  	s12 =	sshrl.u32 s29, $0x2;
	s30 =	sadd.s32 s14, s13;
	s13 =	sshrl.u32 @!p0 s1, $0x3  }
0x11: {  	s23 =	simm.s32 $0xC00;
	s24 =	sshrl.u32 @p1 s24, $0x3;
	s28 =	sadd.s32 s11, s26  }
0x12: {  	s9 =	sadd.s32 s14, s9;
	s25 =	sadd.s32 s12, s1;
	s11 =	sadd.s32 s16, s11  }
0x13: {  	s10 =	sadd.s32 $0x25800, s30;
	s14 =	simm.s32 $0x5;
	s16 =	simm.s32 $0x2  }
0x14: {  	s26 =	simm.s32 $0x0;
	s7 =	sadd.s32 $0x500, s28;
	s8 =	sadd.s32 $0xA00, s28  }
0x15: {  	s31 =	sadd.s32 s17, s11;
	s11 =	smax.u32 s15, $0x1;
	s15 =	simm.s32 $0x3800  }
0x16: {  	s17 =	simm.s32 $0x50;
	s25 =	sshrl.u32 @!p1 s25, $0x3;
	s12 =	sadd.s32 $0x1400, s31  }
.LBB2_1:
0x17: {  	s28 =	simm.s32 @!p0 $0x1C05  }
0x18: {  	[spmem:s13], [sflag:s28] =	dma.local @!p0 [hbm:s4], $0x27100  }
0x19: {  	s28 =	simm.s32 @!p0 $0x5  }
0x1a: {  	_ =	swait.ge @!p0 [sflag:s28], $0x27100  }
0x1b: {  	[sflag:s28] =	ssyncset.done @!p0 $0x0  }
0x1c: {  	[sflag:s28] =	ssyncadd.s32 @!p0 $0xFFFD8F00  }
0x1d: {  	[bflag:$0x0] =	sbarrier.arrive $0xFFFF  }
0x1e: {  	[tilespmem:s2], [sflag:$0x5] =	stream.linear.gather [hbm4b:s5+s2], $0xC80, $0x38;
	[tilespmem:$0x19880] =	vst v63  }
0x1f: {  	_ =	swait.ge [sflag:s14], $0xC80  }
0x20: {  	[sflag:s14] =	ssyncset.done $0x0  }
0x21: {  	[sflag:s14] =	ssyncadd.s32 $0xFFFFF380  }
0x22: {  	[tilespmem:s15], [sflag:$0x2] =	stream.linear.gather [hbm4b:s6+s2], $0x2800, $0x38;
	[tilespmem:$0x19880] =	vst v63  }
0x23: {  	_ =	swait.ge [sflag:s16], $0x2800  }
0x24: {  	[sflag:s16] =	ssyncset.done $0x0  }
0x25: {  	[sflag:s16] =	ssyncadd.s32 $0xFFFFD800  }
0x26: {  	[spmem:s1] =	stream.indirect.scatter.add.f32 [tilespmem:s15], [sflag:$0x4], $0x80, s2, s17, $0xb8;
	[tilespmem:$0x19880] =	vst v63  }
0x27: {  	_ = 	snop  }
0x28: {  	[tilespmem:s18], [sflag:$0x1] =	stream.linear.gather [hbm4b:s7+s2], $0x2800, $0x38;
	[tilespmem:$0x19880] =	vst v63  }
0x29: {  	_ =	swait.ge [sflag:s19], $0x2800  }
0x2a: {  	[sflag:s19] =	ssyncset.done $0x0  }
0x2b: {  	[sflag:s19] =	ssyncadd.s32 $0xFFFFD800  }
0x2c: {  	[tilespmem:s15], [sflag:$0x2] =	stream.linear.gather [hbm4b:s8+s2], $0x2800, $0x38;
	[tilespmem:$0x19880] =	vst v63  }
0x2d: {  	_ =	swait.ge [sflag:s20], $0x2800  }
0x2e: {  	[sflag:s20] =	ssyncset.done $0x0  }
0x2f: {  	s28 =	simm.s32 $0x80;
	[sflag:s20] =	ssyncadd.s32 $0xFFFFD800  }
0x30: {  	[spmem:s1] =	stream.indirect.scatter.add.f32 [tilespmem:s18], [sflag:$0x3], $0x80, s28, s17, $0xb8;
	[tilespmem:$0x19880] =	vst v63  }
0x31: {  	_ =	swait.ge [sflag:s16], $0x2800  }
0x32: {  	[sflag:s16] =	ssyncset.done $0x0  }
0x33: {  	s28 =	simm.s32 $0x100;
	[sflag:s16] =	ssyncadd.s32 $0xFFFFD800  }
0x34: {  	[spmem:s1] =	stream.indirect.scatter.add.f32 [tilespmem:s15], [sflag:$0x4], $0x80, s28, s17, $0xb8;
	[tilespmem:$0x19880] =	vst v63  }
0x35: {  	_ =	swait.ge [sflag:s21], $0x2800  }
0x36: {  	[sflag:s21] =	ssyncset.done $0x0  }
0x37: {  	s28 =	sadd.s32 $0xFFFFFB00, s12;
	[sflag:s21] =	ssyncadd.s32 $0xFFFFD800  }
0x38: {  	[tilespmem:s18], [sflag:$0x1] =	stream.linear.gather [hbm4b:s28+s2], $0x2800, $0x38;
	[tilespmem:$0x19880] =	vst v63  }
0x39: {  	_ =	swait.ge [sflag:s19], $0x2800  }
0x3a: {  	s29 =	sadd.s32 $0xA00, s12;
	[sflag:s19] =	ssyncset.done $0x0  }
0x3b: {  	s30 =	smov.u32 s12;
	s28 =	simm.s32 $0x400;
	[sflag:s19] =	ssyncadd.s32 $0xFFFFD800  }
.LBB2_2:
0x3c: {  	[tilespmem:s15], [sflag:$0x2] =	stream.linear.gather [hbm4b:s30+s2], $0x2800, $0x38;
	[tilespmem:$0x19880] =	vst v63  }
0x3d: {  	s31 =	smov.u32 s28;
	s30 =	smov.u32 s29  }
0x3e: {  	p2 =	sne.s32 s28, $0x2800;
	s28 =	sadd.s32 $0x400, s28;
	_ =	swait.ge [sflag:s20], $0x2800  }
0x3f: {  	s31 =	sshra.s32 s31, $0x2;
	[sflag:s20] =	ssyncset.done $0x0  }
0x40: {  	s0 =	sadd.s32 $0x80, s31;
	[sflag:s20] =	ssyncadd.s32 $0xFFFFD800  }
0x41: {  	[spmem:s1] =	stream.indirect.scatter.add.f32 [tilespmem:s18], [sflag:$0x3], $0x80, s0, s17, $0xb8;
	[tilespmem:$0x19880] =	vst v63  }
0x42: {  	_ =	swait.ge [sflag:s16], $0x2800  }
0x43: {  	[sflag:s16] =	ssyncset.done $0x0  }
0x44: {  	s0 =	sadd.s32 $0x100, s31;
	[sflag:s16] =	ssyncadd.s32 $0xFFFFD800  }
0x45: {  	[spmem:s1] =	stream.indirect.scatter.add.f32 [tilespmem:s15], [sflag:$0x4], $0x80, s0, s17, $0xb8;
	[tilespmem:$0x19880] =	vst v63  }
0x46: {  	_ =	swait.ge [sflag:s21], $0x2800  }
0x47: {  	[sflag:s21] =	ssyncset.done $0x0  }
.Ltmp0:
0x48: {  	s0 =	sadd.s32 $0xFFFFFB00, s29;
	[sflag:s21] =	ssyncadd.s32 $0xFFFFD800;
	(pc) =	sbr.rel @p2 .LBB2_2-.Ltmp0, $4  }
0x49: {  	[tilespmem:s18], [sflag:$0x1] =	stream.linear.gather [hbm4b:s0+s2], $0x2800, $0x38;
	[tilespmem:$0x19880] =	vst v63  }
0x4a: {  	_ =	swait.ge [sflag:s19], $0x2800  }
0x4b: {  	[sflag:s19] =	ssyncset.done $0x0  }
0x4c: {  	s29 =	sadd.s32 $0xA00, s29;
	[sflag:s19] =	ssyncadd.s32 $0xFFFFD800  }
0x4d: {  	[tilespmem:s15], [sflag:$0x2] =	stream.linear.gather [hbm4b:s30+s2], $0x2800, $0x38;
	[tilespmem:$0x19880] =	vst v63  }
0x4e: {  	_ =	swait.ge [sflag:s20], $0x2800  }
0x4f: {  	[sflag:s20] =	ssyncset.done $0x0  }
0x50: {  	[sflag:s20] =	ssyncadd.s32 $0xFFFFD800  }
0x51: {  	[spmem:s1] =	stream.indirect.scatter.add.f32 [tilespmem:s18], [sflag:$0x3], $0x80, s22, s17, $0xb8;
	[tilespmem:$0x19880] =	vst v63  }
0x52: {  	_ =	swait.ge [sflag:s16], $0x2800  }
0x53: {  	[sflag:s16] =	ssyncset.done $0x0  }
0x54: {  	[sflag:s16] =	ssyncadd.s32 $0xFFFFD800  }
0x55: {  	[spmem:s1] =	stream.indirect.scatter.add.f32 [tilespmem:s15], [sflag:$0x4], $0x80, s23, s17, $0xb8;
	[tilespmem:$0x19880] =	vst v63  }
0x56: {  	_ =	swait.ge [sflag:s21], $0x2800  }
0x57: {  	[sflag:s21] =	ssyncset.done $0x0  }
0x58: {  	[sflag:s21] =	ssyncadd.s32 $0xFFFFD800  }
0x59: {  	_ =	swait.ge [sflag:s19], $0x2800  }
0x5a: {  	[sflag:s19] =	ssyncset.done $0x0  }
0x5b: {  	[sflag:s19] =	ssyncadd.s32 $0xFFFFD800  }
0x5c: {  	s0 =	simm.s32 @p1 $0x1FC5;
	[bflag:$0x0] =	sbarrier.arrive $0xFFFF  }
0x5d: {  	[hbm:s10], [sflag:s0] =	dma.local @p1 [spmem:s24], $0x1900  }
0x5e: {  	s0 =	simm.s32 @p1 $0x5  }
0x5f: {  	_ =	swait.ge @p1 [sflag:s0], $0x1900  }
0x60: {  	s28 =	sshll.u32 @!p1 s3, $0x6;
	s26 =	sadd.s32 $0x1, s26;
	[sflag:s0] =	ssyncset.done @p1 $0x0  }
0x61: {  	p2 =	sne.s32 s26, s11;
	[sflag:s0] =	ssyncadd.s32 @p1 $0xFFFFE700;
	s0 =	sor.u32 @!p1 $0x1C05, s28  }
0x62: {  	[hbm:s9], [sflag:s0] =	dma.local @!p1 [spmem:s25], $0x2800  }
.Ltmp1:
0x63: {  	_ = 	snop;
	(pc) =	sbr.rel @p2 .LBB2_1-.Ltmp1, $4  }
0x64: {  	s0 =	simm.s32 @!p1 $0x5  }
0x65: {  	_ =	swait.ge @!p1 [sflag:s0], $0x2800  }
0x66: {  	[sflag:s0] =	ssyncset.done @!p1 $0x0  }
0x67: {  	[sflag:s0] =	ssyncadd.s32 @!p1 $0xFFFFD800  }
0x68: {  	_ =	sfence.sel $0x180000  }
0x69: {  	[bflag:$0x0] =	sbarrier.arrive $0xFFFF  }
0x6a: {  	_ =	strace $0x90000062  }
0x6b: {  	[bflag:$0x2] =	sbarrier.arrive $0xFFFF  }
0x6c: {  	s0 =	rddreg [dreg:$0x2]  }
0x6d: {  	s0 =	sadd.s32 @!p0 $0x100000, s0  }
0x6e: {  	[sflag:s0] =	ssyncadd.tile.s32 @!p0 $0x1;
	_ =	shalt  }
.Lfunc_end2:
_tile_overlayer_lowered:
.L_overlay_start_2:
0x6f: {  	(tag) =	ssettag $0x2  }
0x70: {  	s0 =	rddreg [dreg:$0x0];
	s2 =	stileid.u32  }
0x71: {  	s1 =	rddreg [dreg:$0x1];
	p0 =	sne.s32 s2, $0x0  }
0x72: {  	s3 =	rddreg [dreg:$0x2];
	[bflag:$0x3] =	sbarrier.arrive $0xFFFF;
	s2 =	simm.s32 @!p0 $0x1C05  }
0x73: {  	[timem:s3], [sflag:s2] =	dma.local @!p0 [hbm:s0], s1  }
0x74: {  	s0 =	simm.s32 @!p0 $0x5  }
0x75: {  	_ =	swait.ge @!p0 [sflag:s0], s1  }
0x76: {  	s1 =	ssub.s32 @!p0 $0x0, s1;
	[sflag:s0] =	ssyncset.done @!p0 $0x0  }
0x77: {  	[sflag:s0] =	ssyncadd.s32 @!p0 s1  }
0x78: {  	[bflag:$0x3] =	sbarrier.arrive $0xFFFF  }
0x79: {  	_ =	shalt  }

</sc_bundles>
